<compile_context>
chip_gen: v7x
topology: tpu7x:2x2x1
jax: 0.10.2.dev20260603
libtpu: 0.0.44.dev20260713+nightly
codegen_flags: <defaults>
</compile_context>

<pallas_src>
import functools

import jax
import jax.numpy as jnp
from jax import lax
from jax.experimental import pallas as pl
from jax.experimental.pallas import tpu as pltpu, tpu_sc as plsc

VOCAB = 1000000
EMBED = 64
BATCH = 16384

_info = plsc.get_sparse_core_info()
_NC, _NS, _L = _info.num_cores, _info.num_subcores, _info.num_lanes
_NW = _NC * _NS
_BPW = BATCH // _NW
_RING = 11
_NBLK = -(-_BPW // _RING)


@functools.partial(
    pl.kernel,
    mesh=plsc.VectorSubcoreMesh(core_axis_name="c", subcore_axis_name="s"),
    out_type=(
        jax.ShapeDtypeStruct((EMBED, BATCH), jnp.float32),
        jax.ShapeDtypeStruct((EMBED, BATCH), jnp.float32),
    ),
    scratch_types=[
        pltpu.VMEM((_BPW,), jnp.int32),
        pltpu.VMEM((_BPW,), jnp.int32),
        pltpu.VMEM((_RING, EMBED, 128), jnp.float32),
        pltpu.VMEM((EMBED, _BPW), jnp.float32),
    ] + [pltpu.SemaphoreType.DMA] * _RING,
    compiler_params=pltpu.CompilerParams(needs_layout_passes=False),
)
def _skipgram_gather(centers_hbm, contexts_hbm, tin_hbm, tout_hbm,
                     vt_hbm, ut_hbm,
                     idx_a, idx_b, panels_v, cols_v, *sems):
    wid = lax.axis_index("s") * _NC + lax.axis_index("c")
    base = wid * _BPW
    rows0 = lax.iota(jnp.int32, _L)

    def read_idx(idx_v, i):
        if isinstance(i, int):
            i = min(i, _BPW - 1)
            return idx_v[pl.ds((i // _L) * _L, _L)][i % _L]
        return idx_v[pl.ds(jnp.minimum(i, _BPW - 1), _L)][0]

    def fire(table_hbm, idx_v, i, j):
        v = read_idx(idx_v, i)
        p = pl.multiple_of((v >> 7) << 7, 128)
        pltpu.async_copy(
            table_hbm.at[:, pl.ds(p, 128)], panels_v.at[j], sems[j])

    def extract(table_hbm, idx_v, cols_v, i, j):
        pltpu.make_async_copy(table_hbm.at[:, pl.ds(0, 128)],
                              panels_v.at[j], sems[j]).wait()
        v = read_idx(idx_v, i)
        ic = min(i, _BPW - 1) if isinstance(i, int) else jnp.minimum(i, _BPW - 1)
        lvec = jnp.full((_L,), v & 127, dtype=jnp.int32)
        ivec = jnp.full((_L,), ic, dtype=jnp.int32)
        for k in range(EMBED // _L):
            rk = rows0 + (k * _L)
            g = plsc.load_gather(panels_v.at[j], [rk, lvec])
            plsc.store_scatter(cols_v, [rk, ivec], g)

    pltpu.sync_copy(centers_hbm.at[pl.ds(base, _BPW)], idx_a)
    pltpu.sync_copy(contexts_hbm.at[pl.ds(base, _BPW)], idx_b)

    def steady(table_hbm, idx_v):
        def body(h, carry):
            for j in range(_RING):
                i = h * _RING + j
                extract(table_hbm, idx_v, cols_v, i, j)
                fire(table_hbm, idx_v, i + _RING, j)
            return carry
        lax.fori_loop(0, _NBLK - 1, body, 0)

    for j in range(_RING):
        fire(tin_hbm, idx_a, j, j)
    steady(tin_hbm, idx_a)
    for j in range(_RING):
        extract(tin_hbm, idx_a, cols_v, (_NBLK - 1) * _RING + j, j)
        fire(tout_hbm, idx_b, j, j)
    pltpu.sync_copy(cols_v, vt_hbm.at[:, pl.ds(base, _BPW)])

    steady(tout_hbm, idx_b)
    for j in range(_RING):
        extract(tout_hbm, idx_b, cols_v, (_NBLK - 1) * _RING + j, j)
    pltpu.sync_copy(cols_v, ut_hbm.at[:, pl.ds(base, _BPW)])


def kernel(centers, contexts, in_emb, out_emb):
    centers = centers.astype(jnp.int32)
    contexts = contexts.astype(jnp.int32)
    vt, ut = _skipgram_gather(centers, contexts, in_emb.T, out_emb.T)
    return (vt.T, ut.T)

# --- scband reference (transcript-rebuilt; emitter-appended) ---
"""Pipeline reference for scband-skip-gram-19765439496867 (READ-ONLY COPY).

The authoritative reference and input builder live on the scoring server;
editing this copy changes nothing except your own understanding.
"""

import jax, jax.numpy as jnp
import numpy as np

VOCAB = 1000000
EMBED = 64
BATCH = 16384

def setup_inputs(seed: int = 0) -> dict:
    key = jax.random.key(seed)
    k1, k2, k3, k4 = jax.random.split(key, 4)
    centers = jax.random.randint(k1, (BATCH,), 0, VOCAB, dtype=jnp.int64 if jax.config.jax_enable_x64 else jnp.int32)
    contexts = jax.random.randint(k2, (BATCH,), 0, VOCAB, dtype=jnp.int64 if jax.config.jax_enable_x64 else jnp.int32)
    # nn.Embedding weights initialized uniform_(-1, 1)
    in_emb = jax.random.uniform(k3, (VOCAB, EMBED), dtype=jnp.float32, minval=-1.0, maxval=1.0)
    out_emb = jax.random.uniform(k4, (VOCAB, EMBED), dtype=jnp.float32, minval=-1.0, maxval=1.0)
    return {"centers": centers, "contexts": contexts, "in_emb": in_emb, "out_emb": out_emb}

def reference(centers, contexts, in_emb, out_emb):
    # v = self.in_emb(centers).squeeze(0)
    v = jnp.take(in_emb, centers, axis=0)
    v = jnp.squeeze(v, axis=0) if v.shape[0] == 1 else v
    # u_pos = self.out_emb(contexts).squeeze(0)
    u_pos = jnp.take(out_emb, contexts, axis=0)
    u_pos = jnp.squeeze(u_pos, axis=0) if u_pos.shape[0] == 1 else u_pos
    return (v, u_pos)

if __name__ == "__main__":
    import jax
    _d = setup_inputs()
    print(jax.jit(kernel)(*tuple(_d.values())))

</pallas_src>

<mosaic_0001>
#map = affine_map<(d0, d1) -> (0)>
#map1 = affine_map<(d0, d1) -> (0, 0)>
module attributes {stable_mosaic.version = 14 : i64} {
  func.func @_skipgram_gather(%arg0: i32, %arg1: i32, %arg2: memref<16384xi32, #tpu.memory_space<hbm>>, %arg3: memref<16384xi32, #tpu.memory_space<hbm>>, %arg4: memref<64x1000000xf32, #tpu.memory_space<hbm>>, %arg5: memref<64x1000000xf32, #tpu.memory_space<hbm>>, %arg6: memref<64x16384xf32, #tpu.memory_space<hbm>>, %arg7: memref<64x16384xf32, #tpu.memory_space<hbm>>, %arg8: memref<512xi32, #tpu.memory_space<vmem>>, %arg9: memref<512xi32, #tpu.memory_space<vmem>>, %arg10: memref<11x64x128xf32, #tpu.memory_space<vmem>>, %arg11: memref<64x512xf32, #tpu.memory_space<vmem>>, %arg12: memref<!tpu.dma_semaphore, #tpu.memory_space<semaphore_mem>>, %arg13: memref<!tpu.dma_semaphore, #tpu.memory_space<semaphore_mem>>, %arg14: memref<!tpu.dma_semaphore, #tpu.memory_space<semaphore_mem>>, %arg15: memref<!tpu.dma_semaphore, #tpu.memory_space<semaphore_mem>>, %arg16: memref<!tpu.dma_semaphore, #tpu.memory_space<semaphore_mem>>, %arg17: memref<!tpu.dma_semaphore, #tpu.memory_space<semaphore_mem>>, %arg18: memref<!tpu.dma_semaphore, #tpu.memory_space<semaphore_mem>>, %arg19: memref<!tpu.dma_semaphore, #tpu.memory_space<semaphore_mem>>, %arg20: memref<!tpu.dma_semaphore, #tpu.memory_space<semaphore_mem>>, %arg21: memref<!tpu.dma_semaphore, #tpu.memory_space<semaphore_mem>>, %arg22: memref<!tpu.dma_semaphore, #tpu.memory_space<semaphore_mem>>) attributes {dimension_semantics = [#tpu.dimension_semantics<core_parallel>, #tpu.dimension_semantics<subcore_parallel>], iteration_bounds = array<i64: 2, 16>, scalar_prefetch = 0 : i64, scratch_operands = 15 : i64, tpu.core_type = #tpu.core_type<sc_vector_subcore>, window_params = [{transform_indices = #map}, {transform_indices = #map}, {transform_indices = #map1}, {transform_indices = #map1}, {transform_indices = #map1}, {transform_indices = #map1}]} {
    %mul3A = arith.constant 2 : i32
    %mul3A_0 = arith.muli %arg1, %mul3A : i32
    %add3A = arith.addi %mul3A_0, %arg0 : i32
    %mul3A_1 = arith.constant 512 : i32
    %mul3A_2 = arith.muli %add3A, %mul3A_1 : i32
    %iota3A = tpu.iota {dimensions = array<i32: 0>} : vector<16xi32>
    "tpu.region"() ({
      %run_scoped3A = tpu.sem_alloc : memref<!tpu.dma_semaphore, #tpu.memory_space<semaphore_mem>>
      %dma_start3A_1807 = tpu.memref_slice %arg2[%mul3A_2] : memref<16384xi32, #tpu.memory_space<hbm>> -> memref<512xi32, #tpu.memory_space<hbm>>
      %dma_start3A_1808 = tpu.memref_slice %arg2[%mul3A_2] : memref<16384xi32, #tpu.memory_space<hbm>> -> memref<512xi32, #tpu.memory_space<hbm>>
      tpu.enqueue_dma source(%dma_start3A_1808 : memref<512xi32, #tpu.memory_space<hbm>>) target(%arg8 : memref<512xi32, #tpu.memory_space<vmem>>) target_semaphore(%run_scoped3A : memref<!tpu.dma_semaphore, #tpu.memory_space<semaphore_mem>>)
      %dma_wait3A_1809 = tpu.memref_slice %arg2[%mul3A_2] : memref<16384xi32, #tpu.memory_space<hbm>> -> memref<512xi32, #tpu.memory_space<hbm>>
      %dma_wait3A_1810 = tpu.memref_slice %arg2[%mul3A_2] : memref<16384xi32, #tpu.memory_space<hbm>> -> memref<512xi32, #tpu.memory_space<hbm>>
      tpu.wait_dma2 semaphore(%run_scoped3A : memref<!tpu.dma_semaphore, #tpu.memory_space<semaphore_mem>>) src(%dma_wait3A_1810 : memref<512xi32, #tpu.memory_space<hbm>>) dst(%arg8 : memref<512xi32, #tpu.memory_space<vmem>>)
      tpu.yield
    }) : () -> ()
    "tpu.region"() ({
      %run_scoped3A = tpu.sem_alloc : memref<!tpu.dma_semaphore, #tpu.memory_space<semaphore_mem>>
      %dma_start3A_1807 = tpu.memref_slice %arg3[%mul3A_2] : memref<16384xi32, #tpu.memory_space<hbm>> -> memref<512xi32, #tpu.memory_space<hbm>>
      %dma_start3A_1808 = tpu.memref_slice %arg3[%mul3A_2] : memref<16384xi32, #tpu.memory_space<hbm>> -> memref<512xi32, #tpu.memory_space<hbm>>
      tpu.enqueue_dma source(%dma_start3A_1808 : memref<512xi32, #tpu.memory_space<hbm>>) target(%arg9 : memref<512xi32, #tpu.memory_space<vmem>>) target_semaphore(%run_scoped3A : memref<!tpu.dma_semaphore, #tpu.memory_space<semaphore_mem>>)
      %dma_wait3A_1809 = tpu.memref_slice %arg3[%mul3A_2] : memref<16384xi32, #tpu.memory_space<hbm>> -> memref<512xi32, #tpu.memory_space<hbm>>
      %dma_wait3A_1810 = tpu.memref_slice %arg3[%mul3A_2] : memref<16384xi32, #tpu.memory_space<hbm>> -> memref<512xi32, #tpu.memory_space<hbm>>
      tpu.wait_dma2 semaphore(%run_scoped3A : memref<!tpu.dma_semaphore, #tpu.memory_space<semaphore_mem>>) src(%dma_wait3A_1810 : memref<512xi32, #tpu.memory_space<hbm>>) dst(%arg9 : memref<512xi32, #tpu.memory_space<vmem>>)
      tpu.yield
    }) : () -> ()
    %get3A = arith.constant 0 : index
    %get3A_3 = tpu.vector_load %arg8[%get3A] {strides = array<i32>} : memref<512xi32, #tpu.memory_space<vmem>>, vector<16xi32>,
    %slice3A = vector.extract_strided_slice %get3A_3 {offsets = [0], sizes = [1], strides = [1]} : vector<16xi32> to vector<1xi32>
    %squeeze3A = vector.extract %slice3A[0] : i32 from vector<1xi32>
    %shift_right_arithmetic3A = arith.constant 7 : i32
    %shift_right_arithmetic3A_4 = arith.shrsi %squeeze3A, %shift_right_arithmetic3A : i32
    %shift_left3A = arith.constant 7 : i32
    %shift_left3A_5 = arith.shli %shift_right_arithmetic3A_4, %shift_left3A : i32
    %multiple_of3A = tpu.assume_multiple %shift_left3A_5, 128 : i32
    %dma_start3A = arith.constant 0 : i32
    %dma_start3A_6 = arith.constant 0 : i32
    %dma_start3A_7 = arith.constant 0 : i32
    %dma_start3A_8 = tpu.memref_slice %arg10[%dma_start3A, %dma_start3A_6, %dma_start3A_7] : memref<11x64x128xf32, #tpu.memory_space<vmem>> -> memref<1x64x128xf32, #tpu.memory_space<vmem>>
    %dma_start3A_9 = tpu.memref_squeeze %dma_start3A_8 : memref<1x64x128xf32, #tpu.memory_space<vmem>> -> memref<64x128xf32, #tpu.memory_space<vmem>>
    %dma_start3A_10 = arith.constant 0 : i32
    %dma_start3A_11 = tpu.memref_slice %arg4[%dma_start3A_10, %multiple_of3A] : memref<64x1000000xf32, #tpu.memory_space<hbm>> -> memref<64x128xf32, #tpu.memory_space<hbm>>
    %dma_start3A_12 = arith.constant 0 : i32
    %dma_start3A_13 = arith.constant 0 : i32
    %dma_start3A_14 = tpu.memref_slice %arg10[%dma_start3A, %dma_start3A_12, %dma_start3A_13] : memref<11x64x128xf32, #tpu.memory_space<vmem>> -> memref<1x64x128xf32, #tpu.memory_space<vmem>>
    %dma_start3A_15 = tpu.memref_squeeze %dma_start3A_14 : memref<1x64x128xf32, #tpu.memory_space<vmem>> -> memref<64x128xf32, #tpu.memory_space<vmem>>
    %dma_start3A_16 = arith.constant 0 : i32
    %dma_start3A_17 = tpu.memref_slice %arg4[%dma_start3A_16, %multiple_of3A] : memref<64x1000000xf32, #tpu.memory_space<hbm>> -> memref<64x128xf32, #tpu.memory_space<hbm>>
    tpu.enqueue_dma source(%dma_start3A_17 : memref<64x128xf32, #tpu.memory_space<hbm>>) target(%dma_start3A_15 : memref<64x128xf32, #tpu.memory_space<vmem>>) target_semaphore(%arg12 : memref<!tpu.dma_semaphore, #tpu.memory_space<semaphore_mem>>)
    %get3A_18 = arith.constant 0 : index
    %get3A_19 = tpu.vector_load %arg8[%get3A_18] {strides = array<i32>} : memref<512xi32, #tpu.memory_space<vmem>>, vector<16xi32>,
    %slice3A_20 = vector.extract_strided_slice %get3A_19 {offsets = [1], sizes = [1], strides = [1]} : vector<16xi32> to vector<1xi32>
    %squeeze3A_21 = vector.extract %slice3A_20[0] : i32 from vector<1xi32>
    %shift_right_arithmetic3A_22 = arith.constant 7 : i32
    %shift_right_arithmetic3A_23 = arith.shrsi %squeeze3A_21, %shift_right_arithmetic3A_22 : i32
    %shift_left3A_24 = arith.constant 7 : i32
    %shift_left3A_25 = arith.shli %shift_right_arithmetic3A_23, %shift_left3A_24 : i32
    %multiple_of3A_26 = tpu.assume_multiple %shift_left3A_25, 128 : i32
    %dma_start3A_27 = arith.constant 1 : i32
    %dma_start3A_28 = arith.constant 0 : i32
    %dma_start3A_29 = arith.constant 0 : i32
    %dma_start3A_30 = tpu.memref_slice %arg10[%dma_start3A_27, %dma_start3A_28, %dma_start3A_29] : memref<11x64x128xf32, #tpu.memory_space<vmem>> -> memref<1x64x128xf32, #tpu.memory_space<vmem>>
    %dma_start3A_31 = tpu.memref_squeeze %dma_start3A_30 : memref<1x64x128xf32, #tpu.memory_space<vmem>> -> memref<64x128xf32, #tpu.memory_space<vmem>>
    %dma_start3A_32 = arith.constant 0 : i32
    %dma_start3A_33 = tpu.memref_slice %arg4[%dma_start3A_32, %multiple_of3A_26] : memref<64x1000000xf32, #tpu.memory_space<hbm>> -> memref<64x128xf32, #tpu.memory_space<hbm>>
    %dma_start3A_34 = arith.constant 0 : i32
    %dma_start3A_35 = arith.constant 0 : i32
    %dma_start3A_36 = tpu.memref_slice %arg10[%dma_start3A_27, %dma_start3A_34, %dma_start3A_35] : memref<11x64x128xf32, #tpu.memory_space<vmem>> -> memref<1x64x128xf32, #tpu.memory_space<vmem>>
    %dma_start3A_37 = tpu.memref_squeeze %dma_start3A_36 : memref<1x64x128xf32, #tpu.memory_space<vmem>> -> memref<64x128xf32, #tpu.memory_space<vmem>>
    %dma_start3A_38 = arith.constant 0 : i32
    %dma_start3A_39 = tpu.memref_slice %arg4[%dma_start3A_38, %multiple_of3A_26] : memref<64x1000000xf32, #tpu.memory_space<hbm>> -> memref<64x128xf32, #tpu.memory_space<hbm>>
    tpu.enqueue_dma source(%dma_start3A_39 : memref<64x128xf32, #tpu.memory_space<hbm>>) target(%dma_start3A_37 : memref<64x128xf32, #tpu.memory_space<vmem>>) target_semaphore(%arg13 : memref<!tpu.dma_semaphore, #tpu.memory_space<semaphore_mem>>)
    %get3A_40 = arith.constant 0 : index
    %get3A_41 = tpu.vector_load %arg8[%get3A_40] {strides = array<i32>} : memref<512xi32, #tpu.memory_space<vmem>>, vector<16xi32>,
    %slice3A_42 = vector.extract_strided_slice %get3A_41 {offsets = [2], sizes = [1], strides = [1]} : vector<16xi32> to vector<1xi32>
    %squeeze3A_43 = vector.extract %slice3A_42[0] : i32 from vector<1xi32>
    %shift_right_arithmetic3A_44 = arith.constant 7 : i32
    %shift_right_arithmetic3A_45 = arith.shrsi %squeeze3A_43, %shift_right_arithmetic3A_44 : i32
    %shift_left3A_46 = arith.constant 7 : i32
    %shift_left3A_47 = arith.shli %shift_right_arithmetic3A_45, %shift_left3A_46 : i32
    %multiple_of3A_48 = tpu.assume_multiple %shift_left3A_47, 128 : i32
    %dma_start3A_49 = arith.constant 2 : i32
    %dma_start3A_50 = arith.constant 0 : i32
    %dma_start3A_51 = arith.constant 0 : i32
    %dma_start3A_52 = tpu.memref_slice %arg10[%dma_start3A_49, %dma_start3A_50, %dma_start3A_51] : memref<11x64x128xf32, #tpu.memory_space<vmem>> -> memref<1x64x128xf32, #tpu.memory_space<vmem>>
    %dma_start3A_53 = tpu.memref_squeeze %dma_start3A_52 : memref<1x64x128xf32, #tpu.memory_space<vmem>> -> memref<64x128xf32, #tpu.memory_space<vmem>>
    %dma_start3A_54 = arith.constant 0 : i32
    %dma_start3A_55 = tpu.memref_slice %arg4[%dma_start3A_54, %multiple_of3A_48] : memref<64x1000000xf32, #tpu.memory_space<hbm>> -> memref<64x128xf32, #tpu.memory_space<hbm>>
    %dma_start3A_56 = arith.constant 0 : i32
    %dma_start3A_57 = arith.constant 0 : i32
    %dma_start3A_58 = tpu.memref_slice %arg10[%dma_start3A_49, %dma_start3A_56, %dma_start3A_57] : memref<11x64x128xf32, #tpu.memory_space<vmem>> -> memref<1x64x128xf32, #tpu.memory_space<vmem>>
    %dma_start3A_59 = tpu.memref_squeeze %dma_start3A_58 : memref<1x64x128xf32, #tpu.memory_space<vmem>> -> memref<64x128xf32, #tpu.memory_space<vmem>>
    %dma_start3A_60 = arith.constant 0 : i32
    %dma_start3A_61 = tpu.memref_slice %arg4[%dma_start3A_60, %multiple_of3A_48] : memref<64x1000000xf32, #tpu.memory_space<hbm>> -> memref<64x128xf32, #tpu.memory_space<hbm>>
    tpu.enqueue_dma source(%dma_start3A_61 : memref<64x128xf32, #tpu.memory_space<hbm>>) target(%dma_start3A_59 : memref<64x128xf32, #tpu.memory_space<vmem>>) target_semaphore(%arg14 : memref<!tpu.dma_semaphore, #tpu.memory_space<semaphore_mem>>)
    %get3A_62 = arith.constant 0 : index
    %get3A_63 = tpu.vector_load %arg8[%get3A_62] {strides = array<i32>} : memref<512xi32, #tpu.memory_space<vmem>>, vector<16xi32>,
    %slice3A_64 = vector.extract_strided_slice %get3A_63 {offsets = [3], sizes = [1], strides = [1]} : vector<16xi32> to vector<1xi32>
    %squeeze3A_65 = vector.extract %slice3A_64[0] : i32 from vector<1xi32>
    %shift_right_arithmetic3A_66 = arith.constant 7 : i32
    %shift_right_arithmetic3A_67 = arith.shrsi %squeeze3A_65, %shift_right_arithmetic3A_66 : i32
    %shift_left3A_68 = arith.constant 7 : i32
    %shift_left3A_69 = arith.shli %shift_right_arithmetic3A_67, %shift_left3A_68 : i32
    %multiple_of3A_70 = tpu.assume_multiple %shift_left3A_69, 128 : i32
    %dma_start3A_71 = arith.constant 3 : i32
    %dma_start3A_72 = arith.constant 0 : i32
    %dma_start3A_73 = arith.constant 0 : i32
    %dma_start3A_74 = tpu.memref_slice %arg10[%dma_start3A_71, %dma_start3A_72, %dma_start3A_73] : memref<11x64x128xf32, #tpu.memory_space<vmem>> -> memref<1x64x128xf32, #tpu.memory_space<vmem>>
    %dma_start3A_75 = tpu.memref_squeeze %dma_start3A_74 : memref<1x64x128xf32, #tpu.memory_space<vmem>> -> memref<64x128xf32, #tpu.memory_space<vmem>>
    %dma_start3A_76 = arith.constant 0 : i32
    %dma_start3A_77 = tpu.memref_slice %arg4[%dma_start3A_76, %multiple_of3A_70] : memref<64x1000000xf32, #tpu.memory_space<hbm>> -> memref<64x128xf32, #tpu.memory_space<hbm>>
    %dma_start3A_78 = arith.constant 0 : i32
    %dma_start3A_79 = arith.constant 0 : i32
    %dma_start3A_80 = tpu.memref_slice %arg10[%dma_start3A_71, %dma_start3A_78, %dma_start3A_79] : memref<11x64x128xf32, #tpu.memory_space<vmem>> -> memref<1x64x128xf32, #tpu.memory_space<vmem>>
    %dma_start3A_81 = tpu.memref_squeeze %dma_start3A_80 : memref<1x64x128xf32, #tpu.memory_space<vmem>> -> memref<64x128xf32, #tpu.memory_space<vmem>>
    %dma_start3A_82 = arith.constant 0 : i32
    %dma_start3A_83 = tpu.memref_slice %arg4[%dma_start3A_82, %multiple_of3A_70] : memref<64x1000000xf32, #tpu.memory_space<hbm>> -> memref<64x128xf32, #tpu.memory_space<hbm>>
    tpu.enqueue_dma source(%dma_start3A_83 : memref<64x128xf32, #tpu.memory_space<hbm>>) target(%dma_start3A_81 : memref<64x128xf32, #tpu.memory_space<vmem>>) target_semaphore(%arg15 : memref<!tpu.dma_semaphore, #tpu.memory_space<semaphore_mem>>)
    %get3A_84 = arith.constant 0 : index
    %get3A_85 = tpu.vector_load %arg8[%get3A_84] {strides = array<i32>} : memref<512xi32, #tpu.memory_space<vmem>>, vector<16xi32>,
    %slice3A_86 = vector.extract_strided_slice %get3A_85 {offsets = [4], sizes = [1], strides = [1]} : vector<16xi32> to vector<1xi32>
    %squeeze3A_87 = vector.extract %slice3A_86[0] : i32 from vector<1xi32>
    %shift_right_arithmetic3A_88 = arith.constant 7 : i32
    %shift_right_arithmetic3A_89 = arith.shrsi %squeeze3A_87, %shift_right_arithmetic3A_88 : i32
    %shift_left3A_90 = arith.constant 7 : i32
    %shift_left3A_91 = arith.shli %shift_right_arithmetic3A_89, %shift_left3A_90 : i32
    %multiple_of3A_92 = tpu.assume_multiple %shift_left3A_91, 128 : i32
    %dma_start3A_93 = arith.constant 4 : i32
    %dma_start3A_94 = arith.constant 0 : i32
    %dma_start3A_95 = arith.constant 0 : i32
    %dma_start3A_96 = tpu.memref_slice %arg10[%dma_start3A_93, %dma_start3A_94, %dma_start3A_95] : memref<11x64x128xf32, #tpu.memory_space<vmem>> -> memref<1x64x128xf32, #tpu.memory_space<vmem>>
    %dma_start3A_97 = tpu.memref_squeeze %dma_start3A_96 : memref<1x64x128xf32, #tpu.memory_space<vmem>> -> memref<64x128xf32, #tpu.memory_space<vmem>>
    %dma_start3A_98 = arith.constant 0 : i32
    %dma_start3A_99 = tpu.memref_slice %arg4[%dma_start3A_98, %multiple_of3A_92] : memref<64x1000000xf32, #tpu.memory_space<hbm>> -> memref<64x128xf32, #tpu.memory_space<hbm>>
    %dma_start3A_100 = arith.constant 0 : i32
    %dma_start3A_101 = arith.constant 0 : i32
    %dma_start3A_102 = tpu.memref_slice %arg10[%dma_start3A_93, %dma_start3A_100, %dma_start3A_101] : memref<11x64x128xf32, #tpu.memory_space<vmem>> -> memref<1x64x128xf32, #tpu.memory_space<vmem>>
    %dma_start3A_103 = tpu.memref_squeeze %dma_start3A_102 : memref<1x64x128xf32, #tpu.memory_space<vmem>> -> memref<64x128xf32, #tpu.memory_space<vmem>>
    %dma_start3A_104 = arith.constant 0 : i32
    %dma_start3A_105 = tpu.memref_slice %arg4[%dma_start3A_104, %multiple_of3A_92] : memref<64x1000000xf32, #tpu.memory_space<hbm>> -> memref<64x128xf32, #tpu.memory_space<hbm>>
    tpu.enqueue_dma source(%dma_start3A_105 : memref<64x128xf32, #tpu.memory_space<hbm>>) target(%dma_start3A_103 : memref<64x128xf32, #tpu.memory_space<vmem>>) target_semaphore(%arg16 : memref<!tpu.dma_semaphore, #tpu.memory_space<semaphore_mem>>)
    %get3A_106 = arith.constant 0 : index
    %get3A_107 = tpu.vector_load %arg8[%get3A_106] {strides = array<i32>} : memref<512xi32, #tpu.memory_space<vmem>>, vector<16xi32>,
    %slice3A_108 = vector.extract_strided_slice %get3A_107 {offsets = [5], sizes = [1], strides = [1]} : vector<16xi32> to vector<1xi32>
    %squeeze3A_109 = vector.extract %slice3A_108[0] : i32 from vector<1xi32>
    %shift_right_arithmetic3A_110 = arith.constant 7 : i32
    %shift_right_arithmetic3A_111 = arith.shrsi %squeeze3A_109, %shift_right_arithmetic3A_110 : i32
    %shift_left3A_112 = arith.constant 7 : i32
    %shift_left3A_113 = arith.shli %shift_right_arithmetic3A_111, %shift_left3A_112 : i32
    %multiple_of3A_114 = tpu.assume_multiple %shift_left3A_113, 128 : i32
    %dma_start3A_115 = arith.constant 5 : i32
    %dma_start3A_116 = arith.constant 0 : i32
    %dma_start3A_117 = arith.constant 0 : i32
    %dma_start3A_118 = tpu.memref_slice %arg10[%dma_start3A_115, %dma_start3A_116, %dma_start3A_117] : memref<11x64x128xf32, #tpu.memory_space<vmem>> -> memref<1x64x128xf32, #tpu.memory_space<vmem>>
    %dma_start3A_119 = tpu.memref_squeeze %dma_start3A_118 : memref<1x64x128xf32, #tpu.memory_space<vmem>> -> memref<64x128xf32, #tpu.memory_space<vmem>>
    %dma_start3A_120 = arith.constant 0 : i32
    %dma_start3A_121 = tpu.memref_slice %arg4[%dma_start3A_120, %multiple_of3A_114] : memref<64x1000000xf32, #tpu.memory_space<hbm>> -> memref<64x128xf32, #tpu.memory_space<hbm>>
    %dma_start3A_122 = arith.constant 0 : i32
    %dma_start3A_123 = arith.constant 0 : i32
    %dma_start3A_124 = tpu.memref_slice %arg10[%dma_start3A_115, %dma_start3A_122, %dma_start3A_123] : memref<11x64x128xf32, #tpu.memory_space<vmem>> -> memref<1x64x128xf32, #tpu.memory_space<vmem>>
    %dma_start3A_125 = tpu.memref_squeeze %dma_start3A_124 : memref<1x64x128xf32, #tpu.memory_space<vmem>> -> memref<64x128xf32, #tpu.memory_space<vmem>>
    %dma_start3A_126 = arith.constant 0 : i32
    %dma_start3A_127 = tpu.memref_slice %arg4[%dma_start3A_126, %multiple_of3A_114] : memref<64x1000000xf32, #tpu.memory_space<hbm>> -> memref<64x128xf32, #tpu.memory_space<hbm>>
    tpu.enqueue_dma source(%dma_start3A_127 : memref<64x128xf32, #tpu.memory_space<hbm>>) target(%dma_start3A_125 : memref<64x128xf32, #tpu.memory_space<vmem>>) target_semaphore(%arg17 : memref<!tpu.dma_semaphore, #tpu.memory_space<semaphore_mem>>)
    %get3A_128 = arith.constant 0 : index
    %get3A_129 = tpu.vector_load %arg8[%get3A_128] {strides = array<i32>} : memref<512xi32, #tpu.memory_space<vmem>>, vector<16xi32>,
    %slice3A_130 = vector.extract_strided_slice %get3A_129 {offsets = [6], sizes = [1], strides = [1]} : vector<16xi32> to vector<1xi32>
    %squeeze3A_131 = vector.extract %slice3A_130[0] : i32 from vector<1xi32>
    %shift_right_arithmetic3A_132 = arith.constant 7 : i32
    %shift_right_arithmetic3A_133 = arith.shrsi %squeeze3A_131, %shift_right_arithmetic3A_132 : i32
    %shift_left3A_134 = arith.constant 7 : i32
    %shift_left3A_135 = arith.shli %shift_right_arithmetic3A_133, %shift_left3A_134 : i32
    %multiple_of3A_136 = tpu.assume_multiple %shift_left3A_135, 128 : i32
    %dma_start3A_137 = arith.constant 6 : i32
    %dma_start3A_138 = arith.constant 0 : i32
    %dma_start3A_139 = arith.constant 0 : i32
    %dma_start3A_140 = tpu.memref_slice %arg10[%dma_start3A_137, %dma_start3A_138, %dma_start3A_139] : memref<11x64x128xf32, #tpu.memory_space<vmem>> -> memref<1x64x128xf32, #tpu.memory_space<vmem>>
    %dma_start3A_141 = tpu.memref_squeeze %dma_start3A_140 : memref<1x64x128xf32, #tpu.memory_space<vmem>> -> memref<64x128xf32, #tpu.memory_space<vmem>>
    %dma_start3A_142 = arith.constant 0 : i32
    %dma_start3A_143 = tpu.memref_slice %arg4[%dma_start3A_142, %multiple_of3A_136] : memref<64x1000000xf32, #tpu.memory_space<hbm>> -> memref<64x128xf32, #tpu.memory_space<hbm>>
    %dma_start3A_144 = arith.constant 0 : i32
    %dma_start3A_145 = arith.constant 0 : i32
    %dma_start3A_146 = tpu.memref_slice %arg10[%dma_start3A_137, %dma_start3A_144, %dma_start3A_145] : memref<11x64x128xf32, #tpu.memory_space<vmem>> -> memref<1x64x128xf32, #tpu.memory_space<vmem>>
    %dma_start3A_147 = tpu.memref_squeeze %dma_start3A_146 : memref<1x64x128xf32, #tpu.memory_space<vmem>> -> memref<64x128xf32, #tpu.memory_space<vmem>>
    %dma_start3A_148 = arith.constant 0 : i32
    %dma_start3A_149 = tpu.memref_slice %arg4[%dma_start3A_148, %multiple_of3A_136] : memref<64x1000000xf32, #tpu.memory_space<hbm>> -> memref<64x128xf32, #tpu.memory_space<hbm>>
    tpu.enqueue_dma source(%dma_start3A_149 : memref<64x128xf32, #tpu.memory_space<hbm>>) target(%dma_start3A_147 : memref<64x128xf32, #tpu.memory_space<vmem>>) target_semaphore(%arg18 : memref<!tpu.dma_semaphore, #tpu.memory_space<semaphore_mem>>)
    %get3A_150 = arith.constant 0 : index
    %get3A_151 = tpu.vector_load %arg8[%get3A_150] {strides = array<i32>} : memref<512xi32, #tpu.memory_space<vmem>>, vector<16xi32>,
    %slice3A_152 = vector.extract_strided_slice %get3A_151 {offsets = [7], sizes = [1], strides = [1]} : vector<16xi32> to vector<1xi32>
    %squeeze3A_153 = vector.extract %slice3A_152[0] : i32 from vector<1xi32>
    %shift_right_arithmetic3A_154 = arith.constant 7 : i32
    %shift_right_arithmetic3A_155 = arith.shrsi %squeeze3A_153, %shift_right_arithmetic3A_154 : i32
    %shift_left3A_156 = arith.constant 7 : i32
    %shift_left3A_157 = arith.shli %shift_right_arithmetic3A_155, %shift_left3A_156 : i32
    %multiple_of3A_158 = tpu.assume_multiple %shift_left3A_157, 128 : i32
    %dma_start3A_159 = arith.constant 7 : i32
    %dma_start3A_160 = arith.constant 0 : i32
    %dma_start3A_161 = arith.constant 0 : i32
    %dma_start3A_162 = tpu.memref_slice %arg10[%dma_start3A_159, %dma_start3A_160, %dma_start3A_161] : memref<11x64x128xf32, #tpu.memory_space<vmem>> -> memref<1x64x128xf32, #tpu.memory_space<vmem>>
    %dma_start3A_163 = tpu.memref_squeeze %dma_start3A_162 : memref<1x64x128xf32, #tpu.memory_space<vmem>> -> memref<64x128xf32, #tpu.memory_space<vmem>>
    %dma_start3A_164 = arith.constant 0 : i32
    %dma_start3A_165 = tpu.memref_slice %arg4[%dma_start3A_164, %multiple_of3A_158] : memref<64x1000000xf32, #tpu.memory_space<hbm>> -> memref<64x128xf32, #tpu.memory_space<hbm>>
    %dma_start3A_166 = arith.constant 0 : i32
    %dma_start3A_167 = arith.constant 0 : i32
    %dma_start3A_168 = tpu.memref_slice %arg10[%dma_start3A_159, %dma_start3A_166, %dma_start3A_167] : memref<11x64x128xf32, #tpu.memory_space<vmem>> -> memref<1x64x128xf32, #tpu.memory_space<vmem>>
    %dma_start3A_169 = tpu.memref_squeeze %dma_start3A_168 : memref<1x64x128xf32, #tpu.memory_space<vmem>> -> memref<64x128xf32, #tpu.memory_space<vmem>>
    %dma_start3A_170 = arith.constant 0 : i32
    %dma_start3A_171 = tpu.memref_slice %arg4[%dma_start3A_170, %multiple_of3A_158] : memref<64x1000000xf32, #tpu.memory_space<hbm>> -> memref<64x128xf32, #tpu.memory_space<hbm>>
    tpu.enqueue_dma source(%dma_start3A_171 : memref<64x128xf32, #tpu.memory_space<hbm>>) target(%dma_start3A_169 : memref<64x128xf32, #tpu.memory_space<vmem>>) target_semaphore(%arg19 : memref<!tpu.dma_semaphore, #tpu.memory_space<semaphore_mem>>)
    %get3A_172 = arith.constant 0 : index
    %get3A_173 = tpu.vector_load %arg8[%get3A_172] {strides = array<i32>} : memref<512xi32, #tpu.memory_space<vmem>>, vector<16xi32>,
    %slice3A_174 = vector.extract_strided_slice %get3A_173 {offsets = [8], sizes = [1], strides = [1]} : vector<16xi32> to vector<1xi32>
    %squeeze3A_175 = vector.extract %slice3A_174[0] : i32 from vector<1xi32>
    %shift_right_arithmetic3A_176 = arith.constant 7 : i32
    %shift_right_arithmetic3A_177 = arith.shrsi %squeeze3A_175, %shift_right_arithmetic3A_176 : i32
    %shift_left3A_178 = arith.constant 7 : i32
    %shift_left3A_179 = arith.shli %shift_right_arithmetic3A_177, %shift_left3A_178 : i32
    %multiple_of3A_180 = tpu.assume_multiple %shift_left3A_179, 128 : i32
    %dma_start3A_181 = arith.constant 8 : i32
    %dma_start3A_182 = arith.constant 0 : i32
    %dma_start3A_183 = arith.constant 0 : i32
    %dma_start3A_184 = tpu.memref_slice %arg10[%dma_start3A_181, %dma_start3A_182, %dma_start3A_183] : memref<11x64x128xf32, #tpu.memory_space<vmem>> -> memref<1x64x128xf32, #tpu.memory_space<vmem>>
    %dma_start3A_185 = tpu.memref_squeeze %dma_start3A_184 : memref<1x64x128xf32, #tpu.memory_space<vmem>> -> memref<64x128xf32, #tpu.memory_space<vmem>>
    %dma_start3A_186 = arith.constant 0 : i32
    %dma_start3A_187 = tpu.memref_slice %arg4[%dma_start3A_186, %multiple_of3A_180] : memref<64x1000000xf32, #tpu.memory_space<hbm>> -> memref<64x128xf32, #tpu.memory_space<hbm>>
    %dma_start3A_188 = arith.constant 0 : i32
    %dma_start3A_189 = arith.constant 0 : i32
    %dma_start3A_190 = tpu.memref_slice %arg10[%dma_start3A_181, %dma_start3A_188, %dma_start3A_189] : memref<11x64x128xf32, #tpu.memory_space<vmem>> -> memref<1x64x128xf32, #tpu.memory_space<vmem>>
    %dma_start3A_191 = tpu.memref_squeeze %dma_start3A_190 : memref<1x64x128xf32, #tpu.memory_space<vmem>> -> memref<64x128xf32, #tpu.memory_space<vmem>>
    %dma_start3A_192 = arith.constant 0 : i32
    %dma_start3A_193 = tpu.memref_slice %arg4[%dma_start3A_192, %multiple_of3A_180] : memref<64x1000000xf32, #tpu.memory_space<hbm>> -> memref<64x128xf32, #tpu.memory_space<hbm>>
    tpu.enqueue_dma source(%dma_start3A_193 : memref<64x128xf32, #tpu.memory_space<hbm>>) target(%dma_start3A_191 : memref<64x128xf32, #tpu.memory_space<vmem>>) target_semaphore(%arg20 : memref<!tpu.dma_semaphore, #tpu.memory_space<semaphore_mem>>)
    %get3A_194 = arith.constant 0 : index
    %get3A_195 = tpu.vector_load %arg8[%get3A_194] {strides = array<i32>} : memref<512xi32, #tpu.memory_space<vmem>>, vector<16xi32>,
    %slice3A_196 = vector.extract_strided_slice %get3A_195 {offsets = [9], sizes = [1], strides = [1]} : vector<16xi32> to vector<1xi32>
    %squeeze3A_197 = vector.extract %slice3A_196[0] : i32 from vector<1xi32>
    %shift_right_arithmetic3A_198 = arith.constant 7 : i32
    %shift_right_arithmetic3A_199 = arith.shrsi %squeeze3A_197, %shift_right_arithmetic3A_198 : i32
    %shift_left3A_200 = arith.constant 7 : i32
    %shift_left3A_201 = arith.shli %shift_right_arithmetic3A_199, %shift_left3A_200 : i32
    %multiple_of3A_202 = tpu.assume_multiple %shift_left3A_201, 128 : i32
    %dma_start3A_203 = arith.constant 9 : i32
    %dma_start3A_204 = arith.constant 0 : i32
    %dma_start3A_205 = arith.constant 0 : i32
    %dma_start3A_206 = tpu.memref_slice %arg10[%dma_start3A_203, %dma_start3A_204, %dma_start3A_205] : memref<11x64x128xf32, #tpu.memory_space<vmem>> -> memref<1x64x128xf32, #tpu.memory_space<vmem>>
    %dma_start3A_207 = tpu.memref_squeeze %dma_start3A_206 : memref<1x64x128xf32, #tpu.memory_space<vmem>> -> memref<64x128xf32, #tpu.memory_space<vmem>>
    %dma_start3A_208 = arith.constant 0 : i32
    %dma_start3A_209 = tpu.memref_slice %arg4[%dma_start3A_208, %multiple_of3A_202] : memref<64x1000000xf32, #tpu.memory_space<hbm>> -> memref<64x128xf32, #tpu.memory_space<hbm>>
    %dma_start3A_210 = arith.constant 0 : i32
    %dma_start3A_211 = arith.constant 0 : i32
    %dma_start3A_212 = tpu.memref_slice %arg10[%dma_start3A_203, %dma_start3A_210, %dma_start3A_211] : memref<11x64x128xf32, #tpu.memory_space<vmem>> -> memref<1x64x128xf32, #tpu.memory_space<vmem>>
    %dma_start3A_213 = tpu.memref_squeeze %dma_start3A_212 : memref<1x64x128xf32, #tpu.memory_space<vmem>> -> memref<64x128xf32, #tpu.memory_space<vmem>>
    %dma_start3A_214 = arith.constant 0 : i32
    %dma_start3A_215 = tpu.memref_slice %arg4[%dma_start3A_214, %multiple_of3A_202] : memref<64x1000000xf32, #tpu.memory_space<hbm>> -> memref<64x128xf32, #tpu.memory_space<hbm>>
    tpu.enqueue_dma source(%dma_start3A_215 : memref<64x128xf32, #tpu.memory_space<hbm>>) target(%dma_start3A_213 : memref<64x128xf32, #tpu.memory_space<vmem>>) target_semaphore(%arg21 : memref<!tpu.dma_semaphore, #tpu.memory_space<semaphore_mem>>)
    %get3A_216 = arith.constant 0 : index
    %get3A_217 = tpu.vector_load %arg8[%get3A_216] {strides = array<i32>} : memref<512xi32, #tpu.memory_space<vmem>>, vector<16xi32>,
    %slice3A_218 = vector.extract_strided_slice %get3A_217 {offsets = [10], sizes = [1], strides = [1]} : vector<16xi32> to vector<1xi32>
    %squeeze3A_219 = vector.extract %slice3A_218[0] : i32 from vector<1xi32>
    %shift_right_arithmetic3A_220 = arith.constant 7 : i32
    %shift_right_arithmetic3A_221 = arith.shrsi %squeeze3A_219, %shift_right_arithmetic3A_220 : i32
    %shift_left3A_222 = arith.constant 7 : i32
    %shift_left3A_223 = arith.shli %shift_right_arithmetic3A_221, %shift_left3A_222 : i32
    %multiple_of3A_224 = tpu.assume_multiple %shift_left3A_223, 128 : i32
    %dma_start3A_225 = arith.constant 10 : i32
    %dma_start3A_226 = arith.constant 0 : i32
    %dma_start3A_227 = arith.constant 0 : i32
    %dma_start3A_228 = tpu.memref_slice %arg10[%dma_start3A_225, %dma_start3A_226, %dma_start3A_227] : memref<11x64x128xf32, #tpu.memory_space<vmem>> -> memref<1x64x128xf32, #tpu.memory_space<vmem>>
    %dma_start3A_229 = tpu.memref_squeeze %dma_start3A_228 : memref<1x64x128xf32, #tpu.memory_space<vmem>> -> memref<64x128xf32, #tpu.memory_space<vmem>>
    %dma_start3A_230 = arith.constant 0 : i32
    %dma_start3A_231 = tpu.memref_slice %arg4[%dma_start3A_230, %multiple_of3A_224] : memref<64x1000000xf32, #tpu.memory_space<hbm>> -> memref<64x128xf32, #tpu.memory_space<hbm>>
    %dma_start3A_232 = arith.constant 0 : i32
    %dma_start3A_233 = arith.constant 0 : i32
    %dma_start3A_234 = tpu.memref_slice %arg10[%dma_start3A_225, %dma_start3A_232, %dma_start3A_233] : memref<11x64x128xf32, #tpu.memory_space<vmem>> -> memref<1x64x128xf32, #tpu.memory_space<vmem>>
    %dma_start3A_235 = tpu.memref_squeeze %dma_start3A_234 : memref<1x64x128xf32, #tpu.memory_space<vmem>> -> memref<64x128xf32, #tpu.memory_space<vmem>>
    %dma_start3A_236 = arith.constant 0 : i32
    %dma_start3A_237 = tpu.memref_slice %arg4[%dma_start3A_236, %multiple_of3A_224] : memref<64x1000000xf32, #tpu.memory_space<hbm>> -> memref<64x128xf32, #tpu.memory_space<hbm>>
    tpu.enqueue_dma source(%dma_start3A_237 : memref<64x128xf32, #tpu.memory_space<hbm>>) target(%dma_start3A_235 : memref<64x128xf32, #tpu.memory_space<vmem>>) target_semaphore(%arg22 : memref<!tpu.dma_semaphore, #tpu.memory_space<semaphore_mem>>)
    %scan3A = arith.constant 0 : i32
    %scan3A_238 = arith.constant 0 : i32
    %scan3A_239 = arith.constant 46 : i32
    %scan3A_240 = arith.addi %scan3A_238, %scan3A_239 : i32
    %scan3A_241 = arith.constant 1 : i32
    scf.for %scan3A_1807 = %scan3A_238 to %scan3A_240 step %scan3A_241  : i32 {
      %mul3A_1808 = arith.constant 11 : i32
      %mul3A_1809 = arith.muli %scan3A_1807, %mul3A_1808 : i32
      %add3A_1810 = arith.constant 0 : i32
      %add3A_1811 = arith.addi %mul3A_1809, %add3A_1810 : i32
      %dma_wait3A_1812 = arith.constant 0 : i32
      %dma_wait3A_1813 = arith.constant 0 : i32
      %dma_wait3A_1814 = arith.constant 0 : i32
      %dma_wait3A_1815 = tpu.memref_slice %arg10[%dma_wait3A_1812, %dma_wait3A_1813, %dma_wait3A_1814] : memref<11x64x128xf32, #tpu.memory_space<vmem>> -> memref<1x64x128xf32, #tpu.memory_space<vmem>>
      %dma_wait3A_1816 = tpu.memref_squeeze %dma_wait3A_1815 : memref<1x64x128xf32, #tpu.memory_space<vmem>> -> memref<64x128xf32, #tpu.memory_space<vmem>>
      %dma_wait3A_1817 = arith.constant 0 : i32
      %dma_wait3A_1818 = arith.constant 0 : i32
      %dma_wait3A_1819 = tpu.memref_slice %arg4[%dma_wait3A_1817, %dma_wait3A_1818] : memref<64x1000000xf32, #tpu.memory_space<hbm>> -> memref<64x128xf32, #tpu.memory_space<hbm>>
      %dma_wait3A_1820 = arith.constant 0 : i32
      %dma_wait3A_1821 = arith.constant 0 : i32
      %dma_wait3A_1822 = tpu.memref_slice %arg10[%dma_wait3A_1812, %dma_wait3A_1820, %dma_wait3A_1821] : memref<11x64x128xf32, #tpu.memory_space<vmem>> -> memref<1x64x128xf32, #tpu.memory_space<vmem>>
      %dma_wait3A_1823 = tpu.memref_squeeze %dma_wait3A_1822 : memref<1x64x128xf32, #tpu.memory_space<vmem>> -> memref<64x128xf32, #tpu.memory_space<vmem>>
      %dma_wait3A_1824 = arith.constant 0 : i32
      %dma_wait3A_1825 = arith.constant 0 : i32
      %dma_wait3A_1826 = tpu.memref_slice %arg4[%dma_wait3A_1824, %dma_wait3A_1825] : memref<64x1000000xf32, #tpu.memory_space<hbm>> -> memref<64x128xf32, #tpu.memory_space<hbm>>
      tpu.wait_dma2 semaphore(%arg12 : memref<!tpu.dma_semaphore, #tpu.memory_space<semaphore_mem>>) src(%dma_wait3A_1826 : memref<64x128xf32, #tpu.memory_space<hbm>>) dst(%dma_wait3A_1823 : memref<64x128xf32, #tpu.memory_space<vmem>>)
      %min3A = arith.constant 511 : i32
      %min3A_1827 = arith.minsi %add3A_1811, %min3A : i32
      %get3A_1828 = arith.index_cast %min3A_1827 : i32 to index
      %get3A_1829 = tpu.vector_load %arg8[%get3A_1828] {strides = array<i32>} : memref<512xi32, #tpu.memory_space<vmem>>, vector<16xi32>,
      %slice3A_1830 = vector.extract_strided_slice %get3A_1829 {offsets = [0], sizes = [1], strides = [1]} : vector<16xi32> to vector<1xi32>
      %squeeze3A_1831 = vector.extract %slice3A_1830[0] : i32 from vector<1xi32>
      %min3A_1832 = arith.constant 511 : i32
      %min3A_1833 = arith.minsi %add3A_1811, %min3A_1832 : i32
      %and3A_1834 = arith.constant 127 : i32
      %and3A_1835 = arith.andi %squeeze3A_1831, %and3A_1834 : i32
      %broadcast_in_dim3A_1836 = vector.broadcast %and3A_1835 : i32 to vector<16xi32>
      %broadcast_in_dim3A_1837 = vector.broadcast %min3A_1833 : i32 to vector<16xi32>
      %add3A_1838 = arith.constant 0 : i32
      %add3A_1839 = vector.broadcast %add3A_1838 : i32 to vector<16xi32>
      %add3A_1840 = arith.addi %iota3A, %add3A_1839 : vector<16xi32>
      %gather3A_1841 = arith.constant 0 : i32
      %gather3A_1842 = arith.constant 0 : i32
      %gather3A_1843 = arith.constant 0 : i32
      %gather3A_1844 = tpu.memref_slice %arg10[%gather3A_1841, %gather3A_1842, %gather3A_1843] : memref<11x64x128xf32, #tpu.memory_space<vmem>> -> memref<1x64x128xf32, #tpu.memory_space<vmem>>
      %gather3A_1845 = tpu.memref_squeeze %gather3A_1844 : memref<1x64x128xf32, #tpu.memory_space<vmem>> -> memref<64x128xf32, #tpu.memory_space<vmem>>
      %gather3A_1846 = tpu.vector_load_idx %gather3A_1845[%add3A_1840, %broadcast_in_dim3A_1836] : memref<64x128xf32, #tpu.memory_space<vmem>>[vector<16xi32>, vector<16xi32>], vector<16xf32>,
      tpu.vector_store_idx %arg11[%add3A_1840, %broadcast_in_dim3A_1837], %gather3A_1846 : memref<64x512xf32, #tpu.memory_space<vmem>>[vector<16xi32>, vector<16xi32>], vector<16xf32>,
      %add3A_1847 = arith.constant 16 : i32
      %add3A_1848 = vector.broadcast %add3A_1847 : i32 to vector<16xi32>
      %add3A_1849 = arith.addi %iota3A, %add3A_1848 : vector<16xi32>
      %gather3A_1850 = arith.constant 0 : i32
      %gather3A_1851 = arith.constant 0 : i32
      %gather3A_1852 = arith.constant 0 : i32
      %gather3A_1853 = tpu.memref_slice %arg10[%gather3A_1850, %gather3A_1851, %gather3A_1852] : memref<11x64x128xf32, #tpu.memory_space<vmem>> -> memref<1x64x128xf32, #tpu.memory_space<vmem>>
      %gather3A_1854 = tpu.memref_squeeze %gather3A_1853 : memref<1x64x128xf32, #tpu.memory_space<vmem>> -> memref<64x128xf32, #tpu.memory_space<vmem>>
      %gather3A_1855 = tpu.vector_load_idx %gather3A_1854[%add3A_1849, %broadcast_in_dim3A_1836] : memref<64x128xf32, #tpu.memory_space<vmem>>[vector<16xi32>, vector<16xi32>], vector<16xf32>,
      tpu.vector_store_idx %arg11[%add3A_1849, %broadcast_in_dim3A_1837], %gather3A_1855 : memref<64x512xf32, #tpu.memory_space<vmem>>[vector<16xi32>, vector<16xi32>], vector<16xf32>,
      %add3A_1856 = arith.constant 32 : i32
      %add3A_1857 = vector.broadcast %add3A_1856 : i32 to vector<16xi32>
      %add3A_1858 = arith.addi %iota3A, %add3A_1857 : vector<16xi32>
      %gather3A_1859 = arith.constant 0 : i32
      %gather3A_1860 = arith.constant 0 : i32
      %gather3A_1861 = arith.constant 0 : i32
      %gather3A_1862 = tpu.memref_slice %arg10[%gather3A_1859, %gather3A_1860, %gather3A_1861] : memref<11x64x128xf32, #tpu.memory_space<vmem>> -> memref<1x64x128xf32, #tpu.memory_space<vmem>>
      %gather3A_1863 = tpu.memref_squeeze %gather3A_1862 : memref<1x64x128xf32, #tpu.memory_space<vmem>> -> memref<64x128xf32, #tpu.memory_space<vmem>>
      %gather3A_1864 = tpu.vector_load_idx %gather3A_1863[%add3A_1858, %broadcast_in_dim3A_1836] : memref<64x128xf32, #tpu.memory_space<vmem>>[vector<16xi32>, vector<16xi32>], vector<16xf32>,
      tpu.vector_store_idx %arg11[%add3A_1858, %broadcast_in_dim3A_1837], %gather3A_1864 : memref<64x512xf32, #tpu.memory_space<vmem>>[vector<16xi32>, vector<16xi32>], vector<16xf32>,
      %add3A_1865 = arith.constant 48 : i32
      %add3A_1866 = vector.broadcast %add3A_1865 : i32 to vector<16xi32>
      %add3A_1867 = arith.addi %iota3A, %add3A_1866 : vector<16xi32>
      %gather3A_1868 = arith.constant 0 : i32
      %gather3A_1869 = arith.constant 0 : i32
      %gather3A_1870 = arith.constant 0 : i32
      %gather3A_1871 = tpu.memref_slice %arg10[%gather3A_1868, %gather3A_1869, %gather3A_1870] : memref<11x64x128xf32, #tpu.memory_space<vmem>> -> memref<1x64x128xf32, #tpu.memory_space<vmem>>
      %gather3A_1872 = tpu.memref_squeeze %gather3A_1871 : memref<1x64x128xf32, #tpu.memory_space<vmem>> -> memref<64x128xf32, #tpu.memory_space<vmem>>
      %gather3A_1873 = tpu.vector_load_idx %gather3A_1872[%add3A_1867, %broadcast_in_dim3A_1836] : memref<64x128xf32, #tpu.memory_space<vmem>>[vector<16xi32>, vector<16xi32>], vector<16xf32>,
      tpu.vector_store_idx %arg11[%add3A_1867, %broadcast_in_dim3A_1837], %gather3A_1873 : memref<64x512xf32, #tpu.memory_space<vmem>>[vector<16xi32>, vector<16xi32>], vector<16xf32>,
      %add3A_1874 = arith.constant 11 : i32
      %add3A_1875 = arith.addi %add3A_1811, %add3A_1874 : i32
      %min3A_1876 = arith.constant 511 : i32
      %min3A_1877 = arith.minsi %add3A_1875, %min3A_1876 : i32
      %get3A_1878 = arith.index_cast %min3A_1877 : i32 to index
      %get3A_1879 = tpu.vector_load %arg8[%get3A_1878] {strides = array<i32>} : memref<512xi32, #tpu.memory_space<vmem>>, vector<16xi32>,
      %slice3A_1880 = vector.extract_strided_slice %get3A_1879 {offsets = [0], sizes = [1], strides = [1]} : vector<16xi32> to vector<1xi32>
      %squeeze3A_1881 = vector.extract %slice3A_1880[0] : i32 from vector<1xi32>
      %shift_right_arithmetic3A_1882 = arith.constant 7 : i32
      %shift_right_arithmetic3A_1883 = arith.shrsi %squeeze3A_1881, %shift_right_arithmetic3A_1882 : i32
      %shift_left3A_1884 = arith.constant 7 : i32
      %shift_left3A_1885 = arith.shli %shift_right_arithmetic3A_1883, %shift_left3A_1884 : i32
      %multiple_of3A_1886 = tpu.assume_multiple %shift_left3A_1885, 128 : i32
      %dma_start3A_1887 = arith.constant 0 : i32
      %dma_start3A_1888 = arith.constant 0 : i32
      %dma_start3A_1889 = arith.constant 0 : i32
      %dma_start3A_1890 = tpu.memref_slice %arg10[%dma_start3A_1887, %dma_start3A_1888, %dma_start3A_1889] : memref<11x64x128xf32, #tpu.memory_space<vmem>> -> memref<1x64x128xf32, #tpu.memory_space<vmem>>
      %dma_start3A_1891 = tpu.memref_squeeze %dma_start3A_1890 : memref<1x64x128xf32, #tpu.memory_space<vmem>> -> memref<64x128xf32, #tpu.memory_space<vmem>>
      %dma_start3A_1892 = arith.constant 0 : i32
      %dma_start3A_1893 = tpu.memref_slice %arg4[%dma_start3A_1892, %multiple_of3A_1886] : memref<64x1000000xf32, #tpu.memory_space<hbm>> -> memref<64x128xf32, #tpu.memory_space<hbm>>
      %dma_start3A_1894 = arith.constant 0 : i32
      %dma_start3A_1895 = arith.constant 0 : i32
      %dma_start3A_1896 = tpu.memref_slice %arg10[%dma_start3A_1887, %dma_start3A_1894, %dma_start3A_1895] : memref<11x64x128xf32, #tpu.memory_space<vmem>> -> memref<1x64x128xf32, #tpu.memory_space<vmem>>
      %dma_start3A_1897 = tpu.memref_squeeze %dma_start3A_1896 : memref<1x64x128xf32, #tpu.memory_space<vmem>> -> memref<64x128xf32, #tpu.memory_space<vmem>>
      %dma_start3A_1898 = arith.constant 0 : i32
      %dma_start3A_1899 = tpu.memref_slice %arg4[%dma_start3A_1898, %multiple_of3A_1886] : memref<64x1000000xf32, #tpu.memory_space<hbm>> -> memref<64x128xf32, #tpu.memory_space<hbm>>
      tpu.enqueue_dma source(%dma_start3A_1899 : memref<64x128xf32, #tpu.memory_space<hbm>>) target(%dma_start3A_1897 : memref<64x128xf32, #tpu.memory_space<vmem>>) target_semaphore(%arg12 : memref<!tpu.dma_semaphore, #tpu.memory_space<semaphore_mem>>)
      %mul3A_1900 = arith.constant 11 : i32
      %mul3A_1901 = arith.muli %scan3A_1807, %mul3A_1900 : i32
      %add3A_1902 = arith.constant 1 : i32
      %add3A_1903 = arith.addi %mul3A_1901, %add3A_1902 : i32
      %dma_wait3A_1904 = arith.constant 1 : i32
      %dma_wait3A_1905 = arith.constant 0 : i32
      %dma_wait3A_1906 = arith.constant 0 : i32
      %dma_wait3A_1907 = tpu.memref_slice %arg10[%dma_wait3A_1904, %dma_wait3A_1905, %dma_wait3A_1906] : memref<11x64x128xf32, #tpu.memory_space<vmem>> -> memref<1x64x128xf32, #tpu.memory_space<vmem>>
      %dma_wait3A_1908 = tpu.memref_squeeze %dma_wait3A_1907 : memref<1x64x128xf32, #tpu.memory_space<vmem>> -> memref<64x128xf32, #tpu.memory_space<vmem>>
      %dma_wait3A_1909 = arith.constant 0 : i32
      %dma_wait3A_1910 = arith.constant 0 : i32
      %dma_wait3A_1911 = tpu.memref_slice %arg4[%dma_wait3A_1909, %dma_wait3A_1910] : memref<64x1000000xf32, #tpu.memory_space<hbm>> -> memref<64x128xf32, #tpu.memory_space<hbm>>
      %dma_wait3A_1912 = arith.constant 0 : i32
      %dma_wait3A_1913 = arith.constant 0 : i32
      %dma_wait3A_1914 = tpu.memref_slice %arg10[%dma_wait3A_1904, %dma_wait3A_1912, %dma_wait3A_1913] : memref<11x64x128xf32, #tpu.memory_space<vmem>> -> memref<1x64x128xf32, #tpu.memory_space<vmem>>
      %dma_wait3A_1915 = tpu.memref_squeeze %dma_wait3A_1914 : memref<1x64x128xf32, #tpu.memory_space<vmem>> -> memref<64x128xf32, #tpu.memory_space<vmem>>
      %dma_wait3A_1916 = arith.constant 0 : i32
      %dma_wait3A_1917 = arith.constant 0 : i32
      %dma_wait3A_1918 = tpu.memref_slice %arg4[%dma_wait3A_1916, %dma_wait3A_1917] : memref<64x1000000xf32, #tpu.memory_space<hbm>> -> memref<64x128xf32, #tpu.memory_space<hbm>>
      tpu.wait_dma2 semaphore(%arg13 : memref<!tpu.dma_semaphore, #tpu.memory_space<semaphore_mem>>) src(%dma_wait3A_1918 : memref<64x128xf32, #tpu.memory_space<hbm>>) dst(%dma_wait3A_1915 : memref<64x128xf32, #tpu.memory_space<vmem>>)
      %min3A_1919 = arith.constant 511 : i32
      %min3A_1920 = arith.minsi %add3A_1903, %min3A_1919 : i32
      %get3A_1921 = arith.index_cast %min3A_1920 : i32 to index
      %get3A_1922 = tpu.vector_load %arg8[%get3A_1921] {strides = array<i32>} : memref<512xi32, #tpu.memory_space<vmem>>, vector<16xi32>,
      %slice3A_1923 = vector.extract_strided_slice %get3A_1922 {offsets = [0], sizes = [1], strides = [1]} : vector<16xi32> to vector<1xi32>
      %squeeze3A_1924 = vector.extract %slice3A_1923[0] : i32 from vector<1xi32>
      %min3A_1925 = arith.constant 511 : i32
      %min3A_1926 = arith.minsi %add3A_1903, %min3A_1925 : i32
      %and3A_1927 = arith.constant 127 : i32
      %and3A_1928 = arith.andi %squeeze3A_1924, %and3A_1927 : i32
      %broadcast_in_dim3A_1929 = vector.broadcast %and3A_1928 : i32 to vector<16xi32>
      %broadcast_in_dim3A_1930 = vector.broadcast %min3A_1926 : i32 to vector<16xi32>
      %add3A_1931 = arith.constant 0 : i32
      %add3A_1932 = vector.broadcast %add3A_1931 : i32 to vector<16xi32>
      %add3A_1933 = arith.addi %iota3A, %add3A_1932 : vector<16xi32>
      %gather3A_1934 = arith.constant 1 : i32
      %gather3A_1935 = arith.constant 0 : i32
      %gather3A_1936 = arith.constant 0 : i32
      %gather3A_1937 = tpu.memref_slice %arg10[%gather3A_1934, %gather3A_1935, %gather3A_1936] : memref<11x64x128xf32, #tpu.memory_space<vmem>> -> memref<1x64x128xf32, #tpu.memory_space<vmem>>
      %gather3A_1938 = tpu.memref_squeeze %gather3A_1937 : memref<1x64x128xf32, #tpu.memory_space<vmem>> -> memref<64x128xf32, #tpu.memory_space<vmem>>
      %gather3A_1939 = tpu.vector_load_idx %gather3A_1938[%add3A_1933, %broadcast_in_dim3A_1929] : memref<64x128xf32, #tpu.memory_space<vmem>>[vector<16xi32>, vector<16xi32>], vector<16xf32>,
      tpu.vector_store_idx %arg11[%add3A_1933, %broadcast_in_dim3A_1930], %gather3A_1939 : memref<64x512xf32, #tpu.memory_space<vmem>>[vector<16xi32>, vector<16xi32>], vector<16xf32>,
      %add3A_1940 = arith.constant 16 : i32
      %add3A_1941 = vector.broadcast %add3A_1940 : i32 to vector<16xi32>
      %add3A_1942 = arith.addi %iota3A, %add3A_1941 : vector<16xi32>
      %gather3A_1943 = arith.constant 1 : i32
      %gather3A_1944 = arith.constant 0 : i32
      %gather3A_1945 = arith.constant 0 : i32
      %gather3A_1946 = tpu.memref_slice %arg10[%gather3A_1943, %gather3A_1944, %gather3A_1945] : memref<11x64x128xf32, #tpu.memory_space<vmem>> -> memref<1x64x128xf32, #tpu.memory_space<vmem>>
      %gather3A_1947 = tpu.memref_squeeze %gather3A_1946 : memref<1x64x128xf32, #tpu.memory_space<vmem>> -> memref<64x128xf32, #tpu.memory_space<vmem>>
      %gather3A_1948 = tpu.vector_load_idx %gather3A_1947[%add3A_1942, %broadcast_in_dim3A_1929] : memref<64x128xf32, #tpu.memory_space<vmem>>[vector<16xi32>, vector<16xi32>], vector<16xf32>,
      tpu.vector_store_idx %arg11[%add3A_1942, %broadcast_in_dim3A_1930], %gather3A_1948 : memref<64x512xf32, #tpu.memory_space<vmem>>[vector<16xi32>, vector<16xi32>], vector<16xf32>,
      %add3A_1949 = arith.constant 32 : i32
      %add3A_1950 = vector.broadcast %add3A_1949 : i32 to vector<16xi32>
      %add3A_1951 = arith.addi %iota3A, %add3A_1950 : vector<16xi32>
      %gather3A_1952 = arith.constant 1 : i32
      %gather3A_1953 = arith.constant 0 : i32
      %gather3A_1954 = arith.constant 0 : i32
      %gather3A_1955 = tpu.memref_slice %arg10[%gather3A_1952, %gather3A_1953, %gather3A_1954] : memref<11x64x128xf32, #tpu.memory_space<vmem>> -> memref<1x64x128xf32, #tpu.memory_space<vmem>>
      %gather3A_1956 = tpu.memref_squeeze %gather3A_1955 : memref<1x64x128xf32, #tpu.memory_space<vmem>> -> memref<64x128xf32, #tpu.memory_space<vmem>>
      %gather3A_1957 = tpu.vector_load_idx %gather3A_1956[%add3A_1951, %broadcast_in_dim3A_1929] : memref<64x128xf32, #tpu.memory_space<vmem>>[vector<16xi32>, vector<16xi32>], vector<16xf32>,
      tpu.vector_store_idx %arg11[%add3A_1951, %broadcast_in_dim3A_1930], %gather3A_1957 : memref<64x512xf32, #tpu.memory_space<vmem>>[vector<16xi32>, vector<16xi32>], vector<16xf32>,
      %add3A_1958 = arith.constant 48 : i32
      %add3A_1959 = vector.broadcast %add3A_1958 : i32 to vector<16xi32>
      %add3A_1960 = arith.addi %iota3A, %add3A_1959 : vector<16xi32>
      %gather3A_1961 = arith.constant 1 : i32
      %gather3A_1962 = arith.constant 0 : i32
      %gather3A_1963 = arith.constant 0 : i32
      %gather3A_1964 = tpu.memref_slice %arg10[%gather3A_1961, %gather3A_1962, %gather3A_1963] : memref<11x64x128xf32, #tpu.memory_space<vmem>> -> memref<1x64x128xf32, #tpu.memory_space<vmem>>
      %gather3A_1965 = tpu.memref_squeeze %gather3A_1964 : memref<1x64x128xf32, #tpu.memory_space<vmem>> -> memref<64x128xf32, #tpu.memory_space<vmem>>
      %gather3A_1966 = tpu.vector_load_idx %gather3A_1965[%add3A_1960, %broadcast_in_dim3A_1929] : memref<64x128xf32, #tpu.memory_space<vmem>>[vector<16xi32>, vector<16xi32>], vector<16xf32>,
      tpu.vector_store_idx %arg11[%add3A_1960, %broadcast_in_dim3A_1930], %gather3A_1966 : memref<64x512xf32, #tpu.memory_space<vmem>>[vector<16xi32>, vector<16xi32>], vector<16xf32>,
      %add3A_1967 = arith.constant 11 : i32
      %add3A_1968 = arith.addi %add3A_1903, %add3A_1967 : i32
      %min3A_1969 = arith.constant 511 : i32
      %min3A_1970 = arith.minsi %add3A_1968, %min3A_1969 : i32
      %get3A_1971 = arith.index_cast %min3A_1970 : i32 to index
      %get3A_1972 = tpu.vector_load %arg8[%get3A_1971] {strides = array<i32>} : memref<512xi32, #tpu.memory_space<vmem>>, vector<16xi32>,
      %slice3A_1973 = vector.extract_strided_slice %get3A_1972 {offsets = [0], sizes = [1], strides = [1]} : vector<16xi32> to vector<1xi32>
      %squeeze3A_1974 = vector.extract %slice3A_1973[0] : i32 from vector<1xi32>
      %shift_right_arithmetic3A_1975 = arith.constant 7 : i32
      %shift_right_arithmetic3A_1976 = arith.shrsi %squeeze3A_1974, %shift_right_arithmetic3A_1975 : i32
      %shift_left3A_1977 = arith.constant 7 : i32
      %shift_left3A_1978 = arith.shli %shift_right_arithmetic3A_1976, %shift_left3A_1977 : i32
      %multiple_of3A_1979 = tpu.assume_multiple %shift_left3A_1978, 128 : i32
      %dma_start3A_1980 = arith.constant 1 : i32
      %dma_start3A_1981 = arith.constant 0 : i32
      %dma_start3A_1982 = arith.constant 0 : i32
      %dma_start3A_1983 = tpu.memref_slice %arg10[%dma_start3A_1980, %dma_start3A_1981, %dma_start3A_1982] : memref<11x64x128xf32, #tpu.memory_space<vmem>> -> memref<1x64x128xf32, #tpu.memory_space<vmem>>
      %dma_start3A_1984 = tpu.memref_squeeze %dma_start3A_1983 : memref<1x64x128xf32, #tpu.memory_space<vmem>> -> memref<64x128xf32, #tpu.memory_space<vmem>>
      %dma_start3A_1985 = arith.constant 0 : i32
      %dma_start3A_1986 = tpu.memref_slice %arg4[%dma_start3A_1985, %multiple_of3A_1979] : memref<64x1000000xf32, #tpu.memory_space<hbm>> -> memref<64x128xf32, #tpu.memory_space<hbm>>
      %dma_start3A_1987 = arith.constant 0 : i32
      %dma_start3A_1988 = arith.constant 0 : i32
      %dma_start3A_1989 = tpu.memref_slice %arg10[%dma_start3A_1980, %dma_start3A_1987, %dma_start3A_1988] : memref<11x64x128xf32, #tpu.memory_space<vmem>> -> memref<1x64x128xf32, #tpu.memory_space<vmem>>
      %dma_start3A_1990 = tpu.memref_squeeze %dma_start3A_1989 : memref<1x64x128xf32, #tpu.memory_space<vmem>> -> memref<64x128xf32, #tpu.memory_space<vmem>>
      %dma_start3A_1991 = arith.constant 0 : i32
      %dma_start3A_1992 = tpu.memref_slice %arg4[%dma_start3A_1991, %multiple_of3A_1979] : memref<64x1000000xf32, #tpu.memory_space<hbm>> -> memref<64x128xf32, #tpu.memory_space<hbm>>
      tpu.enqueue_dma source(%dma_start3A_1992 : memref<64x128xf32, #tpu.memory_space<hbm>>) target(%dma_start3A_1990 : memref<64x128xf32, #tpu.memory_space<vmem>>) target_semaphore(%arg13 : memref<!tpu.dma_semaphore, #tpu.memory_space<semaphore_mem>>)
      %mul3A_1993 = arith.constant 11 : i32
      %mul3A_1994 = arith.muli %scan3A_1807, %mul3A_1993 : i32
      %add3A_1995 = arith.constant 2 : i32
      %add3A_1996 = arith.addi %mul3A_1994, %add3A_1995 : i32
      %dma_wait3A_1997 = arith.constant 2 : i32
      %dma_wait3A_1998 = arith.constant 0 : i32
      %dma_wait3A_1999 = arith.constant 0 : i32
      %dma_wait3A_2000 = tpu.memref_slice %arg10[%dma_wait3A_1997, %dma_wait3A_1998, %dma_wait3A_1999] : memref<11x64x128xf32, #tpu.memory_space<vmem>> -> memref<1x64x128xf32, #tpu.memory_space<vmem>>
      %dma_wait3A_2001 = tpu.memref_squeeze %dma_wait3A_2000 : memref<1x64x128xf32, #tpu.memory_space<vmem>> -> memref<64x128xf32, #tpu.memory_space<vmem>>
      %dma_wait3A_2002 = arith.constant 0 : i32
      %dma_wait3A_2003 = arith.constant 0 : i32
      %dma_wait3A_2004 = tpu.memref_slice %arg4[%dma_wait3A_2002, %dma_wait3A_2003] : memref<64x1000000xf32, #tpu.memory_space<hbm>> -> memref<64x128xf32, #tpu.memory_space<hbm>>
      %dma_wait3A_2005 = arith.constant 0 : i32
      %dma_wait3A_2006 = arith.constant 0 : i32
      %dma_wait3A_2007 = tpu.memref_slice %arg10[%dma_wait3A_1997, %dma_wait3A_2005, %dma_wait3A_2006] : memref<11x64x128xf32, #tpu.memory_space<vmem>> -> memref<1x64x128xf32, #tpu.memory_space<vmem>>
      %dma_wait3A_2008 = tpu.memref_squeeze %dma_wait3A_2007 : memref<1x64x128xf32, #tpu.memory_space<vmem>> -> memref<64x128xf32, #tpu.memory_space<vmem>>
      %dma_wait3A_2009 = arith.constant 0 : i32
      %dma_wait3A_2010 = arith.constant 0 : i32
      %dma_wait3A_2011 = tpu.memref_slice %arg4[%dma_wait3A_2009, %dma_wait3A_2010] : memref<64x1000000xf32, #tpu.memory_space<hbm>> -> memref<64x128xf32, #tpu.memory_space<hbm>>
      tpu.wait_dma2 semaphore(%arg14 : memref<!tpu.dma_semaphore, #tpu.memory_space<semaphore_mem>>) src(%dma_wait3A_2011 : memref<64x128xf32, #tpu.memory_space<hbm>>) dst(%dma_wait3A_2008 : memref<64x128xf32, #tpu.memory_space<vmem>>)
      %min3A_2012 = arith.constant 511 : i32
      %min3A_2013 = arith.minsi %add3A_1996, %min3A_2012 : i32
      %get3A_2014 = arith.index_cast %min3A_2013 : i32 to index
      %get3A_2015 = tpu.vector_load %arg8[%get3A_2014] {strides = array<i32>} : memref<512xi32, #tpu.memory_space<vmem>>, vector<16xi32>,
      %slice3A_2016 = vector.extract_strided_slice %get3A_2015 {offsets = [0], sizes = [1], strides = [1]} : vector<16xi32> to vector<1xi32>
      %squeeze3A_2017 = vector.extract %slice3A_2016[0] : i32 from vector<1xi32>
      %min3A_2018 = arith.constant 511 : i32
      %min3A_2019 = arith.minsi %add3A_1996, %min3A_2018 : i32
      %and3A_2020 = arith.constant 127 : i32
      %and3A_2021 = arith.andi %squeeze3A_2017, %and3A_2020 : i32
      %broadcast_in_dim3A_2022 = vector.broadcast %and3A_2021 : i32 to vector<16xi32>
      %broadcast_in_dim3A_2023 = vector.broadcast %min3A_2019 : i32 to vector<16xi32>
      %add3A_2024 = arith.constant 0 : i32
      %add3A_2025 = vector.broadcast %add3A_2024 : i32 to vector<16xi32>
      %add3A_2026 = arith.addi %iota3A, %add3A_2025 : vector<16xi32>
      %gather3A_2027 = arith.constant 2 : i32
      %gather3A_2028 = arith.constant 0 : i32
      %gather3A_2029 = arith.constant 0 : i32
      %gather3A_2030 = tpu.memref_slice %arg10[%gather3A_2027, %gather3A_2028, %gather3A_2029] : memref<11x64x128xf32, #tpu.memory_space<vmem>> -> memref<1x64x128xf32, #tpu.memory_space<vmem>>
      %gather3A_2031 = tpu.memref_squeeze %gather3A_2030 : memref<1x64x128xf32, #tpu.memory_space<vmem>> -> memref<64x128xf32, #tpu.memory_space<vmem>>
      %gather3A_2032 = tpu.vector_load_idx %gather3A_2031[%add3A_2026, %broadcast_in_dim3A_2022] : memref<64x128xf32, #tpu.memory_space<vmem>>[vector<16xi32>, vector<16xi32>], vector<16xf32>,
      tpu.vector_store_idx %arg11[%add3A_2026, %broadcast_in_dim3A_2023], %gather3A_2032 : memref<64x512xf32, #tpu.memory_space<vmem>>[vector<16xi32>, vector<16xi32>], vector<16xf32>,
      %add3A_2033 = arith.constant 16 : i32
      %add3A_2034 = vector.broadcast %add3A_2033 : i32 to vector<16xi32>
      %add3A_2035 = arith.addi %iota3A, %add3A_2034 : vector<16xi32>
      %gather3A_2036 = arith.constant 2 : i32
      %gather3A_2037 = arith.constant 0 : i32
      %gather3A_2038 = arith.constant 0 : i32
      %gather3A_2039 = tpu.memref_slice %arg10[%gather3A_2036, %gather3A_2037, %gather3A_2038] : memref<11x64x128xf32, #tpu.memory_space<vmem>> -> memref<1x64x128xf32, #tpu.memory_space<vmem>>
      %gather3A_2040 = tpu.memref_squeeze %gather3A_2039 : memref<1x64x128xf32, #tpu.memory_space<vmem>> -> memref<64x128xf32, #tpu.memory_space<vmem>>
      %gather3A_2041 = tpu.vector_load_idx %gather3A_2040[%add3A_2035, %broadcast_in_dim3A_2022] : memref<64x128xf32, #tpu.memory_space<vmem>>[vector<16xi32>, vector<16xi32>], vector<16xf32>,
      tpu.vector_store_idx %arg11[%add3A_2035, %broadcast_in_dim3A_2023], %gather3A_2041 : memref<64x512xf32, #tpu.memory_space<vmem>>[vector<16xi32>, vector<16xi32>], vector<16xf32>,
      %add3A_2042 = arith.constant 32 : i32
      %add3A_2043 = vector.broadcast %add3A_2042 : i32 to vector<16xi32>
      %add3A_2044 = arith.addi %iota3A, %add3A_2043 : vector<16xi32>
      %gather3A_2045 = arith.constant 2 : i32
      %gather3A_2046 = arith.constant 0 : i32
      %gather3A_2047 = arith.constant 0 : i32
      %gather3A_2048 = tpu.memref_slice %arg10[%gather3A_2045, %gather3A_2046, %gather3A_2047] : memref<11x64x128xf32, #tpu.memory_space<vmem>> -> memref<1x64x128xf32, #tpu.memory_space<vmem>>
      %gather3A_2049 = tpu.memref_squeeze %gather3A_2048 : memref<1x64x128xf32, #tpu.memory_space<vmem>> -> memref<64x128xf32, #tpu.memory_space<vmem>>
      %gather3A_2050 = tpu.vector_load_idx %gather3A_2049[%add3A_2044, %broadcast_in_dim3A_2022] : memref<64x128xf32, #tpu.memory_space<vmem>>[vector<16xi32>, vector<16xi32>], vector<16xf32>,
      tpu.vector_store_idx %arg11[%add3A_2044, %broadcast_in_dim3A_2023], %gather3A_2050 : memref<64x512xf32, #tpu.memory_space<vmem>>[vector<16xi32>, vector<16xi32>], vector<16xf32>,
      %add3A_2051 = arith.constant 48 : i32
      %add3A_2052 = vector.broadcast %add3A_2051 : i32 to vector<16xi32>
      %add3A_2053 = arith.addi %iota3A, %add3A_2052 : vector<16xi32>
      %gather3A_2054 = arith.constant 2 : i32
      %gather3A_2055 = arith.constant 0 : i32
      %gather3A_2056 = arith.constant 0 : i32
      %gather3A_2057 = tpu.memref_slice %arg10[%gather3A_2054, %gather3A_2055, %gather3A_2056] : memref<11x64x128xf32, #tpu.memory_space<vmem>> -> memref<1x64x128xf32, #tpu.memory_space<vmem>>
      %gather3A_2058 = tpu.memref_squeeze %gather3A_2057 : memref<1x64x128xf32, #tpu.memory_space<vmem>> -> memref<64x128xf32, #tpu.memory_space<vmem>>
      %gather3A_2059 = tpu.vector_load_idx %gather3A_2058[%add3A_2053, %broadcast_in_dim3A_2022] : memref<64x128xf32, #tpu.memory_space<vmem>>[vector<16xi32>, vector<16xi32>], vector<16xf32>,
      tpu.vector_store_idx %arg11[%add3A_2053, %broadcast_in_dim3A_2023], %gather3A_2059 : memref<64x512xf32, #tpu.memory_space<vmem>>[vector<16xi32>, vector<16xi32>], vector<16xf32>,
      %add3A_2060 = arith.constant 11 : i32
      %add3A_2061 = arith.addi %add3A_1996, %add3A_2060 : i32
      %min3A_2062 = arith.constant 511 : i32
      %min3A_2063 = arith.minsi %add3A_2061, %min3A_2062 : i32
      %get3A_2064 = arith.index_cast %min3A_2063 : i32 to index
      %get3A_2065 = tpu.vector_load %arg8[%get3A_2064] {strides = array<i32>} : memref<512xi32, #tpu.memory_space<vmem>>, vector<16xi32>,
      %slice3A_2066 = vector.extract_strided_slice %get3A_2065 {offsets = [0], sizes = [1], strides = [1]} : vector<16xi32> to vector<1xi32>
      %squeeze3A_2067 = vector.extract %slice3A_2066[0] : i32 from vector<1xi32>
      %shift_right_arithmetic3A_2068 = arith.constant 7 : i32
      %shift_right_arithmetic3A_2069 = arith.shrsi %squeeze3A_2067, %shift_right_arithmetic3A_2068 : i32
      %shift_left3A_2070 = arith.constant 7 : i32
      %shift_left3A_2071 = arith.shli %shift_right_arithmetic3A_2069, %shift_left3A_2070 : i32
      %multiple_of3A_2072 = tpu.assume_multiple %shift_left3A_2071, 128 : i32
      %dma_start3A_2073 = arith.constant 2 : i32
      %dma_start3A_2074 = arith.constant 0 : i32
      %dma_start3A_2075 = arith.constant 0 : i32
      %dma_start3A_2076 = tpu.memref_slice %arg10[%dma_start3A_2073, %dma_start3A_2074, %dma_start3A_2075] : memref<11x64x128xf32, #tpu.memory_space<vmem>> -> memref<1x64x128xf32, #tpu.memory_space<vmem>>
      %dma_start3A_2077 = tpu.memref_squeeze %dma_start3A_2076 : memref<1x64x128xf32, #tpu.memory_space<vmem>> -> memref<64x128xf32, #tpu.memory_space<vmem>>
      %dma_start3A_2078 = arith.constant 0 : i32
      %dma_start3A_2079 = tpu.memref_slice %arg4[%dma_start3A_2078, %multiple_of3A_2072] : memref<64x1000000xf32, #tpu.memory_space<hbm>> -> memref<64x128xf32, #tpu.memory_space<hbm>>
      %dma_start3A_2080 = arith.constant 0 : i32
      %dma_start3A_2081 = arith.constant 0 : i32
      %dma_start3A_2082 = tpu.memref_slice %arg10[%dma_start3A_2073, %dma_start3A_2080, %dma_start3A_2081] : memref<11x64x128xf32, #tpu.memory_space<vmem>> -> memref<1x64x128xf32, #tpu.memory_space<vmem>>
      %dma_start3A_2083 = tpu.memref_squeeze %dma_start3A_2082 : memref<1x64x128xf32, #tpu.memory_space<vmem>> -> memref<64x128xf32, #tpu.memory_space<vmem>>
      %dma_start3A_2084 = arith.constant 0 : i32
      %dma_start3A_2085 = tpu.memref_slice %arg4[%dma_start3A_2084, %multiple_of3A_2072] : memref<64x1000000xf32, #tpu.memory_space<hbm>> -> memref<64x128xf32, #tpu.memory_space<hbm>>
      tpu.enqueue_dma source(%dma_start3A_2085 : memref<64x128xf32, #tpu.memory_space<hbm>>) target(%dma_start3A_2083 : memref<64x128xf32, #tpu.memory_space<vmem>>) target_semaphore(%arg14 : memref<!tpu.dma_semaphore, #tpu.memory_space<semaphore_mem>>)
      %mul3A_2086 = arith.constant 11 : i32
      %mul3A_2087 = arith.muli %scan3A_1807, %mul3A_2086 : i32
      %add3A_2088 = arith.constant 3 : i32
      %add3A_2089 = arith.addi %mul3A_2087, %add3A_2088 : i32
      %dma_wait3A_2090 = arith.constant 3 : i32
      %dma_wait3A_2091 = arith.constant 0 : i32
      %dma_wait3A_2092 = arith.constant 0 : i32
      %dma_wait3A_2093 = tpu.memref_slice %arg10[%dma_wait3A_2090, %dma_wait3A_2091, %dma_wait3A_2092] : memref<11x64x128xf32, #tpu.memory_space<vmem>> -> memref<1x64x128xf32, #tpu.memory_space<vmem>>
      %dma_wait3A_2094 = tpu.memref_squeeze %dma_wait3A_2093 : memref<1x64x128xf32, #tpu.memory_space<vmem>> -> memref<64x128xf32, #tpu.memory_space<vmem>>
      %dma_wait3A_2095 = arith.constant 0 : i32
      %dma_wait3A_2096 = arith.constant 0 : i32
      %dma_wait3A_2097 = tpu.memref_slice %arg4[%dma_wait3A_2095, %dma_wait3A_2096] : memref<64x1000000xf32, #tpu.memory_space<hbm>> -> memref<64x128xf32, #tpu.memory_space<hbm>>
      %dma_wait3A_2098 = arith.constant 0 : i32
      %dma_wait3A_2099 = arith.constant 0 : i32
      %dma_wait3A_2100 = tpu.memref_slice %arg10[%dma_wait3A_2090, %dma_wait3A_2098, %dma_wait3A_2099] : memref<11x64x128xf32, #tpu.memory_space<vmem>> -> memref<1x64x128xf32, #tpu.memory_space<vmem>>
      %dma_wait3A_2101 = tpu.memref_squeeze %dma_wait3A_2100 : memref<1x64x128xf32, #tpu.memory_space<vmem>> -> memref<64x128xf32, #tpu.memory_space<vmem>>
      %dma_wait3A_2102 = arith.constant 0 : i32
      %dma_wait3A_2103 = arith.constant 0 : i32
      %dma_wait3A_2104 = tpu.memref_slice %arg4[%dma_wait3A_2102, %dma_wait3A_2103] : memref<64x1000000xf32, #tpu.memory_space<hbm>> -> memref<64x128xf32, #tpu.memory_space<hbm>>
      tpu.wait_dma2 semaphore(%arg15 : memref<!tpu.dma_semaphore, #tpu.memory_space<semaphore_mem>>) src(%dma_wait3A_2104 : memref<64x128xf32, #tpu.memory_space<hbm>>) dst(%dma_wait3A_2101 : memref<64x128xf32, #tpu.memory_space<vmem>>)
      %min3A_2105 = arith.constant 511 : i32
      %min3A_2106 = arith.minsi %add3A_2089, %min3A_2105 : i32
      %get3A_2107 = arith.index_cast %min3A_2106 : i32 to index
      %get3A_2108 = tpu.vector_load %arg8[%get3A_2107] {strides = array<i32>} : memref<512xi32, #tpu.memory_space<vmem>>, vector<16xi32>,
      %slice3A_2109 = vector.extract_strided_slice %get3A_2108 {offsets = [0], sizes = [1], strides = [1]} : vector<16xi32> to vector<1xi32>
      %squeeze3A_2110 = vector.extract %slice3A_2109[0] : i32 from vector<1xi32>
      %min3A_2111 = arith.constant 511 : i32
      %min3A_2112 = arith.minsi %add3A_2089, %min3A_2111 : i32
      %and3A_2113 = arith.constant 127 : i32
      %and3A_2114 = arith.andi %squeeze3A_2110, %and3A_2113 : i32
      %broadcast_in_dim3A_2115 = vector.broadcast %and3A_2114 : i32 to vector<16xi32>
      %broadcast_in_dim3A_2116 = vector.broadcast %min3A_2112 : i32 to vector<16xi32>
      %add3A_2117 = arith.constant 0 : i32
      %add3A_2118 = vector.broadcast %add3A_2117 : i32 to vector<16xi32>
      %add3A_2119 = arith.addi %iota3A, %add3A_2118 : vector<16xi32>
      %gather3A_2120 = arith.constant 3 : i32
      %gather3A_2121 = arith.constant 0 : i32
      %gather3A_2122 = arith.constant 0 : i32
      %gather3A_2123 = tpu.memref_slice %arg10[%gather3A_2120, %gather3A_2121, %gather3A_2122] : memref<11x64x128xf32, #tpu.memory_space<vmem>> -> memref<1x64x128xf32, #tpu.memory_space<vmem>>
      %gather3A_2124 = tpu.memref_squeeze %gather3A_2123 : memref<1x64x128xf32, #tpu.memory_space<vmem>> -> memref<64x128xf32, #tpu.memory_space<vmem>>
      %gather3A_2125 = tpu.vector_load_idx %gather3A_2124[%add3A_2119, %broadcast_in_dim3A_2115] : memref<64x128xf32, #tpu.memory_space<vmem>>[vector<16xi32>, vector<16xi32>], vector<16xf32>,
      tpu.vector_store_idx %arg11[%add3A_2119, %broadcast_in_dim3A_2116], %gather3A_2125 : memref<64x512xf32, #tpu.memory_space<vmem>>[vector<16xi32>, vector<16xi32>], vector<16xf32>,
      %add3A_2126 = arith.constant 16 : i32
      %add3A_2127 = vector.broadcast %add3A_2126 : i32 to vector<16xi32>
      %add3A_2128 = arith.addi %iota3A, %add3A_2127 : vector<16xi32>
      %gather3A_2129 = arith.constant 3 : i32
      %gather3A_2130 = arith.constant 0 : i32
      %gather3A_2131 = arith.constant 0 : i32
      %gather3A_2132 = tpu.memref_slice %arg10[%gather3A_2129, %gather3A_2130, %gather3A_2131] : memref<11x64x128xf32, #tpu.memory_space<vmem>> -> memref<1x64x128xf32, #tpu.memory_space<vmem>>
      %gather3A_2133 = tpu.memref_squeeze %gather3A_2132 : memref<1x64x128xf32, #tpu.memory_space<vmem>> -> memref<64x128xf32, #tpu.memory_space<vmem>>
      %gather3A_2134 = tpu.vector_load_idx %gather3A_2133[%add3A_2128, %broadcast_in_dim3A_2115] : memref<64x128xf32, #tpu.memory_space<vmem>>[vector<16xi32>, vector<16xi32>], vector<16xf32>,
      tpu.vector_store_idx %arg11[%add3A_2128, %broadcast_in_dim3A_2116], %gather3A_2134 : memref<64x512xf32, #tpu.memory_space<vmem>>[vector<16xi32>, vector<16xi32>], vector<16xf32>,
      %add3A_2135 = arith.constant 32 : i32
      %add3A_2136 = vector.broadcast %add3A_2135 : i32 to vector<16xi32>
      %add3A_2137 = arith.addi %iota3A, %add3A_2136 : vector<16xi32>
      %gather3A_2138 = arith.constant 3 : i32
      %gather3A_2139 = arith.constant 0 : i32
      %gather3A_2140 = arith.constant 0 : i32
      %gather3A_2141 = tpu.memref_slice %arg10[%gather3A_2138, %gather3A_2139, %gather3A_2140] : memref<11x64x128xf32, #tpu.memory_space<vmem>> -> memref<1x64x128xf32, #tpu.memory_space<vmem>>
      %gather3A_2142 = tpu.memref_squeeze %gather3A_2141 : memref<1x64x128xf32, #tpu.memory_space<vmem>> -> memref<64x128xf32, #tpu.memory_space<vmem>>
      %gather3A_2143 = tpu.vector_load_idx %gather3A_2142[%add3A_2137, %broadcast_in_dim3A_2115] : memref<64x128xf32, #tpu.memory_space<vmem>>[vector<16xi32>, vector<16xi32>], vector<16xf32>,
      tpu.vector_store_idx %arg11[%add3A_2137, %broadcast_in_dim3A_2116], %gather3A_2143 : memref<64x512xf32, #tpu.memory_space<vmem>>[vector<16xi32>, vector<16xi32>], vector<16xf32>,
      %add3A_2144 = arith.constant 48 : i32
      %add3A_2145 = vector.broadcast %add3A_2144 : i32 to vector<16xi32>
      %add3A_2146 = arith.addi %iota3A, %add3A_2145 : vector<16xi32>
      %gather3A_2147 = arith.constant 3 : i32
      %gather3A_2148 = arith.constant 0 : i32
      %gather3A_2149 = arith.constant 0 : i32
      %gather3A_2150 = tpu.memref_slice %arg10[%gather3A_2147, %gather3A_2148, %gather3A_2149] : memref<11x64x128xf32, #tpu.memory_space<vmem>> -> memref<1x64x128xf32, #tpu.memory_space<vmem>>
      %gather3A_2151 = tpu.memref_squeeze %gather3A_2150 : memref<1x64x128xf32, #tpu.memory_space<vmem>> -> memref<64x128xf32, #tpu.memory_space<vmem>>
      %gather3A_2152 = tpu.vector_load_idx %gather3A_2151[%add3A_2146, %broadcast_in_dim3A_2115] : memref<64x128xf32, #tpu.memory_space<vmem>>[vector<16xi32>, vector<16xi32>], vector<16xf32>,
      tpu.vector_store_idx %arg11[%add3A_2146, %broadcast_in_dim3A_2116], %gather3A_2152 : memref<64x512xf32, #tpu.memory_space<vmem>>[vector<16xi32>, vector<16xi32>], vector<16xf32>,
      %add3A_2153 = arith.constant 11 : i32
      %add3A_2154 = arith.addi %add3A_2089, %add3A_2153 : i32
      %min3A_2155 = arith.constant 511 : i32
      %min3A_2156 = arith.minsi %add3A_2154, %min3A_2155 : i32
      %get3A_2157 = arith.index_cast %min3A_2156 : i32 to index
      %get3A_2158 = tpu.vector_load %arg8[%get3A_2157] {strides = array<i32>} : memref<512xi32, #tpu.memory_space<vmem>>, vector<16xi32>,
      %slice3A_2159 = vector.extract_strided_slice %get3A_2158 {offsets = [0], sizes = [1], strides = [1]} : vector<16xi32> to vector<1xi32>
      %squeeze3A_2160 = vector.extract %slice3A_2159[0] : i32 from vector<1xi32>
      %shift_right_arithmetic3A_2161 = arith.constant 7 : i32
      %shift_right_arithmetic3A_2162 = arith.shrsi %squeeze3A_2160, %shift_right_arithmetic3A_2161 : i32
      %shift_left3A_2163 = arith.constant 7 : i32
      %shift_left3A_2164 = arith.shli %shift_right_arithmetic3A_2162, %shift_left3A_2163 : i32
      %multiple_of3A_2165 = tpu.assume_multiple %shift_left3A_2164, 128 : i32
      %dma_start3A_2166 = arith.constant 3 : i32
      %dma_start3A_2167 = arith.constant 0 : i32
      %dma_start3A_2168 = arith.constant 0 : i32
      %dma_start3A_2169 = tpu.memref_slice %arg10[%dma_start3A_2166, %dma_start3A_2167, %dma_start3A_2168] : memref<11x64x128xf32, #tpu.memory_space<vmem>> -> memref<1x64x128xf32, #tpu.memory_space<vmem>>
      %dma_start3A_2170 = tpu.memref_squeeze %dma_start3A_2169 : memref<1x64x128xf32, #tpu.memory_space<vmem>> -> memref<64x128xf32, #tpu.memory_space<vmem>>
      %dma_start3A_2171 = arith.constant 0 : i32
      %dma_start3A_2172 = tpu.memref_slice %arg4[%dma_start3A_2171, %multiple_of3A_2165] : memref<64x1000000xf32, #tpu.memory_space<hbm>> -> memref<64x128xf32, #tpu.memory_space<hbm>>
      %dma_start3A_2173 = arith.constant 0 : i32
      %dma_start3A_2174 = arith.constant 0 : i32
      %dma_start3A_2175 = tpu.memref_slice %arg10[%dma_start3A_2166, %dma_start3A_2173, %dma_start3A_2174] : memref<11x64x128xf32, #tpu.memory_space<vmem>> -> memref<1x64x128xf32, #tpu.memory_space<vmem>>
      %dma_start3A_2176 = tpu.memref_squeeze %dma_start3A_2175 : memref<1x64x128xf32, #tpu.memory_space<vmem>> -> memref<64x128xf32, #tpu.memory_space<vmem>>
      %dma_start3A_2177 = arith.constant 0 : i32
      %dma_start3A_2178 = tpu.memref_slice %arg4[%dma_start3A_2177, %multiple_of3A_2165] : memref<64x1000000xf32, #tpu.memory_space<hbm>> -> memref<64x128xf32, #tpu.memory_space<hbm>>
      tpu.enqueue_dma source(%dma_start3A_2178 : memref<64x128xf32, #tpu.memory_space<hbm>>) target(%dma_start3A_2176 : memref<64x128xf32, #tpu.memory_space<vmem>>) target_semaphore(%arg15 : memref<!tpu.dma_semaphore, #tpu.memory_space<semaphore_mem>>)
      %mul3A_2179 = arith.constant 11 : i32
      %mul3A_2180 = arith.muli %scan3A_1807, %mul3A_2179 : i32
      %add3A_2181 = arith.constant 4 : i32
      %add3A_2182 = arith.addi %mul3A_2180, %add3A_2181 : i32
      %dma_wait3A_2183 = arith.constant 4 : i32
      %dma_wait3A_2184 = arith.constant 0 : i32
      %dma_wait3A_2185 = arith.constant 0 : i32
      %dma_wait3A_2186 = tpu.memref_slice %arg10[%dma_wait3A_2183, %dma_wait3A_2184, %dma_wait3A_2185] : memref<11x64x128xf32, #tpu.memory_space<vmem>> -> memref<1x64x128xf32, #tpu.memory_space<vmem>>
      %dma_wait3A_2187 = tpu.memref_squeeze %dma_wait3A_2186 : memref<1x64x128xf32, #tpu.memory_space<vmem>> -> memref<64x128xf32, #tpu.memory_space<vmem>>
      %dma_wait3A_2188 = arith.constant 0 : i32
      %dma_wait3A_2189 = arith.constant 0 : i32
      %dma_wait3A_2190 = tpu.memref_slice %arg4[%dma_wait3A_2188, %dma_wait3A_2189] : memref<64x1000000xf32, #tpu.memory_space<hbm>> -> memref<64x128xf32, #tpu.memory_space<hbm>>
      %dma_wait3A_2191 = arith.constant 0 : i32
      %dma_wait3A_2192 = arith.constant 0 : i32
      %dma_wait3A_2193 = tpu.memref_slice %arg10[%dma_wait3A_2183, %dma_wait3A_2191, %dma_wait3A_2192] : memref<11x64x128xf32, #tpu.memory_space<vmem>> -> memref<1x64x128xf32, #tpu.memory_space<vmem>>
      %dma_wait3A_2194 = tpu.memref_squeeze %dma_wait3A_2193 : memref<1x64x128xf32, #tpu.memory_space<vmem>> -> memref<64x128xf32, #tpu.memory_space<vmem>>
      %dma_wait3A_2195 = arith.constant 0 : i32
      %dma_wait3A_2196 = arith.constant 0 : i32
      %dma_wait3A_2197 = tpu.memref_slice %arg4[%dma_wait3A_2195, %dma_wait3A_2196] : memref<64x1000000xf32, #tpu.memory_space<hbm>> -> memref<64x128xf32, #tpu.memory_space<hbm>>
      tpu.wait_dma2 semaphore(%arg16 : memref<!tpu.dma_semaphore, #tpu.memory_space<semaphore_mem>>) src(%dma_wait3A_2197 : memref<64x128xf32, #tpu.memory_space<hbm>>) dst(%dma_wait3A_2194 : memref<64x128xf32, #tpu.memory_space<vmem>>)
      %min3A_2198 = arith.constant 511 : i32
      %min3A_2199 = arith.minsi %add3A_2182, %min3A_2198 : i32
      %get3A_2200 = arith.index_cast %min3A_2199 : i32 to index
      %get3A_2201 = tpu.vector_load %arg8[%get3A_2200] {strides = array<i32>} : memref<512xi32, #tpu.memory_space<vmem>>, vector<16xi32>,
      %slice3A_2202 = vector.extract_strided_slice %get3A_2201 {offsets = [0], sizes = [1], strides = [1]} : vector<16xi32> to vector<1xi32>
      %squeeze3A_2203 = vector.extract %slice3A_2202[0] : i32 from vector<1xi32>
      %min3A_2204 = arith.constant 511 : i32
      %min3A_2205 = arith.minsi %add3A_2182, %min3A_2204 : i32
      %and3A_2206 = arith.constant 127 : i32
      %and3A_2207 = arith.andi %squeeze3A_2203, %and3A_2206 : i32
      %broadcast_in_dim3A_2208 = vector.broadcast %and3A_2207 : i32 to vector<16xi32>
      %broadcast_in_dim3A_2209 = vector.broadcast %min3A_2205 : i32 to vector<16xi32>
      %add3A_2210 = arith.constant 0 : i32
      %add3A_2211 = vector.broadcast %add3A_2210 : i32 to vector<16xi32>
      %add3A_2212 = arith.addi %iota3A, %add3A_2211 : vector<16xi32>
      %gather3A_2213 = arith.constant 4 : i32
      %gather3A_2214 = arith.constant 0 : i32
      %gather3A_2215 = arith.constant 0 : i32
      %gather3A_2216 = tpu.memref_slice %arg10[%gather3A_2213, %gather3A_2214, %gather3A_2215] : memref<11x64x128xf32, #tpu.memory_space<vmem>> -> memref<1x64x128xf32, #tpu.memory_space<vmem>>
      %gather3A_2217 = tpu.memref_squeeze %gather3A_2216 : memref<1x64x128xf32, #tpu.memory_space<vmem>> -> memref<64x128xf32, #tpu.memory_space<vmem>>
      %gather3A_2218 = tpu.vector_load_idx %gather3A_2217[%add3A_2212, %broadcast_in_dim3A_2208] : memref<64x128xf32, #tpu.memory_space<vmem>>[vector<16xi32>, vector<16xi32>], vector<16xf32>,
      tpu.vector_store_idx %arg11[%add3A_2212, %broadcast_in_dim3A_2209], %gather3A_2218 : memref<64x512xf32, #tpu.memory_space<vmem>>[vector<16xi32>, vector<16xi32>], vector<16xf32>,
      %add3A_2219 = arith.constant 16 : i32
      %add3A_2220 = vector.broadcast %add3A_2219 : i32 to vector<16xi32>
      %add3A_2221 = arith.addi %iota3A, %add3A_2220 : vector<16xi32>
      %gather3A_2222 = arith.constant 4 : i32
      %gather3A_2223 = arith.constant 0 : i32
      %gather3A_2224 = arith.constant 0 : i32
      %gather3A_2225 = tpu.memref_slice %arg10[%gather3A_2222, %gather3A_2223, %gather3A_2224] : memref<11x64x128xf32, #tpu.memory_space<vmem>> -> memref<1x64x128xf32, #tpu.memory_space<vmem>>
      %gather3A_2226 = tpu.memref_squeeze %gather3A_2225 : memref<1x64x128xf32, #tpu.memory_space<vmem>> -> memref<64x128xf32, #tpu.memory_space<vmem>>
      %gather3A_2227 = tpu.vector_load_idx %gather3A_2226[%add3A_2221, %broadcast_in_dim3A_2208] : memref<64x128xf32, #tpu.memory_space<vmem>>[vector<16xi32>, vector<16xi32>], vector<16xf32>,
      tpu.vector_store_idx %arg11[%add3A_2221, %broadcast_in_dim3A_2209], %gather3A_2227 : memref<64x512xf32, #tpu.memory_space<vmem>>[vector<16xi32>, vector<16xi32>], vector<16xf32>,
      %add3A_2228 = arith.constant 32 : i32
      %add3A_2229 = vector.broadcast %add3A_2228 : i32 to vector<16xi32>
      %add3A_2230 = arith.addi %iota3A, %add3A_2229 : vector<16xi32>
      %gather3A_2231 = arith.constant 4 : i32
      %gather3A_2232 = arith.constant 0 : i32
      %gather3A_2233 = arith.constant 0 : i32
      %gather3A_2234 = tpu.memref_slice %arg10[%gather3A_2231, %gather3A_2232, %gather3A_2233] : memref<11x64x128xf32, #tpu.memory_space<vmem>> -> memref<1x64x128xf32, #tpu.memory_space<vmem>>
      %gather3A_2235 = tpu.memref_squeeze %gather3A_2234 : memref<1x64x128xf32, #tpu.memory_space<vmem>> -> memref<64x128xf32, #tpu.memory_space<vmem>>
      %gather3A_2236 = tpu.vector_load_idx %gather3A_2235[%add3A_2230, %broadcast_in_dim3A_2208] : memref<64x128xf32, #tpu.memory_space<vmem>>[vector<16xi32>, vector<16xi32>], vector<16xf32>,
      tpu.vector_store_idx %arg11[%add3A_2230, %broadcast_in_dim3A_2209], %gather3A_2236 : memref<64x512xf32, #tpu.memory_space<vmem>>[vector<16xi32>, vector<16xi32>], vector<16xf32>,
      %add3A_2237 = arith.constant 48 : i32
      %add3A_2238 = vector.broadcast %add3A_2237 : i32 to vector<16xi32>
      %add3A_2239 = arith.addi %iota3A, %add3A_2238 : vector<16xi32>
      %gather3A_2240 = arith.constant 4 : i32
      %gather3A_2241 = arith.constant 0 : i32
      %gather3A_2242 = arith.constant 0 : i32
      %gather3A_2243 = tpu.memref_slice %arg10[%gather3A_2240, %gather3A_2241, %gather3A_2242] : memref<11x64x128xf32, #tpu.memory_space<vmem>> -> memref<1x64x128xf32, #tpu.memory_space<vmem>>
      %gather3A_2244 = tpu.memref_squeeze %gather3A_2243 : memref<1x64x128xf32, #tpu.memory_space<vmem>> -> memref<64x128xf32, #tpu.memory_space<vmem>>
      %gather3A_2245 = tpu.vector_load_idx %gather3A_2244[%add3A_2239, %broadcast_in_dim3A_2208] : memref<64x128xf32, #tpu.memory_space<vmem>>[vector<16xi32>, vector<16xi32>], vector<16xf32>,
      tpu.vector_store_idx %arg11[%add3A_2239, %broadcast_in_dim3A_2209], %gather3A_2245 : memref<64x512xf32, #tpu.memory_space<vmem>>[vector<16xi32>, vector<16xi32>], vector<16xf32>,
      %add3A_2246 = arith.constant 11 : i32
      %add3A_2247 = arith.addi %add3A_2182, %add3A_2246 : i32
      %min3A_2248 = arith.constant 511 : i32
      %min3A_2249 = arith.minsi %add3A_2247, %min3A_2248 : i32
      %get3A_2250 = arith.index_cast %min3A_2249 : i32 to index
      %get3A_2251 = tpu.vector_load %arg8[%get3A_2250] {strides = array<i32>} : memref<512xi32, #tpu.memory_space<vmem>>, vector<16xi32>,
      %slice3A_2252 = vector.extract_strided_slice %get3A_2251 {offsets = [0], sizes = [1], strides = [1]} : vector<16xi32> to vector<1xi32>
      %squeeze3A_2253 = vector.extract %slice3A_2252[0] : i32 from vector<1xi32>
      %shift_right_arithmetic3A_2254 = arith.constant 7 : i32
      %shift_right_arithmetic3A_2255 = arith.shrsi %squeeze3A_2253, %shift_right_arithmetic3A_2254 : i32
      %shift_left3A_2256 = arith.constant 7 : i32
      %shift_left3A_2257 = arith.shli %shift_right_arithmetic3A_2255, %shift_left3A_2256 : i32
      %multiple_of3A_2258 = tpu.assume_multiple %shift_left3A_2257, 128 : i32
      %dma_start3A_2259 = arith.constant 4 : i32
      %dma_start3A_2260 = arith.constant 0 : i32
      %dma_start3A_2261 = arith.constant 0 : i32
      %dma_start3A_2262 = tpu.memref_slice %arg10[%dma_start3A_2259, %dma_start3A_2260, %dma_start3A_2261] : memref<11x64x128xf32, #tpu.memory_space<vmem>> -> memref<1x64x128xf32, #tpu.memory_space<vmem>>
      %dma_start3A_2263 = tpu.memref_squeeze %dma_start3A_2262 : memref<1x64x128xf32, #tpu.memory_space<vmem>> -> memref<64x128xf32, #tpu.memory_space<vmem>>
      %dma_start3A_2264 = arith.constant 0 : i32
      %dma_start3A_2265 = tpu.memref_slice %arg4[%dma_start3A_2264, %multiple_of3A_2258] : memref<64x1000000xf32, #tpu.memory_space<hbm>> -> memref<64x128xf32, #tpu.memory_space<hbm>>
      %dma_start3A_2266 = arith.constant 0 : i32
      %dma_start3A_2267 = arith.constant 0 : i32
      %dma_start3A_2268 = tpu.memref_slice %arg10[%dma_start3A_2259, %dma_start3A_2266, %dma_start3A_2267] : memref<11x64x128xf32, #tpu.memory_space<vmem>> -> memref<1x64x128xf32, #tpu.memory_space<vmem>>
      %dma_start3A_2269 = tpu.memref_squeeze %dma_start3A_2268 : memref<1x64x128xf32, #tpu.memory_space<vmem>> -> memref<64x128xf32, #tpu.memory_space<vmem>>
      %dma_start3A_2270 = arith.constant 0 : i32
      %dma_start3A_2271 = tpu.memref_slice %arg4[%dma_start3A_2270, %multiple_of3A_2258] : memref<64x1000000xf32, #tpu.memory_space<hbm>> -> memref<64x128xf32, #tpu.memory_space<hbm>>
      tpu.enqueue_dma source(%dma_start3A_2271 : memref<64x128xf32, #tpu.memory_space<hbm>>) target(%dma_start3A_2269 : memref<64x128xf32, #tpu.memory_space<vmem>>) target_semaphore(%arg16 : memref<!tpu.dma_semaphore, #tpu.memory_space<semaphore_mem>>)
      %mul3A_2272 = arith.constant 11 : i32
      %mul3A_2273 = arith.muli %scan3A_1807, %mul3A_2272 : i32
      %add3A_2274 = arith.constant 5 : i32
      %add3A_2275 = arith.addi %mul3A_2273, %add3A_2274 : i32
      %dma_wait3A_2276 = arith.constant 5 : i32
      %dma_wait3A_2277 = arith.constant 0 : i32
      %dma_wait3A_2278 = arith.constant 0 : i32
      %dma_wait3A_2279 = tpu.memref_slice %arg10[%dma_wait3A_2276, %dma_wait3A_2277, %dma_wait3A_2278] : memref<11x64x128xf32, #tpu.memory_space<vmem>> -> memref<1x64x128xf32, #tpu.memory_space<vmem>>
      %dma_wait3A_2280 = tpu.memref_squeeze %dma_wait3A_2279 : memref<1x64x128xf32, #tpu.memory_space<vmem>> -> memref<64x128xf32, #tpu.memory_space<vmem>>
      %dma_wait3A_2281 = arith.constant 0 : i32
      %dma_wait3A_2282 = arith.constant 0 : i32
      %dma_wait3A_2283 = tpu.memref_slice %arg4[%dma_wait3A_2281, %dma_wait3A_2282] : memref<64x1000000xf32, #tpu.memory_space<hbm>> -> memref<64x128xf32, #tpu.memory_space<hbm>>
      %dma_wait3A_2284 = arith.constant 0 : i32
      %dma_wait3A_2285 = arith.constant 0 : i32
      %dma_wait3A_2286 = tpu.memref_slice %arg10[%dma_wait3A_2276, %dma_wait3A_2284, %dma_wait3A_2285] : memref<11x64x128xf32, #tpu.memory_space<vmem>> -> memref<1x64x128xf32, #tpu.memory_space<vmem>>
      %dma_wait3A_2287 = tpu.memref_squeeze %dma_wait3A_2286 : memref<1x64x128xf32, #tpu.memory_space<vmem>> -> memref<64x128xf32, #tpu.memory_space<vmem>>
      %dma_wait3A_2288 = arith.constant 0 : i32
      %dma_wait3A_2289 = arith.constant 0 : i32
      %dma_wait3A_2290 = tpu.memref_slice %arg4[%dma_wait3A_2288, %dma_wait3A_2289] : memref<64x1000000xf32, #tpu.memory_space<hbm>> -> memref<64x128xf32, #tpu.memory_space<hbm>>
      tpu.wait_dma2 semaphore(%arg17 : memref<!tpu.dma_semaphore, #tpu.memory_space<semaphore_mem>>) src(%dma_wait3A_2290 : memref<64x128xf32, #tpu.memory_space<hbm>>) dst(%dma_wait3A_2287 : memref<64x128xf32, #tpu.memory_space<vmem>>)
      %min3A_2291 = arith.constant 511 : i32
      %min3A_2292 = arith.minsi %add3A_2275, %min3A_2291 : i32
      %get3A_2293 = arith.index_cast %min3A_2292 : i32 to index
      %get3A_2294 = tpu.vector_load %arg8[%get3A_2293] {strides = array<i32>} : memref<512xi32, #tpu.memory_space<vmem>>, vector<16xi32>,
      %slice3A_2295 = vector.extract_strided_slice %get3A_2294 {offsets = [0], sizes = [1], strides = [1]} : vector<16xi32> to vector<1xi32>
      %squeeze3A_2296 = vector.extract %slice3A_2295[0] : i32 from vector<1xi32>
      %min3A_2297 = arith.constant 511 : i32
      %min3A_2298 = arith.minsi %add3A_2275, %min3A_2297 : i32
      %and3A_2299 = arith.constant 127 : i32
      %and3A_2300 = arith.andi %squeeze3A_2296, %and3A_2299 : i32
      %broadcast_in_dim3A_2301 = vector.broadcast %and3A_2300 : i32 to vector<16xi32>
      %broadcast_in_dim3A_2302 = vector.broadcast %min3A_2298 : i32 to vector<16xi32>
      %add3A_2303 = arith.constant 0 : i32
      %add3A_2304 = vector.broadcast %add3A_2303 : i32 to vector<16xi32>
      %add3A_2305 = arith.addi %iota3A, %add3A_2304 : vector<16xi32>
      %gather3A_2306 = arith.constant 5 : i32
      %gather3A_2307 = arith.constant 0 : i32
      %gather3A_2308 = arith.constant 0 : i32
      %gather3A_2309 = tpu.memref_slice %arg10[%gather3A_2306, %gather3A_2307, %gather3A_2308] : memref<11x64x128xf32, #tpu.memory_space<vmem>> -> memref<1x64x128xf32, #tpu.memory_space<vmem>>
      %gather3A_2310 = tpu.memref_squeeze %gather3A_2309 : memref<1x64x128xf32, #tpu.memory_space<vmem>> -> memref<64x128xf32, #tpu.memory_space<vmem>>
      %gather3A_2311 = tpu.vector_load_idx %gather3A_2310[%add3A_2305, %broadcast_in_dim3A_2301] : memref<64x128xf32, #tpu.memory_space<vmem>>[vector<16xi32>, vector<16xi32>], vector<16xf32>,
      tpu.vector_store_idx %arg11[%add3A_2305, %broadcast_in_dim3A_2302], %gather3A_2311 : memref<64x512xf32, #tpu.memory_space<vmem>>[vector<16xi32>, vector<16xi32>], vector<16xf32>,
      %add3A_2312 = arith.constant 16 : i32
      %add3A_2313 = vector.broadcast %add3A_2312 : i32 to vector<16xi32>
      %add3A_2314 = arith.addi %iota3A, %add3A_2313 : vector<16xi32>
      %gather3A_2315 = arith.constant 5 : i32
      %gather3A_2316 = arith.constant 0 : i32
      %gather3A_2317 = arith.constant 0 : i32
      %gather3A_2318 = tpu.memref_slice %arg10[%gather3A_2315, %gather3A_2316, %gather3A_2317] : memref<11x64x128xf32, #tpu.memory_space<vmem>> -> memref<1x64x128xf32, #tpu.memory_space<vmem>>
      %gather3A_2319 = tpu.memref_squeeze %gather3A_2318 : memref<1x64x128xf32, #tpu.memory_space<vmem>> -> memref<64x128xf32, #tpu.memory_space<vmem>>
      %gather3A_2320 = tpu.vector_load_idx %gather3A_2319[%add3A_2314, %broadcast_in_dim3A_2301] : memref<64x128xf32, #tpu.memory_space<vmem>>[vector<16xi32>, vector<16xi32>], vector<16xf32>,
      tpu.vector_store_idx %arg11[%add3A_2314, %broadcast_in_dim3A_2302], %gather3A_2320 : memref<64x512xf32, #tpu.memory_space<vmem>>[vector<16xi32>, vector<16xi32>], vector<16xf32>,
      %add3A_2321 = arith.constant 32 : i32
      %add3A_2322 = vector.broadcast %add3A_2321 : i32 to vector<16xi32>
      %add3A_2323 = arith.addi %iota3A, %add3A_2322 : vector<16xi32>
      %gather3A_2324 = arith.constant 5 : i32
      %gather3A_2325 = arith.constant 0 : i32
      %gather3A_2326 = arith.constant 0 : i32
      %gather3A_2327 = tpu.memref_slice %arg10[%gather3A_2324, %gather3A_2325, %gather3A_2326] : memref<11x64x128xf32, #tpu.memory_space<vmem>> -> memref<1x64x128xf32, #tpu.memory_space<vmem>>
      %gather3A_2328 = tpu.memref_squeeze %gather3A_2327 : memref<1x64x128xf32, #tpu.memory_space<vmem>> -> memref<64x128xf32, #tpu.memory_space<vmem>>
      %gather3A_2329 = tpu.vector_load_idx %gather3A_2328[%add3A_2323, %broadcast_in_dim3A_2301] : memref<64x128xf32, #tpu.memory_space<vmem>>[vector<16xi32>, vector<16xi32>], vector<16xf32>,
      tpu.vector_store_idx %arg11[%add3A_2323, %broadcast_in_dim3A_2302], %gather3A_2329 : memref<64x512xf32, #tpu.memory_space<vmem>>[vector<16xi32>, vector<16xi32>], vector<16xf32>,
      %add3A_2330 = arith.constant 48 : i32
      %add3A_2331 = vector.broadcast %add3A_2330 : i32 to vector<16xi32>
      %add3A_2332 = arith.addi %iota3A, %add3A_2331 : vector<16xi32>
      %gather3A_2333 = arith.constant 5 : i32
      %gather3A_2334 = arith.constant 0 : i32
      %gather3A_2335 = arith.constant 0 : i32
      %gather3A_2336 = tpu.memref_slice %arg10[%gather3A_2333, %gather3A_2334, %gather3A_2335] : memref<11x64x128xf32, #tpu.memory_space<vmem>> -> memref<1x64x128xf32, #tpu.memory_space<vmem>>
      %gather3A_2337 = tpu.memref_squeeze %gather3A_2336 : memref<1x64x128xf32, #tpu.memory_space<vmem>> -> memref<64x128xf32, #tpu.memory_space<vmem>>
      %gather3A_2338 = tpu.vector_load_idx %gather3A_2337[%add3A_2332, %broadcast_in_dim3A_2301] : memref<64x128xf32, #tpu.memory_space<vmem>>[vector<16xi32>, vector<16xi32>], vector<16xf32>,
      tpu.vector_store_idx %arg11[%add3A_2332, %broadcast_in_dim3A_2302], %gather3A_2338 : memref<64x512xf32, #tpu.memory_space<vmem>>[vector<16xi32>, vector<16xi32>], vector<16xf32>,
      %add3A_2339 = arith.constant 11 : i32
      %add3A_2340 = arith.addi %add3A_2275, %add3A_2339 : i32
      %min3A_2341 = arith.constant 511 : i32
      %min3A_2342 = arith.minsi %add3A_2340, %min3A_2341 : i32
      %get3A_2343 = arith.index_cast %min3A_2342 : i32 to index
      %get3A_2344 = tpu.vector_load %arg8[%get3A_2343] {strides = array<i32>} : memref<512xi32, #tpu.memory_space<vmem>>, vector<16xi32>,
      %slice3A_2345 = vector.extract_strided_slice %get3A_2344 {offsets = [0], sizes = [1], strides = [1]} : vector<16xi32> to vector<1xi32>
      %squeeze3A_2346 = vector.extract %slice3A_2345[0] : i32 from vector<1xi32>
      %shift_right_arithmetic3A_2347 = arith.constant 7 : i32
      %shift_right_arithmetic3A_2348 = arith.shrsi %squeeze3A_2346, %shift_right_arithmetic3A_2347 : i32
      %shift_left3A_2349 = arith.constant 7 : i32
      %shift_left3A_2350 = arith.shli %shift_right_arithmetic3A_2348, %shift_left3A_2349 : i32
      %multiple_of3A_2351 = tpu.assume_multiple %shift_left3A_2350, 128 : i32
      %dma_start3A_2352 = arith.constant 5 : i32
      %dma_start3A_2353 = arith.constant 0 : i32
      %dma_start3A_2354 = arith.constant 0 : i32
      %dma_start3A_2355 = tpu.memref_slice %arg10[%dma_start3A_2352, %dma_start3A_2353, %dma_start3A_2354] : memref<11x64x128xf32, #tpu.memory_space<vmem>> -> memref<1x64x128xf32, #tpu.memory_space<vmem>>
      %dma_start3A_2356 = tpu.memref_squeeze %dma_start3A_2355 : memref<1x64x128xf32, #tpu.memory_space<vmem>> -> memref<64x128xf32, #tpu.memory_space<vmem>>
      %dma_start3A_2357 = arith.constant 0 : i32
      %dma_start3A_2358 = tpu.memref_slice %arg4[%dma_start3A_2357, %multiple_of3A_2351] : memref<64x1000000xf32, #tpu.memory_space<hbm>> -> memref<64x128xf32, #tpu.memory_space<hbm>>
      %dma_start3A_2359 = arith.constant 0 : i32
      %dma_start3A_2360 = arith.constant 0 : i32
      %dma_start3A_2361 = tpu.memref_slice %arg10[%dma_start3A_2352, %dma_start3A_2359, %dma_start3A_2360] : memref<11x64x128xf32, #tpu.memory_space<vmem>> -> memref<1x64x128xf32, #tpu.memory_space<vmem>>
      %dma_start3A_2362 = tpu.memref_squeeze %dma_start3A_2361 : memref<1x64x128xf32, #tpu.memory_space<vmem>> -> memref<64x128xf32, #tpu.memory_space<vmem>>
      %dma_start3A_2363 = arith.constant 0 : i32
      %dma_start3A_2364 = tpu.memref_slice %arg4[%dma_start3A_2363, %multiple_of3A_2351] : memref<64x1000000xf32, #tpu.memory_space<hbm>> -> memref<64x128xf32, #tpu.memory_space<hbm>>
      tpu.enqueue_dma source(%dma_start3A_2364 : memref<64x128xf32, #tpu.memory_space<hbm>>) target(%dma_start3A_2362 : memref<64x128xf32, #tpu.memory_space<vmem>>) target_semaphore(%arg17 : memref<!tpu.dma_semaphore, #tpu.memory_space<semaphore_mem>>)
      %mul3A_2365 = arith.constant 11 : i32
      %mul3A_2366 = arith.muli %scan3A_1807, %mul3A_2365 : i32
      %add3A_2367 = arith.constant 6 : i32
      %add3A_2368 = arith.addi %mul3A_2366, %add3A_2367 : i32
      %dma_wait3A_2369 = arith.constant 6 : i32
      %dma_wait3A_2370 = arith.constant 0 : i32
      %dma_wait3A_2371 = arith.constant 0 : i32
      %dma_wait3A_2372 = tpu.memref_slice %arg10[%dma_wait3A_2369, %dma_wait3A_2370, %dma_wait3A_2371] : memref<11x64x128xf32, #tpu.memory_space<vmem>> -> memref<1x64x128xf32, #tpu.memory_space<vmem>>
      %dma_wait3A_2373 = tpu.memref_squeeze %dma_wait3A_2372 : memref<1x64x128xf32, #tpu.memory_space<vmem>> -> memref<64x128xf32, #tpu.memory_space<vmem>>
      %dma_wait3A_2374 = arith.constant 0 : i32
      %dma_wait3A_2375 = arith.constant 0 : i32
      %dma_wait3A_2376 = tpu.memref_slice %arg4[%dma_wait3A_2374, %dma_wait3A_2375] : memref<64x1000000xf32, #tpu.memory_space<hbm>> -> memref<64x128xf32, #tpu.memory_space<hbm>>
      %dma_wait3A_2377 = arith.constant 0 : i32
      %dma_wait3A_2378 = arith.constant 0 : i32
      %dma_wait3A_2379 = tpu.memref_slice %arg10[%dma_wait3A_2369, %dma_wait3A_2377, %dma_wait3A_2378] : memref<11x64x128xf32, #tpu.memory_space<vmem>> -> memref<1x64x128xf32, #tpu.memory_space<vmem>>
      %dma_wait3A_2380 = tpu.memref_squeeze %dma_wait3A_2379 : memref<1x64x128xf32, #tpu.memory_space<vmem>> -> memref<64x128xf32, #tpu.memory_space<vmem>>
      %dma_wait3A_2381 = arith.constant 0 : i32
      %dma_wait3A_2382 = arith.constant 0 : i32
      %dma_wait3A_2383 = tpu.memref_slice %arg4[%dma_wait3A_2381, %dma_wait3A_2382] : memref<64x1000000xf32, #tpu.memory_space<hbm>> -> memref<64x128xf32, #tpu.memory_space<hbm>>
      tpu.wait_dma2 semaphore(%arg18 : memref<!tpu.dma_semaphore, #tpu.memory_space<semaphore_mem>>) src(%dma_wait3A_2383 : memref<64x128xf32, #tpu.memory_space<hbm>>) dst(%dma_wait3A_2380 : memref<64x128xf32, #tpu.memory_space<vmem>>)
      %min3A_2384 = arith.constant 511 : i32
      %min3A_2385 = arith.minsi %add3A_2368, %min3A_2384 : i32
      %get3A_2386 = arith.index_cast %min3A_2385 : i32 to index
      %get3A_2387 = tpu.vector_load %arg8[%get3A_2386] {strides = array<i32>} : memref<512xi32, #tpu.memory_space<vmem>>, vector<16xi32>,
      %slice3A_2388 = vector.extract_strided_slice %get3A_2387 {offsets = [0], sizes = [1], strides = [1]} : vector<16xi32> to vector<1xi32>
      %squeeze3A_2389 = vector.extract %slice3A_2388[0] : i32 from vector<1xi32>
      %min3A_2390 = arith.constant 511 : i32
      %min3A_2391 = arith.minsi %add3A_2368, %min3A_2390 : i32
      %and3A_2392 = arith.constant 127 : i32
      %and3A_2393 = arith.andi %squeeze3A_2389, %and3A_2392 : i32
      %broadcast_in_dim3A_2394 = vector.broadcast %and3A_2393 : i32 to vector<16xi32>
      %broadcast_in_dim3A_2395 = vector.broadcast %min3A_2391 : i32 to vector<16xi32>
      %add3A_2396 = arith.constant 0 : i32
      %add3A_2397 = vector.broadcast %add3A_2396 : i32 to vector<16xi32>
      %add3A_2398 = arith.addi %iota3A, %add3A_2397 : vector<16xi32>
      %gather3A_2399 = arith.constant 6 : i32
      %gather3A_2400 = arith.constant 0 : i32
      %gather3A_2401 = arith.constant 0 : i32
      %gather3A_2402 = tpu.memref_slice %arg10[%gather3A_2399, %gather3A_2400, %gather3A_2401] : memref<11x64x128xf32, #tpu.memory_space<vmem>> -> memref<1x64x128xf32, #tpu.memory_space<vmem>>
      %gather3A_2403 = tpu.memref_squeeze %gather3A_2402 : memref<1x64x128xf32, #tpu.memory_space<vmem>> -> memref<64x128xf32, #tpu.memory_space<vmem>>
      %gather3A_2404 = tpu.vector_load_idx %gather3A_2403[%add3A_2398, %broadcast_in_dim3A_2394] : memref<64x128xf32, #tpu.memory_space<vmem>>[vector<16xi32>, vector<16xi32>], vector<16xf32>,
      tpu.vector_store_idx %arg11[%add3A_2398, %broadcast_in_dim3A_2395], %gather3A_2404 : memref<64x512xf32, #tpu.memory_space<vmem>>[vector<16xi32>, vector<16xi32>], vector<16xf32>,
      %add3A_2405 = arith.constant 16 : i32
      %add3A_2406 = vector.broadcast %add3A_2405 : i32 to vector<16xi32>
      %add3A_2407 = arith.addi %iota3A, %add3A_2406 : vector<16xi32>
      %gather3A_2408 = arith.constant 6 : i32
      %gather3A_2409 = arith.constant 0 : i32
      %gather3A_2410 = arith.constant 0 : i32
      %gather3A_2411 = tpu.memref_slice %arg10[%gather3A_2408, %gather3A_2409, %gather3A_2410] : memref<11x64x128xf32, #tpu.memory_space<vmem>> -> memref<1x64x128xf32, #tpu.memory_space<vmem>>
      %gather3A_2412 = tpu.memref_squeeze %gather3A_2411 : memref<1x64x128xf32, #tpu.memory_space<vmem>> -> memref<64x128xf32, #tpu.memory_space<vmem>>
      %gather3A_2413 = tpu.vector_load_idx %gather3A_2412[%add3A_2407, %broadcast_in_dim3A_2394] : memref<64x128xf32, #tpu.memory_space<vmem>>[vector<16xi32>, vector<16xi32>], vector<16xf32>,
      tpu.vector_store_idx %arg11[%add3A_2407, %broadcast_in_dim3A_2395], %gather3A_2413 : memref<64x512xf32, #tpu.memory_space<vmem>>[vector<16xi32>, vector<16xi32>], vector<16xf32>,
      %add3A_2414 = arith.constant 32 : i32
      %add3A_2415 = vector.broadcast %add3A_2414 : i32 to vector<16xi32>
      %add3A_2416 = arith.addi %iota3A, %add3A_2415 : vector<16xi32>
      %gather3A_2417 = arith.constant 6 : i32
      %gather3A_2418 = arith.constant 0 : i32
      %gather3A_2419 = arith.constant 0 : i32
      %gather3A_2420 = tpu.memref_slice %arg10[%gather3A_2417, %gather3A_2418, %gather3A_2419] : memref<11x64x128xf32, #tpu.memory_space<vmem>> -> memref<1x64x128xf32, #tpu.memory_space<vmem>>
      %gather3A_2421 = tpu.memref_squeeze %gather3A_2420 : memref<1x64x128xf32, #tpu.memory_space<vmem>> -> memref<64x128xf32, #tpu.memory_space<vmem>>
      %gather3A_2422 = tpu.vector_load_idx %gather3A_2421[%add3A_2416, %broadcast_in_dim3A_2394] : memref<64x128xf32, #tpu.memory_space<vmem>>[vector<16xi32>, vector<16xi32>], vector<16xf32>,
      tpu.vector_store_idx %arg11[%add3A_2416, %broadcast_in_dim3A_2395], %gather3A_2422 : memref<64x512xf32, #tpu.memory_space<vmem>>[vector<16xi32>, vector<16xi32>], vector<16xf32>,
      %add3A_2423 = arith.constant 48 : i32
      %add3A_2424 = vector.broadcast %add3A_2423 : i32 to vector<16xi32>
      %add3A_2425 = arith.addi %iota3A, %add3A_2424 : vector<16xi32>
      %gather3A_2426 = arith.constant 6 : i32
      %gather3A_2427 = arith.constant 0 : i32
      %gather3A_2428 = arith.constant 0 : i32
      %gather3A_2429 = tpu.memref_slice %arg10[%gather3A_2426, %gather3A_2427, %gather3A_2428] : memref<11x64x128xf32, #tpu.memory_space<vmem>> -> memref<1x64x128xf32, #tpu.memory_space<vmem>>
      %gather3A_2430 = tpu.memref_squeeze %gather3A_2429 : memref<1x64x128xf32, #tpu.memory_space<vmem>> -> memref<64x128xf32, #tpu.memory_space<vmem>>
      %gather3A_2431 = tpu.vector_load_idx %gather3A_2430[%add3A_2425, %broadcast_in_dim3A_2394] : memref<64x128xf32, #tpu.memory_space<vmem>>[vector<16xi32>, vector<16xi32>], vector<16xf32>,
      tpu.vector_store_idx %arg11[%add3A_2425, %broadcast_in_dim3A_2395], %gather3A_2431 : memref<64x512xf32, #tpu.memory_space<vmem>>[vector<16xi32>, vector<16xi32>], vector<16xf32>,
      %add3A_2432 = arith.constant 11 : i32
      %add3A_2433 = arith.addi %add3A_2368, %add3A_2432 : i32
      %min3A_2434 = arith.constant 511 : i32
      %min3A_2435 = arith.minsi %add3A_2433, %min3A_2434 : i32
      %get3A_2436 = arith.index_cast %min3A_2435 : i32 to index
      %get3A_2437 = tpu.vector_load %arg8[%get3A_2436] {strides = array<i32>} : memref<512xi32, #tpu.memory_space<vmem>>, vector<16xi32>,
      %slice3A_2438 = vector.extract_strided_slice %get3A_2437 {offsets = [0], sizes = [1], strides = [1]} : vector<16xi32> to vector<1xi32>
      %squeeze3A_2439 = vector.extract %slice3A_2438[0] : i32 from vector<1xi32>
      %shift_right_arithmetic3A_2440 = arith.constant 7 : i32
      %shift_right_arithmetic3A_2441 = arith.shrsi %squeeze3A_2439, %shift_right_arithmetic3A_2440 : i32
      %shift_left3A_2442 = arith.constant 7 : i32
      %shift_left3A_2443 = arith.shli %shift_right_arithmetic3A_2441, %shift_left3A_2442 : i32
      %multiple_of3A_2444 = tpu.assume_multiple %shift_left3A_2443, 128 : i32
      %dma_start3A_2445 = arith.constant 6 : i32
      %dma_start3A_2446 = arith.constant 0 : i32
      %dma_start3A_2447 = arith.constant 0 : i32
      %dma_start3A_2448 = tpu.memref_slice %arg10[%dma_start3A_2445, %dma_start3A_2446, %dma_start3A_2447] : memref<11x64x128xf32, #tpu.memory_space<vmem>> -> memref<1x64x128xf32, #tpu.memory_space<vmem>>
      %dma_start3A_2449 = tpu.memref_squeeze %dma_start3A_2448 : memref<1x64x128xf32, #tpu.memory_space<vmem>> -> memref<64x128xf32, #tpu.memory_space<vmem>>
      %dma_start3A_2450 = arith.constant 0 : i32
      %dma_start3A_2451 = tpu.memref_slice %arg4[%dma_start3A_2450, %multiple_of3A_2444] : memref<64x1000000xf32, #tpu.memory_space<hbm>> -> memref<64x128xf32, #tpu.memory_space<hbm>>
      %dma_start3A_2452 = arith.constant 0 : i32
      %dma_start3A_2453 = arith.constant 0 : i32
      %dma_start3A_2454 = tpu.memref_slice %arg10[%dma_start3A_2445, %dma_start3A_2452, %dma_start3A_2453] : memref<11x64x128xf32, #tpu.memory_space<vmem>> -> memref<1x64x128xf32, #tpu.memory_space<vmem>>
      %dma_start3A_2455 = tpu.memref_squeeze %dma_start3A_2454 : memref<1x64x128xf32, #tpu.memory_space<vmem>> -> memref<64x128xf32, #tpu.memory_space<vmem>>
      %dma_start3A_2456 = arith.constant 0 : i32
      %dma_start3A_2457 = tpu.memref_slice %arg4[%dma_start3A_2456, %multiple_of3A_2444] : memref<64x1000000xf32, #tpu.memory_space<hbm>> -> memref<64x128xf32, #tpu.memory_space<hbm>>
      tpu.enqueue_dma source(%dma_start3A_2457 : memref<64x128xf32, #tpu.memory_space<hbm>>) target(%dma_start3A_2455 : memref<64x128xf32, #tpu.memory_space<vmem>>) target_semaphore(%arg18 : memref<!tpu.dma_semaphore, #tpu.memory_space<semaphore_mem>>)
      %mul3A_2458 = arith.constant 11 : i32
      %mul3A_2459 = arith.muli %scan3A_1807, %mul3A_2458 : i32
      %add3A_2460 = arith.constant 7 : i32
      %add3A_2461 = arith.addi %mul3A_2459, %add3A_2460 : i32
      %dma_wait3A_2462 = arith.constant 7 : i32
      %dma_wait3A_2463 = arith.constant 0 : i32
      %dma_wait3A_2464 = arith.constant 0 : i32
      %dma_wait3A_2465 = tpu.memref_slice %arg10[%dma_wait3A_2462, %dma_wait3A_2463, %dma_wait3A_2464] : memref<11x64x128xf32, #tpu.memory_space<vmem>> -> memref<1x64x128xf32, #tpu.memory_space<vmem>>
      %dma_wait3A_2466 = tpu.memref_squeeze %dma_wait3A_2465 : memref<1x64x128xf32, #tpu.memory_space<vmem>> -> memref<64x128xf32, #tpu.memory_space<vmem>>
      %dma_wait3A_2467 = arith.constant 0 : i32
      %dma_wait3A_2468 = arith.constant 0 : i32
      %dma_wait3A_2469 = tpu.memref_slice %arg4[%dma_wait3A_2467, %dma_wait3A_2468] : memref<64x1000000xf32, #tpu.memory_space<hbm>> -> memref<64x128xf32, #tpu.memory_space<hbm>>
      %dma_wait3A_2470 = arith.constant 0 : i32
      %dma_wait3A_2471 = arith.constant 0 : i32
      %dma_wait3A_2472 = tpu.memref_slice %arg10[%dma_wait3A_2462, %dma_wait3A_2470, %dma_wait3A_2471] : memref<11x64x128xf32, #tpu.memory_space<vmem>> -> memref<1x64x128xf32, #tpu.memory_space<vmem>>
      %dma_wait3A_2473 = tpu.memref_squeeze %dma_wait3A_2472 : memref<1x64x128xf32, #tpu.memory_space<vmem>> -> memref<64x128xf32, #tpu.memory_space<vmem>>
      %dma_wait3A_2474 = arith.constant 0 : i32
      %dma_wait3A_2475 = arith.constant 0 : i32
      %dma_wait3A_2476 = tpu.memref_slice %arg4[%dma_wait3A_2474, %dma_wait3A_2475] : memref<64x1000000xf32, #tpu.memory_space<hbm>> -> memref<64x128xf32, #tpu.memory_space<hbm>>
      tpu.wait_dma2 semaphore(%arg19 : memref<!tpu.dma_semaphore, #tpu.memory_space<semaphore_mem>>) src(%dma_wait3A_2476 : memref<64x128xf32, #tpu.memory_space<hbm>>) dst(%dma_wait3A_2473 : memref<64x128xf32, #tpu.memory_space<vmem>>)
      %min3A_2477 = arith.constant 511 : i32
      %min3A_2478 = arith.minsi %add3A_2461, %min3A_2477 : i32
      %get3A_2479 = arith.index_cast %min3A_2478 : i32 to index
      %get3A_2480 = tpu.vector_load %arg8[%get3A_2479] {strides = array<i32>} : memref<512xi32, #tpu.memory_space<vmem>>, vector<16xi32>,
      %slice3A_2481 = vector.extract_strided_slice %get3A_2480 {offsets = [0], sizes = [1], strides = [1]} : vector<16xi32> to vector<1xi32>
      %squeeze3A_2482 = vector.extract %slice3A_2481[0] : i32 from vector<1xi32>
      %min3A_2483 = arith.constant 511 : i32
      %min3A_2484 = arith.minsi %add3A_2461, %min3A_2483 : i32
      %and3A_2485 = arith.constant 127 : i32
      %and3A_2486 = arith.andi %squeeze3A_2482, %and3A_2485 : i32
      %broadcast_in_dim3A_2487 = vector.broadcast %and3A_2486 : i32 to vector<16xi32>
      %broadcast_in_dim3A_2488 = vector.broadcast %min3A_2484 : i32 to vector<16xi32>
      %add3A_2489 = arith.constant 0 : i32
      %add3A_2490 = vector.broadcast %add3A_2489 : i32 to vector<16xi32>
      %add3A_2491 = arith.addi %iota3A, %add3A_2490 : vector<16xi32>
      %gather3A_2492 = arith.constant 7 : i32
      %gather3A_2493 = arith.constant 0 : i32
      %gather3A_2494 = arith.constant 0 : i32
      %gather3A_2495 = tpu.memref_slice %arg10[%gather3A_2492, %gather3A_2493, %gather3A_2494] : memref<11x64x128xf32, #tpu.memory_space<vmem>> -> memref<1x64x128xf32, #tpu.memory_space<vmem>>
      %gather3A_2496 = tpu.memref_squeeze %gather3A_2495 : memref<1x64x128xf32, #tpu.memory_space<vmem>> -> memref<64x128xf32, #tpu.memory_space<vmem>>
      %gather3A_2497 = tpu.vector_load_idx %gather3A_2496[%add3A_2491, %broadcast_in_dim3A_2487] : memref<64x128xf32, #tpu.memory_space<vmem>>[vector<16xi32>, vector<16xi32>], vector<16xf32>,
      tpu.vector_store_idx %arg11[%add3A_2491, %broadcast_in_dim3A_2488], %gather3A_2497 : memref<64x512xf32, #tpu.memory_space<vmem>>[vector<16xi32>, vector<16xi32>], vector<16xf32>,
      %add3A_2498 = arith.constant 16 : i32
      %add3A_2499 = vector.broadcast %add3A_2498 : i32 to vector<16xi32>
      %add3A_2500 = arith.addi %iota3A, %add3A_2499 : vector<16xi32>
      %gather3A_2501 = arith.constant 7 : i32
      %gather3A_2502 = arith.constant 0 : i32
      %gather3A_2503 = arith.constant 0 : i32
      %gather3A_2504 = tpu.memref_slice %arg10[%gather3A_2501, %gather3A_2502, %gather3A_2503] : memref<11x64x128xf32, #tpu.memory_space<vmem>> -> memref<1x64x128xf32, #tpu.memory_space<vmem>>
      %gather3A_2505 = tpu.memref_squeeze %gather3A_2504 : memref<1x64x128xf32, #tpu.memory_space<vmem>> -> memref<64x128xf32, #tpu.memory_space<vmem>>
      %gather3A_2506 = tpu.vector_load_idx %gather3A_2505[%add3A_2500, %broadcast_in_dim3A_2487] : memref<64x128xf32, #tpu.memory_space<vmem>>[vector<16xi32>, vector<16xi32>], vector<16xf32>,
      tpu.vector_store_idx %arg11[%add3A_2500, %broadcast_in_dim3A_2488], %gather3A_2506 : memref<64x512xf32, #tpu.memory_space<vmem>>[vector<16xi32>, vector<16xi32>], vector<16xf32>,
      %add3A_2507 = arith.constant 32 : i32
      %add3A_2508 = vector.broadcast %add3A_2507 : i32 to vector<16xi32>
      %add3A_2509 = arith.addi %iota3A, %add3A_2508 : vector<16xi32>
      %gather3A_2510 = arith.constant 7 : i32
      %gather3A_2511 = arith.constant 0 : i32
      %gather3A_2512 = arith.constant 0 : i32
      %gather3A_2513 = tpu.memref_slice %arg10[%gather3A_2510, %gather3A_2511, %gather3A_2512] : memref<11x64x128xf32, #tpu.memory_space<vmem>> -> memref<1x64x128xf32, #tpu.memory_space<vmem>>
      %gather3A_2514 = tpu.memref_squeeze %gather3A_2513 : memref<1x64x128xf32, #tpu.memory_space<vmem>> -> memref<64x128xf32, #tpu.memory_space<vmem>>
      %gather3A_2515 = tpu.vector_load_idx %gather3A_2514[%add3A_2509, %broadcast_in_dim3A_2487] : memref<64x128xf32, #tpu.memory_space<vmem>>[vector<16xi32>, vector<16xi32>], vector<16xf32>,
      tpu.vector_store_idx %arg11[%add3A_2509, %broadcast_in_dim3A_2488], %gather3A_2515 : memref<64x512xf32, #tpu.memory_space<vmem>>[vector<16xi32>, vector<16xi32>], vector<16xf32>,
      %add3A_2516 = arith.constant 48 : i32
      %add3A_2517 = vector.broadcast %add3A_2516 : i32 to vector<16xi32>
      %add3A_2518 = arith.addi %iota3A, %add3A_2517 : vector<16xi32>
      %gather3A_2519 = arith.constant 7 : i32
      %gather3A_2520 = arith.constant 0 : i32
      %gather3A_2521 = arith.constant 0 : i32
      %gather3A_2522 = tpu.memref_slice %arg10[%gather3A_2519, %gather3A_2520, %gather3A_2521] : memref<11x64x128xf32, #tpu.memory_space<vmem>> -> memref<1x64x128xf32, #tpu.memory_space<vmem>>
      %gather3A_2523 = tpu.memref_squeeze %gather3A_2522 : memref<1x64x128xf32, #tpu.memory_space<vmem>> -> memref<64x128xf32, #tpu.memory_space<vmem>>
      %gather3A_2524 = tpu.vector_load_idx %gather3A_2523[%add3A_2518, %broadcast_in_dim3A_2487] : memref<64x128xf32, #tpu.memory_space<vmem>>[vector<16xi32>, vector<16xi32>], vector<16xf32>,
      tpu.vector_store_idx %arg11[%add3A_2518, %broadcast_in_dim3A_2488], %gather3A_2524 : memref<64x512xf32, #tpu.memory_space<vmem>>[vector<16xi32>, vector<16xi32>], vector<16xf32>,
      %add3A_2525 = arith.constant 11 : i32
      %add3A_2526 = arith.addi %add3A_2461, %add3A_2525 : i32
      %min3A_2527 = arith.constant 511 : i32
      %min3A_2528 = arith.minsi %add3A_2526, %min3A_2527 : i32
      %get3A_2529 = arith.index_cast %min3A_2528 : i32 to index
      %get3A_2530 = tpu.vector_load %arg8[%get3A_2529] {strides = array<i32>} : memref<512xi32, #tpu.memory_space<vmem>>, vector<16xi32>,
      %slice3A_2531 = vector.extract_strided_slice %get3A_2530 {offsets = [0], sizes = [1], strides = [1]} : vector<16xi32> to vector<1xi32>
      %squeeze3A_2532 = vector.extract %slice3A_2531[0] : i32 from vector<1xi32>
      %shift_right_arithmetic3A_2533 = arith.constant 7 : i32
      %shift_right_arithmetic3A_2534 = arith.shrsi %squeeze3A_2532, %shift_right_arithmetic3A_2533 : i32
      %shift_left3A_2535 = arith.constant 7 : i32
      %shift_left3A_2536 = arith.shli %shift_right_arithmetic3A_2534, %shift_left3A_2535 : i32
      %multiple_of3A_2537 = tpu.assume_multiple %shift_left3A_2536, 128 : i32
      %dma_start3A_2538 = arith.constant 7 : i32
      %dma_start3A_2539 = arith.constant 0 : i32
      %dma_start3A_2540 = arith.constant 0 : i32
      %dma_start3A_2541 = tpu.memref_slice %arg10[%dma_start3A_2538, %dma_start3A_2539, %dma_start3A_2540] : memref<11x64x128xf32, #tpu.memory_space<vmem>> -> memref<1x64x128xf32, #tpu.memory_space<vmem>>
      %dma_start3A_2542 = tpu.memref_squeeze %dma_start3A_2541 : memref<1x64x128xf32, #tpu.memory_space<vmem>> -> memref<64x128xf32, #tpu.memory_space<vmem>>
      %dma_start3A_2543 = arith.constant 0 : i32
      %dma_start3A_2544 = tpu.memref_slice %arg4[%dma_start3A_2543, %multiple_of3A_2537] : memref<64x1000000xf32, #tpu.memory_space<hbm>> -> memref<64x128xf32, #tpu.memory_space<hbm>>
      %dma_start3A_2545 = arith.constant 0 : i32
      %dma_start3A_2546 = arith.constant 0 : i32
      %dma_start3A_2547 = tpu.memref_slice %arg10[%dma_start3A_2538, %dma_start3A_2545, %dma_start3A_2546] : memref<11x64x128xf32, #tpu.memory_space<vmem>> -> memref<1x64x128xf32, #tpu.memory_space<vmem>>
      %dma_start3A_2548 = tpu.memref_squeeze %dma_start3A_2547 : memref<1x64x128xf32, #tpu.memory_space<vmem>> -> memref<64x128xf32, #tpu.memory_space<vmem>>
      %dma_start3A_2549 = arith.constant 0 : i32
      %dma_start3A_2550 = tpu.memref_slice %arg4[%dma_start3A_2549, %multiple_of3A_2537] : memref<64x1000000xf32, #tpu.memory_space<hbm>> -> memref<64x128xf32, #tpu.memory_space<hbm>>
      tpu.enqueue_dma source(%dma_start3A_2550 : memref<64x128xf32, #tpu.memory_space<hbm>>) target(%dma_start3A_2548 : memref<64x128xf32, #tpu.memory_space<vmem>>) target_semaphore(%arg19 : memref<!tpu.dma_semaphore, #tpu.memory_space<semaphore_mem>>)
      %mul3A_2551 = arith.constant 11 : i32
      %mul3A_2552 = arith.muli %scan3A_1807, %mul3A_2551 : i32
      %add3A_2553 = arith.constant 8 : i32
      %add3A_2554 = arith.addi %mul3A_2552, %add3A_2553 : i32
      %dma_wait3A_2555 = arith.constant 8 : i32
      %dma_wait3A_2556 = arith.constant 0 : i32
      %dma_wait3A_2557 = arith.constant 0 : i32
      %dma_wait3A_2558 = tpu.memref_slice %arg10[%dma_wait3A_2555, %dma_wait3A_2556, %dma_wait3A_2557] : memref<11x64x128xf32, #tpu.memory_space<vmem>> -> memref<1x64x128xf32, #tpu.memory_space<vmem>>
      %dma_wait3A_2559 = tpu.memref_squeeze %dma_wait3A_2558 : memref<1x64x128xf32, #tpu.memory_space<vmem>> -> memref<64x128xf32, #tpu.memory_space<vmem>>
      %dma_wait3A_2560 = arith.constant 0 : i32
      %dma_wait3A_2561 = arith.constant 0 : i32
      %dma_wait3A_2562 = tpu.memref_slice %arg4[%dma_wait3A_2560, %dma_wait3A_2561] : memref<64x1000000xf32, #tpu.memory_space<hbm>> -> memref<64x128xf32, #tpu.memory_space<hbm>>
      %dma_wait3A_2563 = arith.constant 0 : i32
      %dma_wait3A_2564 = arith.constant 0 : i32
      %dma_wait3A_2565 = tpu.memref_slice %arg10[%dma_wait3A_2555, %dma_wait3A_2563, %dma_wait3A_2564] : memref<11x64x128xf32, #tpu.memory_space<vmem>> -> memref<1x64x128xf32, #tpu.memory_space<vmem>>
      %dma_wait3A_2566 = tpu.memref_squeeze %dma_wait3A_2565 : memref<1x64x128xf32, #tpu.memory_space<vmem>> -> memref<64x128xf32, #tpu.memory_space<vmem>>
      %dma_wait3A_2567 = arith.constant 0 : i32
      %dma_wait3A_2568 = arith.constant 0 : i32
      %dma_wait3A_2569 = tpu.memref_slice %arg4[%dma_wait3A_2567, %dma_wait3A_2568] : memref<64x1000000xf32, #tpu.memory_space<hbm>> -> memref<64x128xf32, #tpu.memory_space<hbm>>
      tpu.wait_dma2 semaphore(%arg20 : memref<!tpu.dma_semaphore, #tpu.memory_space<semaphore_mem>>) src(%dma_wait3A_2569 : memref<64x128xf32, #tpu.memory_space<hbm>>) dst(%dma_wait3A_2566 : memref<64x128xf32, #tpu.memory_space<vmem>>)
      %min3A_2570 = arith.constant 511 : i32
      %min3A_2571 = arith.minsi %add3A_2554, %min3A_2570 : i32
      %get3A_2572 = arith.index_cast %min3A_2571 : i32 to index
      %get3A_2573 = tpu.vector_load %arg8[%get3A_2572] {strides = array<i32>} : memref<512xi32, #tpu.memory_space<vmem>>, vector<16xi32>,
      %slice3A_2574 = vector.extract_strided_slice %get3A_2573 {offsets = [0], sizes = [1], strides = [1]} : vector<16xi32> to vector<1xi32>
      %squeeze3A_2575 = vector.extract %slice3A_2574[0] : i32 from vector<1xi32>
      %min3A_2576 = arith.constant 511 : i32
      %min3A_2577 = arith.minsi %add3A_2554, %min3A_2576 : i32
      %and3A_2578 = arith.constant 127 : i32
      %and3A_2579 = arith.andi %squeeze3A_2575, %and3A_2578 : i32
      %broadcast_in_dim3A_2580 = vector.broadcast %and3A_2579 : i32 to vector<16xi32>
      %broadcast_in_dim3A_2581 = vector.broadcast %min3A_2577 : i32 to vector<16xi32>
      %add3A_2582 = arith.constant 0 : i32
      %add3A_2583 = vector.broadcast %add3A_2582 : i32 to vector<16xi32>
      %add3A_2584 = arith.addi %iota3A, %add3A_2583 : vector<16xi32>
      %gather3A_2585 = arith.constant 8 : i32
      %gather3A_2586 = arith.constant 0 : i32
      %gather3A_2587 = arith.constant 0 : i32
      %gather3A_2588 = tpu.memref_slice %arg10[%gather3A_2585, %gather3A_2586, %gather3A_2587] : memref<11x64x128xf32, #tpu.memory_space<vmem>> -> memref<1x64x128xf32, #tpu.memory_space<vmem>>
      %gather3A_2589 = tpu.memref_squeeze %gather3A_2588 : memref<1x64x128xf32, #tpu.memory_space<vmem>> -> memref<64x128xf32, #tpu.memory_space<vmem>>
      %gather3A_2590 = tpu.vector_load_idx %gather3A_2589[%add3A_2584, %broadcast_in_dim3A_2580] : memref<64x128xf32, #tpu.memory_space<vmem>>[vector<16xi32>, vector<16xi32>], vector<16xf32>,
      tpu.vector_store_idx %arg11[%add3A_2584, %broadcast_in_dim3A_2581], %gather3A_2590 : memref<64x512xf32, #tpu.memory_space<vmem>>[vector<16xi32>, vector<16xi32>], vector<16xf32>,
      %add3A_2591 = arith.constant 16 : i32
      %add3A_2592 = vector.broadcast %add3A_2591 : i32 to vector<16xi32>
      %add3A_2593 = arith.addi %iota3A, %add3A_2592 : vector<16xi32>
      %gather3A_2594 = arith.constant 8 : i32
      %gather3A_2595 = arith.constant 0 : i32
      %gather3A_2596 = arith.constant 0 : i32
      %gather3A_2597 = tpu.memref_slice %arg10[%gather3A_2594, %gather3A_2595, %gather3A_2596] : memref<11x64x128xf32, #tpu.memory_space<vmem>> -> memref<1x64x128xf32, #tpu.memory_space<vmem>>
      %gather3A_2598 = tpu.memref_squeeze %gather3A_2597 : memref<1x64x128xf32, #tpu.memory_space<vmem>> -> memref<64x128xf32, #tpu.memory_space<vmem>>
      %gather3A_2599 = tpu.vector_load_idx %gather3A_2598[%add3A_2593, %broadcast_in_dim3A_2580] : memref<64x128xf32, #tpu.memory_space<vmem>>[vector<16xi32>, vector<16xi32>], vector<16xf32>,
      tpu.vector_store_idx %arg11[%add3A_2593, %broadcast_in_dim3A_2581], %gather3A_2599 : memref<64x512xf32, #tpu.memory_space<vmem>>[vector<16xi32>, vector<16xi32>], vector<16xf32>,
      %add3A_2600 = arith.constant 32 : i32
      %add3A_2601 = vector.broadcast %add3A_2600 : i32 to vector<16xi32>
      %add3A_2602 = arith.addi %iota3A, %add3A_2601 : vector<16xi32>
      %gather3A_2603 = arith.constant 8 : i32
      %gather3A_2604 = arith.constant 0 : i32
      %gather3A_2605 = arith.constant 0 : i32
      %gather3A_2606 = tpu.memref_slice %arg10[%gather3A_2603, %gather3A_2604, %gather3A_2605] : memref<11x64x128xf32, #tpu.memory_space<vmem>> -> memref<1x64x128xf32, #tpu.memory_space<vmem>>
      %gather3A_2607 = tpu.memref_squeeze %gather3A_2606 : memref<1x64x128xf32, #tpu.memory_space<vmem>> -> memref<64x128xf32, #tpu.memory_space<vmem>>
      %gather3A_2608 = tpu.vector_load_idx %gather3A_2607[%add3A_2602, %broadcast_in_dim3A_2580] : memref<64x128xf32, #tpu.memory_space<vmem>>[vector<16xi32>, vector<16xi32>], vector<16xf32>,
      tpu.vector_store_idx %arg11[%add3A_2602, %broadcast_in_dim3A_2581], %gather3A_2608 : memref<64x512xf32, #tpu.memory_space<vmem>>[vector<16xi32>, vector<16xi32>], vector<16xf32>,
      %add3A_2609 = arith.constant 48 : i32
      %add3A_2610 = vector.broadcast %add3A_2609 : i32 to vector<16xi32>
      %add3A_2611 = arith.addi %iota3A, %add3A_2610 : vector<16xi32>
      %gather3A_2612 = arith.constant 8 : i32
      %gather3A_2613 = arith.constant 0 : i32
      %gather3A_2614 = arith.constant 0 : i32
      %gather3A_2615 = tpu.memref_slice %arg10[%gather3A_2612, %gather3A_2613, %gather3A_2614] : memref<11x64x128xf32, #tpu.memory_space<vmem>> -> memref<1x64x128xf32, #tpu.memory_space<vmem>>
      %gather3A_2616 = tpu.memref_squeeze %gather3A_2615 : memref<1x64x128xf32, #tpu.memory_space<vmem>> -> memref<64x128xf32, #tpu.memory_space<vmem>>
      %gather3A_2617 = tpu.vector_load_idx %gather3A_2616[%add3A_2611, %broadcast_in_dim3A_2580] : memref<64x128xf32, #tpu.memory_space<vmem>>[vector<16xi32>, vector<16xi32>], vector<16xf32>,
      tpu.vector_store_idx %arg11[%add3A_2611, %broadcast_in_dim3A_2581], %gather3A_2617 : memref<64x512xf32, #tpu.memory_space<vmem>>[vector<16xi32>, vector<16xi32>], vector<16xf32>,
      %add3A_2618 = arith.constant 11 : i32
      %add3A_2619 = arith.addi %add3A_2554, %add3A_2618 : i32
      %min3A_2620 = arith.constant 511 : i32
      %min3A_2621 = arith.minsi %add3A_2619, %min3A_2620 : i32
      %get3A_2622 = arith.index_cast %min3A_2621 : i32 to index
      %get3A_2623 = tpu.vector_load %arg8[%get3A_2622] {strides = array<i32>} : memref<512xi32, #tpu.memory_space<vmem>>, vector<16xi32>,
      %slice3A_2624 = vector.extract_strided_slice %get3A_2623 {offsets = [0], sizes = [1], strides = [1]} : vector<16xi32> to vector<1xi32>
      %squeeze3A_2625 = vector.extract %slice3A_2624[0] : i32 from vector<1xi32>
      %shift_right_arithmetic3A_2626 = arith.constant 7 : i32
      %shift_right_arithmetic3A_2627 = arith.shrsi %squeeze3A_2625, %shift_right_arithmetic3A_2626 : i32
      %shift_left3A_2628 = arith.constant 7 : i32
      %shift_left3A_2629 = arith.shli %shift_right_arithmetic3A_2627, %shift_left3A_2628 : i32
      %multiple_of3A_2630 = tpu.assume_multiple %shift_left3A_2629, 128 : i32
      %dma_start3A_2631 = arith.constant 8 : i32
      %dma_start3A_2632 = arith.constant 0 : i32
      %dma_start3A_2633 = arith.constant 0 : i32
      %dma_start3A_2634 = tpu.memref_slice %arg10[%dma_start3A_2631, %dma_start3A_2632, %dma_start3A_2633] : memref<11x64x128xf32, #tpu.memory_space<vmem>> -> memref<1x64x128xf32, #tpu.memory_space<vmem>>
      %dma_start3A_2635 = tpu.memref_squeeze %dma_start3A_2634 : memref<1x64x128xf32, #tpu.memory_space<vmem>> -> memref<64x128xf32, #tpu.memory_space<vmem>>
      %dma_start3A_2636 = arith.constant 0 : i32
      %dma_start3A_2637 = tpu.memref_slice %arg4[%dma_start3A_2636, %multiple_of3A_2630] : memref<64x1000000xf32, #tpu.memory_space<hbm>> -> memref<64x128xf32, #tpu.memory_space<hbm>>
      %dma_start3A_2638 = arith.constant 0 : i32
      %dma_start3A_2639 = arith.constant 0 : i32
      %dma_start3A_2640 = tpu.memref_slice %arg10[%dma_start3A_2631, %dma_start3A_2638, %dma_start3A_2639] : memref<11x64x128xf32, #tpu.memory_space<vmem>> -> memref<1x64x128xf32, #tpu.memory_space<vmem>>
      %dma_start3A_2641 = tpu.memref_squeeze %dma_start3A_2640 : memref<1x64x128xf32, #tpu.memory_space<vmem>> -> memref<64x128xf32, #tpu.memory_space<vmem>>
      %dma_start3A_2642 = arith.constant 0 : i32
      %dma_start3A_2643 = tpu.memref_slice %arg4[%dma_start3A_2642, %multiple_of3A_2630] : memref<64x1000000xf32, #tpu.memory_space<hbm>> -> memref<64x128xf32, #tpu.memory_space<hbm>>
      tpu.enqueue_dma source(%dma_start3A_2643 : memref<64x128xf32, #tpu.memory_space<hbm>>) target(%dma_start3A_2641 : memref<64x128xf32, #tpu.memory_space<vmem>>) target_semaphore(%arg20 : memref<!tpu.dma_semaphore, #tpu.memory_space<semaphore_mem>>)
      %mul3A_2644 = arith.constant 11 : i32
      %mul3A_2645 = arith.muli %scan3A_1807, %mul3A_2644 : i32
      %add3A_2646 = arith.constant 9 : i32
      %add3A_2647 = arith.addi %mul3A_2645, %add3A_2646 : i32
      %dma_wait3A_2648 = arith.constant 9 : i32
      %dma_wait3A_2649 = arith.constant 0 : i32
      %dma_wait3A_2650 = arith.constant 0 : i32
      %dma_wait3A_2651 = tpu.memref_slice %arg10[%dma_wait3A_2648, %dma_wait3A_2649, %dma_wait3A_2650] : memref<11x64x128xf32, #tpu.memory_space<vmem>> -> memref<1x64x128xf32, #tpu.memory_space<vmem>>
      %dma_wait3A_2652 = tpu.memref_squeeze %dma_wait3A_2651 : memref<1x64x128xf32, #tpu.memory_space<vmem>> -> memref<64x128xf32, #tpu.memory_space<vmem>>
      %dma_wait3A_2653 = arith.constant 0 : i32
      %dma_wait3A_2654 = arith.constant 0 : i32
      %dma_wait3A_2655 = tpu.memref_slice %arg4[%dma_wait3A_2653, %dma_wait3A_2654] : memref<64x1000000xf32, #tpu.memory_space<hbm>> -> memref<64x128xf32, #tpu.memory_space<hbm>>
      %dma_wait3A_2656 = arith.constant 0 : i32
      %dma_wait3A_2657 = arith.constant 0 : i32
      %dma_wait3A_2658 = tpu.memref_slice %arg10[%dma_wait3A_2648, %dma_wait3A_2656, %dma_wait3A_2657] : memref<11x64x128xf32, #tpu.memory_space<vmem>> -> memref<1x64x128xf32, #tpu.memory_space<vmem>>
      %dma_wait3A_2659 = tpu.memref_squeeze %dma_wait3A_2658 : memref<1x64x128xf32, #tpu.memory_space<vmem>> -> memref<64x128xf32, #tpu.memory_space<vmem>>
      %dma_wait3A_2660 = arith.constant 0 : i32
      %dma_wait3A_2661 = arith.constant 0 : i32
      %dma_wait3A_2662 = tpu.memref_slice %arg4[%dma_wait3A_2660, %dma_wait3A_2661] : memref<64x1000000xf32, #tpu.memory_space<hbm>> -> memref<64x128xf32, #tpu.memory_space<hbm>>
      tpu.wait_dma2 semaphore(%arg21 : memref<!tpu.dma_semaphore, #tpu.memory_space<semaphore_mem>>) src(%dma_wait3A_2662 : memref<64x128xf32, #tpu.memory_space<hbm>>) dst(%dma_wait3A_2659 : memref<64x128xf32, #tpu.memory_space<vmem>>)
      %min3A_2663 = arith.constant 511 : i32
      %min3A_2664 = arith.minsi %add3A_2647, %min3A_2663 : i32
      %get3A_2665 = arith.index_cast %min3A_2664 : i32 to index
      %get3A_2666 = tpu.vector_load %arg8[%get3A_2665] {strides = array<i32>} : memref<512xi32, #tpu.memory_space<vmem>>, vector<16xi32>,
      %slice3A_2667 = vector.extract_strided_slice %get3A_2666 {offsets = [0], sizes = [1], strides = [1]} : vector<16xi32> to vector<1xi32>
      %squeeze3A_2668 = vector.extract %slice3A_2667[0] : i32 from vector<1xi32>
      %min3A_2669 = arith.constant 511 : i32
      %min3A_2670 = arith.minsi %add3A_2647, %min3A_2669 : i32
      %and3A_2671 = arith.constant 127 : i32
      %and3A_2672 = arith.andi %squeeze3A_2668, %and3A_2671 : i32
      %broadcast_in_dim3A_2673 = vector.broadcast %and3A_2672 : i32 to vector<16xi32>
      %broadcast_in_dim3A_2674 = vector.broadcast %min3A_2670 : i32 to vector<16xi32>
      %add3A_2675 = arith.constant 0 : i32
      %add3A_2676 = vector.broadcast %add3A_2675 : i32 to vector<16xi32>
      %add3A_2677 = arith.addi %iota3A, %add3A_2676 : vector<16xi32>
      %gather3A_2678 = arith.constant 9 : i32
      %gather3A_2679 = arith.constant 0 : i32
      %gather3A_2680 = arith.constant 0 : i32
      %gather3A_2681 = tpu.memref_slice %arg10[%gather3A_2678, %gather3A_2679, %gather3A_2680] : memref<11x64x128xf32, #tpu.memory_space<vmem>> -> memref<1x64x128xf32, #tpu.memory_space<vmem>>
      %gather3A_2682 = tpu.memref_squeeze %gather3A_2681 : memref<1x64x128xf32, #tpu.memory_space<vmem>> -> memref<64x128xf32, #tpu.memory_space<vmem>>
      %gather3A_2683 = tpu.vector_load_idx %gather3A_2682[%add3A_2677, %broadcast_in_dim3A_2673] : memref<64x128xf32, #tpu.memory_space<vmem>>[vector<16xi32>, vector<16xi32>], vector<16xf32>,
      tpu.vector_store_idx %arg11[%add3A_2677, %broadcast_in_dim3A_2674], %gather3A_2683 : memref<64x512xf32, #tpu.memory_space<vmem>>[vector<16xi32>, vector<16xi32>], vector<16xf32>,
      %add3A_2684 = arith.constant 16 : i32
      %add3A_2685 = vector.broadcast %add3A_2684 : i32 to vector<16xi32>
      %add3A_2686 = arith.addi %iota3A, %add3A_2685 : vector<16xi32>
      %gather3A_2687 = arith.constant 9 : i32
      %gather3A_2688 = arith.constant 0 : i32
      %gather3A_2689 = arith.constant 0 : i32
      %gather3A_2690 = tpu.memref_slice %arg10[%gather3A_2687, %gather3A_2688, %gather3A_2689] : memref<11x64x128xf32, #tpu.memory_space<vmem>> -> memref<1x64x128xf32, #tpu.memory_space<vmem>>
      %gather3A_2691 = tpu.memref_squeeze %gather3A_2690 : memref<1x64x128xf32, #tpu.memory_space<vmem>> -> memref<64x128xf32, #tpu.memory_space<vmem>>
      %gather3A_2692 = tpu.vector_load_idx %gather3A_2691[%add3A_2686, %broadcast_in_dim3A_2673] : memref<64x128xf32, #tpu.memory_space<vmem>>[vector<16xi32>, vector<16xi32>], vector<16xf32>,
      tpu.vector_store_idx %arg11[%add3A_2686, %broadcast_in_dim3A_2674], %gather3A_2692 : memref<64x512xf32, #tpu.memory_space<vmem>>[vector<16xi32>, vector<16xi32>], vector<16xf32>,
      %add3A_2693 = arith.constant 32 : i32
      %add3A_2694 = vector.broadcast %add3A_2693 : i32 to vector<16xi32>
      %add3A_2695 = arith.addi %iota3A, %add3A_2694 : vector<16xi32>
      %gather3A_2696 = arith.constant 9 : i32
      %gather3A_2697 = arith.constant 0 : i32
      %gather3A_2698 = arith.constant 0 : i32
      %gather3A_2699 = tpu.memref_slice %arg10[%gather3A_2696, %gather3A_2697, %gather3A_2698] : memref<11x64x128xf32, #tpu.memory_space<vmem>> -> memref<1x64x128xf32, #tpu.memory_space<vmem>>
      %gather3A_2700 = tpu.memref_squeeze %gather3A_2699 : memref<1x64x128xf32, #tpu.memory_space<vmem>> -> memref<64x128xf32, #tpu.memory_space<vmem>>
      %gather3A_2701 = tpu.vector_load_idx %gather3A_2700[%add3A_2695, %broadcast_in_dim3A_2673] : memref<64x128xf32, #tpu.memory_space<vmem>>[vector<16xi32>, vector<16xi32>], vector<16xf32>,
      tpu.vector_store_idx %arg11[%add3A_2695, %broadcast_in_dim3A_2674], %gather3A_2701 : memref<64x512xf32, #tpu.memory_space<vmem>>[vector<16xi32>, vector<16xi32>], vector<16xf32>,
      %add3A_2702 = arith.constant 48 : i32
      %add3A_2703 = vector.broadcast %add3A_2702 : i32 to vector<16xi32>
      %add3A_2704 = arith.addi %iota3A, %add3A_2703 : vector<16xi32>
      %gather3A_2705 = arith.constant 9 : i32
      %gather3A_2706 = arith.constant 0 : i32
      %gather3A_2707 = arith.constant 0 : i32
      %gather3A_2708 = tpu.memref_slice %arg10[%gather3A_2705, %gather3A_2706, %gather3A_2707] : memref<11x64x128xf32, #tpu.memory_space<vmem>> -> memref<1x64x128xf32, #tpu.memory_space<vmem>>
      %gather3A_2709 = tpu.memref_squeeze %gather3A_2708 : memref<1x64x128xf32, #tpu.memory_space<vmem>> -> memref<64x128xf32, #tpu.memory_space<vmem>>
      %gather3A_2710 = tpu.vector_load_idx %gather3A_2709[%add3A_2704, %broadcast_in_dim3A_2673] : memref<64x128xf32, #tpu.memory_space<vmem>>[vector<16xi32>, vector<16xi32>], vector<16xf32>,
      tpu.vector_store_idx %arg11[%add3A_2704, %broadcast_in_dim3A_2674], %gather3A_2710 : memref<64x512xf32, #tpu.memory_space<vmem>>[vector<16xi32>, vector<16xi32>], vector<16xf32>,
      %add3A_2711 = arith.constant 11 : i32
      %add3A_2712 = arith.addi %add3A_2647, %add3A_2711 : i32
      %min3A_2713 = arith.constant 511 : i32
      %min3A_2714 = arith.minsi %add3A_2712, %min3A_2713 : i32
      %get3A_2715 = arith.index_cast %min3A_2714 : i32 to index
      %get3A_2716 = tpu.vector_load %arg8[%get3A_2715] {strides = array<i32>} : memref<512xi32, #tpu.memory_space<vmem>>, vector<16xi32>,
      %slice3A_2717 = vector.extract_strided_slice %get3A_2716 {offsets = [0], sizes = [1], strides = [1]} : vector<16xi32> to vector<1xi32>
      %squeeze3A_2718 = vector.extract %slice3A_2717[0] : i32 from vector<1xi32>
      %shift_right_arithmetic3A_2719 = arith.constant 7 : i32
      %shift_right_arithmetic3A_2720 = arith.shrsi %squeeze3A_2718, %shift_right_arithmetic3A_2719 : i32
      %shift_left3A_2721 = arith.constant 7 : i32
      %shift_left3A_2722 = arith.shli %shift_right_arithmetic3A_2720, %shift_left3A_2721 : i32
      %multiple_of3A_2723 = tpu.assume_multiple %shift_left3A_2722, 128 : i32
      %dma_start3A_2724 = arith.constant 9 : i32
      %dma_start3A_2725 = arith.constant 0 : i32
      %dma_start3A_2726 = arith.constant 0 : i32
      %dma_start3A_2727 = tpu.memref_slice %arg10[%dma_start3A_2724, %dma_start3A_2725, %dma_start3A_2726] : memref<11x64x128xf32, #tpu.memory_space<vmem>> -> memref<1x64x128xf32, #tpu.memory_space<vmem>>
      %dma_start3A_2728 = tpu.memref_squeeze %dma_start3A_2727 : memref<1x64x128xf32, #tpu.memory_space<vmem>> -> memref<64x128xf32, #tpu.memory_space<vmem>>
      %dma_start3A_2729 = arith.constant 0 : i32
      %dma_start3A_2730 = tpu.memref_slice %arg4[%dma_start3A_2729, %multiple_of3A_2723] : memref<64x1000000xf32, #tpu.memory_space<hbm>> -> memref<64x128xf32, #tpu.memory_space<hbm>>
      %dma_start3A_2731 = arith.constant 0 : i32
      %dma_start3A_2732 = arith.constant 0 : i32
      %dma_start3A_2733 = tpu.memref_slice %arg10[%dma_start3A_2724, %dma_start3A_2731, %dma_start3A_2732] : memref<11x64x128xf32, #tpu.memory_space<vmem>> -> memref<1x64x128xf32, #tpu.memory_space<vmem>>
      %dma_start3A_2734 = tpu.memref_squeeze %dma_start3A_2733 : memref<1x64x128xf32, #tpu.memory_space<vmem>> -> memref<64x128xf32, #tpu.memory_space<vmem>>
      %dma_start3A_2735 = arith.constant 0 : i32
      %dma_start3A_2736 = tpu.memref_slice %arg4[%dma_start3A_2735, %multiple_of3A_2723] : memref<64x1000000xf32, #tpu.memory_space<hbm>> -> memref<64x128xf32, #tpu.memory_space<hbm>>
      tpu.enqueue_dma source(%dma_start3A_2736 : memref<64x128xf32, #tpu.memory_space<hbm>>) target(%dma_start3A_2734 : memref<64x128xf32, #tpu.memory_space<vmem>>) target_semaphore(%arg21 : memref<!tpu.dma_semaphore, #tpu.memory_space<semaphore_mem>>)
      %mul3A_2737 = arith.constant 11 : i32
      %mul3A_2738 = arith.muli %scan3A_1807, %mul3A_2737 : i32
      %add3A_2739 = arith.constant 10 : i32
      %add3A_2740 = arith.addi %mul3A_2738, %add3A_2739 : i32
      %dma_wait3A_2741 = arith.constant 10 : i32
      %dma_wait3A_2742 = arith.constant 0 : i32
      %dma_wait3A_2743 = arith.constant 0 : i32
      %dma_wait3A_2744 = tpu.memref_slice %arg10[%dma_wait3A_2741, %dma_wait3A_2742, %dma_wait3A_2743] : memref<11x64x128xf32, #tpu.memory_space<vmem>> -> memref<1x64x128xf32, #tpu.memory_space<vmem>>
      %dma_wait3A_2745 = tpu.memref_squeeze %dma_wait3A_2744 : memref<1x64x128xf32, #tpu.memory_space<vmem>> -> memref<64x128xf32, #tpu.memory_space<vmem>>
      %dma_wait3A_2746 = arith.constant 0 : i32
      %dma_wait3A_2747 = arith.constant 0 : i32
      %dma_wait3A_2748 = tpu.memref_slice %arg4[%dma_wait3A_2746, %dma_wait3A_2747] : memref<64x1000000xf32, #tpu.memory_space<hbm>> -> memref<64x128xf32, #tpu.memory_space<hbm>>
      %dma_wait3A_2749 = arith.constant 0 : i32
      %dma_wait3A_2750 = arith.constant 0 : i32
      %dma_wait3A_2751 = tpu.memref_slice %arg10[%dma_wait3A_2741, %dma_wait3A_2749, %dma_wait3A_2750] : memref<11x64x128xf32, #tpu.memory_space<vmem>> -> memref<1x64x128xf32, #tpu.memory_space<vmem>>
      %dma_wait3A_2752 = tpu.memref_squeeze %dma_wait3A_2751 : memref<1x64x128xf32, #tpu.memory_space<vmem>> -> memref<64x128xf32, #tpu.memory_space<vmem>>
      %dma_wait3A_2753 = arith.constant 0 : i32
      %dma_wait3A_2754 = arith.constant 0 : i32
      %dma_wait3A_2755 = tpu.memref_slice %arg4[%dma_wait3A_2753, %dma_wait3A_2754] : memref<64x1000000xf32, #tpu.memory_space<hbm>> -> memref<64x128xf32, #tpu.memory_space<hbm>>
      tpu.wait_dma2 semaphore(%arg22 : memref<!tpu.dma_semaphore, #tpu.memory_space<semaphore_mem>>) src(%dma_wait3A_2755 : memref<64x128xf32, #tpu.memory_space<hbm>>) dst(%dma_wait3A_2752 : memref<64x128xf32, #tpu.memory_space<vmem>>)
      %min3A_2756 = arith.constant 511 : i32
      %min3A_2757 = arith.minsi %add3A_2740, %min3A_2756 : i32
      %get3A_2758 = arith.index_cast %min3A_2757 : i32 to index
      %get3A_2759 = tpu.vector_load %arg8[%get3A_2758] {strides = array<i32>} : memref<512xi32, #tpu.memory_space<vmem>>, vector<16xi32>,
      %slice3A_2760 = vector.extract_strided_slice %get3A_2759 {offsets = [0], sizes = [1], strides = [1]} : vector<16xi32> to vector<1xi32>
      %squeeze3A_2761 = vector.extract %slice3A_2760[0] : i32 from vector<1xi32>
      %min3A_2762 = arith.constant 511 : i32
      %min3A_2763 = arith.minsi %add3A_2740, %min3A_2762 : i32
      %and3A_2764 = arith.constant 127 : i32
      %and3A_2765 = arith.andi %squeeze3A_2761, %and3A_2764 : i32
      %broadcast_in_dim3A_2766 = vector.broadcast %and3A_2765 : i32 to vector<16xi32>
      %broadcast_in_dim3A_2767 = vector.broadcast %min3A_2763 : i32 to vector<16xi32>
      %add3A_2768 = arith.constant 0 : i32
      %add3A_2769 = vector.broadcast %add3A_2768 : i32 to vector<16xi32>
      %add3A_2770 = arith.addi %iota3A, %add3A_2769 : vector<16xi32>
      %gather3A_2771 = arith.constant 10 : i32
      %gather3A_2772 = arith.constant 0 : i32
      %gather3A_2773 = arith.constant 0 : i32
      %gather3A_2774 = tpu.memref_slice %arg10[%gather3A_2771, %gather3A_2772, %gather3A_2773] : memref<11x64x128xf32, #tpu.memory_space<vmem>> -> memref<1x64x128xf32, #tpu.memory_space<vmem>>
      %gather3A_2775 = tpu.memref_squeeze %gather3A_2774 : memref<1x64x128xf32, #tpu.memory_space<vmem>> -> memref<64x128xf32, #tpu.memory_space<vmem>>
      %gather3A_2776 = tpu.vector_load_idx %gather3A_2775[%add3A_2770, %broadcast_in_dim3A_2766] : memref<64x128xf32, #tpu.memory_space<vmem>>[vector<16xi32>, vector<16xi32>], vector<16xf32>,
      tpu.vector_store_idx %arg11[%add3A_2770, %broadcast_in_dim3A_2767], %gather3A_2776 : memref<64x512xf32, #tpu.memory_space<vmem>>[vector<16xi32>, vector<16xi32>], vector<16xf32>,
      %add3A_2777 = arith.constant 16 : i32
      %add3A_2778 = vector.broadcast %add3A_2777 : i32 to vector<16xi32>
      %add3A_2779 = arith.addi %iota3A, %add3A_2778 : vector<16xi32>
      %gather3A_2780 = arith.constant 10 : i32
      %gather3A_2781 = arith.constant 0 : i32
      %gather3A_2782 = arith.constant 0 : i32
      %gather3A_2783 = tpu.memref_slice %arg10[%gather3A_2780, %gather3A_2781, %gather3A_2782] : memref<11x64x128xf32, #tpu.memory_space<vmem>> -> memref<1x64x128xf32, #tpu.memory_space<vmem>>
      %gather3A_2784 = tpu.memref_squeeze %gather3A_2783 : memref<1x64x128xf32, #tpu.memory_space<vmem>> -> memref<64x128xf32, #tpu.memory_space<vmem>>
      %gather3A_2785 = tpu.vector_load_idx %gather3A_2784[%add3A_2779, %broadcast_in_dim3A_2766] : memref<64x128xf32, #tpu.memory_space<vmem>>[vector<16xi32>, vector<16xi32>], vector<16xf32>,
      tpu.vector_store_idx %arg11[%add3A_2779, %broadcast_in_dim3A_2767], %gather3A_2785 : memref<64x512xf32, #tpu.memory_space<vmem>>[vector<16xi32>, vector<16xi32>], vector<16xf32>,
      %add3A_2786 = arith.constant 32 : i32
      %add3A_2787 = vector.broadcast %add3A_2786 : i32 to vector<16xi32>
      %add3A_2788 = arith.addi %iota3A, %add3A_2787 : vector<16xi32>
      %gather3A_2789 = arith.constant 10 : i32
      %gather3A_2790 = arith.constant 0 : i32
      %gather3A_2791 = arith.constant 0 : i32
      %gather3A_2792 = tpu.memref_slice %arg10[%gather3A_2789, %gather3A_2790, %gather3A_2791] : memref<11x64x128xf32, #tpu.memory_space<vmem>> -> memref<1x64x128xf32, #tpu.memory_space<vmem>>
      %gather3A_2793 = tpu.memref_squeeze %gather3A_2792 : memref<1x64x128xf32, #tpu.memory_space<vmem>> -> memref<64x128xf32, #tpu.memory_space<vmem>>
      %gather3A_2794 = tpu.vector_load_idx %gather3A_2793[%add3A_2788, %broadcast_in_dim3A_2766] : memref<64x128xf32, #tpu.memory_space<vmem>>[vector<16xi32>, vector<16xi32>], vector<16xf32>,
      tpu.vector_store_idx %arg11[%add3A_2788, %broadcast_in_dim3A_2767], %gather3A_2794 : memref<64x512xf32, #tpu.memory_space<vmem>>[vector<16xi32>, vector<16xi32>], vector<16xf32>,
      %add3A_2795 = arith.constant 48 : i32
      %add3A_2796 = vector.broadcast %add3A_2795 : i32 to vector<16xi32>
      %add3A_2797 = arith.addi %iota3A, %add3A_2796 : vector<16xi32>
      %gather3A_2798 = arith.constant 10 : i32
      %gather3A_2799 = arith.constant 0 : i32
      %gather3A_2800 = arith.constant 0 : i32
      %gather3A_2801 = tpu.memref_slice %arg10[%gather3A_2798, %gather3A_2799, %gather3A_2800] : memref<11x64x128xf32, #tpu.memory_space<vmem>> -> memref<1x64x128xf32, #tpu.memory_space<vmem>>
      %gather3A_2802 = tpu.memref_squeeze %gather3A_2801 : memref<1x64x128xf32, #tpu.memory_space<vmem>> -> memref<64x128xf32, #tpu.memory_space<vmem>>
      %gather3A_2803 = tpu.vector_load_idx %gather3A_2802[%add3A_2797, %broadcast_in_dim3A_2766] : memref<64x128xf32, #tpu.memory_space<vmem>>[vector<16xi32>, vector<16xi32>], vector<16xf32>,
      tpu.vector_store_idx %arg11[%add3A_2797, %broadcast_in_dim3A_2767], %gather3A_2803 : memref<64x512xf32, #tpu.memory_space<vmem>>[vector<16xi32>, vector<16xi32>], vector<16xf32>,
      %add3A_2804 = arith.constant 11 : i32
      %add3A_2805 = arith.addi %add3A_2740, %add3A_2804 : i32
      %min3A_2806 = arith.constant 511 : i32
      %min3A_2807 = arith.minsi %add3A_2805, %min3A_2806 : i32
      %get3A_2808 = arith.index_cast %min3A_2807 : i32 to index
      %get3A_2809 = tpu.vector_load %arg8[%get3A_2808] {strides = array<i32>} : memref<512xi32, #tpu.memory_space<vmem>>, vector<16xi32>,
      %slice3A_2810 = vector.extract_strided_slice %get3A_2809 {offsets = [0], sizes = [1], strides = [1]} : vector<16xi32> to vector<1xi32>
      %squeeze3A_2811 = vector.extract %slice3A_2810[0] : i32 from vector<1xi32>
      %shift_right_arithmetic3A_2812 = arith.constant 7 : i32
      %shift_right_arithmetic3A_2813 = arith.shrsi %squeeze3A_2811, %shift_right_arithmetic3A_2812 : i32
      %shift_left3A_2814 = arith.constant 7 : i32
      %shift_left3A_2815 = arith.shli %shift_right_arithmetic3A_2813, %shift_left3A_2814 : i32
      %multiple_of3A_2816 = tpu.assume_multiple %shift_left3A_2815, 128 : i32
      %dma_start3A_2817 = arith.constant 10 : i32
      %dma_start3A_2818 = arith.constant 0 : i32
      %dma_start3A_2819 = arith.constant 0 : i32
      %dma_start3A_2820 = tpu.memref_slice %arg10[%dma_start3A_2817, %dma_start3A_2818, %dma_start3A_2819] : memref<11x64x128xf32, #tpu.memory_space<vmem>> -> memref<1x64x128xf32, #tpu.memory_space<vmem>>
      %dma_start3A_2821 = tpu.memref_squeeze %dma_start3A_2820 : memref<1x64x128xf32, #tpu.memory_space<vmem>> -> memref<64x128xf32, #tpu.memory_space<vmem>>
      %dma_start3A_2822 = arith.constant 0 : i32
      %dma_start3A_2823 = tpu.memref_slice %arg4[%dma_start3A_2822, %multiple_of3A_2816] : memref<64x1000000xf32, #tpu.memory_space<hbm>> -> memref<64x128xf32, #tpu.memory_space<hbm>>
      %dma_start3A_2824 = arith.constant 0 : i32
      %dma_start3A_2825 = arith.constant 0 : i32
      %dma_start3A_2826 = tpu.memref_slice %arg10[%dma_start3A_2817, %dma_start3A_2824, %dma_start3A_2825] : memref<11x64x128xf32, #tpu.memory_space<vmem>> -> memref<1x64x128xf32, #tpu.memory_space<vmem>>
      %dma_start3A_2827 = tpu.memref_squeeze %dma_start3A_2826 : memref<1x64x128xf32, #tpu.memory_space<vmem>> -> memref<64x128xf32, #tpu.memory_space<vmem>>
      %dma_start3A_2828 = arith.constant 0 : i32
      %dma_start3A_2829 = tpu.memref_slice %arg4[%dma_start3A_2828, %multiple_of3A_2816] : memref<64x1000000xf32, #tpu.memory_space<hbm>> -> memref<64x128xf32, #tpu.memory_space<hbm>>
      tpu.enqueue_dma source(%dma_start3A_2829 : memref<64x128xf32, #tpu.memory_space<hbm>>) target(%dma_start3A_2827 : memref<64x128xf32, #tpu.memory_space<vmem>>) target_semaphore(%arg22 : memref<!tpu.dma_semaphore, #tpu.memory_space<semaphore_mem>>)
    }
    %scan3A_242 = arith.constant 46 : i32
    %dma_wait3A = arith.constant 0 : i32
    %dma_wait3A_243 = arith.constant 0 : i32
    %dma_wait3A_244 = arith.constant 0 : i32
    %dma_wait3A_245 = tpu.memref_slice %arg10[%dma_wait3A, %dma_wait3A_243, %dma_wait3A_244] : memref<11x64x128xf32, #tpu.memory_space<vmem>> -> memref<1x64x128xf32, #tpu.memory_space<vmem>>
    %dma_wait3A_246 = tpu.memref_squeeze %dma_wait3A_245 : memref<1x64x128xf32, #tpu.memory_space<vmem>> -> memref<64x128xf32, #tpu.memory_space<vmem>>
    %dma_wait3A_247 = arith.constant 0 : i32
    %dma_wait3A_248 = arith.constant 0 : i32
    %dma_wait3A_249 = tpu.memref_slice %arg4[%dma_wait3A_247, %dma_wait3A_248] : memref<64x1000000xf32, #tpu.memory_space<hbm>> -> memref<64x128xf32, #tpu.memory_space<hbm>>
    %dma_wait3A_250 = arith.constant 0 : i32
    %dma_wait3A_251 = arith.constant 0 : i32
    %dma_wait3A_252 = tpu.memref_slice %arg10[%dma_wait3A, %dma_wait3A_250, %dma_wait3A_251] : memref<11x64x128xf32, #tpu.memory_space<vmem>> -> memref<1x64x128xf32, #tpu.memory_space<vmem>>
    %dma_wait3A_253 = tpu.memref_squeeze %dma_wait3A_252 : memref<1x64x128xf32, #tpu.memory_space<vmem>> -> memref<64x128xf32, #tpu.memory_space<vmem>>
    %dma_wait3A_254 = arith.constant 0 : i32
    %dma_wait3A_255 = arith.constant 0 : i32
    %dma_wait3A_256 = tpu.memref_slice %arg4[%dma_wait3A_254, %dma_wait3A_255] : memref<64x1000000xf32, #tpu.memory_space<hbm>> -> memref<64x128xf32, #tpu.memory_space<hbm>>
    tpu.wait_dma2 semaphore(%arg12 : memref<!tpu.dma_semaphore, #tpu.memory_space<semaphore_mem>>) src(%dma_wait3A_256 : memref<64x128xf32, #tpu.memory_space<hbm>>) dst(%dma_wait3A_253 : memref<64x128xf32, #tpu.memory_space<vmem>>)
    %get3A_257 = arith.constant 496 : index
    %get3A_258 = tpu.vector_load %arg8[%get3A_257] {strides = array<i32>} : memref<512xi32, #tpu.memory_space<vmem>>, vector<16xi32>,
    %slice3A_259 = vector.extract_strided_slice %get3A_258 {offsets = [10], sizes = [1], strides = [1]} : vector<16xi32> to vector<1xi32>
    %squeeze3A_260 = vector.extract %slice3A_259[0] : i32 from vector<1xi32>
    %and3A = arith.constant 127 : i32
    %and3A_261 = arith.andi %squeeze3A_260, %and3A : i32
    %broadcast_in_dim3A = vector.broadcast %and3A_261 : i32 to vector<16xi32>
    %broadcast_in_dim3A_262 = arith.constant 506 : i32
    %broadcast_in_dim3A_263 = vector.broadcast %broadcast_in_dim3A_262 : i32 to vector<16xi32>
    %add3A_264 = arith.constant 0 : i32
    %add3A_265 = vector.broadcast %add3A_264 : i32 to vector<16xi32>
    %add3A_266 = arith.addi %iota3A, %add3A_265 : vector<16xi32>
    %gather3A = arith.constant 0 : i32
    %gather3A_267 = arith.constant 0 : i32
    %gather3A_268 = arith.constant 0 : i32
    %gather3A_269 = tpu.memref_slice %arg10[%gather3A, %gather3A_267, %gather3A_268] : memref<11x64x128xf32, #tpu.memory_space<vmem>> -> memref<1x64x128xf32, #tpu.memory_space<vmem>>
    %gather3A_270 = tpu.memref_squeeze %gather3A_269 : memref<1x64x128xf32, #tpu.memory_space<vmem>> -> memref<64x128xf32, #tpu.memory_space<vmem>>
    %gather3A_271 = tpu.vector_load_idx %gather3A_270[%add3A_266, %broadcast_in_dim3A] : memref<64x128xf32, #tpu.memory_space<vmem>>[vector<16xi32>, vector<16xi32>], vector<16xf32>,
    tpu.vector_store_idx %arg11[%add3A_266, %broadcast_in_dim3A_263], %gather3A_271 : memref<64x512xf32, #tpu.memory_space<vmem>>[vector<16xi32>, vector<16xi32>], vector<16xf32>,
    %add3A_272 = arith.constant 16 : i32
    %add3A_273 = vector.broadcast %add3A_272 : i32 to vector<16xi32>
    %add3A_274 = arith.addi %iota3A, %add3A_273 : vector<16xi32>
    %gather3A_275 = arith.constant 0 : i32
    %gather3A_276 = arith.constant 0 : i32
    %gather3A_277 = arith.constant 0 : i32
    %gather3A_278 = tpu.memref_slice %arg10[%gather3A_275, %gather3A_276, %gather3A_277] : memref<11x64x128xf32, #tpu.memory_space<vmem>> -> memref<1x64x128xf32, #tpu.memory_space<vmem>>
    %gather3A_279 = tpu.memref_squeeze %gather3A_278 : memref<1x64x128xf32, #tpu.memory_space<vmem>> -> memref<64x128xf32, #tpu.memory_space<vmem>>
    %gather3A_280 = tpu.vector_load_idx %gather3A_279[%add3A_274, %broadcast_in_dim3A] : memref<64x128xf32, #tpu.memory_space<vmem>>[vector<16xi32>, vector<16xi32>], vector<16xf32>,
    tpu.vector_store_idx %arg11[%add3A_274, %broadcast_in_dim3A_263], %gather3A_280 : memref<64x512xf32, #tpu.memory_space<vmem>>[vector<16xi32>, vector<16xi32>], vector<16xf32>,
    %add3A_281 = arith.constant 32 : i32
    %add3A_282 = vector.broadcast %add3A_281 : i32 to vector<16xi32>
    %add3A_283 = arith.addi %iota3A, %add3A_282 : vector<16xi32>
    %gather3A_284 = arith.constant 0 : i32
    %gather3A_285 = arith.constant 0 : i32
    %gather3A_286 = arith.constant 0 : i32
    %gather3A_287 = tpu.memref_slice %arg10[%gather3A_284, %gather3A_285, %gather3A_286] : memref<11x64x128xf32, #tpu.memory_space<vmem>> -> memref<1x64x128xf32, #tpu.memory_space<vmem>>
    %gather3A_288 = tpu.memref_squeeze %gather3A_287 : memref<1x64x128xf32, #tpu.memory_space<vmem>> -> memref<64x128xf32, #tpu.memory_space<vmem>>
    %gather3A_289 = tpu.vector_load_idx %gather3A_288[%add3A_283, %broadcast_in_dim3A] : memref<64x128xf32, #tpu.memory_space<vmem>>[vector<16xi32>, vector<16xi32>], vector<16xf32>,
    tpu.vector_store_idx %arg11[%add3A_283, %broadcast_in_dim3A_263], %gather3A_289 : memref<64x512xf32, #tpu.memory_space<vmem>>[vector<16xi32>, vector<16xi32>], vector<16xf32>,
    %add3A_290 = arith.constant 48 : i32
    %add3A_291 = vector.broadcast %add3A_290 : i32 to vector<16xi32>
    %add3A_292 = arith.addi %iota3A, %add3A_291 : vector<16xi32>
    %gather3A_293 = arith.constant 0 : i32
    %gather3A_294 = arith.constant 0 : i32
    %gather3A_295 = arith.constant 0 : i32
    %gather3A_296 = tpu.memref_slice %arg10[%gather3A_293, %gather3A_294, %gather3A_295] : memref<11x64x128xf32, #tpu.memory_space<vmem>> -> memref<1x64x128xf32, #tpu.memory_space<vmem>>
    %gather3A_297 = tpu.memref_squeeze %gather3A_296 : memref<1x64x128xf32, #tpu.memory_space<vmem>> -> memref<64x128xf32, #tpu.memory_space<vmem>>
    %gather3A_298 = tpu.vector_load_idx %gather3A_297[%add3A_292, %broadcast_in_dim3A] : memref<64x128xf32, #tpu.memory_space<vmem>>[vector<16xi32>, vector<16xi32>], vector<16xf32>,
    tpu.vector_store_idx %arg11[%add3A_292, %broadcast_in_dim3A_263], %gather3A_298 : memref<64x512xf32, #tpu.memory_space<vmem>>[vector<16xi32>, vector<16xi32>], vector<16xf32>,
    %get3A_299 = arith.constant 0 : index
    %get3A_300 = tpu.vector_load %arg9[%get3A_299] {strides = array<i32>} : memref<512xi32, #tpu.memory_space<vmem>>, vector<16xi32>,
    %slice3A_301 = vector.extract_strided_slice %get3A_300 {offsets = [0], sizes = [1], strides = [1]} : vector<16xi32> to vector<1xi32>
    %squeeze3A_302 = vector.extract %slice3A_301[0] : i32 from vector<1xi32>
    %shift_right_arithmetic3A_303 = arith.constant 7 : i32
    %shift_right_arithmetic3A_304 = arith.shrsi %squeeze3A_302, %shift_right_arithmetic3A_303 : i32
    %shift_left3A_305 = arith.constant 7 : i32
    %shift_left3A_306 = arith.shli %shift_right_arithmetic3A_304, %shift_left3A_305 : i32
    %multiple_of3A_307 = tpu.assume_multiple %shift_left3A_306, 128 : i32
    %dma_start3A_308 = arith.constant 0 : i32
    %dma_start3A_309 = arith.constant 0 : i32
    %dma_start3A_310 = arith.constant 0 : i32
    %dma_start3A_311 = tpu.memref_slice %arg10[%dma_start3A_308, %dma_start3A_309, %dma_start3A_310] : memref<11x64x128xf32, #tpu.memory_space<vmem>> -> memref<1x64x128xf32, #tpu.memory_space<vmem>>
    %dma_start3A_312 = tpu.memref_squeeze %dma_start3A_311 : memref<1x64x128xf32, #tpu.memory_space<vmem>> -> memref<64x128xf32, #tpu.memory_space<vmem>>
    %dma_start3A_313 = arith.constant 0 : i32
    %dma_start3A_314 = tpu.memref_slice %arg5[%dma_start3A_313, %multiple_of3A_307] : memref<64x1000000xf32, #tpu.memory_space<hbm>> -> memref<64x128xf32, #tpu.memory_space<hbm>>
    %dma_start3A_315 = arith.constant 0 : i32
    %dma_start3A_316 = arith.constant 0 : i32
    %dma_start3A_317 = tpu.memref_slice %arg10[%dma_start3A_308, %dma_start3A_315, %dma_start3A_316] : memref<11x64x128xf32, #tpu.memory_space<vmem>> -> memref<1x64x128xf32, #tpu.memory_space<vmem>>
    %dma_start3A_318 = tpu.memref_squeeze %dma_start3A_317 : memref<1x64x128xf32, #tpu.memory_space<vmem>> -> memref<64x128xf32, #tpu.memory_space<vmem>>
    %dma_start3A_319 = arith.constant 0 : i32
    %dma_start3A_320 = tpu.memref_slice %arg5[%dma_start3A_319, %multiple_of3A_307] : memref<64x1000000xf32, #tpu.memory_space<hbm>> -> memref<64x128xf32, #tpu.memory_space<hbm>>
    tpu.enqueue_dma source(%dma_start3A_320 : memref<64x128xf32, #tpu.memory_space<hbm>>) target(%dma_start3A_318 : memref<64x128xf32, #tpu.memory_space<vmem>>) target_semaphore(%arg12 : memref<!tpu.dma_semaphore, #tpu.memory_space<semaphore_mem>>)
    %dma_wait3A_321 = arith.constant 1 : i32
    %dma_wait3A_322 = arith.constant 0 : i32
    %dma_wait3A_323 = arith.constant 0 : i32
    %dma_wait3A_324 = tpu.memref_slice %arg10[%dma_wait3A_321, %dma_wait3A_322, %dma_wait3A_323] : memref<11x64x128xf32, #tpu.memory_space<vmem>> -> memref<1x64x128xf32, #tpu.memory_space<vmem>>
    %dma_wait3A_325 = tpu.memref_squeeze %dma_wait3A_324 : memref<1x64x128xf32, #tpu.memory_space<vmem>> -> memref<64x128xf32, #tpu.memory_space<vmem>>
    %dma_wait3A_326 = arith.constant 0 : i32
    %dma_wait3A_327 = arith.constant 0 : i32
    %dma_wait3A_328 = tpu.memref_slice %arg4[%dma_wait3A_326, %dma_wait3A_327] : memref<64x1000000xf32, #tpu.memory_space<hbm>> -> memref<64x128xf32, #tpu.memory_space<hbm>>
    %dma_wait3A_329 = arith.constant 0 : i32
    %dma_wait3A_330 = arith.constant 0 : i32
    %dma_wait3A_331 = tpu.memref_slice %arg10[%dma_wait3A_321, %dma_wait3A_329, %dma_wait3A_330] : memref<11x64x128xf32, #tpu.memory_space<vmem>> -> memref<1x64x128xf32, #tpu.memory_space<vmem>>
    %dma_wait3A_332 = tpu.memref_squeeze %dma_wait3A_331 : memref<1x64x128xf32, #tpu.memory_space<vmem>> -> memref<64x128xf32, #tpu.memory_space<vmem>>
    %dma_wait3A_333 = arith.constant 0 : i32
    %dma_wait3A_334 = arith.constant 0 : i32
    %dma_wait3A_335 = tpu.memref_slice %arg4[%dma_wait3A_333, %dma_wait3A_334] : memref<64x1000000xf32, #tpu.memory_space<hbm>> -> memref<64x128xf32, #tpu.memory_space<hbm>>
    tpu.wait_dma2 semaphore(%arg13 : memref<!tpu.dma_semaphore, #tpu.memory_space<semaphore_mem>>) src(%dma_wait3A_335 : memref<64x128xf32, #tpu.memory_space<hbm>>) dst(%dma_wait3A_332 : memref<64x128xf32, #tpu.memory_space<vmem>>)
    %get3A_336 = arith.constant 496 : index
    %get3A_337 = tpu.vector_load %arg8[%get3A_336] {strides = array<i32>} : memref<512xi32, #tpu.memory_space<vmem>>, vector<16xi32>,
    %slice3A_338 = vector.extract_strided_slice %get3A_337 {offsets = [11], sizes = [1], strides = [1]} : vector<16xi32> to vector<1xi32>
    %squeeze3A_339 = vector.extract %slice3A_338[0] : i32 from vector<1xi32>
    %and3A_340 = arith.constant 127 : i32
    %and3A_341 = arith.andi %squeeze3A_339, %and3A_340 : i32
    %broadcast_in_dim3A_342 = vector.broadcast %and3A_341 : i32 to vector<16xi32>
    %broadcast_in_dim3A_343 = arith.constant 507 : i32
    %broadcast_in_dim3A_344 = vector.broadcast %broadcast_in_dim3A_343 : i32 to vector<16xi32>
    %add3A_345 = arith.constant 0 : i32
    %add3A_346 = vector.broadcast %add3A_345 : i32 to vector<16xi32>
    %add3A_347 = arith.addi %iota3A, %add3A_346 : vector<16xi32>
    %gather3A_348 = arith.constant 1 : i32
    %gather3A_349 = arith.constant 0 : i32
    %gather3A_350 = arith.constant 0 : i32
    %gather3A_351 = tpu.memref_slice %arg10[%gather3A_348, %gather3A_349, %gather3A_350] : memref<11x64x128xf32, #tpu.memory_space<vmem>> -> memref<1x64x128xf32, #tpu.memory_space<vmem>>
    %gather3A_352 = tpu.memref_squeeze %gather3A_351 : memref<1x64x128xf32, #tpu.memory_space<vmem>> -> memref<64x128xf32, #tpu.memory_space<vmem>>
    %gather3A_353 = tpu.vector_load_idx %gather3A_352[%add3A_347, %broadcast_in_dim3A_342] : memref<64x128xf32, #tpu.memory_space<vmem>>[vector<16xi32>, vector<16xi32>], vector<16xf32>,
    tpu.vector_store_idx %arg11[%add3A_347, %broadcast_in_dim3A_344], %gather3A_353 : memref<64x512xf32, #tpu.memory_space<vmem>>[vector<16xi32>, vector<16xi32>], vector<16xf32>,
    %add3A_354 = arith.constant 16 : i32
    %add3A_355 = vector.broadcast %add3A_354 : i32 to vector<16xi32>
    %add3A_356 = arith.addi %iota3A, %add3A_355 : vector<16xi32>
    %gather3A_357 = arith.constant 1 : i32
    %gather3A_358 = arith.constant 0 : i32
    %gather3A_359 = arith.constant 0 : i32
    %gather3A_360 = tpu.memref_slice %arg10[%gather3A_357, %gather3A_358, %gather3A_359] : memref<11x64x128xf32, #tpu.memory_space<vmem>> -> memref<1x64x128xf32, #tpu.memory_space<vmem>>
    %gather3A_361 = tpu.memref_squeeze %gather3A_360 : memref<1x64x128xf32, #tpu.memory_space<vmem>> -> memref<64x128xf32, #tpu.memory_space<vmem>>
    %gather3A_362 = tpu.vector_load_idx %gather3A_361[%add3A_356, %broadcast_in_dim3A_342] : memref<64x128xf32, #tpu.memory_space<vmem>>[vector<16xi32>, vector<16xi32>], vector<16xf32>,
    tpu.vector_store_idx %arg11[%add3A_356, %broadcast_in_dim3A_344], %gather3A_362 : memref<64x512xf32, #tpu.memory_space<vmem>>[vector<16xi32>, vector<16xi32>], vector<16xf32>,
    %add3A_363 = arith.constant 32 : i32
    %add3A_364 = vector.broadcast %add3A_363 : i32 to vector<16xi32>
    %add3A_365 = arith.addi %iota3A, %add3A_364 : vector<16xi32>
    %gather3A_366 = arith.constant 1 : i32
    %gather3A_367 = arith.constant 0 : i32
    %gather3A_368 = arith.constant 0 : i32
    %gather3A_369 = tpu.memref_slice %arg10[%gather3A_366, %gather3A_367, %gather3A_368] : memref<11x64x128xf32, #tpu.memory_space<vmem>> -> memref<1x64x128xf32, #tpu.memory_space<vmem>>
    %gather3A_370 = tpu.memref_squeeze %gather3A_369 : memref<1x64x128xf32, #tpu.memory_space<vmem>> -> memref<64x128xf32, #tpu.memory_space<vmem>>
    %gather3A_371 = tpu.vector_load_idx %gather3A_370[%add3A_365, %broadcast_in_dim3A_342] : memref<64x128xf32, #tpu.memory_space<vmem>>[vector<16xi32>, vector<16xi32>], vector<16xf32>,
    tpu.vector_store_idx %arg11[%add3A_365, %broadcast_in_dim3A_344], %gather3A_371 : memref<64x512xf32, #tpu.memory_space<vmem>>[vector<16xi32>, vector<16xi32>], vector<16xf32>,
    %add3A_372 = arith.constant 48 : i32
    %add3A_373 = vector.broadcast %add3A_372 : i32 to vector<16xi32>
    %add3A_374 = arith.addi %iota3A, %add3A_373 : vector<16xi32>
    %gather3A_375 = arith.constant 1 : i32
    %gather3A_376 = arith.constant 0 : i32
    %gather3A_377 = arith.constant 0 : i32
    %gather3A_378 = tpu.memref_slice %arg10[%gather3A_375, %gather3A_376, %gather3A_377] : memref<11x64x128xf32, #tpu.memory_space<vmem>> -> memref<1x64x128xf32, #tpu.memory_space<vmem>>
    %gather3A_379 = tpu.memref_squeeze %gather3A_378 : memref<1x64x128xf32, #tpu.memory_space<vmem>> -> memref<64x128xf32, #tpu.memory_space<vmem>>
    %gather3A_380 = tpu.vector_load_idx %gather3A_379[%add3A_374, %broadcast_in_dim3A_342] : memref<64x128xf32, #tpu.memory_space<vmem>>[vector<16xi32>, vector<16xi32>], vector<16xf32>,
    tpu.vector_store_idx %arg11[%add3A_374, %broadcast_in_dim3A_344], %gather3A_380 : memref<64x512xf32, #tpu.memory_space<vmem>>[vector<16xi32>, vector<16xi32>], vector<16xf32>,
    %get3A_381 = arith.constant 0 : index
    %get3A_382 = tpu.vector_load %arg9[%get3A_381] {strides = array<i32>} : memref<512xi32, #tpu.memory_space<vmem>>, vector<16xi32>,
    %slice3A_383 = vector.extract_strided_slice %get3A_382 {offsets = [1], sizes = [1], strides = [1]} : vector<16xi32> to vector<1xi32>
    %squeeze3A_384 = vector.extract %slice3A_383[0] : i32 from vector<1xi32>
    %shift_right_arithmetic3A_385 = arith.constant 7 : i32
    %shift_right_arithmetic3A_386 = arith.shrsi %squeeze3A_384, %shift_right_arithmetic3A_385 : i32
    %shift_left3A_387 = arith.constant 7 : i32
    %shift_left3A_388 = arith.shli %shift_right_arithmetic3A_386, %shift_left3A_387 : i32
    %multiple_of3A_389 = tpu.assume_multiple %shift_left3A_388, 128 : i32
    %dma_start3A_390 = arith.constant 1 : i32
    %dma_start3A_391 = arith.constant 0 : i32
    %dma_start3A_392 = arith.constant 0 : i32
    %dma_start3A_393 = tpu.memref_slice %arg10[%dma_start3A_390, %dma_start3A_391, %dma_start3A_392] : memref<11x64x128xf32, #tpu.memory_space<vmem>> -> memref<1x64x128xf32, #tpu.memory_space<vmem>>
    %dma_start3A_394 = tpu.memref_squeeze %dma_start3A_393 : memref<1x64x128xf32, #tpu.memory_space<vmem>> -> memref<64x128xf32, #tpu.memory_space<vmem>>
    %dma_start3A_395 = arith.constant 0 : i32
    %dma_start3A_396 = tpu.memref_slice %arg5[%dma_start3A_395, %multiple_of3A_389] : memref<64x1000000xf32, #tpu.memory_space<hbm>> -> memref<64x128xf32, #tpu.memory_space<hbm>>
    %dma_start3A_397 = arith.constant 0 : i32
    %dma_start3A_398 = arith.constant 0 : i32
    %dma_start3A_399 = tpu.memref_slice %arg10[%dma_start3A_390, %dma_start3A_397, %dma_start3A_398] : memref<11x64x128xf32, #tpu.memory_space<vmem>> -> memref<1x64x128xf32, #tpu.memory_space<vmem>>
    %dma_start3A_400 = tpu.memref_squeeze %dma_start3A_399 : memref<1x64x128xf32, #tpu.memory_space<vmem>> -> memref<64x128xf32, #tpu.memory_space<vmem>>
    %dma_start3A_401 = arith.constant 0 : i32
    %dma_start3A_402 = tpu.memref_slice %arg5[%dma_start3A_401, %multiple_of3A_389] : memref<64x1000000xf32, #tpu.memory_space<hbm>> -> memref<64x128xf32, #tpu.memory_space<hbm>>
    tpu.enqueue_dma source(%dma_start3A_402 : memref<64x128xf32, #tpu.memory_space<hbm>>) target(%dma_start3A_400 : memref<64x128xf32, #tpu.memory_space<vmem>>) target_semaphore(%arg13 : memref<!tpu.dma_semaphore, #tpu.memory_space<semaphore_mem>>)
    %dma_wait3A_403 = arith.constant 2 : i32
    %dma_wait3A_404 = arith.constant 0 : i32
    %dma_wait3A_405 = arith.constant 0 : i32
    %dma_wait3A_406 = tpu.memref_slice %arg10[%dma_wait3A_403, %dma_wait3A_404, %dma_wait3A_405] : memref<11x64x128xf32, #tpu.memory_space<vmem>> -> memref<1x64x128xf32, #tpu.memory_space<vmem>>
    %dma_wait3A_407 = tpu.memref_squeeze %dma_wait3A_406 : memref<1x64x128xf32, #tpu.memory_space<vmem>> -> memref<64x128xf32, #tpu.memory_space<vmem>>
    %dma_wait3A_408 = arith.constant 0 : i32
    %dma_wait3A_409 = arith.constant 0 : i32
    %dma_wait3A_410 = tpu.memref_slice %arg4[%dma_wait3A_408, %dma_wait3A_409] : memref<64x1000000xf32, #tpu.memory_space<hbm>> -> memref<64x128xf32, #tpu.memory_space<hbm>>
    %dma_wait3A_411 = arith.constant 0 : i32
    %dma_wait3A_412 = arith.constant 0 : i32
    %dma_wait3A_413 = tpu.memref_slice %arg10[%dma_wait3A_403, %dma_wait3A_411, %dma_wait3A_412] : memref<11x64x128xf32, #tpu.memory_space<vmem>> -> memref<1x64x128xf32, #tpu.memory_space<vmem>>
    %dma_wait3A_414 = tpu.memref_squeeze %dma_wait3A_413 : memref<1x64x128xf32, #tpu.memory_space<vmem>> -> memref<64x128xf32, #tpu.memory_space<vmem>>
    %dma_wait3A_415 = arith.constant 0 : i32
    %dma_wait3A_416 = arith.constant 0 : i32
    %dma_wait3A_417 = tpu.memref_slice %arg4[%dma_wait3A_415, %dma_wait3A_416] : memref<64x1000000xf32, #tpu.memory_space<hbm>> -> memref<64x128xf32, #tpu.memory_space<hbm>>
    tpu.wait_dma2 semaphore(%arg14 : memref<!tpu.dma_semaphore, #tpu.memory_space<semaphore_mem>>) src(%dma_wait3A_417 : memref<64x128xf32, #tpu.memory_space<hbm>>) dst(%dma_wait3A_414 : memref<64x128xf32, #tpu.memory_space<vmem>>)
    %get3A_418 = arith.constant 496 : index
    %get3A_419 = tpu.vector_load %arg8[%get3A_418] {strides = array<i32>} : memref<512xi32, #tpu.memory_space<vmem>>, vector<16xi32>,
    %slice3A_420 = vector.extract_strided_slice %get3A_419 {offsets = [12], sizes = [1], strides = [1]} : vector<16xi32> to vector<1xi32>
    %squeeze3A_421 = vector.extract %slice3A_420[0] : i32 from vector<1xi32>
    %and3A_422 = arith.constant 127 : i32
    %and3A_423 = arith.andi %squeeze3A_421, %and3A_422 : i32
    %broadcast_in_dim3A_424 = vector.broadcast %and3A_423 : i32 to vector<16xi32>
    %broadcast_in_dim3A_425 = arith.constant 508 : i32
    %broadcast_in_dim3A_426 = vector.broadcast %broadcast_in_dim3A_425 : i32 to vector<16xi32>
    %add3A_427 = arith.constant 0 : i32
    %add3A_428 = vector.broadcast %add3A_427 : i32 to vector<16xi32>
    %add3A_429 = arith.addi %iota3A, %add3A_428 : vector<16xi32>
    %gather3A_430 = arith.constant 2 : i32
    %gather3A_431 = arith.constant 0 : i32
    %gather3A_432 = arith.constant 0 : i32
    %gather3A_433 = tpu.memref_slice %arg10[%gather3A_430, %gather3A_431, %gather3A_432] : memref<11x64x128xf32, #tpu.memory_space<vmem>> -> memref<1x64x128xf32, #tpu.memory_space<vmem>>
    %gather3A_434 = tpu.memref_squeeze %gather3A_433 : memref<1x64x128xf32, #tpu.memory_space<vmem>> -> memref<64x128xf32, #tpu.memory_space<vmem>>
    %gather3A_435 = tpu.vector_load_idx %gather3A_434[%add3A_429, %broadcast_in_dim3A_424] : memref<64x128xf32, #tpu.memory_space<vmem>>[vector<16xi32>, vector<16xi32>], vector<16xf32>,
    tpu.vector_store_idx %arg11[%add3A_429, %broadcast_in_dim3A_426], %gather3A_435 : memref<64x512xf32, #tpu.memory_space<vmem>>[vector<16xi32>, vector<16xi32>], vector<16xf32>,
    %add3A_436 = arith.constant 16 : i32
    %add3A_437 = vector.broadcast %add3A_436 : i32 to vector<16xi32>
    %add3A_438 = arith.addi %iota3A, %add3A_437 : vector<16xi32>
    %gather3A_439 = arith.constant 2 : i32
    %gather3A_440 = arith.constant 0 : i32
    %gather3A_441 = arith.constant 0 : i32
    %gather3A_442 = tpu.memref_slice %arg10[%gather3A_439, %gather3A_440, %gather3A_441] : memref<11x64x128xf32, #tpu.memory_space<vmem>> -> memref<1x64x128xf32, #tpu.memory_space<vmem>>
    %gather3A_443 = tpu.memref_squeeze %gather3A_442 : memref<1x64x128xf32, #tpu.memory_space<vmem>> -> memref<64x128xf32, #tpu.memory_space<vmem>>
    %gather3A_444 = tpu.vector_load_idx %gather3A_443[%add3A_438, %broadcast_in_dim3A_424] : memref<64x128xf32, #tpu.memory_space<vmem>>[vector<16xi32>, vector<16xi32>], vector<16xf32>,
    tpu.vector_store_idx %arg11[%add3A_438, %broadcast_in_dim3A_426], %gather3A_444 : memref<64x512xf32, #tpu.memory_space<vmem>>[vector<16xi32>, vector<16xi32>], vector<16xf32>,
    %add3A_445 = arith.constant 32 : i32
    %add3A_446 = vector.broadcast %add3A_445 : i32 to vector<16xi32>
    %add3A_447 = arith.addi %iota3A, %add3A_446 : vector<16xi32>
    %gather3A_448 = arith.constant 2 : i32
    %gather3A_449 = arith.constant 0 : i32
    %gather3A_450 = arith.constant 0 : i32
    %gather3A_451 = tpu.memref_slice %arg10[%gather3A_448, %gather3A_449, %gather3A_450] : memref<11x64x128xf32, #tpu.memory_space<vmem>> -> memref<1x64x128xf32, #tpu.memory_space<vmem>>
    %gather3A_452 = tpu.memref_squeeze %gather3A_451 : memref<1x64x128xf32, #tpu.memory_space<vmem>> -> memref<64x128xf32, #tpu.memory_space<vmem>>
    %gather3A_453 = tpu.vector_load_idx %gather3A_452[%add3A_447, %broadcast_in_dim3A_424] : memref<64x128xf32, #tpu.memory_space<vmem>>[vector<16xi32>, vector<16xi32>], vector<16xf32>,
    tpu.vector_store_idx %arg11[%add3A_447, %broadcast_in_dim3A_426], %gather3A_453 : memref<64x512xf32, #tpu.memory_space<vmem>>[vector<16xi32>, vector<16xi32>], vector<16xf32>,
    %add3A_454 = arith.constant 48 : i32
    %add3A_455 = vector.broadcast %add3A_454 : i32 to vector<16xi32>
    %add3A_456 = arith.addi %iota3A, %add3A_455 : vector<16xi32>
    %gather3A_457 = arith.constant 2 : i32
    %gather3A_458 = arith.constant 0 : i32
    %gather3A_459 = arith.constant 0 : i32
    %gather3A_460 = tpu.memref_slice %arg10[%gather3A_457, %gather3A_458, %gather3A_459] : memref<11x64x128xf32, #tpu.memory_space<vmem>> -> memref<1x64x128xf32, #tpu.memory_space<vmem>>
    %gather3A_461 = tpu.memref_squeeze %gather3A_460 : memref<1x64x128xf32, #tpu.memory_space<vmem>> -> memref<64x128xf32, #tpu.memory_space<vmem>>
    %gather3A_462 = tpu.vector_load_idx %gather3A_461[%add3A_456, %broadcast_in_dim3A_424] : memref<64x128xf32, #tpu.memory_space<vmem>>[vector<16xi32>, vector<16xi32>], vector<16xf32>,
    tpu.vector_store_idx %arg11[%add3A_456, %broadcast_in_dim3A_426], %gather3A_462 : memref<64x512xf32, #tpu.memory_space<vmem>>[vector<16xi32>, vector<16xi32>], vector<16xf32>,
    %get3A_463 = arith.constant 0 : index
    %get3A_464 = tpu.vector_load %arg9[%get3A_463] {strides = array<i32>} : memref<512xi32, #tpu.memory_space<vmem>>, vector<16xi32>,
    %slice3A_465 = vector.extract_strided_slice %get3A_464 {offsets = [2], sizes = [1], strides = [1]} : vector<16xi32> to vector<1xi32>
    %squeeze3A_466 = vector.extract %slice3A_465[0] : i32 from vector<1xi32>
    %shift_right_arithmetic3A_467 = arith.constant 7 : i32
    %shift_right_arithmetic3A_468 = arith.shrsi %squeeze3A_466, %shift_right_arithmetic3A_467 : i32
    %shift_left3A_469 = arith.constant 7 : i32
    %shift_left3A_470 = arith.shli %shift_right_arithmetic3A_468, %shift_left3A_469 : i32
    %multiple_of3A_471 = tpu.assume_multiple %shift_left3A_470, 128 : i32
    %dma_start3A_472 = arith.constant 2 : i32
    %dma_start3A_473 = arith.constant 0 : i32
    %dma_start3A_474 = arith.constant 0 : i32
    %dma_start3A_475 = tpu.memref_slice %arg10[%dma_start3A_472, %dma_start3A_473, %dma_start3A_474] : memref<11x64x128xf32, #tpu.memory_space<vmem>> -> memref<1x64x128xf32, #tpu.memory_space<vmem>>
    %dma_start3A_476 = tpu.memref_squeeze %dma_start3A_475 : memref<1x64x128xf32, #tpu.memory_space<vmem>> -> memref<64x128xf32, #tpu.memory_space<vmem>>
    %dma_start3A_477 = arith.constant 0 : i32
    %dma_start3A_478 = tpu.memref_slice %arg5[%dma_start3A_477, %multiple_of3A_471] : memref<64x1000000xf32, #tpu.memory_space<hbm>> -> memref<64x128xf32, #tpu.memory_space<hbm>>
    %dma_start3A_479 = arith.constant 0 : i32
    %dma_start3A_480 = arith.constant 0 : i32
    %dma_start3A_481 = tpu.memref_slice %arg10[%dma_start3A_472, %dma_start3A_479, %dma_start3A_480] : memref<11x64x128xf32, #tpu.memory_space<vmem>> -> memref<1x64x128xf32, #tpu.memory_space<vmem>>
    %dma_start3A_482 = tpu.memref_squeeze %dma_start3A_481 : memref<1x64x128xf32, #tpu.memory_space<vmem>> -> memref<64x128xf32, #tpu.memory_space<vmem>>
    %dma_start3A_483 = arith.constant 0 : i32
    %dma_start3A_484 = tpu.memref_slice %arg5[%dma_start3A_483, %multiple_of3A_471] : memref<64x1000000xf32, #tpu.memory_space<hbm>> -> memref<64x128xf32, #tpu.memory_space<hbm>>
    tpu.enqueue_dma source(%dma_start3A_484 : memref<64x128xf32, #tpu.memory_space<hbm>>) target(%dma_start3A_482 : memref<64x128xf32, #tpu.memory_space<vmem>>) target_semaphore(%arg14 : memref<!tpu.dma_semaphore, #tpu.memory_space<semaphore_mem>>)
    %dma_wait3A_485 = arith.constant 3 : i32
    %dma_wait3A_486 = arith.constant 0 : i32
    %dma_wait3A_487 = arith.constant 0 : i32
    %dma_wait3A_488 = tpu.memref_slice %arg10[%dma_wait3A_485, %dma_wait3A_486, %dma_wait3A_487] : memref<11x64x128xf32, #tpu.memory_space<vmem>> -> memref<1x64x128xf32, #tpu.memory_space<vmem>>
    %dma_wait3A_489 = tpu.memref_squeeze %dma_wait3A_488 : memref<1x64x128xf32, #tpu.memory_space<vmem>> -> memref<64x128xf32, #tpu.memory_space<vmem>>
    %dma_wait3A_490 = arith.constant 0 : i32
    %dma_wait3A_491 = arith.constant 0 : i32
    %dma_wait3A_492 = tpu.memref_slice %arg4[%dma_wait3A_490, %dma_wait3A_491] : memref<64x1000000xf32, #tpu.memory_space<hbm>> -> memref<64x128xf32, #tpu.memory_space<hbm>>
    %dma_wait3A_493 = arith.constant 0 : i32
    %dma_wait3A_494 = arith.constant 0 : i32
    %dma_wait3A_495 = tpu.memref_slice %arg10[%dma_wait3A_485, %dma_wait3A_493, %dma_wait3A_494] : memref<11x64x128xf32, #tpu.memory_space<vmem>> -> memref<1x64x128xf32, #tpu.memory_space<vmem>>
    %dma_wait3A_496 = tpu.memref_squeeze %dma_wait3A_495 : memref<1x64x128xf32, #tpu.memory_space<vmem>> -> memref<64x128xf32, #tpu.memory_space<vmem>>
    %dma_wait3A_497 = arith.constant 0 : i32
    %dma_wait3A_498 = arith.constant 0 : i32
    %dma_wait3A_499 = tpu.memref_slice %arg4[%dma_wait3A_497, %dma_wait3A_498] : memref<64x1000000xf32, #tpu.memory_space<hbm>> -> memref<64x128xf32, #tpu.memory_space<hbm>>
    tpu.wait_dma2 semaphore(%arg15 : memref<!tpu.dma_semaphore, #tpu.memory_space<semaphore_mem>>) src(%dma_wait3A_499 : memref<64x128xf32, #tpu.memory_space<hbm>>) dst(%dma_wait3A_496 : memref<64x128xf32, #tpu.memory_space<vmem>>)
    %get3A_500 = arith.constant 496 : index
    %get3A_501 = tpu.vector_load %arg8[%get3A_500] {strides = array<i32>} : memref<512xi32, #tpu.memory_space<vmem>>, vector<16xi32>,
    %slice3A_502 = vector.extract_strided_slice %get3A_501 {offsets = [13], sizes = [1], strides = [1]} : vector<16xi32> to vector<1xi32>
    %squeeze3A_503 = vector.extract %slice3A_502[0] : i32 from vector<1xi32>
    %and3A_504 = arith.constant 127 : i32
    %and3A_505 = arith.andi %squeeze3A_503, %and3A_504 : i32
    %broadcast_in_dim3A_506 = vector.broadcast %and3A_505 : i32 to vector<16xi32>
    %broadcast_in_dim3A_507 = arith.constant 509 : i32
    %broadcast_in_dim3A_508 = vector.broadcast %broadcast_in_dim3A_507 : i32 to vector<16xi32>
    %add3A_509 = arith.constant 0 : i32
    %add3A_510 = vector.broadcast %add3A_509 : i32 to vector<16xi32>
    %add3A_511 = arith.addi %iota3A, %add3A_510 : vector<16xi32>
    %gather3A_512 = arith.constant 3 : i32
    %gather3A_513 = arith.constant 0 : i32
    %gather3A_514 = arith.constant 0 : i32
    %gather3A_515 = tpu.memref_slice %arg10[%gather3A_512, %gather3A_513, %gather3A_514] : memref<11x64x128xf32, #tpu.memory_space<vmem>> -> memref<1x64x128xf32, #tpu.memory_space<vmem>>
    %gather3A_516 = tpu.memref_squeeze %gather3A_515 : memref<1x64x128xf32, #tpu.memory_space<vmem>> -> memref<64x128xf32, #tpu.memory_space<vmem>>
    %gather3A_517 = tpu.vector_load_idx %gather3A_516[%add3A_511, %broadcast_in_dim3A_506] : memref<64x128xf32, #tpu.memory_space<vmem>>[vector<16xi32>, vector<16xi32>], vector<16xf32>,
    tpu.vector_store_idx %arg11[%add3A_511, %broadcast_in_dim3A_508], %gather3A_517 : memref<64x512xf32, #tpu.memory_space<vmem>>[vector<16xi32>, vector<16xi32>], vector<16xf32>,
    %add3A_518 = arith.constant 16 : i32
    %add3A_519 = vector.broadcast %add3A_518 : i32 to vector<16xi32>
    %add3A_520 = arith.addi %iota3A, %add3A_519 : vector<16xi32>
    %gather3A_521 = arith.constant 3 : i32
    %gather3A_522 = arith.constant 0 : i32
    %gather3A_523 = arith.constant 0 : i32
    %gather3A_524 = tpu.memref_slice %arg10[%gather3A_521, %gather3A_522, %gather3A_523] : memref<11x64x128xf32, #tpu.memory_space<vmem>> -> memref<1x64x128xf32, #tpu.memory_space<vmem>>
    %gather3A_525 = tpu.memref_squeeze %gather3A_524 : memref<1x64x128xf32, #tpu.memory_space<vmem>> -> memref<64x128xf32, #tpu.memory_space<vmem>>
    %gather3A_526 = tpu.vector_load_idx %gather3A_525[%add3A_520, %broadcast_in_dim3A_506] : memref<64x128xf32, #tpu.memory_space<vmem>>[vector<16xi32>, vector<16xi32>], vector<16xf32>,
    tpu.vector_store_idx %arg11[%add3A_520, %broadcast_in_dim3A_508], %gather3A_526 : memref<64x512xf32, #tpu.memory_space<vmem>>[vector<16xi32>, vector<16xi32>], vector<16xf32>,
    %add3A_527 = arith.constant 32 : i32
    %add3A_528 = vector.broadcast %add3A_527 : i32 to vector<16xi32>
    %add3A_529 = arith.addi %iota3A, %add3A_528 : vector<16xi32>
    %gather3A_530 = arith.constant 3 : i32
    %gather3A_531 = arith.constant 0 : i32
    %gather3A_532 = arith.constant 0 : i32
    %gather3A_533 = tpu.memref_slice %arg10[%gather3A_530, %gather3A_531, %gather3A_532] : memref<11x64x128xf32, #tpu.memory_space<vmem>> -> memref<1x64x128xf32, #tpu.memory_space<vmem>>
    %gather3A_534 = tpu.memref_squeeze %gather3A_533 : memref<1x64x128xf32, #tpu.memory_space<vmem>> -> memref<64x128xf32, #tpu.memory_space<vmem>>
    %gather3A_535 = tpu.vector_load_idx %gather3A_534[%add3A_529, %broadcast_in_dim3A_506] : memref<64x128xf32, #tpu.memory_space<vmem>>[vector<16xi32>, vector<16xi32>], vector<16xf32>,
    tpu.vector_store_idx %arg11[%add3A_529, %broadcast_in_dim3A_508], %gather3A_535 : memref<64x512xf32, #tpu.memory_space<vmem>>[vector<16xi32>, vector<16xi32>], vector<16xf32>,
    %add3A_536 = arith.constant 48 : i32
    %add3A_537 = vector.broadcast %add3A_536 : i32 to vector<16xi32>
    %add3A_538 = arith.addi %iota3A, %add3A_537 : vector<16xi32>
    %gather3A_539 = arith.constant 3 : i32
    %gather3A_540 = arith.constant 0 : i32
    %gather3A_541 = arith.constant 0 : i32
    %gather3A_542 = tpu.memref_slice %arg10[%gather3A_539, %gather3A_540, %gather3A_541] : memref<11x64x128xf32, #tpu.memory_space<vmem>> -> memref<1x64x128xf32, #tpu.memory_space<vmem>>
    %gather3A_543 = tpu.memref_squeeze %gather3A_542 : memref<1x64x128xf32, #tpu.memory_space<vmem>> -> memref<64x128xf32, #tpu.memory_space<vmem>>
    %gather3A_544 = tpu.vector_load_idx %gather3A_543[%add3A_538, %broadcast_in_dim3A_506] : memref<64x128xf32, #tpu.memory_space<vmem>>[vector<16xi32>, vector<16xi32>], vector<16xf32>,
    tpu.vector_store_idx %arg11[%add3A_538, %broadcast_in_dim3A_508], %gather3A_544 : memref<64x512xf32, #tpu.memory_space<vmem>>[vector<16xi32>, vector<16xi32>], vector<16xf32>,
    %get3A_545 = arith.constant 0 : index
    %get3A_546 = tpu.vector_load %arg9[%get3A_545] {strides = array<i32>} : memref<512xi32, #tpu.memory_space<vmem>>, vector<16xi32>,
    %slice3A_547 = vector.extract_strided_slice %get3A_546 {offsets = [3], sizes = [1], strides = [1]} : vector<16xi32> to vector<1xi32>
    %squeeze3A_548 = vector.extract %slice3A_547[0] : i32 from vector<1xi32>
    %shift_right_arithmetic3A_549 = arith.constant 7 : i32
    %shift_right_arithmetic3A_550 = arith.shrsi %squeeze3A_548, %shift_right_arithmetic3A_549 : i32
    %shift_left3A_551 = arith.constant 7 : i32
    %shift_left3A_552 = arith.shli %shift_right_arithmetic3A_550, %shift_left3A_551 : i32
    %multiple_of3A_553 = tpu.assume_multiple %shift_left3A_552, 128 : i32
    %dma_start3A_554 = arith.constant 3 : i32
    %dma_start3A_555 = arith.constant 0 : i32
    %dma_start3A_556 = arith.constant 0 : i32
    %dma_start3A_557 = tpu.memref_slice %arg10[%dma_start3A_554, %dma_start3A_555, %dma_start3A_556] : memref<11x64x128xf32, #tpu.memory_space<vmem>> -> memref<1x64x128xf32, #tpu.memory_space<vmem>>
    %dma_start3A_558 = tpu.memref_squeeze %dma_start3A_557 : memref<1x64x128xf32, #tpu.memory_space<vmem>> -> memref<64x128xf32, #tpu.memory_space<vmem>>
    %dma_start3A_559 = arith.constant 0 : i32
    %dma_start3A_560 = tpu.memref_slice %arg5[%dma_start3A_559, %multiple_of3A_553] : memref<64x1000000xf32, #tpu.memory_space<hbm>> -> memref<64x128xf32, #tpu.memory_space<hbm>>
    %dma_start3A_561 = arith.constant 0 : i32
    %dma_start3A_562 = arith.constant 0 : i32
    %dma_start3A_563 = tpu.memref_slice %arg10[%dma_start3A_554, %dma_start3A_561, %dma_start3A_562] : memref<11x64x128xf32, #tpu.memory_space<vmem>> -> memref<1x64x128xf32, #tpu.memory_space<vmem>>
    %dma_start3A_564 = tpu.memref_squeeze %dma_start3A_563 : memref<1x64x128xf32, #tpu.memory_space<vmem>> -> memref<64x128xf32, #tpu.memory_space<vmem>>
    %dma_start3A_565 = arith.constant 0 : i32
    %dma_start3A_566 = tpu.memref_slice %arg5[%dma_start3A_565, %multiple_of3A_553] : memref<64x1000000xf32, #tpu.memory_space<hbm>> -> memref<64x128xf32, #tpu.memory_space<hbm>>
    tpu.enqueue_dma source(%dma_start3A_566 : memref<64x128xf32, #tpu.memory_space<hbm>>) target(%dma_start3A_564 : memref<64x128xf32, #tpu.memory_space<vmem>>) target_semaphore(%arg15 : memref<!tpu.dma_semaphore, #tpu.memory_space<semaphore_mem>>)
    %dma_wait3A_567 = arith.constant 4 : i32
    %dma_wait3A_568 = arith.constant 0 : i32
    %dma_wait3A_569 = arith.constant 0 : i32
    %dma_wait3A_570 = tpu.memref_slice %arg10[%dma_wait3A_567, %dma_wait3A_568, %dma_wait3A_569] : memref<11x64x128xf32, #tpu.memory_space<vmem>> -> memref<1x64x128xf32, #tpu.memory_space<vmem>>
    %dma_wait3A_571 = tpu.memref_squeeze %dma_wait3A_570 : memref<1x64x128xf32, #tpu.memory_space<vmem>> -> memref<64x128xf32, #tpu.memory_space<vmem>>
    %dma_wait3A_572 = arith.constant 0 : i32
    %dma_wait3A_573 = arith.constant 0 : i32
    %dma_wait3A_574 = tpu.memref_slice %arg4[%dma_wait3A_572, %dma_wait3A_573] : memref<64x1000000xf32, #tpu.memory_space<hbm>> -> memref<64x128xf32, #tpu.memory_space<hbm>>
    %dma_wait3A_575 = arith.constant 0 : i32
    %dma_wait3A_576 = arith.constant 0 : i32
    %dma_wait3A_577 = tpu.memref_slice %arg10[%dma_wait3A_567, %dma_wait3A_575, %dma_wait3A_576] : memref<11x64x128xf32, #tpu.memory_space<vmem>> -> memref<1x64x128xf32, #tpu.memory_space<vmem>>
    %dma_wait3A_578 = tpu.memref_squeeze %dma_wait3A_577 : memref<1x64x128xf32, #tpu.memory_space<vmem>> -> memref<64x128xf32, #tpu.memory_space<vmem>>
    %dma_wait3A_579 = arith.constant 0 : i32
    %dma_wait3A_580 = arith.constant 0 : i32
    %dma_wait3A_581 = tpu.memref_slice %arg4[%dma_wait3A_579, %dma_wait3A_580] : memref<64x1000000xf32, #tpu.memory_space<hbm>> -> memref<64x128xf32, #tpu.memory_space<hbm>>
    tpu.wait_dma2 semaphore(%arg16 : memref<!tpu.dma_semaphore, #tpu.memory_space<semaphore_mem>>) src(%dma_wait3A_581 : memref<64x128xf32, #tpu.memory_space<hbm>>) dst(%dma_wait3A_578 : memref<64x128xf32, #tpu.memory_space<vmem>>)
    %get3A_582 = arith.constant 496 : index
    %get3A_583 = tpu.vector_load %arg8[%get3A_582] {strides = array<i32>} : memref<512xi32, #tpu.memory_space<vmem>>, vector<16xi32>,
    %slice3A_584 = vector.extract_strided_slice %get3A_583 {offsets = [14], sizes = [1], strides = [1]} : vector<16xi32> to vector<1xi32>
    %squeeze3A_585 = vector.extract %slice3A_584[0] : i32 from vector<1xi32>
    %and3A_586 = arith.constant 127 : i32
    %and3A_587 = arith.andi %squeeze3A_585, %and3A_586 : i32
    %broadcast_in_dim3A_588 = vector.broadcast %and3A_587 : i32 to vector<16xi32>
    %broadcast_in_dim3A_589 = arith.constant 510 : i32
    %broadcast_in_dim3A_590 = vector.broadcast %broadcast_in_dim3A_589 : i32 to vector<16xi32>
    %add3A_591 = arith.constant 0 : i32
    %add3A_592 = vector.broadcast %add3A_591 : i32 to vector<16xi32>
    %add3A_593 = arith.addi %iota3A, %add3A_592 : vector<16xi32>
    %gather3A_594 = arith.constant 4 : i32
    %gather3A_595 = arith.constant 0 : i32
    %gather3A_596 = arith.constant 0 : i32
    %gather3A_597 = tpu.memref_slice %arg10[%gather3A_594, %gather3A_595, %gather3A_596] : memref<11x64x128xf32, #tpu.memory_space<vmem>> -> memref<1x64x128xf32, #tpu.memory_space<vmem>>
    %gather3A_598 = tpu.memref_squeeze %gather3A_597 : memref<1x64x128xf32, #tpu.memory_space<vmem>> -> memref<64x128xf32, #tpu.memory_space<vmem>>
    %gather3A_599 = tpu.vector_load_idx %gather3A_598[%add3A_593, %broadcast_in_dim3A_588] : memref<64x128xf32, #tpu.memory_space<vmem>>[vector<16xi32>, vector<16xi32>], vector<16xf32>,
    tpu.vector_store_idx %arg11[%add3A_593, %broadcast_in_dim3A_590], %gather3A_599 : memref<64x512xf32, #tpu.memory_space<vmem>>[vector<16xi32>, vector<16xi32>], vector<16xf32>,
    %add3A_600 = arith.constant 16 : i32
    %add3A_601 = vector.broadcast %add3A_600 : i32 to vector<16xi32>
    %add3A_602 = arith.addi %iota3A, %add3A_601 : vector<16xi32>
    %gather3A_603 = arith.constant 4 : i32
    %gather3A_604 = arith.constant 0 : i32
    %gather3A_605 = arith.constant 0 : i32
    %gather3A_606 = tpu.memref_slice %arg10[%gather3A_603, %gather3A_604, %gather3A_605] : memref<11x64x128xf32, #tpu.memory_space<vmem>> -> memref<1x64x128xf32, #tpu.memory_space<vmem>>
    %gather3A_607 = tpu.memref_squeeze %gather3A_606 : memref<1x64x128xf32, #tpu.memory_space<vmem>> -> memref<64x128xf32, #tpu.memory_space<vmem>>
    %gather3A_608 = tpu.vector_load_idx %gather3A_607[%add3A_602, %broadcast_in_dim3A_588] : memref<64x128xf32, #tpu.memory_space<vmem>>[vector<16xi32>, vector<16xi32>], vector<16xf32>,
    tpu.vector_store_idx %arg11[%add3A_602, %broadcast_in_dim3A_590], %gather3A_608 : memref<64x512xf32, #tpu.memory_space<vmem>>[vector<16xi32>, vector<16xi32>], vector<16xf32>,
    %add3A_609 = arith.constant 32 : i32
    %add3A_610 = vector.broadcast %add3A_609 : i32 to vector<16xi32>
    %add3A_611 = arith.addi %iota3A, %add3A_610 : vector<16xi32>
    %gather3A_612 = arith.constant 4 : i32
    %gather3A_613 = arith.constant 0 : i32
    %gather3A_614 = arith.constant 0 : i32
    %gather3A_615 = tpu.memref_slice %arg10[%gather3A_612, %gather3A_613, %gather3A_614] : memref<11x64x128xf32, #tpu.memory_space<vmem>> -> memref<1x64x128xf32, #tpu.memory_space<vmem>>
    %gather3A_616 = tpu.memref_squeeze %gather3A_615 : memref<1x64x128xf32, #tpu.memory_space<vmem>> -> memref<64x128xf32, #tpu.memory_space<vmem>>
    %gather3A_617 = tpu.vector_load_idx %gather3A_616[%add3A_611, %broadcast_in_dim3A_588] : memref<64x128xf32, #tpu.memory_space<vmem>>[vector<16xi32>, vector<16xi32>], vector<16xf32>,
    tpu.vector_store_idx %arg11[%add3A_611, %broadcast_in_dim3A_590], %gather3A_617 : memref<64x512xf32, #tpu.memory_space<vmem>>[vector<16xi32>, vector<16xi32>], vector<16xf32>,
    %add3A_618 = arith.constant 48 : i32
    %add3A_619 = vector.broadcast %add3A_618 : i32 to vector<16xi32>
    %add3A_620 = arith.addi %iota3A, %add3A_619 : vector<16xi32>
    %gather3A_621 = arith.constant 4 : i32
    %gather3A_622 = arith.constant 0 : i32
    %gather3A_623 = arith.constant 0 : i32
    %gather3A_624 = tpu.memref_slice %arg10[%gather3A_621, %gather3A_622, %gather3A_623] : memref<11x64x128xf32, #tpu.memory_space<vmem>> -> memref<1x64x128xf32, #tpu.memory_space<vmem>>
    %gather3A_625 = tpu.memref_squeeze %gather3A_624 : memref<1x64x128xf32, #tpu.memory_space<vmem>> -> memref<64x128xf32, #tpu.memory_space<vmem>>
    %gather3A_626 = tpu.vector_load_idx %gather3A_625[%add3A_620, %broadcast_in_dim3A_588] : memref<64x128xf32, #tpu.memory_space<vmem>>[vector<16xi32>, vector<16xi32>], vector<16xf32>,
    tpu.vector_store_idx %arg11[%add3A_620, %broadcast_in_dim3A_590], %gather3A_626 : memref<64x512xf32, #tpu.memory_space<vmem>>[vector<16xi32>, vector<16xi32>], vector<16xf32>,
    %get3A_627 = arith.constant 0 : index
    %get3A_628 = tpu.vector_load %arg9[%get3A_627] {strides = array<i32>} : memref<512xi32, #tpu.memory_space<vmem>>, vector<16xi32>,
    %slice3A_629 = vector.extract_strided_slice %get3A_628 {offsets = [4], sizes = [1], strides = [1]} : vector<16xi32> to vector<1xi32>
    %squeeze3A_630 = vector.extract %slice3A_629[0] : i32 from vector<1xi32>
    %shift_right_arithmetic3A_631 = arith.constant 7 : i32
    %shift_right_arithmetic3A_632 = arith.shrsi %squeeze3A_630, %shift_right_arithmetic3A_631 : i32
    %shift_left3A_633 = arith.constant 7 : i32
    %shift_left3A_634 = arith.shli %shift_right_arithmetic3A_632, %shift_left3A_633 : i32
    %multiple_of3A_635 = tpu.assume_multiple %shift_left3A_634, 128 : i32
    %dma_start3A_636 = arith.constant 4 : i32
    %dma_start3A_637 = arith.constant 0 : i32
    %dma_start3A_638 = arith.constant 0 : i32
    %dma_start3A_639 = tpu.memref_slice %arg10[%dma_start3A_636, %dma_start3A_637, %dma_start3A_638] : memref<11x64x128xf32, #tpu.memory_space<vmem>> -> memref<1x64x128xf32, #tpu.memory_space<vmem>>
    %dma_start3A_640 = tpu.memref_squeeze %dma_start3A_639 : memref<1x64x128xf32, #tpu.memory_space<vmem>> -> memref<64x128xf32, #tpu.memory_space<vmem>>
    %dma_start3A_641 = arith.constant 0 : i32
    %dma_start3A_642 = tpu.memref_slice %arg5[%dma_start3A_641, %multiple_of3A_635] : memref<64x1000000xf32, #tpu.memory_space<hbm>> -> memref<64x128xf32, #tpu.memory_space<hbm>>
    %dma_start3A_643 = arith.constant 0 : i32
    %dma_start3A_644 = arith.constant 0 : i32
    %dma_start3A_645 = tpu.memref_slice %arg10[%dma_start3A_636, %dma_start3A_643, %dma_start3A_644] : memref<11x64x128xf32, #tpu.memory_space<vmem>> -> memref<1x64x128xf32, #tpu.memory_space<vmem>>
    %dma_start3A_646 = tpu.memref_squeeze %dma_start3A_645 : memref<1x64x128xf32, #tpu.memory_space<vmem>> -> memref<64x128xf32, #tpu.memory_space<vmem>>
    %dma_start3A_647 = arith.constant 0 : i32
    %dma_start3A_648 = tpu.memref_slice %arg5[%dma_start3A_647, %multiple_of3A_635] : memref<64x1000000xf32, #tpu.memory_space<hbm>> -> memref<64x128xf32, #tpu.memory_space<hbm>>
    tpu.enqueue_dma source(%dma_start3A_648 : memref<64x128xf32, #tpu.memory_space<hbm>>) target(%dma_start3A_646 : memref<64x128xf32, #tpu.memory_space<vmem>>) target_semaphore(%arg16 : memref<!tpu.dma_semaphore, #tpu.memory_space<semaphore_mem>>)
    %dma_wait3A_649 = arith.constant 5 : i32
    %dma_wait3A_650 = arith.constant 0 : i32
    %dma_wait3A_651 = arith.constant 0 : i32
    %dma_wait3A_652 = tpu.memref_slice %arg10[%dma_wait3A_649, %dma_wait3A_650, %dma_wait3A_651] : memref<11x64x128xf32, #tpu.memory_space<vmem>> -> memref<1x64x128xf32, #tpu.memory_space<vmem>>
    %dma_wait3A_653 = tpu.memref_squeeze %dma_wait3A_652 : memref<1x64x128xf32, #tpu.memory_space<vmem>> -> memref<64x128xf32, #tpu.memory_space<vmem>>
    %dma_wait3A_654 = arith.constant 0 : i32
    %dma_wait3A_655 = arith.constant 0 : i32
    %dma_wait3A_656 = tpu.memref_slice %arg4[%dma_wait3A_654, %dma_wait3A_655] : memref<64x1000000xf32, #tpu.memory_space<hbm>> -> memref<64x128xf32, #tpu.memory_space<hbm>>
    %dma_wait3A_657 = arith.constant 0 : i32
    %dma_wait3A_658 = arith.constant 0 : i32
    %dma_wait3A_659 = tpu.memref_slice %arg10[%dma_wait3A_649, %dma_wait3A_657, %dma_wait3A_658] : memref<11x64x128xf32, #tpu.memory_space<vmem>> -> memref<1x64x128xf32, #tpu.memory_space<vmem>>
    %dma_wait3A_660 = tpu.memref_squeeze %dma_wait3A_659 : memref<1x64x128xf32, #tpu.memory_space<vmem>> -> memref<64x128xf32, #tpu.memory_space<vmem>>
    %dma_wait3A_661 = arith.constant 0 : i32
    %dma_wait3A_662 = arith.constant 0 : i32
    %dma_wait3A_663 = tpu.memref_slice %arg4[%dma_wait3A_661, %dma_wait3A_662] : memref<64x1000000xf32, #tpu.memory_space<hbm>> -> memref<64x128xf32, #tpu.memory_space<hbm>>
    tpu.wait_dma2 semaphore(%arg17 : memref<!tpu.dma_semaphore, #tpu.memory_space<semaphore_mem>>) src(%dma_wait3A_663 : memref<64x128xf32, #tpu.memory_space<hbm>>) dst(%dma_wait3A_660 : memref<64x128xf32, #tpu.memory_space<vmem>>)
    %get3A_664 = arith.constant 496 : index
    %get3A_665 = tpu.vector_load %arg8[%get3A_664] {strides = array<i32>} : memref<512xi32, #tpu.memory_space<vmem>>, vector<16xi32>,
    %slice3A_666 = vector.extract_strided_slice %get3A_665 {offsets = [15], sizes = [1], strides = [1]} : vector<16xi32> to vector<1xi32>
    %squeeze3A_667 = vector.extract %slice3A_666[0] : i32 from vector<1xi32>
    %and3A_668 = arith.constant 127 : i32
    %and3A_669 = arith.andi %squeeze3A_667, %and3A_668 : i32
    %broadcast_in_dim3A_670 = vector.broadcast %and3A_669 : i32 to vector<16xi32>
    %broadcast_in_dim3A_671 = arith.constant 511 : i32
    %broadcast_in_dim3A_672 = vector.broadcast %broadcast_in_dim3A_671 : i32 to vector<16xi32>
    %add3A_673 = arith.constant 0 : i32
    %add3A_674 = vector.broadcast %add3A_673 : i32 to vector<16xi32>
    %add3A_675 = arith.addi %iota3A, %add3A_674 : vector<16xi32>
    %gather3A_676 = arith.constant 5 : i32
    %gather3A_677 = arith.constant 0 : i32
    %gather3A_678 = arith.constant 0 : i32
    %gather3A_679 = tpu.memref_slice %arg10[%gather3A_676, %gather3A_677, %gather3A_678] : memref<11x64x128xf32, #tpu.memory_space<vmem>> -> memref<1x64x128xf32, #tpu.memory_space<vmem>>
    %gather3A_680 = tpu.memref_squeeze %gather3A_679 : memref<1x64x128xf32, #tpu.memory_space<vmem>> -> memref<64x128xf32, #tpu.memory_space<vmem>>
    %gather3A_681 = tpu.vector_load_idx %gather3A_680[%add3A_675, %broadcast_in_dim3A_670] : memref<64x128xf32, #tpu.memory_space<vmem>>[vector<16xi32>, vector<16xi32>], vector<16xf32>,
    tpu.vector_store_idx %arg11[%add3A_675, %broadcast_in_dim3A_672], %gather3A_681 : memref<64x512xf32, #tpu.memory_space<vmem>>[vector<16xi32>, vector<16xi32>], vector<16xf32>,
    %add3A_682 = arith.constant 16 : i32
    %add3A_683 = vector.broadcast %add3A_682 : i32 to vector<16xi32>
    %add3A_684 = arith.addi %iota3A, %add3A_683 : vector<16xi32>
    %gather3A_685 = arith.constant 5 : i32
    %gather3A_686 = arith.constant 0 : i32
    %gather3A_687 = arith.constant 0 : i32
    %gather3A_688 = tpu.memref_slice %arg10[%gather3A_685, %gather3A_686, %gather3A_687] : memref<11x64x128xf32, #tpu.memory_space<vmem>> -> memref<1x64x128xf32, #tpu.memory_space<vmem>>
    %gather3A_689 = tpu.memref_squeeze %gather3A_688 : memref<1x64x128xf32, #tpu.memory_space<vmem>> -> memref<64x128xf32, #tpu.memory_space<vmem>>
    %gather3A_690 = tpu.vector_load_idx %gather3A_689[%add3A_684, %broadcast_in_dim3A_670] : memref<64x128xf32, #tpu.memory_space<vmem>>[vector<16xi32>, vector<16xi32>], vector<16xf32>,
    tpu.vector_store_idx %arg11[%add3A_684, %broadcast_in_dim3A_672], %gather3A_690 : memref<64x512xf32, #tpu.memory_space<vmem>>[vector<16xi32>, vector<16xi32>], vector<16xf32>,
    %add3A_691 = arith.constant 32 : i32
    %add3A_692 = vector.broadcast %add3A_691 : i32 to vector<16xi32>
    %add3A_693 = arith.addi %iota3A, %add3A_692 : vector<16xi32>
    %gather3A_694 = arith.constant 5 : i32
    %gather3A_695 = arith.constant 0 : i32
    %gather3A_696 = arith.constant 0 : i32
    %gather3A_697 = tpu.memref_slice %arg10[%gather3A_694, %gather3A_695, %gather3A_696] : memref<11x64x128xf32, #tpu.memory_space<vmem>> -> memref<1x64x128xf32, #tpu.memory_space<vmem>>
    %gather3A_698 = tpu.memref_squeeze %gather3A_697 : memref<1x64x128xf32, #tpu.memory_space<vmem>> -> memref<64x128xf32, #tpu.memory_space<vmem>>
    %gather3A_699 = tpu.vector_load_idx %gather3A_698[%add3A_693, %broadcast_in_dim3A_670] : memref<64x128xf32, #tpu.memory_space<vmem>>[vector<16xi32>, vector<16xi32>], vector<16xf32>,
    tpu.vector_store_idx %arg11[%add3A_693, %broadcast_in_dim3A_672], %gather3A_699 : memref<64x512xf32, #tpu.memory_space<vmem>>[vector<16xi32>, vector<16xi32>], vector<16xf32>,
    %add3A_700 = arith.constant 48 : i32
    %add3A_701 = vector.broadcast %add3A_700 : i32 to vector<16xi32>
    %add3A_702 = arith.addi %iota3A, %add3A_701 : vector<16xi32>
    %gather3A_703 = arith.constant 5 : i32
    %gather3A_704 = arith.constant 0 : i32
    %gather3A_705 = arith.constant 0 : i32
    %gather3A_706 = tpu.memref_slice %arg10[%gather3A_703, %gather3A_704, %gather3A_705] : memref<11x64x128xf32, #tpu.memory_space<vmem>> -> memref<1x64x128xf32, #tpu.memory_space<vmem>>
    %gather3A_707 = tpu.memref_squeeze %gather3A_706 : memref<1x64x128xf32, #tpu.memory_space<vmem>> -> memref<64x128xf32, #tpu.memory_space<vmem>>
    %gather3A_708 = tpu.vector_load_idx %gather3A_707[%add3A_702, %broadcast_in_dim3A_670] : memref<64x128xf32, #tpu.memory_space<vmem>>[vector<16xi32>, vector<16xi32>], vector<16xf32>,
    tpu.vector_store_idx %arg11[%add3A_702, %broadcast_in_dim3A_672], %gather3A_708 : memref<64x512xf32, #tpu.memory_space<vmem>>[vector<16xi32>, vector<16xi32>], vector<16xf32>,
    %get3A_709 = arith.constant 0 : index
    %get3A_710 = tpu.vector_load %arg9[%get3A_709] {strides = array<i32>} : memref<512xi32, #tpu.memory_space<vmem>>, vector<16xi32>,
    %slice3A_711 = vector.extract_strided_slice %get3A_710 {offsets = [5], sizes = [1], strides = [1]} : vector<16xi32> to vector<1xi32>
    %squeeze3A_712 = vector.extract %slice3A_711[0] : i32 from vector<1xi32>
    %shift_right_arithmetic3A_713 = arith.constant 7 : i32
    %shift_right_arithmetic3A_714 = arith.shrsi %squeeze3A_712, %shift_right_arithmetic3A_713 : i32
    %shift_left3A_715 = arith.constant 7 : i32
    %shift_left3A_716 = arith.shli %shift_right_arithmetic3A_714, %shift_left3A_715 : i32
    %multiple_of3A_717 = tpu.assume_multiple %shift_left3A_716, 128 : i32
    %dma_start3A_718 = arith.constant 5 : i32
    %dma_start3A_719 = arith.constant 0 : i32
    %dma_start3A_720 = arith.constant 0 : i32
    %dma_start3A_721 = tpu.memref_slice %arg10[%dma_start3A_718, %dma_start3A_719, %dma_start3A_720] : memref<11x64x128xf32, #tpu.memory_space<vmem>> -> memref<1x64x128xf32, #tpu.memory_space<vmem>>
    %dma_start3A_722 = tpu.memref_squeeze %dma_start3A_721 : memref<1x64x128xf32, #tpu.memory_space<vmem>> -> memref<64x128xf32, #tpu.memory_space<vmem>>
    %dma_start3A_723 = arith.constant 0 : i32
    %dma_start3A_724 = tpu.memref_slice %arg5[%dma_start3A_723, %multiple_of3A_717] : memref<64x1000000xf32, #tpu.memory_space<hbm>> -> memref<64x128xf32, #tpu.memory_space<hbm>>
    %dma_start3A_725 = arith.constant 0 : i32
    %dma_start3A_726 = arith.constant 0 : i32
    %dma_start3A_727 = tpu.memref_slice %arg10[%dma_start3A_718, %dma_start3A_725, %dma_start3A_726] : memref<11x64x128xf32, #tpu.memory_space<vmem>> -> memref<1x64x128xf32, #tpu.memory_space<vmem>>
    %dma_start3A_728 = tpu.memref_squeeze %dma_start3A_727 : memref<1x64x128xf32, #tpu.memory_space<vmem>> -> memref<64x128xf32, #tpu.memory_space<vmem>>
    %dma_start3A_729 = arith.constant 0 : i32
    %dma_start3A_730 = tpu.memref_slice %arg5[%dma_start3A_729, %multiple_of3A_717] : memref<64x1000000xf32, #tpu.memory_space<hbm>> -> memref<64x128xf32, #tpu.memory_space<hbm>>
    tpu.enqueue_dma source(%dma_start3A_730 : memref<64x128xf32, #tpu.memory_space<hbm>>) target(%dma_start3A_728 : memref<64x128xf32, #tpu.memory_space<vmem>>) target_semaphore(%arg17 : memref<!tpu.dma_semaphore, #tpu.memory_space<semaphore_mem>>)
    %dma_wait3A_731 = arith.constant 6 : i32
    %dma_wait3A_732 = arith.constant 0 : i32
    %dma_wait3A_733 = arith.constant 0 : i32
    %dma_wait3A_734 = tpu.memref_slice %arg10[%dma_wait3A_731, %dma_wait3A_732, %dma_wait3A_733] : memref<11x64x128xf32, #tpu.memory_space<vmem>> -> memref<1x64x128xf32, #tpu.memory_space<vmem>>
    %dma_wait3A_735 = tpu.memref_squeeze %dma_wait3A_734 : memref<1x64x128xf32, #tpu.memory_space<vmem>> -> memref<64x128xf32, #tpu.memory_space<vmem>>
    %dma_wait3A_736 = arith.constant 0 : i32
    %dma_wait3A_737 = arith.constant 0 : i32
    %dma_wait3A_738 = tpu.memref_slice %arg4[%dma_wait3A_736, %dma_wait3A_737] : memref<64x1000000xf32, #tpu.memory_space<hbm>> -> memref<64x128xf32, #tpu.memory_space<hbm>>
    %dma_wait3A_739 = arith.constant 0 : i32
    %dma_wait3A_740 = arith.constant 0 : i32
    %dma_wait3A_741 = tpu.memref_slice %arg10[%dma_wait3A_731, %dma_wait3A_739, %dma_wait3A_740] : memref<11x64x128xf32, #tpu.memory_space<vmem>> -> memref<1x64x128xf32, #tpu.memory_space<vmem>>
    %dma_wait3A_742 = tpu.memref_squeeze %dma_wait3A_741 : memref<1x64x128xf32, #tpu.memory_space<vmem>> -> memref<64x128xf32, #tpu.memory_space<vmem>>
    %dma_wait3A_743 = arith.constant 0 : i32
    %dma_wait3A_744 = arith.constant 0 : i32
    %dma_wait3A_745 = tpu.memref_slice %arg4[%dma_wait3A_743, %dma_wait3A_744] : memref<64x1000000xf32, #tpu.memory_space<hbm>> -> memref<64x128xf32, #tpu.memory_space<hbm>>
    tpu.wait_dma2 semaphore(%arg18 : memref<!tpu.dma_semaphore, #tpu.memory_space<semaphore_mem>>) src(%dma_wait3A_745 : memref<64x128xf32, #tpu.memory_space<hbm>>) dst(%dma_wait3A_742 : memref<64x128xf32, #tpu.memory_space<vmem>>)
    %get3A_746 = arith.constant 496 : index
    %get3A_747 = tpu.vector_load %arg8[%get3A_746] {strides = array<i32>} : memref<512xi32, #tpu.memory_space<vmem>>, vector<16xi32>,
    %slice3A_748 = vector.extract_strided_slice %get3A_747 {offsets = [15], sizes = [1], strides = [1]} : vector<16xi32> to vector<1xi32>
    %squeeze3A_749 = vector.extract %slice3A_748[0] : i32 from vector<1xi32>
    %and3A_750 = arith.constant 127 : i32
    %and3A_751 = arith.andi %squeeze3A_749, %and3A_750 : i32
    %broadcast_in_dim3A_752 = vector.broadcast %and3A_751 : i32 to vector<16xi32>
    %broadcast_in_dim3A_753 = arith.constant 511 : i32
    %broadcast_in_dim3A_754 = vector.broadcast %broadcast_in_dim3A_753 : i32 to vector<16xi32>
    %add3A_755 = arith.constant 0 : i32
    %add3A_756 = vector.broadcast %add3A_755 : i32 to vector<16xi32>
    %add3A_757 = arith.addi %iota3A, %add3A_756 : vector<16xi32>
    %gather3A_758 = arith.constant 6 : i32
    %gather3A_759 = arith.constant 0 : i32
    %gather3A_760 = arith.constant 0 : i32
    %gather3A_761 = tpu.memref_slice %arg10[%gather3A_758, %gather3A_759, %gather3A_760] : memref<11x64x128xf32, #tpu.memory_space<vmem>> -> memref<1x64x128xf32, #tpu.memory_space<vmem>>
    %gather3A_762 = tpu.memref_squeeze %gather3A_761 : memref<1x64x128xf32, #tpu.memory_space<vmem>> -> memref<64x128xf32, #tpu.memory_space<vmem>>
    %gather3A_763 = tpu.vector_load_idx %gather3A_762[%add3A_757, %broadcast_in_dim3A_752] : memref<64x128xf32, #tpu.memory_space<vmem>>[vector<16xi32>, vector<16xi32>], vector<16xf32>,
    tpu.vector_store_idx %arg11[%add3A_757, %broadcast_in_dim3A_754], %gather3A_763 : memref<64x512xf32, #tpu.memory_space<vmem>>[vector<16xi32>, vector<16xi32>], vector<16xf32>,
    %add3A_764 = arith.constant 16 : i32
    %add3A_765 = vector.broadcast %add3A_764 : i32 to vector<16xi32>
    %add3A_766 = arith.addi %iota3A, %add3A_765 : vector<16xi32>
    %gather3A_767 = arith.constant 6 : i32
    %gather3A_768 = arith.constant 0 : i32
    %gather3A_769 = arith.constant 0 : i32
    %gather3A_770 = tpu.memref_slice %arg10[%gather3A_767, %gather3A_768, %gather3A_769] : memref<11x64x128xf32, #tpu.memory_space<vmem>> -> memref<1x64x128xf32, #tpu.memory_space<vmem>>
    %gather3A_771 = tpu.memref_squeeze %gather3A_770 : memref<1x64x128xf32, #tpu.memory_space<vmem>> -> memref<64x128xf32, #tpu.memory_space<vmem>>
    %gather3A_772 = tpu.vector_load_idx %gather3A_771[%add3A_766, %broadcast_in_dim3A_752] : memref<64x128xf32, #tpu.memory_space<vmem>>[vector<16xi32>, vector<16xi32>], vector<16xf32>,
    tpu.vector_store_idx %arg11[%add3A_766, %broadcast_in_dim3A_754], %gather3A_772 : memref<64x512xf32, #tpu.memory_space<vmem>>[vector<16xi32>, vector<16xi32>], vector<16xf32>,
    %add3A_773 = arith.constant 32 : i32
    %add3A_774 = vector.broadcast %add3A_773 : i32 to vector<16xi32>
    %add3A_775 = arith.addi %iota3A, %add3A_774 : vector<16xi32>
    %gather3A_776 = arith.constant 6 : i32
    %gather3A_777 = arith.constant 0 : i32
    %gather3A_778 = arith.constant 0 : i32
    %gather3A_779 = tpu.memref_slice %arg10[%gather3A_776, %gather3A_777, %gather3A_778] : memref<11x64x128xf32, #tpu.memory_space<vmem>> -> memref<1x64x128xf32, #tpu.memory_space<vmem>>
    %gather3A_780 = tpu.memref_squeeze %gather3A_779 : memref<1x64x128xf32, #tpu.memory_space<vmem>> -> memref<64x128xf32, #tpu.memory_space<vmem>>
    %gather3A_781 = tpu.vector_load_idx %gather3A_780[%add3A_775, %broadcast_in_dim3A_752] : memref<64x128xf32, #tpu.memory_space<vmem>>[vector<16xi32>, vector<16xi32>], vector<16xf32>,
    tpu.vector_store_idx %arg11[%add3A_775, %broadcast_in_dim3A_754], %gather3A_781 : memref<64x512xf32, #tpu.memory_space<vmem>>[vector<16xi32>, vector<16xi32>], vector<16xf32>,
    %add3A_782 = arith.constant 48 : i32
    %add3A_783 = vector.broadcast %add3A_782 : i32 to vector<16xi32>
    %add3A_784 = arith.addi %iota3A, %add3A_783 : vector<16xi32>
    %gather3A_785 = arith.constant 6 : i32
    %gather3A_786 = arith.constant 0 : i32
    %gather3A_787 = arith.constant 0 : i32
    %gather3A_788 = tpu.memref_slice %arg10[%gather3A_785, %gather3A_786, %gather3A_787] : memref<11x64x128xf32, #tpu.memory_space<vmem>> -> memref<1x64x128xf32, #tpu.memory_space<vmem>>
    %gather3A_789 = tpu.memref_squeeze %gather3A_788 : memref<1x64x128xf32, #tpu.memory_space<vmem>> -> memref<64x128xf32, #tpu.memory_space<vmem>>
    %gather3A_790 = tpu.vector_load_idx %gather3A_789[%add3A_784, %broadcast_in_dim3A_752] : memref<64x128xf32, #tpu.memory_space<vmem>>[vector<16xi32>, vector<16xi32>], vector<16xf32>,
    tpu.vector_store_idx %arg11[%add3A_784, %broadcast_in_dim3A_754], %gather3A_790 : memref<64x512xf32, #tpu.memory_space<vmem>>[vector<16xi32>, vector<16xi32>], vector<16xf32>,
    %get3A_791 = arith.constant 0 : index
    %get3A_792 = tpu.vector_load %arg9[%get3A_791] {strides = array<i32>} : memref<512xi32, #tpu.memory_space<vmem>>, vector<16xi32>,
    %slice3A_793 = vector.extract_strided_slice %get3A_792 {offsets = [6], sizes = [1], strides = [1]} : vector<16xi32> to vector<1xi32>
    %squeeze3A_794 = vector.extract %slice3A_793[0] : i32 from vector<1xi32>
    %shift_right_arithmetic3A_795 = arith.constant 7 : i32
    %shift_right_arithmetic3A_796 = arith.shrsi %squeeze3A_794, %shift_right_arithmetic3A_795 : i32
    %shift_left3A_797 = arith.constant 7 : i32
    %shift_left3A_798 = arith.shli %shift_right_arithmetic3A_796, %shift_left3A_797 : i32
    %multiple_of3A_799 = tpu.assume_multiple %shift_left3A_798, 128 : i32
    %dma_start3A_800 = arith.constant 6 : i32
    %dma_start3A_801 = arith.constant 0 : i32
    %dma_start3A_802 = arith.constant 0 : i32
    %dma_start3A_803 = tpu.memref_slice %arg10[%dma_start3A_800, %dma_start3A_801, %dma_start3A_802] : memref<11x64x128xf32, #tpu.memory_space<vmem>> -> memref<1x64x128xf32, #tpu.memory_space<vmem>>
    %dma_start3A_804 = tpu.memref_squeeze %dma_start3A_803 : memref<1x64x128xf32, #tpu.memory_space<vmem>> -> memref<64x128xf32, #tpu.memory_space<vmem>>
    %dma_start3A_805 = arith.constant 0 : i32
    %dma_start3A_806 = tpu.memref_slice %arg5[%dma_start3A_805, %multiple_of3A_799] : memref<64x1000000xf32, #tpu.memory_space<hbm>> -> memref<64x128xf32, #tpu.memory_space<hbm>>
    %dma_start3A_807 = arith.constant 0 : i32
    %dma_start3A_808 = arith.constant 0 : i32
    %dma_start3A_809 = tpu.memref_slice %arg10[%dma_start3A_800, %dma_start3A_807, %dma_start3A_808] : memref<11x64x128xf32, #tpu.memory_space<vmem>> -> memref<1x64x128xf32, #tpu.memory_space<vmem>>
    %dma_start3A_810 = tpu.memref_squeeze %dma_start3A_809 : memref<1x64x128xf32, #tpu.memory_space<vmem>> -> memref<64x128xf32, #tpu.memory_space<vmem>>
    %dma_start3A_811 = arith.constant 0 : i32
    %dma_start3A_812 = tpu.memref_slice %arg5[%dma_start3A_811, %multiple_of3A_799] : memref<64x1000000xf32, #tpu.memory_space<hbm>> -> memref<64x128xf32, #tpu.memory_space<hbm>>
    tpu.enqueue_dma source(%dma_start3A_812 : memref<64x128xf32, #tpu.memory_space<hbm>>) target(%dma_start3A_810 : memref<64x128xf32, #tpu.memory_space<vmem>>) target_semaphore(%arg18 : memref<!tpu.dma_semaphore, #tpu.memory_space<semaphore_mem>>)
    %dma_wait3A_813 = arith.constant 7 : i32
    %dma_wait3A_814 = arith.constant 0 : i32
    %dma_wait3A_815 = arith.constant 0 : i32
    %dma_wait3A_816 = tpu.memref_slice %arg10[%dma_wait3A_813, %dma_wait3A_814, %dma_wait3A_815] : memref<11x64x128xf32, #tpu.memory_space<vmem>> -> memref<1x64x128xf32, #tpu.memory_space<vmem>>
    %dma_wait3A_817 = tpu.memref_squeeze %dma_wait3A_816 : memref<1x64x128xf32, #tpu.memory_space<vmem>> -> memref<64x128xf32, #tpu.memory_space<vmem>>
    %dma_wait3A_818 = arith.constant 0 : i32
    %dma_wait3A_819 = arith.constant 0 : i32
    %dma_wait3A_820 = tpu.memref_slice %arg4[%dma_wait3A_818, %dma_wait3A_819] : memref<64x1000000xf32, #tpu.memory_space<hbm>> -> memref<64x128xf32, #tpu.memory_space<hbm>>
    %dma_wait3A_821 = arith.constant 0 : i32
    %dma_wait3A_822 = arith.constant 0 : i32
    %dma_wait3A_823 = tpu.memref_slice %arg10[%dma_wait3A_813, %dma_wait3A_821, %dma_wait3A_822] : memref<11x64x128xf32, #tpu.memory_space<vmem>> -> memref<1x64x128xf32, #tpu.memory_space<vmem>>
    %dma_wait3A_824 = tpu.memref_squeeze %dma_wait3A_823 : memref<1x64x128xf32, #tpu.memory_space<vmem>> -> memref<64x128xf32, #tpu.memory_space<vmem>>
    %dma_wait3A_825 = arith.constant 0 : i32
    %dma_wait3A_826 = arith.constant 0 : i32
    %dma_wait3A_827 = tpu.memref_slice %arg4[%dma_wait3A_825, %dma_wait3A_826] : memref<64x1000000xf32, #tpu.memory_space<hbm>> -> memref<64x128xf32, #tpu.memory_space<hbm>>
    tpu.wait_dma2 semaphore(%arg19 : memref<!tpu.dma_semaphore, #tpu.memory_space<semaphore_mem>>) src(%dma_wait3A_827 : memref<64x128xf32, #tpu.memory_space<hbm>>) dst(%dma_wait3A_824 : memref<64x128xf32, #tpu.memory_space<vmem>>)
    %get3A_828 = arith.constant 496 : index
    %get3A_829 = tpu.vector_load %arg8[%get3A_828] {strides = array<i32>} : memref<512xi32, #tpu.memory_space<vmem>>, vector<16xi32>,
    %slice3A_830 = vector.extract_strided_slice %get3A_829 {offsets = [15], sizes = [1], strides = [1]} : vector<16xi32> to vector<1xi32>
    %squeeze3A_831 = vector.extract %slice3A_830[0] : i32 from vector<1xi32>
    %and3A_832 = arith.constant 127 : i32
    %and3A_833 = arith.andi %squeeze3A_831, %and3A_832 : i32
    %broadcast_in_dim3A_834 = vector.broadcast %and3A_833 : i32 to vector<16xi32>
    %broadcast_in_dim3A_835 = arith.constant 511 : i32
    %broadcast_in_dim3A_836 = vector.broadcast %broadcast_in_dim3A_835 : i32 to vector<16xi32>
    %add3A_837 = arith.constant 0 : i32
    %add3A_838 = vector.broadcast %add3A_837 : i32 to vector<16xi32>
    %add3A_839 = arith.addi %iota3A, %add3A_838 : vector<16xi32>
    %gather3A_840 = arith.constant 7 : i32
    %gather3A_841 = arith.constant 0 : i32
    %gather3A_842 = arith.constant 0 : i32
    %gather3A_843 = tpu.memref_slice %arg10[%gather3A_840, %gather3A_841, %gather3A_842] : memref<11x64x128xf32, #tpu.memory_space<vmem>> -> memref<1x64x128xf32, #tpu.memory_space<vmem>>
    %gather3A_844 = tpu.memref_squeeze %gather3A_843 : memref<1x64x128xf32, #tpu.memory_space<vmem>> -> memref<64x128xf32, #tpu.memory_space<vmem>>
    %gather3A_845 = tpu.vector_load_idx %gather3A_844[%add3A_839, %broadcast_in_dim3A_834] : memref<64x128xf32, #tpu.memory_space<vmem>>[vector<16xi32>, vector<16xi32>], vector<16xf32>,
    tpu.vector_store_idx %arg11[%add3A_839, %broadcast_in_dim3A_836], %gather3A_845 : memref<64x512xf32, #tpu.memory_space<vmem>>[vector<16xi32>, vector<16xi32>], vector<16xf32>,
    %add3A_846 = arith.constant 16 : i32
    %add3A_847 = vector.broadcast %add3A_846 : i32 to vector<16xi32>
    %add3A_848 = arith.addi %iota3A, %add3A_847 : vector<16xi32>
    %gather3A_849 = arith.constant 7 : i32
    %gather3A_850 = arith.constant 0 : i32
    %gather3A_851 = arith.constant 0 : i32
    %gather3A_852 = tpu.memref_slice %arg10[%gather3A_849, %gather3A_850, %gather3A_851] : memref<11x64x128xf32, #tpu.memory_space<vmem>> -> memref<1x64x128xf32, #tpu.memory_space<vmem>>
    %gather3A_853 = tpu.memref_squeeze %gather3A_852 : memref<1x64x128xf32, #tpu.memory_space<vmem>> -> memref<64x128xf32, #tpu.memory_space<vmem>>
    %gather3A_854 = tpu.vector_load_idx %gather3A_853[%add3A_848, %broadcast_in_dim3A_834] : memref<64x128xf32, #tpu.memory_space<vmem>>[vector<16xi32>, vector<16xi32>], vector<16xf32>,
    tpu.vector_store_idx %arg11[%add3A_848, %broadcast_in_dim3A_836], %gather3A_854 : memref<64x512xf32, #tpu.memory_space<vmem>>[vector<16xi32>, vector<16xi32>], vector<16xf32>,
    %add3A_855 = arith.constant 32 : i32
    %add3A_856 = vector.broadcast %add3A_855 : i32 to vector<16xi32>
    %add3A_857 = arith.addi %iota3A, %add3A_856 : vector<16xi32>
    %gather3A_858 = arith.constant 7 : i32
    %gather3A_859 = arith.constant 0 : i32
    %gather3A_860 = arith.constant 0 : i32
    %gather3A_861 = tpu.memref_slice %arg10[%gather3A_858, %gather3A_859, %gather3A_860] : memref<11x64x128xf32, #tpu.memory_space<vmem>> -> memref<1x64x128xf32, #tpu.memory_space<vmem>>
    %gather3A_862 = tpu.memref_squeeze %gather3A_861 : memref<1x64x128xf32, #tpu.memory_space<vmem>> -> memref<64x128xf32, #tpu.memory_space<vmem>>
    %gather3A_863 = tpu.vector_load_idx %gather3A_862[%add3A_857, %broadcast_in_dim3A_834] : memref<64x128xf32, #tpu.memory_space<vmem>>[vector<16xi32>, vector<16xi32>], vector<16xf32>,
    tpu.vector_store_idx %arg11[%add3A_857, %broadcast_in_dim3A_836], %gather3A_863 : memref<64x512xf32, #tpu.memory_space<vmem>>[vector<16xi32>, vector<16xi32>], vector<16xf32>,
    %add3A_864 = arith.constant 48 : i32
    %add3A_865 = vector.broadcast %add3A_864 : i32 to vector<16xi32>
    %add3A_866 = arith.addi %iota3A, %add3A_865 : vector<16xi32>
    %gather3A_867 = arith.constant 7 : i32
    %gather3A_868 = arith.constant 0 : i32
    %gather3A_869 = arith.constant 0 : i32
    %gather3A_870 = tpu.memref_slice %arg10[%gather3A_867, %gather3A_868, %gather3A_869] : memref<11x64x128xf32, #tpu.memory_space<vmem>> -> memref<1x64x128xf32, #tpu.memory_space<vmem>>
    %gather3A_871 = tpu.memref_squeeze %gather3A_870 : memref<1x64x128xf32, #tpu.memory_space<vmem>> -> memref<64x128xf32, #tpu.memory_space<vmem>>
    %gather3A_872 = tpu.vector_load_idx %gather3A_871[%add3A_866, %broadcast_in_dim3A_834] : memref<64x128xf32, #tpu.memory_space<vmem>>[vector<16xi32>, vector<16xi32>], vector<16xf32>,
    tpu.vector_store_idx %arg11[%add3A_866, %broadcast_in_dim3A_836], %gather3A_872 : memref<64x512xf32, #tpu.memory_space<vmem>>[vector<16xi32>, vector<16xi32>], vector<16xf32>,
    %get3A_873 = arith.constant 0 : index
    %get3A_874 = tpu.vector_load %arg9[%get3A_873] {strides = array<i32>} : memref<512xi32, #tpu.memory_space<vmem>>, vector<16xi32>,
    %slice3A_875 = vector.extract_strided_slice %get3A_874 {offsets = [7], sizes = [1], strides = [1]} : vector<16xi32> to vector<1xi32>
    %squeeze3A_876 = vector.extract %slice3A_875[0] : i32 from vector<1xi32>
    %shift_right_arithmetic3A_877 = arith.constant 7 : i32
    %shift_right_arithmetic3A_878 = arith.shrsi %squeeze3A_876, %shift_right_arithmetic3A_877 : i32
    %shift_left3A_879 = arith.constant 7 : i32
    %shift_left3A_880 = arith.shli %shift_right_arithmetic3A_878, %shift_left3A_879 : i32
    %multiple_of3A_881 = tpu.assume_multiple %shift_left3A_880, 128 : i32
    %dma_start3A_882 = arith.constant 7 : i32
    %dma_start3A_883 = arith.constant 0 : i32
    %dma_start3A_884 = arith.constant 0 : i32
    %dma_start3A_885 = tpu.memref_slice %arg10[%dma_start3A_882, %dma_start3A_883, %dma_start3A_884] : memref<11x64x128xf32, #tpu.memory_space<vmem>> -> memref<1x64x128xf32, #tpu.memory_space<vmem>>
    %dma_start3A_886 = tpu.memref_squeeze %dma_start3A_885 : memref<1x64x128xf32, #tpu.memory_space<vmem>> -> memref<64x128xf32, #tpu.memory_space<vmem>>
    %dma_start3A_887 = arith.constant 0 : i32
    %dma_start3A_888 = tpu.memref_slice %arg5[%dma_start3A_887, %multiple_of3A_881] : memref<64x1000000xf32, #tpu.memory_space<hbm>> -> memref<64x128xf32, #tpu.memory_space<hbm>>
    %dma_start3A_889 = arith.constant 0 : i32
    %dma_start3A_890 = arith.constant 0 : i32
    %dma_start3A_891 = tpu.memref_slice %arg10[%dma_start3A_882, %dma_start3A_889, %dma_start3A_890] : memref<11x64x128xf32, #tpu.memory_space<vmem>> -> memref<1x64x128xf32, #tpu.memory_space<vmem>>
    %dma_start3A_892 = tpu.memref_squeeze %dma_start3A_891 : memref<1x64x128xf32, #tpu.memory_space<vmem>> -> memref<64x128xf32, #tpu.memory_space<vmem>>
    %dma_start3A_893 = arith.constant 0 : i32
    %dma_start3A_894 = tpu.memref_slice %arg5[%dma_start3A_893, %multiple_of3A_881] : memref<64x1000000xf32, #tpu.memory_space<hbm>> -> memref<64x128xf32, #tpu.memory_space<hbm>>
    tpu.enqueue_dma source(%dma_start3A_894 : memref<64x128xf32, #tpu.memory_space<hbm>>) target(%dma_start3A_892 : memref<64x128xf32, #tpu.memory_space<vmem>>) target_semaphore(%arg19 : memref<!tpu.dma_semaphore, #tpu.memory_space<semaphore_mem>>)
    %dma_wait3A_895 = arith.constant 8 : i32
    %dma_wait3A_896 = arith.constant 0 : i32
    %dma_wait3A_897 = arith.constant 0 : i32
    %dma_wait3A_898 = tpu.memref_slice %arg10[%dma_wait3A_895, %dma_wait3A_896, %dma_wait3A_897] : memref<11x64x128xf32, #tpu.memory_space<vmem>> -> memref<1x64x128xf32, #tpu.memory_space<vmem>>
    %dma_wait3A_899 = tpu.memref_squeeze %dma_wait3A_898 : memref<1x64x128xf32, #tpu.memory_space<vmem>> -> memref<64x128xf32, #tpu.memory_space<vmem>>
    %dma_wait3A_900 = arith.constant 0 : i32
    %dma_wait3A_901 = arith.constant 0 : i32
    %dma_wait3A_902 = tpu.memref_slice %arg4[%dma_wait3A_900, %dma_wait3A_901] : memref<64x1000000xf32, #tpu.memory_space<hbm>> -> memref<64x128xf32, #tpu.memory_space<hbm>>
    %dma_wait3A_903 = arith.constant 0 : i32
    %dma_wait3A_904 = arith.constant 0 : i32
    %dma_wait3A_905 = tpu.memref_slice %arg10[%dma_wait3A_895, %dma_wait3A_903, %dma_wait3A_904] : memref<11x64x128xf32, #tpu.memory_space<vmem>> -> memref<1x64x128xf32, #tpu.memory_space<vmem>>
    %dma_wait3A_906 = tpu.memref_squeeze %dma_wait3A_905 : memref<1x64x128xf32, #tpu.memory_space<vmem>> -> memref<64x128xf32, #tpu.memory_space<vmem>>
    %dma_wait3A_907 = arith.constant 0 : i32
    %dma_wait3A_908 = arith.constant 0 : i32
    %dma_wait3A_909 = tpu.memref_slice %arg4[%dma_wait3A_907, %dma_wait3A_908] : memref<64x1000000xf32, #tpu.memory_space<hbm>> -> memref<64x128xf32, #tpu.memory_space<hbm>>
    tpu.wait_dma2 semaphore(%arg20 : memref<!tpu.dma_semaphore, #tpu.memory_space<semaphore_mem>>) src(%dma_wait3A_909 : memref<64x128xf32, #tpu.memory_space<hbm>>) dst(%dma_wait3A_906 : memref<64x128xf32, #tpu.memory_space<vmem>>)
    %get3A_910 = arith.constant 496 : index
    %get3A_911 = tpu.vector_load %arg8[%get3A_910] {strides = array<i32>} : memref<512xi32, #tpu.memory_space<vmem>>, vector<16xi32>,
    %slice3A_912 = vector.extract_strided_slice %get3A_911 {offsets = [15], sizes = [1], strides = [1]} : vector<16xi32> to vector<1xi32>
    %squeeze3A_913 = vector.extract %slice3A_912[0] : i32 from vector<1xi32>
    %and3A_914 = arith.constant 127 : i32
    %and3A_915 = arith.andi %squeeze3A_913, %and3A_914 : i32
    %broadcast_in_dim3A_916 = vector.broadcast %and3A_915 : i32 to vector<16xi32>
    %broadcast_in_dim3A_917 = arith.constant 511 : i32
    %broadcast_in_dim3A_918 = vector.broadcast %broadcast_in_dim3A_917 : i32 to vector<16xi32>
    %add3A_919 = arith.constant 0 : i32
    %add3A_920 = vector.broadcast %add3A_919 : i32 to vector<16xi32>
    %add3A_921 = arith.addi %iota3A, %add3A_920 : vector<16xi32>
    %gather3A_922 = arith.constant 8 : i32
    %gather3A_923 = arith.constant 0 : i32
    %gather3A_924 = arith.constant 0 : i32
    %gather3A_925 = tpu.memref_slice %arg10[%gather3A_922, %gather3A_923, %gather3A_924] : memref<11x64x128xf32, #tpu.memory_space<vmem>> -> memref<1x64x128xf32, #tpu.memory_space<vmem>>
    %gather3A_926 = tpu.memref_squeeze %gather3A_925 : memref<1x64x128xf32, #tpu.memory_space<vmem>> -> memref<64x128xf32, #tpu.memory_space<vmem>>
    %gather3A_927 = tpu.vector_load_idx %gather3A_926[%add3A_921, %broadcast_in_dim3A_916] : memref<64x128xf32, #tpu.memory_space<vmem>>[vector<16xi32>, vector<16xi32>], vector<16xf32>,
    tpu.vector_store_idx %arg11[%add3A_921, %broadcast_in_dim3A_918], %gather3A_927 : memref<64x512xf32, #tpu.memory_space<vmem>>[vector<16xi32>, vector<16xi32>], vector<16xf32>,
    %add3A_928 = arith.constant 16 : i32
    %add3A_929 = vector.broadcast %add3A_928 : i32 to vector<16xi32>
    %add3A_930 = arith.addi %iota3A, %add3A_929 : vector<16xi32>
    %gather3A_931 = arith.constant 8 : i32
    %gather3A_932 = arith.constant 0 : i32
    %gather3A_933 = arith.constant 0 : i32
    %gather3A_934 = tpu.memref_slice %arg10[%gather3A_931, %gather3A_932, %gather3A_933] : memref<11x64x128xf32, #tpu.memory_space<vmem>> -> memref<1x64x128xf32, #tpu.memory_space<vmem>>
    %gather3A_935 = tpu.memref_squeeze %gather3A_934 : memref<1x64x128xf32, #tpu.memory_space<vmem>> -> memref<64x128xf32, #tpu.memory_space<vmem>>
    %gather3A_936 = tpu.vector_load_idx %gather3A_935[%add3A_930, %broadcast_in_dim3A_916] : memref<64x128xf32, #tpu.memory_space<vmem>>[vector<16xi32>, vector<16xi32>], vector<16xf32>,
    tpu.vector_store_idx %arg11[%add3A_930, %broadcast_in_dim3A_918], %gather3A_936 : memref<64x512xf32, #tpu.memory_space<vmem>>[vector<16xi32>, vector<16xi32>], vector<16xf32>,
    %add3A_937 = arith.constant 32 : i32
    %add3A_938 = vector.broadcast %add3A_937 : i32 to vector<16xi32>
    %add3A_939 = arith.addi %iota3A, %add3A_938 : vector<16xi32>
    %gather3A_940 = arith.constant 8 : i32
    %gather3A_941 = arith.constant 0 : i32
    %gather3A_942 = arith.constant 0 : i32
    %gather3A_943 = tpu.memref_slice %arg10[%gather3A_940, %gather3A_941, %gather3A_942] : memref<11x64x128xf32, #tpu.memory_space<vmem>> -> memref<1x64x128xf32, #tpu.memory_space<vmem>>
    %gather3A_944 = tpu.memref_squeeze %gather3A_943 : memref<1x64x128xf32, #tpu.memory_space<vmem>> -> memref<64x128xf32, #tpu.memory_space<vmem>>
    %gather3A_945 = tpu.vector_load_idx %gather3A_944[%add3A_939, %broadcast_in_dim3A_916] : memref<64x128xf32, #tpu.memory_space<vmem>>[vector<16xi32>, vector<16xi32>], vector<16xf32>,
    tpu.vector_store_idx %arg11[%add3A_939, %broadcast_in_dim3A_918], %gather3A_945 : memref<64x512xf32, #tpu.memory_space<vmem>>[vector<16xi32>, vector<16xi32>], vector<16xf32>,
    %add3A_946 = arith.constant 48 : i32
    %add3A_947 = vector.broadcast %add3A_946 : i32 to vector<16xi32>
    %add3A_948 = arith.addi %iota3A, %add3A_947 : vector<16xi32>
    %gather3A_949 = arith.constant 8 : i32
    %gather3A_950 = arith.constant 0 : i32
    %gather3A_951 = arith.constant 0 : i32
    %gather3A_952 = tpu.memref_slice %arg10[%gather3A_949, %gather3A_950, %gather3A_951] : memref<11x64x128xf32, #tpu.memory_space<vmem>> -> memref<1x64x128xf32, #tpu.memory_space<vmem>>
    %gather3A_953 = tpu.memref_squeeze %gather3A_952 : memref<1x64x128xf32, #tpu.memory_space<vmem>> -> memref<64x128xf32, #tpu.memory_space<vmem>>
    %gather3A_954 = tpu.vector_load_idx %gather3A_953[%add3A_948, %broadcast_in_dim3A_916] : memref<64x128xf32, #tpu.memory_space<vmem>>[vector<16xi32>, vector<16xi32>], vector<16xf32>,
    tpu.vector_store_idx %arg11[%add3A_948, %broadcast_in_dim3A_918], %gather3A_954 : memref<64x512xf32, #tpu.memory_space<vmem>>[vector<16xi32>, vector<16xi32>], vector<16xf32>,
    %get3A_955 = arith.constant 0 : index
    %get3A_956 = tpu.vector_load %arg9[%get3A_955] {strides = array<i32>} : memref<512xi32, #tpu.memory_space<vmem>>, vector<16xi32>,
    %slice3A_957 = vector.extract_strided_slice %get3A_956 {offsets = [8], sizes = [1], strides = [1]} : vector<16xi32> to vector<1xi32>
    %squeeze3A_958 = vector.extract %slice3A_957[0] : i32 from vector<1xi32>
    %shift_right_arithmetic3A_959 = arith.constant 7 : i32
    %shift_right_arithmetic3A_960 = arith.shrsi %squeeze3A_958, %shift_right_arithmetic3A_959 : i32
    %shift_left3A_961 = arith.constant 7 : i32
    %shift_left3A_962 = arith.shli %shift_right_arithmetic3A_960, %shift_left3A_961 : i32
    %multiple_of3A_963 = tpu.assume_multiple %shift_left3A_962, 128 : i32
    %dma_start3A_964 = arith.constant 8 : i32
    %dma_start3A_965 = arith.constant 0 : i32
    %dma_start3A_966 = arith.constant 0 : i32
    %dma_start3A_967 = tpu.memref_slice %arg10[%dma_start3A_964, %dma_start3A_965, %dma_start3A_966] : memref<11x64x128xf32, #tpu.memory_space<vmem>> -> memref<1x64x128xf32, #tpu.memory_space<vmem>>
    %dma_start3A_968 = tpu.memref_squeeze %dma_start3A_967 : memref<1x64x128xf32, #tpu.memory_space<vmem>> -> memref<64x128xf32, #tpu.memory_space<vmem>>
    %dma_start3A_969 = arith.constant 0 : i32
    %dma_start3A_970 = tpu.memref_slice %arg5[%dma_start3A_969, %multiple_of3A_963] : memref<64x1000000xf32, #tpu.memory_space<hbm>> -> memref<64x128xf32, #tpu.memory_space<hbm>>
    %dma_start3A_971 = arith.constant 0 : i32
    %dma_start3A_972 = arith.constant 0 : i32
    %dma_start3A_973 = tpu.memref_slice %arg10[%dma_start3A_964, %dma_start3A_971, %dma_start3A_972] : memref<11x64x128xf32, #tpu.memory_space<vmem>> -> memref<1x64x128xf32, #tpu.memory_space<vmem>>
    %dma_start3A_974 = tpu.memref_squeeze %dma_start3A_973 : memref<1x64x128xf32, #tpu.memory_space<vmem>> -> memref<64x128xf32, #tpu.memory_space<vmem>>
    %dma_start3A_975 = arith.constant 0 : i32
    %dma_start3A_976 = tpu.memref_slice %arg5[%dma_start3A_975, %multiple_of3A_963] : memref<64x1000000xf32, #tpu.memory_space<hbm>> -> memref<64x128xf32, #tpu.memory_space<hbm>>
    tpu.enqueue_dma source(%dma_start3A_976 : memref<64x128xf32, #tpu.memory_space<hbm>>) target(%dma_start3A_974 : memref<64x128xf32, #tpu.memory_space<vmem>>) target_semaphore(%arg20 : memref<!tpu.dma_semaphore, #tpu.memory_space<semaphore_mem>>)
    %dma_wait3A_977 = arith.constant 9 : i32
    %dma_wait3A_978 = arith.constant 0 : i32
    %dma_wait3A_979 = arith.constant 0 : i32
    %dma_wait3A_980 = tpu.memref_slice %arg10[%dma_wait3A_977, %dma_wait3A_978, %dma_wait3A_979] : memref<11x64x128xf32, #tpu.memory_space<vmem>> -> memref<1x64x128xf32, #tpu.memory_space<vmem>>
    %dma_wait3A_981 = tpu.memref_squeeze %dma_wait3A_980 : memref<1x64x128xf32, #tpu.memory_space<vmem>> -> memref<64x128xf32, #tpu.memory_space<vmem>>
    %dma_wait3A_982 = arith.constant 0 : i32
    %dma_wait3A_983 = arith.constant 0 : i32
    %dma_wait3A_984 = tpu.memref_slice %arg4[%dma_wait3A_982, %dma_wait3A_983] : memref<64x1000000xf32, #tpu.memory_space<hbm>> -> memref<64x128xf32, #tpu.memory_space<hbm>>
    %dma_wait3A_985 = arith.constant 0 : i32
    %dma_wait3A_986 = arith.constant 0 : i32
    %dma_wait3A_987 = tpu.memref_slice %arg10[%dma_wait3A_977, %dma_wait3A_985, %dma_wait3A_986] : memref<11x64x128xf32, #tpu.memory_space<vmem>> -> memref<1x64x128xf32, #tpu.memory_space<vmem>>
    %dma_wait3A_988 = tpu.memref_squeeze %dma_wait3A_987 : memref<1x64x128xf32, #tpu.memory_space<vmem>> -> memref<64x128xf32, #tpu.memory_space<vmem>>
    %dma_wait3A_989 = arith.constant 0 : i32
    %dma_wait3A_990 = arith.constant 0 : i32
    %dma_wait3A_991 = tpu.memref_slice %arg4[%dma_wait3A_989, %dma_wait3A_990] : memref<64x1000000xf32, #tpu.memory_space<hbm>> -> memref<64x128xf32, #tpu.memory_space<hbm>>
    tpu.wait_dma2 semaphore(%arg21 : memref<!tpu.dma_semaphore, #tpu.memory_space<semaphore_mem>>) src(%dma_wait3A_991 : memref<64x128xf32, #tpu.memory_space<hbm>>) dst(%dma_wait3A_988 : memref<64x128xf32, #tpu.memory_space<vmem>>)
    %get3A_992 = arith.constant 496 : index
    %get3A_993 = tpu.vector_load %arg8[%get3A_992] {strides = array<i32>} : memref<512xi32, #tpu.memory_space<vmem>>, vector<16xi32>,
    %slice3A_994 = vector.extract_strided_slice %get3A_993 {offsets = [15], sizes = [1], strides = [1]} : vector<16xi32> to vector<1xi32>
    %squeeze3A_995 = vector.extract %slice3A_994[0] : i32 from vector<1xi32>
    %and3A_996 = arith.constant 127 : i32
    %and3A_997 = arith.andi %squeeze3A_995, %and3A_996 : i32
    %broadcast_in_dim3A_998 = vector.broadcast %and3A_997 : i32 to vector<16xi32>
    %broadcast_in_dim3A_999 = arith.constant 511 : i32
    %broadcast_in_dim3A_1000 = vector.broadcast %broadcast_in_dim3A_999 : i32 to vector<16xi32>
    %add3A_1001 = arith.constant 0 : i32
    %add3A_1002 = vector.broadcast %add3A_1001 : i32 to vector<16xi32>
    %add3A_1003 = arith.addi %iota3A, %add3A_1002 : vector<16xi32>
    %gather3A_1004 = arith.constant 9 : i32
    %gather3A_1005 = arith.constant 0 : i32
    %gather3A_1006 = arith.constant 0 : i32
    %gather3A_1007 = tpu.memref_slice %arg10[%gather3A_1004, %gather3A_1005, %gather3A_1006] : memref<11x64x128xf32, #tpu.memory_space<vmem>> -> memref<1x64x128xf32, #tpu.memory_space<vmem>>
    %gather3A_1008 = tpu.memref_squeeze %gather3A_1007 : memref<1x64x128xf32, #tpu.memory_space<vmem>> -> memref<64x128xf32, #tpu.memory_space<vmem>>
    %gather3A_1009 = tpu.vector_load_idx %gather3A_1008[%add3A_1003, %broadcast_in_dim3A_998] : memref<64x128xf32, #tpu.memory_space<vmem>>[vector<16xi32>, vector<16xi32>], vector<16xf32>,
    tpu.vector_store_idx %arg11[%add3A_1003, %broadcast_in_dim3A_1000], %gather3A_1009 : memref<64x512xf32, #tpu.memory_space<vmem>>[vector<16xi32>, vector<16xi32>], vector<16xf32>,
    %add3A_1010 = arith.constant 16 : i32
    %add3A_1011 = vector.broadcast %add3A_1010 : i32 to vector<16xi32>
    %add3A_1012 = arith.addi %iota3A, %add3A_1011 : vector<16xi32>
    %gather3A_1013 = arith.constant 9 : i32
    %gather3A_1014 = arith.constant 0 : i32
    %gather3A_1015 = arith.constant 0 : i32
    %gather3A_1016 = tpu.memref_slice %arg10[%gather3A_1013, %gather3A_1014, %gather3A_1015] : memref<11x64x128xf32, #tpu.memory_space<vmem>> -> memref<1x64x128xf32, #tpu.memory_space<vmem>>
    %gather3A_1017 = tpu.memref_squeeze %gather3A_1016 : memref<1x64x128xf32, #tpu.memory_space<vmem>> -> memref<64x128xf32, #tpu.memory_space<vmem>>
    %gather3A_1018 = tpu.vector_load_idx %gather3A_1017[%add3A_1012, %broadcast_in_dim3A_998] : memref<64x128xf32, #tpu.memory_space<vmem>>[vector<16xi32>, vector<16xi32>], vector<16xf32>,
    tpu.vector_store_idx %arg11[%add3A_1012, %broadcast_in_dim3A_1000], %gather3A_1018 : memref<64x512xf32, #tpu.memory_space<vmem>>[vector<16xi32>, vector<16xi32>], vector<16xf32>,
    %add3A_1019 = arith.constant 32 : i32
    %add3A_1020 = vector.broadcast %add3A_1019 : i32 to vector<16xi32>
    %add3A_1021 = arith.addi %iota3A, %add3A_1020 : vector<16xi32>
    %gather3A_1022 = arith.constant 9 : i32
    %gather3A_1023 = arith.constant 0 : i32
    %gather3A_1024 = arith.constant 0 : i32
    %gather3A_1025 = tpu.memref_slice %arg10[%gather3A_1022, %gather3A_1023, %gather3A_1024] : memref<11x64x128xf32, #tpu.memory_space<vmem>> -> memref<1x64x128xf32, #tpu.memory_space<vmem>>
    %gather3A_1026 = tpu.memref_squeeze %gather3A_1025 : memref<1x64x128xf32, #tpu.memory_space<vmem>> -> memref<64x128xf32, #tpu.memory_space<vmem>>
    %gather3A_1027 = tpu.vector_load_idx %gather3A_1026[%add3A_1021, %broadcast_in_dim3A_998] : memref<64x128xf32, #tpu.memory_space<vmem>>[vector<16xi32>, vector<16xi32>], vector<16xf32>,
    tpu.vector_store_idx %arg11[%add3A_1021, %broadcast_in_dim3A_1000], %gather3A_1027 : memref<64x512xf32, #tpu.memory_space<vmem>>[vector<16xi32>, vector<16xi32>], vector<16xf32>,
    %add3A_1028 = arith.constant 48 : i32
    %add3A_1029 = vector.broadcast %add3A_1028 : i32 to vector<16xi32>
    %add3A_1030 = arith.addi %iota3A, %add3A_1029 : vector<16xi32>
    %gather3A_1031 = arith.constant 9 : i32
    %gather3A_1032 = arith.constant 0 : i32
    %gather3A_1033 = arith.constant 0 : i32
    %gather3A_1034 = tpu.memref_slice %arg10[%gather3A_1031, %gather3A_1032, %gather3A_1033] : memref<11x64x128xf32, #tpu.memory_space<vmem>> -> memref<1x64x128xf32, #tpu.memory_space<vmem>>
    %gather3A_1035 = tpu.memref_squeeze %gather3A_1034 : memref<1x64x128xf32, #tpu.memory_space<vmem>> -> memref<64x128xf32, #tpu.memory_space<vmem>>
    %gather3A_1036 = tpu.vector_load_idx %gather3A_1035[%add3A_1030, %broadcast_in_dim3A_998] : memref<64x128xf32, #tpu.memory_space<vmem>>[vector<16xi32>, vector<16xi32>], vector<16xf32>,
    tpu.vector_store_idx %arg11[%add3A_1030, %broadcast_in_dim3A_1000], %gather3A_1036 : memref<64x512xf32, #tpu.memory_space<vmem>>[vector<16xi32>, vector<16xi32>], vector<16xf32>,
    %get3A_1037 = arith.constant 0 : index
    %get3A_1038 = tpu.vector_load %arg9[%get3A_1037] {strides = array<i32>} : memref<512xi32, #tpu.memory_space<vmem>>, vector<16xi32>,
    %slice3A_1039 = vector.extract_strided_slice %get3A_1038 {offsets = [9], sizes = [1], strides = [1]} : vector<16xi32> to vector<1xi32>
    %squeeze3A_1040 = vector.extract %slice3A_1039[0] : i32 from vector<1xi32>
    %shift_right_arithmetic3A_1041 = arith.constant 7 : i32
    %shift_right_arithmetic3A_1042 = arith.shrsi %squeeze3A_1040, %shift_right_arithmetic3A_1041 : i32
    %shift_left3A_1043 = arith.constant 7 : i32
    %shift_left3A_1044 = arith.shli %shift_right_arithmetic3A_1042, %shift_left3A_1043 : i32
    %multiple_of3A_1045 = tpu.assume_multiple %shift_left3A_1044, 128 : i32
    %dma_start3A_1046 = arith.constant 9 : i32
    %dma_start3A_1047 = arith.constant 0 : i32
    %dma_start3A_1048 = arith.constant 0 : i32
    %dma_start3A_1049 = tpu.memref_slice %arg10[%dma_start3A_1046, %dma_start3A_1047, %dma_start3A_1048] : memref<11x64x128xf32, #tpu.memory_space<vmem>> -> memref<1x64x128xf32, #tpu.memory_space<vmem>>
    %dma_start3A_1050 = tpu.memref_squeeze %dma_start3A_1049 : memref<1x64x128xf32, #tpu.memory_space<vmem>> -> memref<64x128xf32, #tpu.memory_space<vmem>>
    %dma_start3A_1051 = arith.constant 0 : i32
    %dma_start3A_1052 = tpu.memref_slice %arg5[%dma_start3A_1051, %multiple_of3A_1045] : memref<64x1000000xf32, #tpu.memory_space<hbm>> -> memref<64x128xf32, #tpu.memory_space<hbm>>
    %dma_start3A_1053 = arith.constant 0 : i32
    %dma_start3A_1054 = arith.constant 0 : i32
    %dma_start3A_1055 = tpu.memref_slice %arg10[%dma_start3A_1046, %dma_start3A_1053, %dma_start3A_1054] : memref<11x64x128xf32, #tpu.memory_space<vmem>> -> memref<1x64x128xf32, #tpu.memory_space<vmem>>
    %dma_start3A_1056 = tpu.memref_squeeze %dma_start3A_1055 : memref<1x64x128xf32, #tpu.memory_space<vmem>> -> memref<64x128xf32, #tpu.memory_space<vmem>>
    %dma_start3A_1057 = arith.constant 0 : i32
    %dma_start3A_1058 = tpu.memref_slice %arg5[%dma_start3A_1057, %multiple_of3A_1045] : memref<64x1000000xf32, #tpu.memory_space<hbm>> -> memref<64x128xf32, #tpu.memory_space<hbm>>
    tpu.enqueue_dma source(%dma_start3A_1058 : memref<64x128xf32, #tpu.memory_space<hbm>>) target(%dma_start3A_1056 : memref<64x128xf32, #tpu.memory_space<vmem>>) target_semaphore(%arg21 : memref<!tpu.dma_semaphore, #tpu.memory_space<semaphore_mem>>)
    %dma_wait3A_1059 = arith.constant 10 : i32
    %dma_wait3A_1060 = arith.constant 0 : i32
    %dma_wait3A_1061 = arith.constant 0 : i32
    %dma_wait3A_1062 = tpu.memref_slice %arg10[%dma_wait3A_1059, %dma_wait3A_1060, %dma_wait3A_1061] : memref<11x64x128xf32, #tpu.memory_space<vmem>> -> memref<1x64x128xf32, #tpu.memory_space<vmem>>
    %dma_wait3A_1063 = tpu.memref_squeeze %dma_wait3A_1062 : memref<1x64x128xf32, #tpu.memory_space<vmem>> -> memref<64x128xf32, #tpu.memory_space<vmem>>
    %dma_wait3A_1064 = arith.constant 0 : i32
    %dma_wait3A_1065 = arith.constant 0 : i32
    %dma_wait3A_1066 = tpu.memref_slice %arg4[%dma_wait3A_1064, %dma_wait3A_1065] : memref<64x1000000xf32, #tpu.memory_space<hbm>> -> memref<64x128xf32, #tpu.memory_space<hbm>>
    %dma_wait3A_1067 = arith.constant 0 : i32
    %dma_wait3A_1068 = arith.constant 0 : i32
    %dma_wait3A_1069 = tpu.memref_slice %arg10[%dma_wait3A_1059, %dma_wait3A_1067, %dma_wait3A_1068] : memref<11x64x128xf32, #tpu.memory_space<vmem>> -> memref<1x64x128xf32, #tpu.memory_space<vmem>>
    %dma_wait3A_1070 = tpu.memref_squeeze %dma_wait3A_1069 : memref<1x64x128xf32, #tpu.memory_space<vmem>> -> memref<64x128xf32, #tpu.memory_space<vmem>>
    %dma_wait3A_1071 = arith.constant 0 : i32
    %dma_wait3A_1072 = arith.constant 0 : i32
    %dma_wait3A_1073 = tpu.memref_slice %arg4[%dma_wait3A_1071, %dma_wait3A_1072] : memref<64x1000000xf32, #tpu.memory_space<hbm>> -> memref<64x128xf32, #tpu.memory_space<hbm>>
    tpu.wait_dma2 semaphore(%arg22 : memref<!tpu.dma_semaphore, #tpu.memory_space<semaphore_mem>>) src(%dma_wait3A_1073 : memref<64x128xf32, #tpu.memory_space<hbm>>) dst(%dma_wait3A_1070 : memref<64x128xf32, #tpu.memory_space<vmem>>)
    %get3A_1074 = arith.constant 496 : index
    %get3A_1075 = tpu.vector_load %arg8[%get3A_1074] {strides = array<i32>} : memref<512xi32, #tpu.memory_space<vmem>>, vector<16xi32>,
    %slice3A_1076 = vector.extract_strided_slice %get3A_1075 {offsets = [15], sizes = [1], strides = [1]} : vector<16xi32> to vector<1xi32>
    %squeeze3A_1077 = vector.extract %slice3A_1076[0] : i32 from vector<1xi32>
    %and3A_1078 = arith.constant 127 : i32
    %and3A_1079 = arith.andi %squeeze3A_1077, %and3A_1078 : i32
    %broadcast_in_dim3A_1080 = vector.broadcast %and3A_1079 : i32 to vector<16xi32>
    %broadcast_in_dim3A_1081 = arith.constant 511 : i32
    %broadcast_in_dim3A_1082 = vector.broadcast %broadcast_in_dim3A_1081 : i32 to vector<16xi32>
    %add3A_1083 = arith.constant 0 : i32
    %add3A_1084 = vector.broadcast %add3A_1083 : i32 to vector<16xi32>
    %add3A_1085 = arith.addi %iota3A, %add3A_1084 : vector<16xi32>
    %gather3A_1086 = arith.constant 10 : i32
    %gather3A_1087 = arith.constant 0 : i32
    %gather3A_1088 = arith.constant 0 : i32
    %gather3A_1089 = tpu.memref_slice %arg10[%gather3A_1086, %gather3A_1087, %gather3A_1088] : memref<11x64x128xf32, #tpu.memory_space<vmem>> -> memref<1x64x128xf32, #tpu.memory_space<vmem>>
    %gather3A_1090 = tpu.memref_squeeze %gather3A_1089 : memref<1x64x128xf32, #tpu.memory_space<vmem>> -> memref<64x128xf32, #tpu.memory_space<vmem>>
    %gather3A_1091 = tpu.vector_load_idx %gather3A_1090[%add3A_1085, %broadcast_in_dim3A_1080] : memref<64x128xf32, #tpu.memory_space<vmem>>[vector<16xi32>, vector<16xi32>], vector<16xf32>,
    tpu.vector_store_idx %arg11[%add3A_1085, %broadcast_in_dim3A_1082], %gather3A_1091 : memref<64x512xf32, #tpu.memory_space<vmem>>[vector<16xi32>, vector<16xi32>], vector<16xf32>,
    %add3A_1092 = arith.constant 16 : i32
    %add3A_1093 = vector.broadcast %add3A_1092 : i32 to vector<16xi32>
    %add3A_1094 = arith.addi %iota3A, %add3A_1093 : vector<16xi32>
    %gather3A_1095 = arith.constant 10 : i32
    %gather3A_1096 = arith.constant 0 : i32
    %gather3A_1097 = arith.constant 0 : i32
    %gather3A_1098 = tpu.memref_slice %arg10[%gather3A_1095, %gather3A_1096, %gather3A_1097] : memref<11x64x128xf32, #tpu.memory_space<vmem>> -> memref<1x64x128xf32, #tpu.memory_space<vmem>>
    %gather3A_1099 = tpu.memref_squeeze %gather3A_1098 : memref<1x64x128xf32, #tpu.memory_space<vmem>> -> memref<64x128xf32, #tpu.memory_space<vmem>>
    %gather3A_1100 = tpu.vector_load_idx %gather3A_1099[%add3A_1094, %broadcast_in_dim3A_1080] : memref<64x128xf32, #tpu.memory_space<vmem>>[vector<16xi32>, vector<16xi32>], vector<16xf32>,
    tpu.vector_store_idx %arg11[%add3A_1094, %broadcast_in_dim3A_1082], %gather3A_1100 : memref<64x512xf32, #tpu.memory_space<vmem>>[vector<16xi32>, vector<16xi32>], vector<16xf32>,
    %add3A_1101 = arith.constant 32 : i32
    %add3A_1102 = vector.broadcast %add3A_1101 : i32 to vector<16xi32>
    %add3A_1103 = arith.addi %iota3A, %add3A_1102 : vector<16xi32>
    %gather3A_1104 = arith.constant 10 : i32
    %gather3A_1105 = arith.constant 0 : i32
    %gather3A_1106 = arith.constant 0 : i32
    %gather3A_1107 = tpu.memref_slice %arg10[%gather3A_1104, %gather3A_1105, %gather3A_1106] : memref<11x64x128xf32, #tpu.memory_space<vmem>> -> memref<1x64x128xf32, #tpu.memory_space<vmem>>
    %gather3A_1108 = tpu.memref_squeeze %gather3A_1107 : memref<1x64x128xf32, #tpu.memory_space<vmem>> -> memref<64x128xf32, #tpu.memory_space<vmem>>
    %gather3A_1109 = tpu.vector_load_idx %gather3A_1108[%add3A_1103, %broadcast_in_dim3A_1080] : memref<64x128xf32, #tpu.memory_space<vmem>>[vector<16xi32>, vector<16xi32>], vector<16xf32>,
    tpu.vector_store_idx %arg11[%add3A_1103, %broadcast_in_dim3A_1082], %gather3A_1109 : memref<64x512xf32, #tpu.memory_space<vmem>>[vector<16xi32>, vector<16xi32>], vector<16xf32>,
    %add3A_1110 = arith.constant 48 : i32
    %add3A_1111 = vector.broadcast %add3A_1110 : i32 to vector<16xi32>
    %add3A_1112 = arith.addi %iota3A, %add3A_1111 : vector<16xi32>
    %gather3A_1113 = arith.constant 10 : i32
    %gather3A_1114 = arith.constant 0 : i32
    %gather3A_1115 = arith.constant 0 : i32
    %gather3A_1116 = tpu.memref_slice %arg10[%gather3A_1113, %gather3A_1114, %gather3A_1115] : memref<11x64x128xf32, #tpu.memory_space<vmem>> -> memref<1x64x128xf32, #tpu.memory_space<vmem>>
    %gather3A_1117 = tpu.memref_squeeze %gather3A_1116 : memref<1x64x128xf32, #tpu.memory_space<vmem>> -> memref<64x128xf32, #tpu.memory_space<vmem>>
    %gather3A_1118 = tpu.vector_load_idx %gather3A_1117[%add3A_1112, %broadcast_in_dim3A_1080] : memref<64x128xf32, #tpu.memory_space<vmem>>[vector<16xi32>, vector<16xi32>], vector<16xf32>,
    tpu.vector_store_idx %arg11[%add3A_1112, %broadcast_in_dim3A_1082], %gather3A_1118 : memref<64x512xf32, #tpu.memory_space<vmem>>[vector<16xi32>, vector<16xi32>], vector<16xf32>,
    %get3A_1119 = arith.constant 0 : index
    %get3A_1120 = tpu.vector_load %arg9[%get3A_1119] {strides = array<i32>} : memref<512xi32, #tpu.memory_space<vmem>>, vector<16xi32>,
    %slice3A_1121 = vector.extract_strided_slice %get3A_1120 {offsets = [10], sizes = [1], strides = [1]} : vector<16xi32> to vector<1xi32>
    %squeeze3A_1122 = vector.extract %slice3A_1121[0] : i32 from vector<1xi32>
    %shift_right_arithmetic3A_1123 = arith.constant 7 : i32
    %shift_right_arithmetic3A_1124 = arith.shrsi %squeeze3A_1122, %shift_right_arithmetic3A_1123 : i32
    %shift_left3A_1125 = arith.constant 7 : i32
    %shift_left3A_1126 = arith.shli %shift_right_arithmetic3A_1124, %shift_left3A_1125 : i32
    %multiple_of3A_1127 = tpu.assume_multiple %shift_left3A_1126, 128 : i32
    %dma_start3A_1128 = arith.constant 10 : i32
    %dma_start3A_1129 = arith.constant 0 : i32
    %dma_start3A_1130 = arith.constant 0 : i32
    %dma_start3A_1131 = tpu.memref_slice %arg10[%dma_start3A_1128, %dma_start3A_1129, %dma_start3A_1130] : memref<11x64x128xf32, #tpu.memory_space<vmem>> -> memref<1x64x128xf32, #tpu.memory_space<vmem>>
    %dma_start3A_1132 = tpu.memref_squeeze %dma_start3A_1131 : memref<1x64x128xf32, #tpu.memory_space<vmem>> -> memref<64x128xf32, #tpu.memory_space<vmem>>
    %dma_start3A_1133 = arith.constant 0 : i32
    %dma_start3A_1134 = tpu.memref_slice %arg5[%dma_start3A_1133, %multiple_of3A_1127] : memref<64x1000000xf32, #tpu.memory_space<hbm>> -> memref<64x128xf32, #tpu.memory_space<hbm>>
    %dma_start3A_1135 = arith.constant 0 : i32
    %dma_start3A_1136 = arith.constant 0 : i32
    %dma_start3A_1137 = tpu.memref_slice %arg10[%dma_start3A_1128, %dma_start3A_1135, %dma_start3A_1136] : memref<11x64x128xf32, #tpu.memory_space<vmem>> -> memref<1x64x128xf32, #tpu.memory_space<vmem>>
    %dma_start3A_1138 = tpu.memref_squeeze %dma_start3A_1137 : memref<1x64x128xf32, #tpu.memory_space<vmem>> -> memref<64x128xf32, #tpu.memory_space<vmem>>
    %dma_start3A_1139 = arith.constant 0 : i32
    %dma_start3A_1140 = tpu.memref_slice %arg5[%dma_start3A_1139, %multiple_of3A_1127] : memref<64x1000000xf32, #tpu.memory_space<hbm>> -> memref<64x128xf32, #tpu.memory_space<hbm>>
    tpu.enqueue_dma source(%dma_start3A_1140 : memref<64x128xf32, #tpu.memory_space<hbm>>) target(%dma_start3A_1138 : memref<64x128xf32, #tpu.memory_space<vmem>>) target_semaphore(%arg22 : memref<!tpu.dma_semaphore, #tpu.memory_space<semaphore_mem>>)
    "tpu.region"() ({
      %run_scoped3A = tpu.sem_alloc : memref<!tpu.dma_semaphore, #tpu.memory_space<semaphore_mem>>
      %dma_start3A_1807 = arith.constant 0 : i32
      %dma_start3A_1808 = tpu.memref_slice %arg6[%dma_start3A_1807, %mul3A_2] : memref<64x16384xf32, #tpu.memory_space<hbm>> -> memref<64x512xf32, #tpu.memory_space<hbm>>
      %dma_start3A_1809 = arith.constant 0 : i32
      %dma_start3A_1810 = tpu.memref_slice %arg6[%dma_start3A_1809, %mul3A_2] : memref<64x16384xf32, #tpu.memory_space<hbm>> -> memref<64x512xf32, #tpu.memory_space<hbm>>
      tpu.enqueue_dma source(%arg11 : memref<64x512xf32, #tpu.memory_space<vmem>>) target(%dma_start3A_1810 : memref<64x512xf32, #tpu.memory_space<hbm>>) target_semaphore(%run_scoped3A : memref<!tpu.dma_semaphore, #tpu.memory_space<semaphore_mem>>)
      %dma_wait3A_1811 = arith.constant 0 : i32
      %dma_wait3A_1812 = tpu.memref_slice %arg6[%dma_wait3A_1811, %mul3A_2] : memref<64x16384xf32, #tpu.memory_space<hbm>> -> memref<64x512xf32, #tpu.memory_space<hbm>>
      %dma_wait3A_1813 = arith.constant 0 : i32
      %dma_wait3A_1814 = tpu.memref_slice %arg6[%dma_wait3A_1813, %mul3A_2] : memref<64x16384xf32, #tpu.memory_space<hbm>> -> memref<64x512xf32, #tpu.memory_space<hbm>>
      tpu.wait_dma2 semaphore(%run_scoped3A : memref<!tpu.dma_semaphore, #tpu.memory_space<semaphore_mem>>) src(%arg11 : memref<64x512xf32, #tpu.memory_space<vmem>>) dst(%dma_wait3A_1814 : memref<64x512xf32, #tpu.memory_space<hbm>>)
      tpu.yield
    }) : () -> ()
    %scan3A_1141 = arith.constant 0 : i32
    %scan3A_1142 = arith.constant 0 : i32
    %scan3A_1143 = arith.constant 46 : i32
    %scan3A_1144 = arith.addi %scan3A_1142, %scan3A_1143 : i32
    %scan3A_1145 = arith.constant 1 : i32
    scf.for %scan3A_1807 = %scan3A_1142 to %scan3A_1144 step %scan3A_1145  : i32 {
      %mul3A_1808 = arith.constant 11 : i32
      %mul3A_1809 = arith.muli %scan3A_1807, %mul3A_1808 : i32
      %add3A_1810 = arith.constant 0 : i32
      %add3A_1811 = arith.addi %mul3A_1809, %add3A_1810 : i32
      %dma_wait3A_1812 = arith.constant 0 : i32
      %dma_wait3A_1813 = arith.constant 0 : i32
      %dma_wait3A_1814 = arith.constant 0 : i32
      %dma_wait3A_1815 = tpu.memref_slice %arg10[%dma_wait3A_1812, %dma_wait3A_1813, %dma_wait3A_1814] : memref<11x64x128xf32, #tpu.memory_space<vmem>> -> memref<1x64x128xf32, #tpu.memory_space<vmem>>
      %dma_wait3A_1816 = tpu.memref_squeeze %dma_wait3A_1815 : memref<1x64x128xf32, #tpu.memory_space<vmem>> -> memref<64x128xf32, #tpu.memory_space<vmem>>
      %dma_wait3A_1817 = arith.constant 0 : i32
      %dma_wait3A_1818 = arith.constant 0 : i32
      %dma_wait3A_1819 = tpu.memref_slice %arg5[%dma_wait3A_1817, %dma_wait3A_1818] : memref<64x1000000xf32, #tpu.memory_space<hbm>> -> memref<64x128xf32, #tpu.memory_space<hbm>>
      %dma_wait3A_1820 = arith.constant 0 : i32
      %dma_wait3A_1821 = arith.constant 0 : i32
      %dma_wait3A_1822 = tpu.memref_slice %arg10[%dma_wait3A_1812, %dma_wait3A_1820, %dma_wait3A_1821] : memref<11x64x128xf32, #tpu.memory_space<vmem>> -> memref<1x64x128xf32, #tpu.memory_space<vmem>>
      %dma_wait3A_1823 = tpu.memref_squeeze %dma_wait3A_1822 : memref<1x64x128xf32, #tpu.memory_space<vmem>> -> memref<64x128xf32, #tpu.memory_space<vmem>>
      %dma_wait3A_1824 = arith.constant 0 : i32
      %dma_wait3A_1825 = arith.constant 0 : i32
      %dma_wait3A_1826 = tpu.memref_slice %arg5[%dma_wait3A_1824, %dma_wait3A_1825] : memref<64x1000000xf32, #tpu.memory_space<hbm>> -> memref<64x128xf32, #tpu.memory_space<hbm>>
      tpu.wait_dma2 semaphore(%arg12 : memref<!tpu.dma_semaphore, #tpu.memory_space<semaphore_mem>>) src(%dma_wait3A_1826 : memref<64x128xf32, #tpu.memory_space<hbm>>) dst(%dma_wait3A_1823 : memref<64x128xf32, #tpu.memory_space<vmem>>)
      %min3A = arith.constant 511 : i32
      %min3A_1827 = arith.minsi %add3A_1811, %min3A : i32
      %get3A_1828 = arith.index_cast %min3A_1827 : i32 to index
      %get3A_1829 = tpu.vector_load %arg9[%get3A_1828] {strides = array<i32>} : memref<512xi32, #tpu.memory_space<vmem>>, vector<16xi32>,
      %slice3A_1830 = vector.extract_strided_slice %get3A_1829 {offsets = [0], sizes = [1], strides = [1]} : vector<16xi32> to vector<1xi32>
      %squeeze3A_1831 = vector.extract %slice3A_1830[0] : i32 from vector<1xi32>
      %min3A_1832 = arith.constant 511 : i32
      %min3A_1833 = arith.minsi %add3A_1811, %min3A_1832 : i32
      %and3A_1834 = arith.constant 127 : i32
      %and3A_1835 = arith.andi %squeeze3A_1831, %and3A_1834 : i32
      %broadcast_in_dim3A_1836 = vector.broadcast %and3A_1835 : i32 to vector<16xi32>
      %broadcast_in_dim3A_1837 = vector.broadcast %min3A_1833 : i32 to vector<16xi32>
      %add3A_1838 = arith.constant 0 : i32
      %add3A_1839 = vector.broadcast %add3A_1838 : i32 to vector<16xi32>
      %add3A_1840 = arith.addi %iota3A, %add3A_1839 : vector<16xi32>
      %gather3A_1841 = arith.constant 0 : i32
      %gather3A_1842 = arith.constant 0 : i32
      %gather3A_1843 = arith.constant 0 : i32
      %gather3A_1844 = tpu.memref_slice %arg10[%gather3A_1841, %gather3A_1842, %gather3A_1843] : memref<11x64x128xf32, #tpu.memory_space<vmem>> -> memref<1x64x128xf32, #tpu.memory_space<vmem>>
      %gather3A_1845 = tpu.memref_squeeze %gather3A_1844 : memref<1x64x128xf32, #tpu.memory_space<vmem>> -> memref<64x128xf32, #tpu.memory_space<vmem>>
      %gather3A_1846 = tpu.vector_load_idx %gather3A_1845[%add3A_1840, %broadcast_in_dim3A_1836] : memref<64x128xf32, #tpu.memory_space<vmem>>[vector<16xi32>, vector<16xi32>], vector<16xf32>,
      tpu.vector_store_idx %arg11[%add3A_1840, %broadcast_in_dim3A_1837], %gather3A_1846 : memref<64x512xf32, #tpu.memory_space<vmem>>[vector<16xi32>, vector<16xi32>], vector<16xf32>,
      %add3A_1847 = arith.constant 16 : i32
      %add3A_1848 = vector.broadcast %add3A_1847 : i32 to vector<16xi32>
      %add3A_1849 = arith.addi %iota3A, %add3A_1848 : vector<16xi32>
      %gather3A_1850 = arith.constant 0 : i32
      %gather3A_1851 = arith.constant 0 : i32
      %gather3A_1852 = arith.constant 0 : i32
      %gather3A_1853 = tpu.memref_slice %arg10[%gather3A_1850, %gather3A_1851, %gather3A_1852] : memref<11x64x128xf32, #tpu.memory_space<vmem>> -> memref<1x64x128xf32, #tpu.memory_space<vmem>>
      %gather3A_1854 = tpu.memref_squeeze %gather3A_1853 : memref<1x64x128xf32, #tpu.memory_space<vmem>> -> memref<64x128xf32, #tpu.memory_space<vmem>>
      %gather3A_1855 = tpu.vector_load_idx %gather3A_1854[%add3A_1849, %broadcast_in_dim3A_1836] : memref<64x128xf32, #tpu.memory_space<vmem>>[vector<16xi32>, vector<16xi32>], vector<16xf32>,
      tpu.vector_store_idx %arg11[%add3A_1849, %broadcast_in_dim3A_1837], %gather3A_1855 : memref<64x512xf32, #tpu.memory_space<vmem>>[vector<16xi32>, vector<16xi32>], vector<16xf32>,
      %add3A_1856 = arith.constant 32 : i32
      %add3A_1857 = vector.broadcast %add3A_1856 : i32 to vector<16xi32>
      %add3A_1858 = arith.addi %iota3A, %add3A_1857 : vector<16xi32>
      %gather3A_1859 = arith.constant 0 : i32
      %gather3A_1860 = arith.constant 0 : i32
      %gather3A_1861 = arith.constant 0 : i32
      %gather3A_1862 = tpu.memref_slice %arg10[%gather3A_1859, %gather3A_1860, %gather3A_1861] : memref<11x64x128xf32, #tpu.memory_space<vmem>> -> memref<1x64x128xf32, #tpu.memory_space<vmem>>
      %gather3A_1863 = tpu.memref_squeeze %gather3A_1862 : memref<1x64x128xf32, #tpu.memory_space<vmem>> -> memref<64x128xf32, #tpu.memory_space<vmem>>
      %gather3A_1864 = tpu.vector_load_idx %gather3A_1863[%add3A_1858, %broadcast_in_dim3A_1836] : memref<64x128xf32, #tpu.memory_space<vmem>>[vector<16xi32>, vector<16xi32>], vector<16xf32>,
      tpu.vector_store_idx %arg11[%add3A_1858, %broadcast_in_dim3A_1837], %gather3A_1864 : memref<64x512xf32, #tpu.memory_space<vmem>>[vector<16xi32>, vector<16xi32>], vector<16xf32>,
      %add3A_1865 = arith.constant 48 : i32
      %add3A_1866 = vector.broadcast %add3A_1865 : i32 to vector<16xi32>
      %add3A_1867 = arith.addi %iota3A, %add3A_1866 : vector<16xi32>
      %gather3A_1868 = arith.constant 0 : i32
      %gather3A_1869 = arith.constant 0 : i32
      %gather3A_1870 = arith.constant 0 : i32
      %gather3A_1871 = tpu.memref_slice %arg10[%gather3A_1868, %gather3A_1869, %gather3A_1870] : memref<11x64x128xf32, #tpu.memory_space<vmem>> -> memref<1x64x128xf32, #tpu.memory_space<vmem>>
      %gather3A_1872 = tpu.memref_squeeze %gather3A_1871 : memref<1x64x128xf32, #tpu.memory_space<vmem>> -> memref<64x128xf32, #tpu.memory_space<vmem>>
      %gather3A_1873 = tpu.vector_load_idx %gather3A_1872[%add3A_1867, %broadcast_in_dim3A_1836] : memref<64x128xf32, #tpu.memory_space<vmem>>[vector<16xi32>, vector<16xi32>], vector<16xf32>,
      tpu.vector_store_idx %arg11[%add3A_1867, %broadcast_in_dim3A_1837], %gather3A_1873 : memref<64x512xf32, #tpu.memory_space<vmem>>[vector<16xi32>, vector<16xi32>], vector<16xf32>,
      %add3A_1874 = arith.constant 11 : i32
      %add3A_1875 = arith.addi %add3A_1811, %add3A_1874 : i32
      %min3A_1876 = arith.constant 511 : i32
      %min3A_1877 = arith.minsi %add3A_1875, %min3A_1876 : i32
      %get3A_1878 = arith.index_cast %min3A_1877 : i32 to index
      %get3A_1879 = tpu.vector_load %arg9[%get3A_1878] {strides = array<i32>} : memref<512xi32, #tpu.memory_space<vmem>>, vector<16xi32>,
      %slice3A_1880 = vector.extract_strided_slice %get3A_1879 {offsets = [0], sizes = [1], strides = [1]} : vector<16xi32> to vector<1xi32>
      %squeeze3A_1881 = vector.extract %slice3A_1880[0] : i32 from vector<1xi32>
      %shift_right_arithmetic3A_1882 = arith.constant 7 : i32
      %shift_right_arithmetic3A_1883 = arith.shrsi %squeeze3A_1881, %shift_right_arithmetic3A_1882 : i32
      %shift_left3A_1884 = arith.constant 7 : i32
      %shift_left3A_1885 = arith.shli %shift_right_arithmetic3A_1883, %shift_left3A_1884 : i32
      %multiple_of3A_1886 = tpu.assume_multiple %shift_left3A_1885, 128 : i32
      %dma_start3A_1887 = arith.constant 0 : i32
      %dma_start3A_1888 = arith.constant 0 : i32
      %dma_start3A_1889 = arith.constant 0 : i32
      %dma_start3A_1890 = tpu.memref_slice %arg10[%dma_start3A_1887, %dma_start3A_1888, %dma_start3A_1889] : memref<11x64x128xf32, #tpu.memory_space<vmem>> -> memref<1x64x128xf32, #tpu.memory_space<vmem>>
      %dma_start3A_1891 = tpu.memref_squeeze %dma_start3A_1890 : memref<1x64x128xf32, #tpu.memory_space<vmem>> -> memref<64x128xf32, #tpu.memory_space<vmem>>
      %dma_start3A_1892 = arith.constant 0 : i32
      %dma_start3A_1893 = tpu.memref_slice %arg5[%dma_start3A_1892, %multiple_of3A_1886] : memref<64x1000000xf32, #tpu.memory_space<hbm>> -> memref<64x128xf32, #tpu.memory_space<hbm>>
      %dma_start3A_1894 = arith.constant 0 : i32
      %dma_start3A_1895 = arith.constant 0 : i32
      %dma_start3A_1896 = tpu.memref_slice %arg10[%dma_start3A_1887, %dma_start3A_1894, %dma_start3A_1895] : memref<11x64x128xf32, #tpu.memory_space<vmem>> -> memref<1x64x128xf32, #tpu.memory_space<vmem>>
      %dma_start3A_1897 = tpu.memref_squeeze %dma_start3A_1896 : memref<1x64x128xf32, #tpu.memory_space<vmem>> -> memref<64x128xf32, #tpu.memory_space<vmem>>
      %dma_start3A_1898 = arith.constant 0 : i32
      %dma_start3A_1899 = tpu.memref_slice %arg5[%dma_start3A_1898, %multiple_of3A_1886] : memref<64x1000000xf32, #tpu.memory_space<hbm>> -> memref<64x128xf32, #tpu.memory_space<hbm>>
      tpu.enqueue_dma source(%dma_start3A_1899 : memref<64x128xf32, #tpu.memory_space<hbm>>) target(%dma_start3A_1897 : memref<64x128xf32, #tpu.memory_space<vmem>>) target_semaphore(%arg12 : memref<!tpu.dma_semaphore, #tpu.memory_space<semaphore_mem>>)
      %mul3A_1900 = arith.constant 11 : i32
      %mul3A_1901 = arith.muli %scan3A_1807, %mul3A_1900 : i32
      %add3A_1902 = arith.constant 1 : i32
      %add3A_1903 = arith.addi %mul3A_1901, %add3A_1902 : i32
      %dma_wait3A_1904 = arith.constant 1 : i32
      %dma_wait3A_1905 = arith.constant 0 : i32
      %dma_wait3A_1906 = arith.constant 0 : i32
      %dma_wait3A_1907 = tpu.memref_slice %arg10[%dma_wait3A_1904, %dma_wait3A_1905, %dma_wait3A_1906] : memref<11x64x128xf32, #tpu.memory_space<vmem>> -> memref<1x64x128xf32, #tpu.memory_space<vmem>>
      %dma_wait3A_1908 = tpu.memref_squeeze %dma_wait3A_1907 : memref<1x64x128xf32, #tpu.memory_space<vmem>> -> memref<64x128xf32, #tpu.memory_space<vmem>>
      %dma_wait3A_1909 = arith.constant 0 : i32
      %dma_wait3A_1910 = arith.constant 0 : i32
      %dma_wait3A_1911 = tpu.memref_slice %arg5[%dma_wait3A_1909, %dma_wait3A_1910] : memref<64x1000000xf32, #tpu.memory_space<hbm>> -> memref<64x128xf32, #tpu.memory_space<hbm>>
      %dma_wait3A_1912 = arith.constant 0 : i32
      %dma_wait3A_1913 = arith.constant 0 : i32
      %dma_wait3A_1914 = tpu.memref_slice %arg10[%dma_wait3A_1904, %dma_wait3A_1912, %dma_wait3A_1913] : memref<11x64x128xf32, #tpu.memory_space<vmem>> -> memref<1x64x128xf32, #tpu.memory_space<vmem>>
      %dma_wait3A_1915 = tpu.memref_squeeze %dma_wait3A_1914 : memref<1x64x128xf32, #tpu.memory_space<vmem>> -> memref<64x128xf32, #tpu.memory_space<vmem>>
      %dma_wait3A_1916 = arith.constant 0 : i32
      %dma_wait3A_1917 = arith.constant 0 : i32
      %dma_wait3A_1918 = tpu.memref_slice %arg5[%dma_wait3A_1916, %dma_wait3A_1917] : memref<64x1000000xf32, #tpu.memory_space<hbm>> -> memref<64x128xf32, #tpu.memory_space<hbm>>
      tpu.wait_dma2 semaphore(%arg13 : memref<!tpu.dma_semaphore, #tpu.memory_space<semaphore_mem>>) src(%dma_wait3A_1918 : memref<64x128xf32, #tpu.memory_space<hbm>>) dst(%dma_wait3A_1915 : memref<64x128xf32, #tpu.memory_space<vmem>>)
      %min3A_1919 = arith.constant 511 : i32
      %min3A_1920 = arith.minsi %add3A_1903, %min3A_1919 : i32
      %get3A_1921 = arith.index_cast %min3A_1920 : i32 to index
      %get3A_1922 = tpu.vector_load %arg9[%get3A_1921] {strides = array<i32>} : memref<512xi32, #tpu.memory_space<vmem>>, vector<16xi32>,
      %slice3A_1923 = vector.extract_strided_slice %get3A_1922 {offsets = [0], sizes = [1], strides = [1]} : vector<16xi32> to vector<1xi32>
      %squeeze3A_1924 = vector.extract %slice3A_1923[0] : i32 from vector<1xi32>
      %min3A_1925 = arith.constant 511 : i32
      %min3A_1926 = arith.minsi %add3A_1903, %min3A_1925 : i32
      %and3A_1927 = arith.constant 127 : i32
      %and3A_1928 = arith.andi %squeeze3A_1924, %and3A_1927 : i32
      %broadcast_in_dim3A_1929 = vector.broadcast %and3A_1928 : i32 to vector<16xi32>
      %broadcast_in_dim3A_1930 = vector.broadcast %min3A_1926 : i32 to vector<16xi32>
      %add3A_1931 = arith.constant 0 : i32
      %add3A_1932 = vector.broadcast %add3A_1931 : i32 to vector<16xi32>
      %add3A_1933 = arith.addi %iota3A, %add3A_1932 : vector<16xi32>
      %gather3A_1934 = arith.constant 1 : i32
      %gather3A_1935 = arith.constant 0 : i32
      %gather3A_1936 = arith.constant 0 : i32
      %gather3A_1937 = tpu.memref_slice %arg10[%gather3A_1934, %gather3A_1935, %gather3A_1936] : memref<11x64x128xf32, #tpu.memory_space<vmem>> -> memref<1x64x128xf32, #tpu.memory_space<vmem>>
      %gather3A_1938 = tpu.memref_squeeze %gather3A_1937 : memref<1x64x128xf32, #tpu.memory_space<vmem>> -> memref<64x128xf32, #tpu.memory_space<vmem>>
      %gather3A_1939 = tpu.vector_load_idx %gather3A_1938[%add3A_1933, %broadcast_in_dim3A_1929] : memref<64x128xf32, #tpu.memory_space<vmem>>[vector<16xi32>, vector<16xi32>], vector<16xf32>,
      tpu.vector_store_idx %arg11[%add3A_1933, %broadcast_in_dim3A_1930], %gather3A_1939 : memref<64x512xf32, #tpu.memory_space<vmem>>[vector<16xi32>, vector<16xi32>], vector<16xf32>,
      %add3A_1940 = arith.constant 16 : i32
      %add3A_1941 = vector.broadcast %add3A_1940 : i32 to vector<16xi32>
      %add3A_1942 = arith.addi %iota3A, %add3A_1941 : vector<16xi32>
      %gather3A_1943 = arith.constant 1 : i32
      %gather3A_1944 = arith.constant 0 : i32
      %gather3A_1945 = arith.constant 0 : i32
      %gather3A_1946 = tpu.memref_slice %arg10[%gather3A_1943, %gather3A_1944, %gather3A_1945] : memref<11x64x128xf32, #tpu.memory_space<vmem>> -> memref<1x64x128xf32, #tpu.memory_space<vmem>>
      %gather3A_1947 = tpu.memref_squeeze %gather3A_1946 : memref<1x64x128xf32, #tpu.memory_space<vmem>> -> memref<64x128xf32, #tpu.memory_space<vmem>>
      %gather3A_1948 = tpu.vector_load_idx %gather3A_1947[%add3A_1942, %broadcast_in_dim3A_1929] : memref<64x128xf32, #tpu.memory_space<vmem>>[vector<16xi32>, vector<16xi32>], vector<16xf32>,
      tpu.vector_store_idx %arg11[%add3A_1942, %broadcast_in_dim3A_1930], %gather3A_1948 : memref<64x512xf32, #tpu.memory_space<vmem>>[vector<16xi32>, vector<16xi32>], vector<16xf32>,
      %add3A_1949 = arith.constant 32 : i32
      %add3A_1950 = vector.broadcast %add3A_1949 : i32 to vector<16xi32>
      %add3A_1951 = arith.addi %iota3A, %add3A_1950 : vector<16xi32>
      %gather3A_1952 = arith.constant 1 : i32
      %gather3A_1953 = arith.constant 0 : i32
      %gather3A_1954 = arith.constant 0 : i32
      %gather3A_1955 = tpu.memref_slice %arg10[%gather3A_1952, %gather3A_1953, %gather3A_1954] : memref<11x64x128xf32, #tpu.memory_space<vmem>> -> memref<1x64x128xf32, #tpu.memory_space<vmem>>
      %gather3A_1956 = tpu.memref_squeeze %gather3A_1955 : memref<1x64x128xf32, #tpu.memory_space<vmem>> -> memref<64x128xf32, #tpu.memory_space<vmem>>
      %gather3A_1957 = tpu.vector_load_idx %gather3A_1956[%add3A_1951, %broadcast_in_dim3A_1929] : memref<64x128xf32, #tpu.memory_space<vmem>>[vector<16xi32>, vector<16xi32>], vector<16xf32>,
      tpu.vector_store_idx %arg11[%add3A_1951, %broadcast_in_dim3A_1930], %gather3A_1957 : memref<64x512xf32, #tpu.memory_space<vmem>>[vector<16xi32>, vector<16xi32>], vector<16xf32>,
      %add3A_1958 = arith.constant 48 : i32
      %add3A_1959 = vector.broadcast %add3A_1958 : i32 to vector<16xi32>
      %add3A_1960 = arith.addi %iota3A, %add3A_1959 : vector<16xi32>
      %gather3A_1961 = arith.constant 1 : i32
      %gather3A_1962 = arith.constant 0 : i32
      %gather3A_1963 = arith.constant 0 : i32
      %gather3A_1964 = tpu.memref_slice %arg10[%gather3A_1961, %gather3A_1962, %gather3A_1963] : memref<11x64x128xf32, #tpu.memory_space<vmem>> -> memref<1x64x128xf32, #tpu.memory_space<vmem>>
      %gather3A_1965 = tpu.memref_squeeze %gather3A_1964 : memref<1x64x128xf32, #tpu.memory_space<vmem>> -> memref<64x128xf32, #tpu.memory_space<vmem>>
      %gather3A_1966 = tpu.vector_load_idx %gather3A_1965[%add3A_1960, %broadcast_in_dim3A_1929] : memref<64x128xf32, #tpu.memory_space<vmem>>[vector<16xi32>, vector<16xi32>], vector<16xf32>,
      tpu.vector_store_idx %arg11[%add3A_1960, %broadcast_in_dim3A_1930], %gather3A_1966 : memref<64x512xf32, #tpu.memory_space<vmem>>[vector<16xi32>, vector<16xi32>], vector<16xf32>,
      %add3A_1967 = arith.constant 11 : i32
      %add3A_1968 = arith.addi %add3A_1903, %add3A_1967 : i32
      %min3A_1969 = arith.constant 511 : i32
      %min3A_1970 = arith.minsi %add3A_1968, %min3A_1969 : i32
      %get3A_1971 = arith.index_cast %min3A_1970 : i32 to index
      %get3A_1972 = tpu.vector_load %arg9[%get3A_1971] {strides = array<i32>} : memref<512xi32, #tpu.memory_space<vmem>>, vector<16xi32>,
      %slice3A_1973 = vector.extract_strided_slice %get3A_1972 {offsets = [0], sizes = [1], strides = [1]} : vector<16xi32> to vector<1xi32>
      %squeeze3A_1974 = vector.extract %slice3A_1973[0] : i32 from vector<1xi32>
      %shift_right_arithmetic3A_1975 = arith.constant 7 : i32
      %shift_right_arithmetic3A_1976 = arith.shrsi %squeeze3A_1974, %shift_right_arithmetic3A_1975 : i32
      %shift_left3A_1977 = arith.constant 7 : i32
      %shift_left3A_1978 = arith.shli %shift_right_arithmetic3A_1976, %shift_left3A_1977 : i32
      %multiple_of3A_1979 = tpu.assume_multiple %shift_left3A_1978, 128 : i32
      %dma_start3A_1980 = arith.constant 1 : i32
      %dma_start3A_1981 = arith.constant 0 : i32
      %dma_start3A_1982 = arith.constant 0 : i32
      %dma_start3A_1983 = tpu.memref_slice %arg10[%dma_start3A_1980, %dma_start3A_1981, %dma_start3A_1982] : memref<11x64x128xf32, #tpu.memory_space<vmem>> -> memref<1x64x128xf32, #tpu.memory_space<vmem>>
      %dma_start3A_1984 = tpu.memref_squeeze %dma_start3A_1983 : memref<1x64x128xf32, #tpu.memory_space<vmem>> -> memref<64x128xf32, #tpu.memory_space<vmem>>
      %dma_start3A_1985 = arith.constant 0 : i32
      %dma_start3A_1986 = tpu.memref_slice %arg5[%dma_start3A_1985, %multiple_of3A_1979] : memref<64x1000000xf32, #tpu.memory_space<hbm>> -> memref<64x128xf32, #tpu.memory_space<hbm>>
      %dma_start3A_1987 = arith.constant 0 : i32
      %dma_start3A_1988 = arith.constant 0 : i32
      %dma_start3A_1989 = tpu.memref_slice %arg10[%dma_start3A_1980, %dma_start3A_1987, %dma_start3A_1988] : memref<11x64x128xf32, #tpu.memory_space<vmem>> -> memref<1x64x128xf32, #tpu.memory_space<vmem>>
      %dma_start3A_1990 = tpu.memref_squeeze %dma_start3A_1989 : memref<1x64x128xf32, #tpu.memory_space<vmem>> -> memref<64x128xf32, #tpu.memory_space<vmem>>
      %dma_start3A_1991 = arith.constant 0 : i32
      %dma_start3A_1992 = tpu.memref_slice %arg5[%dma_start3A_1991, %multiple_of3A_1979] : memref<64x1000000xf32, #tpu.memory_space<hbm>> -> memref<64x128xf32, #tpu.memory_space<hbm>>
      tpu.enqueue_dma source(%dma_start3A_1992 : memref<64x128xf32, #tpu.memory_space<hbm>>) target(%dma_start3A_1990 : memref<64x128xf32, #tpu.memory_space<vmem>>) target_semaphore(%arg13 : memref<!tpu.dma_semaphore, #tpu.memory_space<semaphore_mem>>)
      %mul3A_1993 = arith.constant 11 : i32
      %mul3A_1994 = arith.muli %scan3A_1807, %mul3A_1993 : i32
      %add3A_1995 = arith.constant 2 : i32
      %add3A_1996 = arith.addi %mul3A_1994, %add3A_1995 : i32
      %dma_wait3A_1997 = arith.constant 2 : i32
      %dma_wait3A_1998 = arith.constant 0 : i32
      %dma_wait3A_1999 = arith.constant 0 : i32
      %dma_wait3A_2000 = tpu.memref_slice %arg10[%dma_wait3A_1997, %dma_wait3A_1998, %dma_wait3A_1999] : memref<11x64x128xf32, #tpu.memory_space<vmem>> -> memref<1x64x128xf32, #tpu.memory_space<vmem>>
      %dma_wait3A_2001 = tpu.memref_squeeze %dma_wait3A_2000 : memref<1x64x128xf32, #tpu.memory_space<vmem>> -> memref<64x128xf32, #tpu.memory_space<vmem>>
      %dma_wait3A_2002 = arith.constant 0 : i32
      %dma_wait3A_2003 = arith.constant 0 : i32
      %dma_wait3A_2004 = tpu.memref_slice %arg5[%dma_wait3A_2002, %dma_wait3A_2003] : memref<64x1000000xf32, #tpu.memory_space<hbm>> -> memref<64x128xf32, #tpu.memory_space<hbm>>
      %dma_wait3A_2005 = arith.constant 0 : i32
      %dma_wait3A_2006 = arith.constant 0 : i32
      %dma_wait3A_2007 = tpu.memref_slice %arg10[%dma_wait3A_1997, %dma_wait3A_2005, %dma_wait3A_2006] : memref<11x64x128xf32, #tpu.memory_space<vmem>> -> memref<1x64x128xf32, #tpu.memory_space<vmem>>
      %dma_wait3A_2008 = tpu.memref_squeeze %dma_wait3A_2007 : memref<1x64x128xf32, #tpu.memory_space<vmem>> -> memref<64x128xf32, #tpu.memory_space<vmem>>
      %dma_wait3A_2009 = arith.constant 0 : i32
      %dma_wait3A_2010 = arith.constant 0 : i32
      %dma_wait3A_2011 = tpu.memref_slice %arg5[%dma_wait3A_2009, %dma_wait3A_2010] : memref<64x1000000xf32, #tpu.memory_space<hbm>> -> memref<64x128xf32, #tpu.memory_space<hbm>>
      tpu.wait_dma2 semaphore(%arg14 : memref<!tpu.dma_semaphore, #tpu.memory_space<semaphore_mem>>) src(%dma_wait3A_2011 : memref<64x128xf32, #tpu.memory_space<hbm>>) dst(%dma_wait3A_2008 : memref<64x128xf32, #tpu.memory_space<vmem>>)
      %min3A_2012 = arith.constant 511 : i32
      %min3A_2013 = arith.minsi %add3A_1996, %min3A_2012 : i32
      %get3A_2014 = arith.index_cast %min3A_2013 : i32 to index
      %get3A_2015 = tpu.vector_load %arg9[%get3A_2014] {strides = array<i32>} : memref<512xi32, #tpu.memory_space<vmem>>, vector<16xi32>,
      %slice3A_2016 = vector.extract_strided_slice %get3A_2015 {offsets = [0], sizes = [1], strides = [1]} : vector<16xi32> to vector<1xi32>
      %squeeze3A_2017 = vector.extract %slice3A_2016[0] : i32 from vector<1xi32>
      %min3A_2018 = arith.constant 511 : i32
      %min3A_2019 = arith.minsi %add3A_1996, %min3A_2018 : i32
      %and3A_2020 = arith.constant 127 : i32
      %and3A_2021 = arith.andi %squeeze3A_2017, %and3A_2020 : i32
      %broadcast_in_dim3A_2022 = vector.broadcast %and3A_2021 : i32 to vector<16xi32>
      %broadcast_in_dim3A_2023 = vector.broadcast %min3A_2019 : i32 to vector<16xi32>
      %add3A_2024 = arith.constant 0 : i32
      %add3A_2025 = vector.broadcast %add3A_2024 : i32 to vector<16xi32>
      %add3A_2026 = arith.addi %iota3A, %add3A_2025 : vector<16xi32>
      %gather3A_2027 = arith.constant 2 : i32
      %gather3A_2028 = arith.constant 0 : i32
      %gather3A_2029 = arith.constant 0 : i32
      %gather3A_2030 = tpu.memref_slice %arg10[%gather3A_2027, %gather3A_2028, %gather3A_2029] : memref<11x64x128xf32, #tpu.memory_space<vmem>> -> memref<1x64x128xf32, #tpu.memory_space<vmem>>
      %gather3A_2031 = tpu.memref_squeeze %gather3A_2030 : memref<1x64x128xf32, #tpu.memory_space<vmem>> -> memref<64x128xf32, #tpu.memory_space<vmem>>
      %gather3A_2032 = tpu.vector_load_idx %gather3A_2031[%add3A_2026, %broadcast_in_dim3A_2022] : memref<64x128xf32, #tpu.memory_space<vmem>>[vector<16xi32>, vector<16xi32>], vector<16xf32>,
      tpu.vector_store_idx %arg11[%add3A_2026, %broadcast_in_dim3A_2023], %gather3A_2032 : memref<64x512xf32, #tpu.memory_space<vmem>>[vector<16xi32>, vector<16xi32>], vector<16xf32>,
      %add3A_2033 = arith.constant 16 : i32
      %add3A_2034 = vector.broadcast %add3A_2033 : i32 to vector<16xi32>
      %add3A_2035 = arith.addi %iota3A, %add3A_2034 : vector<16xi32>
      %gather3A_2036 = arith.constant 2 : i32
      %gather3A_2037 = arith.constant 0 : i32
      %gather3A_2038 = arith.constant 0 : i32
      %gather3A_2039 = tpu.memref_slice %arg10[%gather3A_2036, %gather3A_2037, %gather3A_2038] : memref<11x64x128xf32, #tpu.memory_space<vmem>> -> memref<1x64x128xf32, #tpu.memory_space<vmem>>
      %gather3A_2040 = tpu.memref_squeeze %gather3A_2039 : memref<1x64x128xf32, #tpu.memory_space<vmem>> -> memref<64x128xf32, #tpu.memory_space<vmem>>
      %gather3A_2041 = tpu.vector_load_idx %gather3A_2040[%add3A_2035, %broadcast_in_dim3A_2022] : memref<64x128xf32, #tpu.memory_space<vmem>>[vector<16xi32>, vector<16xi32>], vector<16xf32>,
      tpu.vector_store_idx %arg11[%add3A_2035, %broadcast_in_dim3A_2023], %gather3A_2041 : memref<64x512xf32, #tpu.memory_space<vmem>>[vector<16xi32>, vector<16xi32>], vector<16xf32>,
      %add3A_2042 = arith.constant 32 : i32
      %add3A_2043 = vector.broadcast %add3A_2042 : i32 to vector<16xi32>
      %add3A_2044 = arith.addi %iota3A, %add3A_2043 : vector<16xi32>
      %gather3A_2045 = arith.constant 2 : i32
      %gather3A_2046 = arith.constant 0 : i32
      %gather3A_2047 = arith.constant 0 : i32
      %gather3A_2048 = tpu.memref_slice %arg10[%gather3A_2045, %gather3A_2046, %gather3A_2047] : memref<11x64x128xf32, #tpu.memory_space<vmem>> -> memref<1x64x128xf32, #tpu.memory_space<vmem>>
      %gather3A_2049 = tpu.memref_squeeze %gather3A_2048 : memref<1x64x128xf32, #tpu.memory_space<vmem>> -> memref<64x128xf32, #tpu.memory_space<vmem>>
      %gather3A_2050 = tpu.vector_load_idx %gather3A_2049[%add3A_2044, %broadcast_in_dim3A_2022] : memref<64x128xf32, #tpu.memory_space<vmem>>[vector<16xi32>, vector<16xi32>], vector<16xf32>,
      tpu.vector_store_idx %arg11[%add3A_2044, %broadcast_in_dim3A_2023], %gather3A_2050 : memref<64x512xf32, #tpu.memory_space<vmem>>[vector<16xi32>, vector<16xi32>], vector<16xf32>,
      %add3A_2051 = arith.constant 48 : i32
      %add3A_2052 = vector.broadcast %add3A_2051 : i32 to vector<16xi32>
      %add3A_2053 = arith.addi %iota3A, %add3A_2052 : vector<16xi32>
      %gather3A_2054 = arith.constant 2 : i32
      %gather3A_2055 = arith.constant 0 : i32
      %gather3A_2056 = arith.constant 0 : i32
      %gather3A_2057 = tpu.memref_slice %arg10[%gather3A_2054, %gather3A_2055, %gather3A_2056] : memref<11x64x128xf32, #tpu.memory_space<vmem>> -> memref<1x64x128xf32, #tpu.memory_space<vmem>>
      %gather3A_2058 = tpu.memref_squeeze %gather3A_2057 : memref<1x64x128xf32, #tpu.memory_space<vmem>> -> memref<64x128xf32, #tpu.memory_space<vmem>>
      %gather3A_2059 = tpu.vector_load_idx %gather3A_2058[%add3A_2053, %broadcast_in_dim3A_2022] : memref<64x128xf32, #tpu.memory_space<vmem>>[vector<16xi32>, vector<16xi32>], vector<16xf32>,
      tpu.vector_store_idx %arg11[%add3A_2053, %broadcast_in_dim3A_2023], %gather3A_2059 : memref<64x512xf32, #tpu.memory_space<vmem>>[vector<16xi32>, vector<16xi32>], vector<16xf32>,
      %add3A_2060 = arith.constant 11 : i32
      %add3A_2061 = arith.addi %add3A_1996, %add3A_2060 : i32
      %min3A_2062 = arith.constant 511 : i32
      %min3A_2063 = arith.minsi %add3A_2061, %min3A_2062 : i32
      %get3A_2064 = arith.index_cast %min3A_2063 : i32 to index
      %get3A_2065 = tpu.vector_load %arg9[%get3A_2064] {strides = array<i32>} : memref<512xi32, #tpu.memory_space<vmem>>, vector<16xi32>,
      %slice3A_2066 = vector.extract_strided_slice %get3A_2065 {offsets = [0], sizes = [1], strides = [1]} : vector<16xi32> to vector<1xi32>
      %squeeze3A_2067 = vector.extract %slice3A_2066[0] : i32 from vector<1xi32>
      %shift_right_arithmetic3A_2068 = arith.constant 7 : i32
      %shift_right_arithmetic3A_2069 = arith.shrsi %squeeze3A_2067, %shift_right_arithmetic3A_2068 : i32
      %shift_left3A_2070 = arith.constant 7 : i32
      %shift_left3A_2071 = arith.shli %shift_right_arithmetic3A_2069, %shift_left3A_2070 : i32
      %multiple_of3A_2072 = tpu.assume_multiple %shift_left3A_2071, 128 : i32
      %dma_start3A_2073 = arith.constant 2 : i32
      %dma_start3A_2074 = arith.constant 0 : i32
      %dma_start3A_2075 = arith.constant 0 : i32
      %dma_start3A_2076 = tpu.memref_slice %arg10[%dma_start3A_2073, %dma_start3A_2074, %dma_start3A_2075] : memref<11x64x128xf32, #tpu.memory_space<vmem>> -> memref<1x64x128xf32, #tpu.memory_space<vmem>>
      %dma_start3A_2077 = tpu.memref_squeeze %dma_start3A_2076 : memref<1x64x128xf32, #tpu.memory_space<vmem>> -> memref<64x128xf32, #tpu.memory_space<vmem>>
      %dma_start3A_2078 = arith.constant 0 : i32
      %dma_start3A_2079 = tpu.memref_slice %arg5[%dma_start3A_2078, %multiple_of3A_2072] : memref<64x1000000xf32, #tpu.memory_space<hbm>> -> memref<64x128xf32, #tpu.memory_space<hbm>>
      %dma_start3A_2080 = arith.constant 0 : i32
      %dma_start3A_2081 = arith.constant 0 : i32
      %dma_start3A_2082 = tpu.memref_slice %arg10[%dma_start3A_2073, %dma_start3A_2080, %dma_start3A_2081] : memref<11x64x128xf32, #tpu.memory_space<vmem>> -> memref<1x64x128xf32, #tpu.memory_space<vmem>>
      %dma_start3A_2083 = tpu.memref_squeeze %dma_start3A_2082 : memref<1x64x128xf32, #tpu.memory_space<vmem>> -> memref<64x128xf32, #tpu.memory_space<vmem>>
      %dma_start3A_2084 = arith.constant 0 : i32
      %dma_start3A_2085 = tpu.memref_slice %arg5[%dma_start3A_2084, %multiple_of3A_2072] : memref<64x1000000xf32, #tpu.memory_space<hbm>> -> memref<64x128xf32, #tpu.memory_space<hbm>>
      tpu.enqueue_dma source(%dma_start3A_2085 : memref<64x128xf32, #tpu.memory_space<hbm>>) target(%dma_start3A_2083 : memref<64x128xf32, #tpu.memory_space<vmem>>) target_semaphore(%arg14 : memref<!tpu.dma_semaphore, #tpu.memory_space<semaphore_mem>>)
      %mul3A_2086 = arith.constant 11 : i32
      %mul3A_2087 = arith.muli %scan3A_1807, %mul3A_2086 : i32
      %add3A_2088 = arith.constant 3 : i32
      %add3A_2089 = arith.addi %mul3A_2087, %add3A_2088 : i32
      %dma_wait3A_2090 = arith.constant 3 : i32
      %dma_wait3A_2091 = arith.constant 0 : i32
      %dma_wait3A_2092 = arith.constant 0 : i32
      %dma_wait3A_2093 = tpu.memref_slice %arg10[%dma_wait3A_2090, %dma_wait3A_2091, %dma_wait3A_2092] : memref<11x64x128xf32, #tpu.memory_space<vmem>> -> memref<1x64x128xf32, #tpu.memory_space<vmem>>
      %dma_wait3A_2094 = tpu.memref_squeeze %dma_wait3A_2093 : memref<1x64x128xf32, #tpu.memory_space<vmem>> -> memref<64x128xf32, #tpu.memory_space<vmem>>
      %dma_wait3A_2095 = arith.constant 0 : i32
      %dma_wait3A_2096 = arith.constant 0 : i32
      %dma_wait3A_2097 = tpu.memref_slice %arg5[%dma_wait3A_2095, %dma_wait3A_2096] : memref<64x1000000xf32, #tpu.memory_space<hbm>> -> memref<64x128xf32, #tpu.memory_space<hbm>>
      %dma_wait3A_2098 = arith.constant 0 : i32
      %dma_wait3A_2099 = arith.constant 0 : i32
      %dma_wait3A_2100 = tpu.memref_slice %arg10[%dma_wait3A_2090, %dma_wait3A_2098, %dma_wait3A_2099] : memref<11x64x128xf32, #tpu.memory_space<vmem>> -> memref<1x64x128xf32, #tpu.memory_space<vmem>>
      %dma_wait3A_2101 = tpu.memref_squeeze %dma_wait3A_2100 : memref<1x64x128xf32, #tpu.memory_space<vmem>> -> memref<64x128xf32, #tpu.memory_space<vmem>>
      %dma_wait3A_2102 = arith.constant 0 : i32
      %dma_wait3A_2103 = arith.constant 0 : i32
      %dma_wait3A_2104 = tpu.memref_slice %arg5[%dma_wait3A_2102, %dma_wait3A_2103] : memref<64x1000000xf32, #tpu.memory_space<hbm>> -> memref<64x128xf32, #tpu.memory_space<hbm>>
      tpu.wait_dma2 semaphore(%arg15 : memref<!tpu.dma_semaphore, #tpu.memory_space<semaphore_mem>>) src(%dma_wait3A_2104 : memref<64x128xf32, #tpu.memory_space<hbm>>) dst(%dma_wait3A_2101 : memref<64x128xf32, #tpu.memory_space<vmem>>)
      %min3A_2105 = arith.constant 511 : i32
      %min3A_2106 = arith.minsi %add3A_2089, %min3A_2105 : i32
      %get3A_2107 = arith.index_cast %min3A_2106 : i32 to index
      %get3A_2108 = tpu.vector_load %arg9[%get3A_2107] {strides = array<i32>} : memref<512xi32, #tpu.memory_space<vmem>>, vector<16xi32>,
      %slice3A_2109 = vector.extract_strided_slice %get3A_2108 {offsets = [0], sizes = [1], strides = [1]} : vector<16xi32> to vector<1xi32>
      %squeeze3A_2110 = vector.extract %slice3A_2109[0] : i32 from vector<1xi32>
      %min3A_2111 = arith.constant 511 : i32
      %min3A_2112 = arith.minsi %add3A_2089, %min3A_2111 : i32
      %and3A_2113 = arith.constant 127 : i32
      %and3A_2114 = arith.andi %squeeze3A_2110, %and3A_2113 : i32
      %broadcast_in_dim3A_2115 = vector.broadcast %and3A_2114 : i32 to vector<16xi32>
      %broadcast_in_dim3A_2116 = vector.broadcast %min3A_2112 : i32 to vector<16xi32>
      %add3A_2117 = arith.constant 0 : i32
      %add3A_2118 = vector.broadcast %add3A_2117 : i32 to vector<16xi32>
      %add3A_2119 = arith.addi %iota3A, %add3A_2118 : vector<16xi32>
      %gather3A_2120 = arith.constant 3 : i32
      %gather3A_2121 = arith.constant 0 : i32
      %gather3A_2122 = arith.constant 0 : i32
      %gather3A_2123 = tpu.memref_slice %arg10[%gather3A_2120, %gather3A_2121, %gather3A_2122] : memref<11x64x128xf32, #tpu.memory_space<vmem>> -> memref<1x64x128xf32, #tpu.memory_space<vmem>>
      %gather3A_2124 = tpu.memref_squeeze %gather3A_2123 : memref<1x64x128xf32, #tpu.memory_space<vmem>> -> memref<64x128xf32, #tpu.memory_space<vmem>>
      %gather3A_2125 = tpu.vector_load_idx %gather3A_2124[%add3A_2119, %broadcast_in_dim3A_2115] : memref<64x128xf32, #tpu.memory_space<vmem>>[vector<16xi32>, vector<16xi32>], vector<16xf32>,
      tpu.vector_store_idx %arg11[%add3A_2119, %broadcast_in_dim3A_2116], %gather3A_2125 : memref<64x512xf32, #tpu.memory_space<vmem>>[vector<16xi32>, vector<16xi32>], vector<16xf32>,
      %add3A_2126 = arith.constant 16 : i32
      %add3A_2127 = vector.broadcast %add3A_2126 : i32 to vector<16xi32>
      %add3A_2128 = arith.addi %iota3A, %add3A_2127 : vector<16xi32>
      %gather3A_2129 = arith.constant 3 : i32
      %gather3A_2130 = arith.constant 0 : i32
      %gather3A_2131 = arith.constant 0 : i32
      %gather3A_2132 = tpu.memref_slice %arg10[%gather3A_2129, %gather3A_2130, %gather3A_2131] : memref<11x64x128xf32, #tpu.memory_space<vmem>> -> memref<1x64x128xf32, #tpu.memory_space<vmem>>
      %gather3A_2133 = tpu.memref_squeeze %gather3A_2132 : memref<1x64x128xf32, #tpu.memory_space<vmem>> -> memref<64x128xf32, #tpu.memory_space<vmem>>
      %gather3A_2134 = tpu.vector_load_idx %gather3A_2133[%add3A_2128, %broadcast_in_dim3A_2115] : memref<64x128xf32, #tpu.memory_space<vmem>>[vector<16xi32>, vector<16xi32>], vector<16xf32>,
      tpu.vector_store_idx %arg11[%add3A_2128, %broadcast_in_dim3A_2116], %gather3A_2134 : memref<64x512xf32, #tpu.memory_space<vmem>>[vector<16xi32>, vector<16xi32>], vector<16xf32>,
      %add3A_2135 = arith.constant 32 : i32
      %add3A_2136 = vector.broadcast %add3A_2135 : i32 to vector<16xi32>
      %add3A_2137 = arith.addi %iota3A, %add3A_2136 : vector<16xi32>
      %gather3A_2138 = arith.constant 3 : i32
      %gather3A_2139 = arith.constant 0 : i32
      %gather3A_2140 = arith.constant 0 : i32
      %gather3A_2141 = tpu.memref_slice %arg10[%gather3A_2138, %gather3A_2139, %gather3A_2140] : memref<11x64x128xf32, #tpu.memory_space<vmem>> -> memref<1x64x128xf32, #tpu.memory_space<vmem>>
      %gather3A_2142 = tpu.memref_squeeze %gather3A_2141 : memref<1x64x128xf32, #tpu.memory_space<vmem>> -> memref<64x128xf32, #tpu.memory_space<vmem>>
      %gather3A_2143 = tpu.vector_load_idx %gather3A_2142[%add3A_2137, %broadcast_in_dim3A_2115] : memref<64x128xf32, #tpu.memory_space<vmem>>[vector<16xi32>, vector<16xi32>], vector<16xf32>,
      tpu.vector_store_idx %arg11[%add3A_2137, %broadcast_in_dim3A_2116], %gather3A_2143 : memref<64x512xf32, #tpu.memory_space<vmem>>[vector<16xi32>, vector<16xi32>], vector<16xf32>,
      %add3A_2144 = arith.constant 48 : i32
      %add3A_2145 = vector.broadcast %add3A_2144 : i32 to vector<16xi32>
      %add3A_2146 = arith.addi %iota3A, %add3A_2145 : vector<16xi32>
      %gather3A_2147 = arith.constant 3 : i32
      %gather3A_2148 = arith.constant 0 : i32
      %gather3A_2149 = arith.constant 0 : i32
      %gather3A_2150 = tpu.memref_slice %arg10[%gather3A_2147, %gather3A_2148, %gather3A_2149] : memref<11x64x128xf32, #tpu.memory_space<vmem>> -> memref<1x64x128xf32, #tpu.memory_space<vmem>>
      %gather3A_2151 = tpu.memref_squeeze %gather3A_2150 : memref<1x64x128xf32, #tpu.memory_space<vmem>> -> memref<64x128xf32, #tpu.memory_space<vmem>>
      %gather3A_2152 = tpu.vector_load_idx %gather3A_2151[%add3A_2146, %broadcast_in_dim3A_2115] : memref<64x128xf32, #tpu.memory_space<vmem>>[vector<16xi32>, vector<16xi32>], vector<16xf32>,
      tpu.vector_store_idx %arg11[%add3A_2146, %broadcast_in_dim3A_2116], %gather3A_2152 : memref<64x512xf32, #tpu.memory_space<vmem>>[vector<16xi32>, vector<16xi32>], vector<16xf32>,
      %add3A_2153 = arith.constant 11 : i32
      %add3A_2154 = arith.addi %add3A_2089, %add3A_2153 : i32
      %min3A_2155 = arith.constant 511 : i32
      %min3A_2156 = arith.minsi %add3A_2154, %min3A_2155 : i32
      %get3A_2157 = arith.index_cast %min3A_2156 : i32 to index
      %get3A_2158 = tpu.vector_load %arg9[%get3A_2157] {strides = array<i32>} : memref<512xi32, #tpu.memory_space<vmem>>, vector<16xi32>,
      %slice3A_2159 = vector.extract_strided_slice %get3A_2158 {offsets = [0], sizes = [1], strides = [1]} : vector<16xi32> to vector<1xi32>
      %squeeze3A_2160 = vector.extract %slice3A_2159[0] : i32 from vector<1xi32>
      %shift_right_arithmetic3A_2161 = arith.constant 7 : i32
      %shift_right_arithmetic3A_2162 = arith.shrsi %squeeze3A_2160, %shift_right_arithmetic3A_2161 : i32
      %shift_left3A_2163 = arith.constant 7 : i32
      %shift_left3A_2164 = arith.shli %shift_right_arithmetic3A_2162, %shift_left3A_2163 : i32
      %multiple_of3A_2165 = tpu.assume_multiple %shift_left3A_2164, 128 : i32
      %dma_start3A_2166 = arith.constant 3 : i32
      %dma_start3A_2167 = arith.constant 0 : i32
      %dma_start3A_2168 = arith.constant 0 : i32
      %dma_start3A_2169 = tpu.memref_slice %arg10[%dma_start3A_2166, %dma_start3A_2167, %dma_start3A_2168] : memref<11x64x128xf32, #tpu.memory_space<vmem>> -> memref<1x64x128xf32, #tpu.memory_space<vmem>>
      %dma_start3A_2170 = tpu.memref_squeeze %dma_start3A_2169 : memref<1x64x128xf32, #tpu.memory_space<vmem>> -> memref<64x128xf32, #tpu.memory_space<vmem>>
      %dma_start3A_2171 = arith.constant 0 : i32
      %dma_start3A_2172 = tpu.memref_slice %arg5[%dma_start3A_2171, %multiple_of3A_2165] : memref<64x1000000xf32, #tpu.memory_space<hbm>> -> memref<64x128xf32, #tpu.memory_space<hbm>>
      %dma_start3A_2173 = arith.constant 0 : i32
      %dma_start3A_2174 = arith.constant 0 : i32
      %dma_start3A_2175 = tpu.memref_slice %arg10[%dma_start3A_2166, %dma_start3A_2173, %dma_start3A_2174] : memref<11x64x128xf32, #tpu.memory_space<vmem>> -> memref<1x64x128xf32, #tpu.memory_space<vmem>>
      %dma_start3A_2176 = tpu.memref_squeeze %dma_start3A_2175 : memref<1x64x128xf32, #tpu.memory_space<vmem>> -> memref<64x128xf32, #tpu.memory_space<vmem>>
      %dma_start3A_2177 = arith.constant 0 : i32
      %dma_start3A_2178 = tpu.memref_slice %arg5[%dma_start3A_2177, %multiple_of3A_2165] : memref<64x1000000xf32, #tpu.memory_space<hbm>> -> memref<64x128xf32, #tpu.memory_space<hbm>>
      tpu.enqueue_dma source(%dma_start3A_2178 : memref<64x128xf32, #tpu.memory_space<hbm>>) target(%dma_start3A_2176 : memref<64x128xf32, #tpu.memory_space<vmem>>) target_semaphore(%arg15 : memref<!tpu.dma_semaphore, #tpu.memory_space<semaphore_mem>>)
      %mul3A_2179 = arith.constant 11 : i32
      %mul3A_2180 = arith.muli %scan3A_1807, %mul3A_2179 : i32
      %add3A_2181 = arith.constant 4 : i32
      %add3A_2182 = arith.addi %mul3A_2180, %add3A_2181 : i32
      %dma_wait3A_2183 = arith.constant 4 : i32
      %dma_wait3A_2184 = arith.constant 0 : i32
      %dma_wait3A_2185 = arith.constant 0 : i32
      %dma_wait3A_2186 = tpu.memref_slice %arg10[%dma_wait3A_2183, %dma_wait3A_2184, %dma_wait3A_2185] : memref<11x64x128xf32, #tpu.memory_space<vmem>> -> memref<1x64x128xf32, #tpu.memory_space<vmem>>
      %dma_wait3A_2187 = tpu.memref_squeeze %dma_wait3A_2186 : memref<1x64x128xf32, #tpu.memory_space<vmem>> -> memref<64x128xf32, #tpu.memory_space<vmem>>
      %dma_wait3A_2188 = arith.constant 0 : i32
      %dma_wait3A_2189 = arith.constant 0 : i32
      %dma_wait3A_2190 = tpu.memref_slice %arg5[%dma_wait3A_2188, %dma_wait3A_2189] : memref<64x1000000xf32, #tpu.memory_space<hbm>> -> memref<64x128xf32, #tpu.memory_space<hbm>>
      %dma_wait3A_2191 = arith.constant 0 : i32
      %dma_wait3A_2192 = arith.constant 0 : i32
      %dma_wait3A_2193 = tpu.memref_slice %arg10[%dma_wait3A_2183, %dma_wait3A_2191, %dma_wait3A_2192] : memref<11x64x128xf32, #tpu.memory_space<vmem>> -> memref<1x64x128xf32, #tpu.memory_space<vmem>>
      %dma_wait3A_2194 = tpu.memref_squeeze %dma_wait3A_2193 : memref<1x64x128xf32, #tpu.memory_space<vmem>> -> memref<64x128xf32, #tpu.memory_space<vmem>>
      %dma_wait3A_2195 = arith.constant 0 : i32
      %dma_wait3A_2196 = arith.constant 0 : i32
      %dma_wait3A_2197 = tpu.memref_slice %arg5[%dma_wait3A_2195, %dma_wait3A_2196] : memref<64x1000000xf32, #tpu.memory_space<hbm>> -> memref<64x128xf32, #tpu.memory_space<hbm>>
      tpu.wait_dma2 semaphore(%arg16 : memref<!tpu.dma_semaphore, #tpu.memory_space<semaphore_mem>>) src(%dma_wait3A_2197 : memref<64x128xf32, #tpu.memory_space<hbm>>) dst(%dma_wait3A_2194 : memref<64x128xf32, #tpu.memory_space<vmem>>)
      %min3A_2198 = arith.constant 511 : i32
      %min3A_2199 = arith.minsi %add3A_2182, %min3A_2198 : i32
      %get3A_2200 = arith.index_cast %min3A_2199 : i32 to index
      %get3A_2201 = tpu.vector_load %arg9[%get3A_2200] {strides = array<i32>} : memref<512xi32, #tpu.memory_space<vmem>>, vector<16xi32>,
      %slice3A_2202 = vector.extract_strided_slice %get3A_2201 {offsets = [0], sizes = [1], strides = [1]} : vector<16xi32> to vector<1xi32>
      %squeeze3A_2203 = vector.extract %slice3A_2202[0] : i32 from vector<1xi32>
      %min3A_2204 = arith.constant 511 : i32
      %min3A_2205 = arith.minsi %add3A_2182, %min3A_2204 : i32
      %and3A_2206 = arith.constant 127 : i32
      %and3A_2207 = arith.andi %squeeze3A_2203, %and3A_2206 : i32
      %broadcast_in_dim3A_2208 = vector.broadcast %and3A_2207 : i32 to vector<16xi32>
      %broadcast_in_dim3A_2209 = vector.broadcast %min3A_2205 : i32 to vector<16xi32>
      %add3A_2210 = arith.constant 0 : i32
      %add3A_2211 = vector.broadcast %add3A_2210 : i32 to vector<16xi32>
      %add3A_2212 = arith.addi %iota3A, %add3A_2211 : vector<16xi32>
      %gather3A_2213 = arith.constant 4 : i32
      %gather3A_2214 = arith.constant 0 : i32
      %gather3A_2215 = arith.constant 0 : i32
      %gather3A_2216 = tpu.memref_slice %arg10[%gather3A_2213, %gather3A_2214, %gather3A_2215] : memref<11x64x128xf32, #tpu.memory_space<vmem>> -> memref<1x64x128xf32, #tpu.memory_space<vmem>>
      %gather3A_2217 = tpu.memref_squeeze %gather3A_2216 : memref<1x64x128xf32, #tpu.memory_space<vmem>> -> memref<64x128xf32, #tpu.memory_space<vmem>>
      %gather3A_2218 = tpu.vector_load_idx %gather3A_2217[%add3A_2212, %broadcast_in_dim3A_2208] : memref<64x128xf32, #tpu.memory_space<vmem>>[vector<16xi32>, vector<16xi32>], vector<16xf32>,
      tpu.vector_store_idx %arg11[%add3A_2212, %broadcast_in_dim3A_2209], %gather3A_2218 : memref<64x512xf32, #tpu.memory_space<vmem>>[vector<16xi32>, vector<16xi32>], vector<16xf32>,
      %add3A_2219 = arith.constant 16 : i32
      %add3A_2220 = vector.broadcast %add3A_2219 : i32 to vector<16xi32>
      %add3A_2221 = arith.addi %iota3A, %add3A_2220 : vector<16xi32>
      %gather3A_2222 = arith.constant 4 : i32
      %gather3A_2223 = arith.constant 0 : i32
      %gather3A_2224 = arith.constant 0 : i32
      %gather3A_2225 = tpu.memref_slice %arg10[%gather3A_2222, %gather3A_2223, %gather3A_2224] : memref<11x64x128xf32, #tpu.memory_space<vmem>> -> memref<1x64x128xf32, #tpu.memory_space<vmem>>
      %gather3A_2226 = tpu.memref_squeeze %gather3A_2225 : memref<1x64x128xf32, #tpu.memory_space<vmem>> -> memref<64x128xf32, #tpu.memory_space<vmem>>
      %gather3A_2227 = tpu.vector_load_idx %gather3A_2226[%add3A_2221, %broadcast_in_dim3A_2208] : memref<64x128xf32, #tpu.memory_space<vmem>>[vector<16xi32>, vector<16xi32>], vector<16xf32>,
      tpu.vector_store_idx %arg11[%add3A_2221, %broadcast_in_dim3A_2209], %gather3A_2227 : memref<64x512xf32, #tpu.memory_space<vmem>>[vector<16xi32>, vector<16xi32>], vector<16xf32>,
      %add3A_2228 = arith.constant 32 : i32
      %add3A_2229 = vector.broadcast %add3A_2228 : i32 to vector<16xi32>
      %add3A_2230 = arith.addi %iota3A, %add3A_2229 : vector<16xi32>
      %gather3A_2231 = arith.constant 4 : i32
      %gather3A_2232 = arith.constant 0 : i32
      %gather3A_2233 = arith.constant 0 : i32
      %gather3A_2234 = tpu.memref_slice %arg10[%gather3A_2231, %gather3A_2232, %gather3A_2233] : memref<11x64x128xf32, #tpu.memory_space<vmem>> -> memref<1x64x128xf32, #tpu.memory_space<vmem>>
      %gather3A_2235 = tpu.memref_squeeze %gather3A_2234 : memref<1x64x128xf32, #tpu.memory_space<vmem>> -> memref<64x128xf32, #tpu.memory_space<vmem>>
      %gather3A_2236 = tpu.vector_load_idx %gather3A_2235[%add3A_2230, %broadcast_in_dim3A_2208] : memref<64x128xf32, #tpu.memory_space<vmem>>[vector<16xi32>, vector<16xi32>], vector<16xf32>,
      tpu.vector_store_idx %arg11[%add3A_2230, %broadcast_in_dim3A_2209], %gather3A_2236 : memref<64x512xf32, #tpu.memory_space<vmem>>[vector<16xi32>, vector<16xi32>], vector<16xf32>,
      %add3A_2237 = arith.constant 48 : i32
      %add3A_2238 = vector.broadcast %add3A_2237 : i32 to vector<16xi32>
      %add3A_2239 = arith.addi %iota3A, %add3A_2238 : vector<16xi32>
      %gather3A_2240 = arith.constant 4 : i32
      %gather3A_2241 = arith.constant 0 : i32
      %gather3A_2242 = arith.constant 0 : i32
      %gather3A_2243 = tpu.memref_slice %arg10[%gather3A_2240, %gather3A_2241, %gather3A_2242] : memref<11x64x128xf32, #tpu.memory_space<vmem>> -> memref<1x64x128xf32, #tpu.memory_space<vmem>>
      %gather3A_2244 = tpu.memref_squeeze %gather3A_2243 : memref<1x64x128xf32, #tpu.memory_space<vmem>> -> memref<64x128xf32, #tpu.memory_space<vmem>>
      %gather3A_2245 = tpu.vector_load_idx %gather3A_2244[%add3A_2239, %broadcast_in_dim3A_2208] : memref<64x128xf32, #tpu.memory_space<vmem>>[vector<16xi32>, vector<16xi32>], vector<16xf32>,
      tpu.vector_store_idx %arg11[%add3A_2239, %broadcast_in_dim3A_2209], %gather3A_2245 : memref<64x512xf32, #tpu.memory_space<vmem>>[vector<16xi32>, vector<16xi32>], vector<16xf32>,
      %add3A_2246 = arith.constant 11 : i32
      %add3A_2247 = arith.addi %add3A_2182, %add3A_2246 : i32
      %min3A_2248 = arith.constant 511 : i32
      %min3A_2249 = arith.minsi %add3A_2247, %min3A_2248 : i32
      %get3A_2250 = arith.index_cast %min3A_2249 : i32 to index
      %get3A_2251 = tpu.vector_load %arg9[%get3A_2250] {strides = array<i32>} : memref<512xi32, #tpu.memory_space<vmem>>, vector<16xi32>,
      %slice3A_2252 = vector.extract_strided_slice %get3A_2251 {offsets = [0], sizes = [1], strides = [1]} : vector<16xi32> to vector<1xi32>
      %squeeze3A_2253 = vector.extract %slice3A_2252[0] : i32 from vector<1xi32>
      %shift_right_arithmetic3A_2254 = arith.constant 7 : i32
      %shift_right_arithmetic3A_2255 = arith.shrsi %squeeze3A_2253, %shift_right_arithmetic3A_2254 : i32
      %shift_left3A_2256 = arith.constant 7 : i32
      %shift_left3A_2257 = arith.shli %shift_right_arithmetic3A_2255, %shift_left3A_2256 : i32
      %multiple_of3A_2258 = tpu.assume_multiple %shift_left3A_2257, 128 : i32
      %dma_start3A_2259 = arith.constant 4 : i32
      %dma_start3A_2260 = arith.constant 0 : i32
      %dma_start3A_2261 = arith.constant 0 : i32
      %dma_start3A_2262 = tpu.memref_slice %arg10[%dma_start3A_2259, %dma_start3A_2260, %dma_start3A_2261] : memref<11x64x128xf32, #tpu.memory_space<vmem>> -> memref<1x64x128xf32, #tpu.memory_space<vmem>>
      %dma_start3A_2263 = tpu.memref_squeeze %dma_start3A_2262 : memref<1x64x128xf32, #tpu.memory_space<vmem>> -> memref<64x128xf32, #tpu.memory_space<vmem>>
      %dma_start3A_2264 = arith.constant 0 : i32
      %dma_start3A_2265 = tpu.memref_slice %arg5[%dma_start3A_2264, %multiple_of3A_2258] : memref<64x1000000xf32, #tpu.memory_space<hbm>> -> memref<64x128xf32, #tpu.memory_space<hbm>>
      %dma_start3A_2266 = arith.constant 0 : i32
      %dma_start3A_2267 = arith.constant 0 : i32
      %dma_start3A_2268 = tpu.memref_slice %arg10[%dma_start3A_2259, %dma_start3A_2266, %dma_start3A_2267] : memref<11x64x128xf32, #tpu.memory_space<vmem>> -> memref<1x64x128xf32, #tpu.memory_space<vmem>>
      %dma_start3A_2269 = tpu.memref_squeeze %dma_start3A_2268 : memref<1x64x128xf32, #tpu.memory_space<vmem>> -> memref<64x128xf32, #tpu.memory_space<vmem>>
      %dma_start3A_2270 = arith.constant 0 : i32
      %dma_start3A_2271 = tpu.memref_slice %arg5[%dma_start3A_2270, %multiple_of3A_2258] : memref<64x1000000xf32, #tpu.memory_space<hbm>> -> memref<64x128xf32, #tpu.memory_space<hbm>>
      tpu.enqueue_dma source(%dma_start3A_2271 : memref<64x128xf32, #tpu.memory_space<hbm>>) target(%dma_start3A_2269 : memref<64x128xf32, #tpu.memory_space<vmem>>) target_semaphore(%arg16 : memref<!tpu.dma_semaphore, #tpu.memory_space<semaphore_mem>>)
      %mul3A_2272 = arith.constant 11 : i32
      %mul3A_2273 = arith.muli %scan3A_1807, %mul3A_2272 : i32
      %add3A_2274 = arith.constant 5 : i32
      %add3A_2275 = arith.addi %mul3A_2273, %add3A_2274 : i32
      %dma_wait3A_2276 = arith.constant 5 : i32
      %dma_wait3A_2277 = arith.constant 0 : i32
      %dma_wait3A_2278 = arith.constant 0 : i32
      %dma_wait3A_2279 = tpu.memref_slice %arg10[%dma_wait3A_2276, %dma_wait3A_2277, %dma_wait3A_2278] : memref<11x64x128xf32, #tpu.memory_space<vmem>> -> memref<1x64x128xf32, #tpu.memory_space<vmem>>
      %dma_wait3A_2280 = tpu.memref_squeeze %dma_wait3A_2279 : memref<1x64x128xf32, #tpu.memory_space<vmem>> -> memref<64x128xf32, #tpu.memory_space<vmem>>
      %dma_wait3A_2281 = arith.constant 0 : i32
      %dma_wait3A_2282 = arith.constant 0 : i32
      %dma_wait3A_2283 = tpu.memref_slice %arg5[%dma_wait3A_2281, %dma_wait3A_2282] : memref<64x1000000xf32, #tpu.memory_space<hbm>> -> memref<64x128xf32, #tpu.memory_space<hbm>>
      %dma_wait3A_2284 = arith.constant 0 : i32
      %dma_wait3A_2285 = arith.constant 0 : i32
      %dma_wait3A_2286 = tpu.memref_slice %arg10[%dma_wait3A_2276, %dma_wait3A_2284, %dma_wait3A_2285] : memref<11x64x128xf32, #tpu.memory_space<vmem>> -> memref<1x64x128xf32, #tpu.memory_space<vmem>>
      %dma_wait3A_2287 = tpu.memref_squeeze %dma_wait3A_2286 : memref<1x64x128xf32, #tpu.memory_space<vmem>> -> memref<64x128xf32, #tpu.memory_space<vmem>>
      %dma_wait3A_2288 = arith.constant 0 : i32
      %dma_wait3A_2289 = arith.constant 0 : i32
      %dma_wait3A_2290 = tpu.memref_slice %arg5[%dma_wait3A_2288, %dma_wait3A_2289] : memref<64x1000000xf32, #tpu.memory_space<hbm>> -> memref<64x128xf32, #tpu.memory_space<hbm>>
      tpu.wait_dma2 semaphore(%arg17 : memref<!tpu.dma_semaphore, #tpu.memory_space<semaphore_mem>>) src(%dma_wait3A_2290 : memref<64x128xf32, #tpu.memory_space<hbm>>) dst(%dma_wait3A_2287 : memref<64x128xf32, #tpu.memory_space<vmem>>)
      %min3A_2291 = arith.constant 511 : i32
      %min3A_2292 = arith.minsi %add3A_2275, %min3A_2291 : i32
      %get3A_2293 = arith.index_cast %min3A_2292 : i32 to index
      %get3A_2294 = tpu.vector_load %arg9[%get3A_2293] {strides = array<i32>} : memref<512xi32, #tpu.memory_space<vmem>>, vector<16xi32>,
      %slice3A_2295 = vector.extract_strided_slice %get3A_2294 {offsets = [0], sizes = [1], strides = [1]} : vector<16xi32> to vector<1xi32>
      %squeeze3A_2296 = vector.extract %slice3A_2295[0] : i32 from vector<1xi32>
      %min3A_2297 = arith.constant 511 : i32
      %min3A_2298 = arith.minsi %add3A_2275, %min3A_2297 : i32
      %and3A_2299 = arith.constant 127 : i32
      %and3A_2300 = arith.andi %squeeze3A_2296, %and3A_2299 : i32
      %broadcast_in_dim3A_2301 = vector.broadcast %and3A_2300 : i32 to vector<16xi32>
      %broadcast_in_dim3A_2302 = vector.broadcast %min3A_2298 : i32 to vector<16xi32>
      %add3A_2303 = arith.constant 0 : i32
      %add3A_2304 = vector.broadcast %add3A_2303 : i32 to vector<16xi32>
      %add3A_2305 = arith.addi %iota3A, %add3A_2304 : vector<16xi32>
      %gather3A_2306 = arith.constant 5 : i32
      %gather3A_2307 = arith.constant 0 : i32
      %gather3A_2308 = arith.constant 0 : i32
      %gather3A_2309 = tpu.memref_slice %arg10[%gather3A_2306, %gather3A_2307, %gather3A_2308] : memref<11x64x128xf32, #tpu.memory_space<vmem>> -> memref<1x64x128xf32, #tpu.memory_space<vmem>>
      %gather3A_2310 = tpu.memref_squeeze %gather3A_2309 : memref<1x64x128xf32, #tpu.memory_space<vmem>> -> memref<64x128xf32, #tpu.memory_space<vmem>>
      %gather3A_2311 = tpu.vector_load_idx %gather3A_2310[%add3A_2305, %broadcast_in_dim3A_2301] : memref<64x128xf32, #tpu.memory_space<vmem>>[vector<16xi32>, vector<16xi32>], vector<16xf32>,
      tpu.vector_store_idx %arg11[%add3A_2305, %broadcast_in_dim3A_2302], %gather3A_2311 : memref<64x512xf32, #tpu.memory_space<vmem>>[vector<16xi32>, vector<16xi32>], vector<16xf32>,
      %add3A_2312 = arith.constant 16 : i32
      %add3A_2313 = vector.broadcast %add3A_2312 : i32 to vector<16xi32>
      %add3A_2314 = arith.addi %iota3A, %add3A_2313 : vector<16xi32>
      %gather3A_2315 = arith.constant 5 : i32
      %gather3A_2316 = arith.constant 0 : i32
      %gather3A_2317 = arith.constant 0 : i32
      %gather3A_2318 = tpu.memref_slice %arg10[%gather3A_2315, %gather3A_2316, %gather3A_2317] : memref<11x64x128xf32, #tpu.memory_space<vmem>> -> memref<1x64x128xf32, #tpu.memory_space<vmem>>
      %gather3A_2319 = tpu.memref_squeeze %gather3A_2318 : memref<1x64x128xf32, #tpu.memory_space<vmem>> -> memref<64x128xf32, #tpu.memory_space<vmem>>
      %gather3A_2320 = tpu.vector_load_idx %gather3A_2319[%add3A_2314, %broadcast_in_dim3A_2301] : memref<64x128xf32, #tpu.memory_space<vmem>>[vector<16xi32>, vector<16xi32>], vector<16xf32>,
      tpu.vector_store_idx %arg11[%add3A_2314, %broadcast_in_dim3A_2302], %gather3A_2320 : memref<64x512xf32, #tpu.memory_space<vmem>>[vector<16xi32>, vector<16xi32>], vector<16xf32>,
      %add3A_2321 = arith.constant 32 : i32
      %add3A_2322 = vector.broadcast %add3A_2321 : i32 to vector<16xi32>
      %add3A_2323 = arith.addi %iota3A, %add3A_2322 : vector<16xi32>
      %gather3A_2324 = arith.constant 5 : i32
      %gather3A_2325 = arith.constant 0 : i32
      %gather3A_2326 = arith.constant 0 : i32
      %gather3A_2327 = tpu.memref_slice %arg10[%gather3A_2324, %gather3A_2325, %gather3A_2326] : memref<11x64x128xf32, #tpu.memory_space<vmem>> -> memref<1x64x128xf32, #tpu.memory_space<vmem>>
      %gather3A_2328 = tpu.memref_squeeze %gather3A_2327 : memref<1x64x128xf32, #tpu.memory_space<vmem>> -> memref<64x128xf32, #tpu.memory_space<vmem>>
      %gather3A_2329 = tpu.vector_load_idx %gather3A_2328[%add3A_2323, %broadcast_in_dim3A_2301] : memref<64x128xf32, #tpu.memory_space<vmem>>[vector<16xi32>, vector<16xi32>], vector<16xf32>,
      tpu.vector_store_idx %arg11[%add3A_2323, %broadcast_in_dim3A_2302], %gather3A_2329 : memref<64x512xf32, #tpu.memory_space<vmem>>[vector<16xi32>, vector<16xi32>], vector<16xf32>,
      %add3A_2330 = arith.constant 48 : i32
      %add3A_2331 = vector.broadcast %add3A_2330 : i32 to vector<16xi32>
      %add3A_2332 = arith.addi %iota3A, %add3A_2331 : vector<16xi32>
      %gather3A_2333 = arith.constant 5 : i32
      %gather3A_2334 = arith.constant 0 : i32
      %gather3A_2335 = arith.constant 0 : i32
      %gather3A_2336 = tpu.memref_slice %arg10[%gather3A_2333, %gather3A_2334, %gather3A_2335] : memref<11x64x128xf32, #tpu.memory_space<vmem>> -> memref<1x64x128xf32, #tpu.memory_space<vmem>>
      %gather3A_2337 = tpu.memref_squeeze %gather3A_2336 : memref<1x64x128xf32, #tpu.memory_space<vmem>> -> memref<64x128xf32, #tpu.memory_space<vmem>>
      %gather3A_2338 = tpu.vector_load_idx %gather3A_2337[%add3A_2332, %broadcast_in_dim3A_2301] : memref<64x128xf32, #tpu.memory_space<vmem>>[vector<16xi32>, vector<16xi32>], vector<16xf32>,
      tpu.vector_store_idx %arg11[%add3A_2332, %broadcast_in_dim3A_2302], %gather3A_2338 : memref<64x512xf32, #tpu.memory_space<vmem>>[vector<16xi32>, vector<16xi32>], vector<16xf32>,
      %add3A_2339 = arith.constant 11 : i32
      %add3A_2340 = arith.addi %add3A_2275, %add3A_2339 : i32
      %min3A_2341 = arith.constant 511 : i32
      %min3A_2342 = arith.minsi %add3A_2340, %min3A_2341 : i32
      %get3A_2343 = arith.index_cast %min3A_2342 : i32 to index
      %get3A_2344 = tpu.vector_load %arg9[%get3A_2343] {strides = array<i32>} : memref<512xi32, #tpu.memory_space<vmem>>, vector<16xi32>,
      %slice3A_2345 = vector.extract_strided_slice %get3A_2344 {offsets = [0], sizes = [1], strides = [1]} : vector<16xi32> to vector<1xi32>
      %squeeze3A_2346 = vector.extract %slice3A_2345[0] : i32 from vector<1xi32>
      %shift_right_arithmetic3A_2347 = arith.constant 7 : i32
      %shift_right_arithmetic3A_2348 = arith.shrsi %squeeze3A_2346, %shift_right_arithmetic3A_2347 : i32
      %shift_left3A_2349 = arith.constant 7 : i32
      %shift_left3A_2350 = arith.shli %shift_right_arithmetic3A_2348, %shift_left3A_2349 : i32
      %multiple_of3A_2351 = tpu.assume_multiple %shift_left3A_2350, 128 : i32
      %dma_start3A_2352 = arith.constant 5 : i32
      %dma_start3A_2353 = arith.constant 0 : i32
      %dma_start3A_2354 = arith.constant 0 : i32
      %dma_start3A_2355 = tpu.memref_slice %arg10[%dma_start3A_2352, %dma_start3A_2353, %dma_start3A_2354] : memref<11x64x128xf32, #tpu.memory_space<vmem>> -> memref<1x64x128xf32, #tpu.memory_space<vmem>>
      %dma_start3A_2356 = tpu.memref_squeeze %dma_start3A_2355 : memref<1x64x128xf32, #tpu.memory_space<vmem>> -> memref<64x128xf32, #tpu.memory_space<vmem>>
      %dma_start3A_2357 = arith.constant 0 : i32
      %dma_start3A_2358 = tpu.memref_slice %arg5[%dma_start3A_2357, %multiple_of3A_2351] : memref<64x1000000xf32, #tpu.memory_space<hbm>> -> memref<64x128xf32, #tpu.memory_space<hbm>>
      %dma_start3A_2359 = arith.constant 0 : i32
      %dma_start3A_2360 = arith.constant 0 : i32
      %dma_start3A_2361 = tpu.memref_slice %arg10[%dma_start3A_2352, %dma_start3A_2359, %dma_start3A_2360] : memref<11x64x128xf32, #tpu.memory_space<vmem>> -> memref<1x64x128xf32, #tpu.memory_space<vmem>>
      %dma_start3A_2362 = tpu.memref_squeeze %dma_start3A_2361 : memref<1x64x128xf32, #tpu.memory_space<vmem>> -> memref<64x128xf32, #tpu.memory_space<vmem>>
      %dma_start3A_2363 = arith.constant 0 : i32
      %dma_start3A_2364 = tpu.memref_slice %arg5[%dma_start3A_2363, %multiple_of3A_2351] : memref<64x1000000xf32, #tpu.memory_space<hbm>> -> memref<64x128xf32, #tpu.memory_space<hbm>>
      tpu.enqueue_dma source(%dma_start3A_2364 : memref<64x128xf32, #tpu.memory_space<hbm>>) target(%dma_start3A_2362 : memref<64x128xf32, #tpu.memory_space<vmem>>) target_semaphore(%arg17 : memref<!tpu.dma_semaphore, #tpu.memory_space<semaphore_mem>>)
      %mul3A_2365 = arith.constant 11 : i32
      %mul3A_2366 = arith.muli %scan3A_1807, %mul3A_2365 : i32
      %add3A_2367 = arith.constant 6 : i32
      %add3A_2368 = arith.addi %mul3A_2366, %add3A_2367 : i32
      %dma_wait3A_2369 = arith.constant 6 : i32
      %dma_wait3A_2370 = arith.constant 0 : i32
      %dma_wait3A_2371 = arith.constant 0 : i32
      %dma_wait3A_2372 = tpu.memref_slice %arg10[%dma_wait3A_2369, %dma_wait3A_2370, %dma_wait3A_2371] : memref<11x64x128xf32, #tpu.memory_space<vmem>> -> memref<1x64x128xf32, #tpu.memory_space<vmem>>
      %dma_wait3A_2373 = tpu.memref_squeeze %dma_wait3A_2372 : memref<1x64x128xf32, #tpu.memory_space<vmem>> -> memref<64x128xf32, #tpu.memory_space<vmem>>
      %dma_wait3A_2374 = arith.constant 0 : i32
      %dma_wait3A_2375 = arith.constant 0 : i32
      %dma_wait3A_2376 = tpu.memref_slice %arg5[%dma_wait3A_2374, %dma_wait3A_2375] : memref<64x1000000xf32, #tpu.memory_space<hbm>> -> memref<64x128xf32, #tpu.memory_space<hbm>>
      %dma_wait3A_2377 = arith.constant 0 : i32
      %dma_wait3A_2378 = arith.constant 0 : i32
      %dma_wait3A_2379 = tpu.memref_slice %arg10[%dma_wait3A_2369, %dma_wait3A_2377, %dma_wait3A_2378] : memref<11x64x128xf32, #tpu.memory_space<vmem>> -> memref<1x64x128xf32, #tpu.memory_space<vmem>>
      %dma_wait3A_2380 = tpu.memref_squeeze %dma_wait3A_2379 : memref<1x64x128xf32, #tpu.memory_space<vmem>> -> memref<64x128xf32, #tpu.memory_space<vmem>>
      %dma_wait3A_2381 = arith.constant 0 : i32
      %dma_wait3A_2382 = arith.constant 0 : i32
      %dma_wait3A_2383 = tpu.memref_slice %arg5[%dma_wait3A_2381, %dma_wait3A_2382] : memref<64x1000000xf32, #tpu.memory_space<hbm>> -> memref<64x128xf32, #tpu.memory_space<hbm>>
      tpu.wait_dma2 semaphore(%arg18 : memref<!tpu.dma_semaphore, #tpu.memory_space<semaphore_mem>>) src(%dma_wait3A_2383 : memref<64x128xf32, #tpu.memory_space<hbm>>) dst(%dma_wait3A_2380 : memref<64x128xf32, #tpu.memory_space<vmem>>)
      %min3A_2384 = arith.constant 511 : i32
      %min3A_2385 = arith.minsi %add3A_2368, %min3A_2384 : i32
      %get3A_2386 = arith.index_cast %min3A_2385 : i32 to index
      %get3A_2387 = tpu.vector_load %arg9[%get3A_2386] {strides = array<i32>} : memref<512xi32, #tpu.memory_space<vmem>>, vector<16xi32>,
      %slice3A_2388 = vector.extract_strided_slice %get3A_2387 {offsets = [0], sizes = [1], strides = [1]} : vector<16xi32> to vector<1xi32>
      %squeeze3A_2389 = vector.extract %slice3A_2388[0] : i32 from vector<1xi32>
      %min3A_2390 = arith.constant 511 : i32
      %min3A_2391 = arith.minsi %add3A_2368, %min3A_2390 : i32
      %and3A_2392 = arith.constant 127 : i32
      %and3A_2393 = arith.andi %squeeze3A_2389, %and3A_2392 : i32
      %broadcast_in_dim3A_2394 = vector.broadcast %and3A_2393 : i32 to vector<16xi32>
      %broadcast_in_dim3A_2395 = vector.broadcast %min3A_2391 : i32 to vector<16xi32>
      %add3A_2396 = arith.constant 0 : i32
      %add3A_2397 = vector.broadcast %add3A_2396 : i32 to vector<16xi32>
      %add3A_2398 = arith.addi %iota3A, %add3A_2397 : vector<16xi32>
      %gather3A_2399 = arith.constant 6 : i32
      %gather3A_2400 = arith.constant 0 : i32
      %gather3A_2401 = arith.constant 0 : i32
      %gather3A_2402 = tpu.memref_slice %arg10[%gather3A_2399, %gather3A_2400, %gather3A_2401] : memref<11x64x128xf32, #tpu.memory_space<vmem>> -> memref<1x64x128xf32, #tpu.memory_space<vmem>>
      %gather3A_2403 = tpu.memref_squeeze %gather3A_2402 : memref<1x64x128xf32, #tpu.memory_space<vmem>> -> memref<64x128xf32, #tpu.memory_space<vmem>>
      %gather3A_2404 = tpu.vector_load_idx %gather3A_2403[%add3A_2398, %broadcast_in_dim3A_2394] : memref<64x128xf32, #tpu.memory_space<vmem>>[vector<16xi32>, vector<16xi32>], vector<16xf32>,
      tpu.vector_store_idx %arg11[%add3A_2398, %broadcast_in_dim3A_2395], %gather3A_2404 : memref<64x512xf32, #tpu.memory_space<vmem>>[vector<16xi32>, vector<16xi32>], vector<16xf32>,
      %add3A_2405 = arith.constant 16 : i32
      %add3A_2406 = vector.broadcast %add3A_2405 : i32 to vector<16xi32>
      %add3A_2407 = arith.addi %iota3A, %add3A_2406 : vector<16xi32>
      %gather3A_2408 = arith.constant 6 : i32
      %gather3A_2409 = arith.constant 0 : i32
      %gather3A_2410 = arith.constant 0 : i32
      %gather3A_2411 = tpu.memref_slice %arg10[%gather3A_2408, %gather3A_2409, %gather3A_2410] : memref<11x64x128xf32, #tpu.memory_space<vmem>> -> memref<1x64x128xf32, #tpu.memory_space<vmem>>
      %gather3A_2412 = tpu.memref_squeeze %gather3A_2411 : memref<1x64x128xf32, #tpu.memory_space<vmem>> -> memref<64x128xf32, #tpu.memory_space<vmem>>
      %gather3A_2413 = tpu.vector_load_idx %gather3A_2412[%add3A_2407, %broadcast_in_dim3A_2394] : memref<64x128xf32, #tpu.memory_space<vmem>>[vector<16xi32>, vector<16xi32>], vector<16xf32>,
      tpu.vector_store_idx %arg11[%add3A_2407, %broadcast_in_dim3A_2395], %gather3A_2413 : memref<64x512xf32, #tpu.memory_space<vmem>>[vector<16xi32>, vector<16xi32>], vector<16xf32>,
      %add3A_2414 = arith.constant 32 : i32
      %add3A_2415 = vector.broadcast %add3A_2414 : i32 to vector<16xi32>
      %add3A_2416 = arith.addi %iota3A, %add3A_2415 : vector<16xi32>
      %gather3A_2417 = arith.constant 6 : i32
      %gather3A_2418 = arith.constant 0 : i32
      %gather3A_2419 = arith.constant 0 : i32
      %gather3A_2420 = tpu.memref_slice %arg10[%gather3A_2417, %gather3A_2418, %gather3A_2419] : memref<11x64x128xf32, #tpu.memory_space<vmem>> -> memref<1x64x128xf32, #tpu.memory_space<vmem>>
      %gather3A_2421 = tpu.memref_squeeze %gather3A_2420 : memref<1x64x128xf32, #tpu.memory_space<vmem>> -> memref<64x128xf32, #tpu.memory_space<vmem>>
      %gather3A_2422 = tpu.vector_load_idx %gather3A_2421[%add3A_2416, %broadcast_in_dim3A_2394] : memref<64x128xf32, #tpu.memory_space<vmem>>[vector<16xi32>, vector<16xi32>], vector<16xf32>,
      tpu.vector_store_idx %arg11[%add3A_2416, %broadcast_in_dim3A_2395], %gather3A_2422 : memref<64x512xf32, #tpu.memory_space<vmem>>[vector<16xi32>, vector<16xi32>], vector<16xf32>,
      %add3A_2423 = arith.constant 48 : i32
      %add3A_2424 = vector.broadcast %add3A_2423 : i32 to vector<16xi32>
      %add3A_2425 = arith.addi %iota3A, %add3A_2424 : vector<16xi32>
      %gather3A_2426 = arith.constant 6 : i32
      %gather3A_2427 = arith.constant 0 : i32
      %gather3A_2428 = arith.constant 0 : i32
      %gather3A_2429 = tpu.memref_slice %arg10[%gather3A_2426, %gather3A_2427, %gather3A_2428] : memref<11x64x128xf32, #tpu.memory_space<vmem>> -> memref<1x64x128xf32, #tpu.memory_space<vmem>>
      %gather3A_2430 = tpu.memref_squeeze %gather3A_2429 : memref<1x64x128xf32, #tpu.memory_space<vmem>> -> memref<64x128xf32, #tpu.memory_space<vmem>>
      %gather3A_2431 = tpu.vector_load_idx %gather3A_2430[%add3A_2425, %broadcast_in_dim3A_2394] : memref<64x128xf32, #tpu.memory_space<vmem>>[vector<16xi32>, vector<16xi32>], vector<16xf32>,
      tpu.vector_store_idx %arg11[%add3A_2425, %broadcast_in_dim3A_2395], %gather3A_2431 : memref<64x512xf32, #tpu.memory_space<vmem>>[vector<16xi32>, vector<16xi32>], vector<16xf32>,
      %add3A_2432 = arith.constant 11 : i32
      %add3A_2433 = arith.addi %add3A_2368, %add3A_2432 : i32
      %min3A_2434 = arith.constant 511 : i32
      %min3A_2435 = arith.minsi %add3A_2433, %min3A_2434 : i32
      %get3A_2436 = arith.index_cast %min3A_2435 : i32 to index
      %get3A_2437 = tpu.vector_load %arg9[%get3A_2436] {strides = array<i32>} : memref<512xi32, #tpu.memory_space<vmem>>, vector<16xi32>,
      %slice3A_2438 = vector.extract_strided_slice %get3A_2437 {offsets = [0], sizes = [1], strides = [1]} : vector<16xi32> to vector<1xi32>
      %squeeze3A_2439 = vector.extract %slice3A_2438[0] : i32 from vector<1xi32>
      %shift_right_arithmetic3A_2440 = arith.constant 7 : i32
      %shift_right_arithmetic3A_2441 = arith.shrsi %squeeze3A_2439, %shift_right_arithmetic3A_2440 : i32
      %shift_left3A_2442 = arith.constant 7 : i32
      %shift_left3A_2443 = arith.shli %shift_right_arithmetic3A_2441, %shift_left3A_2442 : i32
      %multiple_of3A_2444 = tpu.assume_multiple %shift_left3A_2443, 128 : i32
      %dma_start3A_2445 = arith.constant 6 : i32
      %dma_start3A_2446 = arith.constant 0 : i32
      %dma_start3A_2447 = arith.constant 0 : i32
      %dma_start3A_2448 = tpu.memref_slice %arg10[%dma_start3A_2445, %dma_start3A_2446, %dma_start3A_2447] : memref<11x64x128xf32, #tpu.memory_space<vmem>> -> memref<1x64x128xf32, #tpu.memory_space<vmem>>
      %dma_start3A_2449 = tpu.memref_squeeze %dma_start3A_2448 : memref<1x64x128xf32, #tpu.memory_space<vmem>> -> memref<64x128xf32, #tpu.memory_space<vmem>>
      %dma_start3A_2450 = arith.constant 0 : i32
      %dma_start3A_2451 = tpu.memref_slice %arg5[%dma_start3A_2450, %multiple_of3A_2444] : memref<64x1000000xf32, #tpu.memory_space<hbm>> -> memref<64x128xf32, #tpu.memory_space<hbm>>
      %dma_start3A_2452 = arith.constant 0 : i32
      %dma_start3A_2453 = arith.constant 0 : i32
      %dma_start3A_2454 = tpu.memref_slice %arg10[%dma_start3A_2445, %dma_start3A_2452, %dma_start3A_2453] : memref<11x64x128xf32, #tpu.memory_space<vmem>> -> memref<1x64x128xf32, #tpu.memory_space<vmem>>
      %dma_start3A_2455 = tpu.memref_squeeze %dma_start3A_2454 : memref<1x64x128xf32, #tpu.memory_space<vmem>> -> memref<64x128xf32, #tpu.memory_space<vmem>>
      %dma_start3A_2456 = arith.constant 0 : i32
      %dma_start3A_2457 = tpu.memref_slice %arg5[%dma_start3A_2456, %multiple_of3A_2444] : memref<64x1000000xf32, #tpu.memory_space<hbm>> -> memref<64x128xf32, #tpu.memory_space<hbm>>
      tpu.enqueue_dma source(%dma_start3A_2457 : memref<64x128xf32, #tpu.memory_space<hbm>>) target(%dma_start3A_2455 : memref<64x128xf32, #tpu.memory_space<vmem>>) target_semaphore(%arg18 : memref<!tpu.dma_semaphore, #tpu.memory_space<semaphore_mem>>)
      %mul3A_2458 = arith.constant 11 : i32
      %mul3A_2459 = arith.muli %scan3A_1807, %mul3A_2458 : i32
      %add3A_2460 = arith.constant 7 : i32
      %add3A_2461 = arith.addi %mul3A_2459, %add3A_2460 : i32
      %dma_wait3A_2462 = arith.constant 7 : i32
      %dma_wait3A_2463 = arith.constant 0 : i32
      %dma_wait3A_2464 = arith.constant 0 : i32
      %dma_wait3A_2465 = tpu.memref_slice %arg10[%dma_wait3A_2462, %dma_wait3A_2463, %dma_wait3A_2464] : memref<11x64x128xf32, #tpu.memory_space<vmem>> -> memref<1x64x128xf32, #tpu.memory_space<vmem>>
      %dma_wait3A_2466 = tpu.memref_squeeze %dma_wait3A_2465 : memref<1x64x128xf32, #tpu.memory_space<vmem>> -> memref<64x128xf32, #tpu.memory_space<vmem>>
      %dma_wait3A_2467 = arith.constant 0 : i32
      %dma_wait3A_2468 = arith.constant 0 : i32
      %dma_wait3A_2469 = tpu.memref_slice %arg5[%dma_wait3A_2467, %dma_wait3A_2468] : memref<64x1000000xf32, #tpu.memory_space<hbm>> -> memref<64x128xf32, #tpu.memory_space<hbm>>
      %dma_wait3A_2470 = arith.constant 0 : i32
      %dma_wait3A_2471 = arith.constant 0 : i32
      %dma_wait3A_2472 = tpu.memref_slice %arg10[%dma_wait3A_2462, %dma_wait3A_2470, %dma_wait3A_2471] : memref<11x64x128xf32, #tpu.memory_space<vmem>> -> memref<1x64x128xf32, #tpu.memory_space<vmem>>
      %dma_wait3A_2473 = tpu.memref_squeeze %dma_wait3A_2472 : memref<1x64x128xf32, #tpu.memory_space<vmem>> -> memref<64x128xf32, #tpu.memory_space<vmem>>
      %dma_wait3A_2474 = arith.constant 0 : i32
      %dma_wait3A_2475 = arith.constant 0 : i32
      %dma_wait3A_2476 = tpu.memref_slice %arg5[%dma_wait3A_2474, %dma_wait3A_2475] : memref<64x1000000xf32, #tpu.memory_space<hbm>> -> memref<64x128xf32, #tpu.memory_space<hbm>>
      tpu.wait_dma2 semaphore(%arg19 : memref<!tpu.dma_semaphore, #tpu.memory_space<semaphore_mem>>) src(%dma_wait3A_2476 : memref<64x128xf32, #tpu.memory_space<hbm>>) dst(%dma_wait3A_2473 : memref<64x128xf32, #tpu.memory_space<vmem>>)
      %min3A_2477 = arith.constant 511 : i32
      %min3A_2478 = arith.minsi %add3A_2461, %min3A_2477 : i32
      %get3A_2479 = arith.index_cast %min3A_2478 : i32 to index
      %get3A_2480 = tpu.vector_load %arg9[%get3A_2479] {strides = array<i32>} : memref<512xi32, #tpu.memory_space<vmem>>, vector<16xi32>,
      %slice3A_2481 = vector.extract_strided_slice %get3A_2480 {offsets = [0], sizes = [1], strides = [1]} : vector<16xi32> to vector<1xi32>
      %squeeze3A_2482 = vector.extract %slice3A_2481[0] : i32 from vector<1xi32>
      %min3A_2483 = arith.constant 511 : i32
      %min3A_2484 = arith.minsi %add3A_2461, %min3A_2483 : i32
      %and3A_2485 = arith.constant 127 : i32
      %and3A_2486 = arith.andi %squeeze3A_2482, %and3A_2485 : i32
      %broadcast_in_dim3A_2487 = vector.broadcast %and3A_2486 : i32 to vector<16xi32>
      %broadcast_in_dim3A_2488 = vector.broadcast %min3A_2484 : i32 to vector<16xi32>
      %add3A_2489 = arith.constant 0 : i32
      %add3A_2490 = vector.broadcast %add3A_2489 : i32 to vector<16xi32>
      %add3A_2491 = arith.addi %iota3A, %add3A_2490 : vector<16xi32>
      %gather3A_2492 = arith.constant 7 : i32
      %gather3A_2493 = arith.constant 0 : i32
      %gather3A_2494 = arith.constant 0 : i32
      %gather3A_2495 = tpu.memref_slice %arg10[%gather3A_2492, %gather3A_2493, %gather3A_2494] : memref<11x64x128xf32, #tpu.memory_space<vmem>> -> memref<1x64x128xf32, #tpu.memory_space<vmem>>
      %gather3A_2496 = tpu.memref_squeeze %gather3A_2495 : memref<1x64x128xf32, #tpu.memory_space<vmem>> -> memref<64x128xf32, #tpu.memory_space<vmem>>
      %gather3A_2497 = tpu.vector_load_idx %gather3A_2496[%add3A_2491, %broadcast_in_dim3A_2487] : memref<64x128xf32, #tpu.memory_space<vmem>>[vector<16xi32>, vector<16xi32>], vector<16xf32>,
      tpu.vector_store_idx %arg11[%add3A_2491, %broadcast_in_dim3A_2488], %gather3A_2497 : memref<64x512xf32, #tpu.memory_space<vmem>>[vector<16xi32>, vector<16xi32>], vector<16xf32>,
      %add3A_2498 = arith.constant 16 : i32
      %add3A_2499 = vector.broadcast %add3A_2498 : i32 to vector<16xi32>
      %add3A_2500 = arith.addi %iota3A, %add3A_2499 : vector<16xi32>
      %gather3A_2501 = arith.constant 7 : i32
      %gather3A_2502 = arith.constant 0 : i32
      %gather3A_2503 = arith.constant 0 : i32
      %gather3A_2504 = tpu.memref_slice %arg10[%gather3A_2501, %gather3A_2502, %gather3A_2503] : memref<11x64x128xf32, #tpu.memory_space<vmem>> -> memref<1x64x128xf32, #tpu.memory_space<vmem>>
      %gather3A_2505 = tpu.memref_squeeze %gather3A_2504 : memref<1x64x128xf32, #tpu.memory_space<vmem>> -> memref<64x128xf32, #tpu.memory_space<vmem>>
      %gather3A_2506 = tpu.vector_load_idx %gather3A_2505[%add3A_2500, %broadcast_in_dim3A_2487] : memref<64x128xf32, #tpu.memory_space<vmem>>[vector<16xi32>, vector<16xi32>], vector<16xf32>,
      tpu.vector_store_idx %arg11[%add3A_2500, %broadcast_in_dim3A_2488], %gather3A_2506 : memref<64x512xf32, #tpu.memory_space<vmem>>[vector<16xi32>, vector<16xi32>], vector<16xf32>,
      %add3A_2507 = arith.constant 32 : i32
      %add3A_2508 = vector.broadcast %add3A_2507 : i32 to vector<16xi32>
      %add3A_2509 = arith.addi %iota3A, %add3A_2508 : vector<16xi32>
      %gather3A_2510 = arith.constant 7 : i32
      %gather3A_2511 = arith.constant 0 : i32
      %gather3A_2512 = arith.constant 0 : i32
      %gather3A_2513 = tpu.memref_slice %arg10[%gather3A_2510, %gather3A_2511, %gather3A_2512] : memref<11x64x128xf32, #tpu.memory_space<vmem>> -> memref<1x64x128xf32, #tpu.memory_space<vmem>>
      %gather3A_2514 = tpu.memref_squeeze %gather3A_2513 : memref<1x64x128xf32, #tpu.memory_space<vmem>> -> memref<64x128xf32, #tpu.memory_space<vmem>>
      %gather3A_2515 = tpu.vector_load_idx %gather3A_2514[%add3A_2509, %broadcast_in_dim3A_2487] : memref<64x128xf32, #tpu.memory_space<vmem>>[vector<16xi32>, vector<16xi32>], vector<16xf32>,
      tpu.vector_store_idx %arg11[%add3A_2509, %broadcast_in_dim3A_2488], %gather3A_2515 : memref<64x512xf32, #tpu.memory_space<vmem>>[vector<16xi32>, vector<16xi32>], vector<16xf32>,
      %add3A_2516 = arith.constant 48 : i32
      %add3A_2517 = vector.broadcast %add3A_2516 : i32 to vector<16xi32>
      %add3A_2518 = arith.addi %iota3A, %add3A_2517 : vector<16xi32>
      %gather3A_2519 = arith.constant 7 : i32
      %gather3A_2520 = arith.constant 0 : i32
      %gather3A_2521 = arith.constant 0 : i32
      %gather3A_2522 = tpu.memref_slice %arg10[%gather3A_2519, %gather3A_2520, %gather3A_2521] : memref<11x64x128xf32, #tpu.memory_space<vmem>> -> memref<1x64x128xf32, #tpu.memory_space<vmem>>
      %gather3A_2523 = tpu.memref_squeeze %gather3A_2522 : memref<1x64x128xf32, #tpu.memory_space<vmem>> -> memref<64x128xf32, #tpu.memory_space<vmem>>
      %gather3A_2524 = tpu.vector_load_idx %gather3A_2523[%add3A_2518, %broadcast_in_dim3A_2487] : memref<64x128xf32, #tpu.memory_space<vmem>>[vector<16xi32>, vector<16xi32>], vector<16xf32>,
      tpu.vector_store_idx %arg11[%add3A_2518, %broadcast_in_dim3A_2488], %gather3A_2524 : memref<64x512xf32, #tpu.memory_space<vmem>>[vector<16xi32>, vector<16xi32>], vector<16xf32>,
      %add3A_2525 = arith.constant 11 : i32
      %add3A_2526 = arith.addi %add3A_2461, %add3A_2525 : i32
      %min3A_2527 = arith.constant 511 : i32
      %min3A_2528 = arith.minsi %add3A_2526, %min3A_2527 : i32
      %get3A_2529 = arith.index_cast %min3A_2528 : i32 to index
      %get3A_2530 = tpu.vector_load %arg9[%get3A_2529] {strides = array<i32>} : memref<512xi32, #tpu.memory_space<vmem>>, vector<16xi32>,
      %slice3A_2531 = vector.extract_strided_slice %get3A_2530 {offsets = [0], sizes = [1], strides = [1]} : vector<16xi32> to vector<1xi32>
      %squeeze3A_2532 = vector.extract %slice3A_2531[0] : i32 from vector<1xi32>
      %shift_right_arithmetic3A_2533 = arith.constant 7 : i32
      %shift_right_arithmetic3A_2534 = arith.shrsi %squeeze3A_2532, %shift_right_arithmetic3A_2533 : i32
      %shift_left3A_2535 = arith.constant 7 : i32
      %shift_left3A_2536 = arith.shli %shift_right_arithmetic3A_2534, %shift_left3A_2535 : i32
      %multiple_of3A_2537 = tpu.assume_multiple %shift_left3A_2536, 128 : i32
      %dma_start3A_2538 = arith.constant 7 : i32
      %dma_start3A_2539 = arith.constant 0 : i32
      %dma_start3A_2540 = arith.constant 0 : i32
      %dma_start3A_2541 = tpu.memref_slice %arg10[%dma_start3A_2538, %dma_start3A_2539, %dma_start3A_2540] : memref<11x64x128xf32, #tpu.memory_space<vmem>> -> memref<1x64x128xf32, #tpu.memory_space<vmem>>
      %dma_start3A_2542 = tpu.memref_squeeze %dma_start3A_2541 : memref<1x64x128xf32, #tpu.memory_space<vmem>> -> memref<64x128xf32, #tpu.memory_space<vmem>>
      %dma_start3A_2543 = arith.constant 0 : i32
      %dma_start3A_2544 = tpu.memref_slice %arg5[%dma_start3A_2543, %multiple_of3A_2537] : memref<64x1000000xf32, #tpu.memory_space<hbm>> -> memref<64x128xf32, #tpu.memory_space<hbm>>
      %dma_start3A_2545 = arith.constant 0 : i32
      %dma_start3A_2546 = arith.constant 0 : i32
      %dma_start3A_2547 = tpu.memref_slice %arg10[%dma_start3A_2538, %dma_start3A_2545, %dma_start3A_2546] : memref<11x64x128xf32, #tpu.memory_space<vmem>> -> memref<1x64x128xf32, #tpu.memory_space<vmem>>
      %dma_start3A_2548 = tpu.memref_squeeze %dma_start3A_2547 : memref<1x64x128xf32, #tpu.memory_space<vmem>> -> memref<64x128xf32, #tpu.memory_space<vmem>>
      %dma_start3A_2549 = arith.constant 0 : i32
      %dma_start3A_2550 = tpu.memref_slice %arg5[%dma_start3A_2549, %multiple_of3A_2537] : memref<64x1000000xf32, #tpu.memory_space<hbm>> -> memref<64x128xf32, #tpu.memory_space<hbm>>
      tpu.enqueue_dma source(%dma_start3A_2550 : memref<64x128xf32, #tpu.memory_space<hbm>>) target(%dma_start3A_2548 : memref<64x128xf32, #tpu.memory_space<vmem>>) target_semaphore(%arg19 : memref<!tpu.dma_semaphore, #tpu.memory_space<semaphore_mem>>)
      %mul3A_2551 = arith.constant 11 : i32
      %mul3A_2552 = arith.muli %scan3A_1807, %mul3A_2551 : i32
      %add3A_2553 = arith.constant 8 : i32
      %add3A_2554 = arith.addi %mul3A_2552, %add3A_2553 : i32
      %dma_wait3A_2555 = arith.constant 8 : i32
      %dma_wait3A_2556 = arith.constant 0 : i32
      %dma_wait3A_2557 = arith.constant 0 : i32
      %dma_wait3A_2558 = tpu.memref_slice %arg10[%dma_wait3A_2555, %dma_wait3A_2556, %dma_wait3A_2557] : memref<11x64x128xf32, #tpu.memory_space<vmem>> -> memref<1x64x128xf32, #tpu.memory_space<vmem>>
      %dma_wait3A_2559 = tpu.memref_squeeze %dma_wait3A_2558 : memref<1x64x128xf32, #tpu.memory_space<vmem>> -> memref<64x128xf32, #tpu.memory_space<vmem>>
      %dma_wait3A_2560 = arith.constant 0 : i32
      %dma_wait3A_2561 = arith.constant 0 : i32
      %dma_wait3A_2562 = tpu.memref_slice %arg5[%dma_wait3A_2560, %dma_wait3A_2561] : memref<64x1000000xf32, #tpu.memory_space<hbm>> -> memref<64x128xf32, #tpu.memory_space<hbm>>
      %dma_wait3A_2563 = arith.constant 0 : i32
      %dma_wait3A_2564 = arith.constant 0 : i32
      %dma_wait3A_2565 = tpu.memref_slice %arg10[%dma_wait3A_2555, %dma_wait3A_2563, %dma_wait3A_2564] : memref<11x64x128xf32, #tpu.memory_space<vmem>> -> memref<1x64x128xf32, #tpu.memory_space<vmem>>
      %dma_wait3A_2566 = tpu.memref_squeeze %dma_wait3A_2565 : memref<1x64x128xf32, #tpu.memory_space<vmem>> -> memref<64x128xf32, #tpu.memory_space<vmem>>
      %dma_wait3A_2567 = arith.constant 0 : i32
      %dma_wait3A_2568 = arith.constant 0 : i32
      %dma_wait3A_2569 = tpu.memref_slice %arg5[%dma_wait3A_2567, %dma_wait3A_2568] : memref<64x1000000xf32, #tpu.memory_space<hbm>> -> memref<64x128xf32, #tpu.memory_space<hbm>>
      tpu.wait_dma2 semaphore(%arg20 : memref<!tpu.dma_semaphore, #tpu.memory_space<semaphore_mem>>) src(%dma_wait3A_2569 : memref<64x128xf32, #tpu.memory_space<hbm>>) dst(%dma_wait3A_2566 : memref<64x128xf32, #tpu.memory_space<vmem>>)
      %min3A_2570 = arith.constant 511 : i32
      %min3A_2571 = arith.minsi %add3A_2554, %min3A_2570 : i32
      %get3A_2572 = arith.index_cast %min3A_2571 : i32 to index
      %get3A_2573 = tpu.vector_load %arg9[%get3A_2572] {strides = array<i32>} : memref<512xi32, #tpu.memory_space<vmem>>, vector<16xi32>,
      %slice3A_2574 = vector.extract_strided_slice %get3A_2573 {offsets = [0], sizes = [1], strides = [1]} : vector<16xi32> to vector<1xi32>
      %squeeze3A_2575 = vector.extract %slice3A_2574[0] : i32 from vector<1xi32>
      %min3A_2576 = arith.constant 511 : i32
      %min3A_2577 = arith.minsi %add3A_2554, %min3A_2576 : i32
      %and3A_2578 = arith.constant 127 : i32
      %and3A_2579 = arith.andi %squeeze3A_2575, %and3A_2578 : i32
      %broadcast_in_dim3A_2580 = vector.broadcast %and3A_2579 : i32 to vector<16xi32>
      %broadcast_in_dim3A_2581 = vector.broadcast %min3A_2577 : i32 to vector<16xi32>
      %add3A_2582 = arith.constant 0 : i32
      %add3A_2583 = vector.broadcast %add3A_2582 : i32 to vector<16xi32>
      %add3A_2584 = arith.addi %iota3A, %add3A_2583 : vector<16xi32>
      %gather3A_2585 = arith.constant 8 : i32
      %gather3A_2586 = arith.constant 0 : i32
      %gather3A_2587 = arith.constant 0 : i32
      %gather3A_2588 = tpu.memref_slice %arg10[%gather3A_2585, %gather3A_2586, %gather3A_2587] : memref<11x64x128xf32, #tpu.memory_space<vmem>> -> memref<1x64x128xf32, #tpu.memory_space<vmem>>
      %gather3A_2589 = tpu.memref_squeeze %gather3A_2588 : memref<1x64x128xf32, #tpu.memory_space<vmem>> -> memref<64x128xf32, #tpu.memory_space<vmem>>
      %gather3A_2590 = tpu.vector_load_idx %gather3A_2589[%add3A_2584, %broadcast_in_dim3A_2580] : memref<64x128xf32, #tpu.memory_space<vmem>>[vector<16xi32>, vector<16xi32>], vector<16xf32>,
      tpu.vector_store_idx %arg11[%add3A_2584, %broadcast_in_dim3A_2581], %gather3A_2590 : memref<64x512xf32, #tpu.memory_space<vmem>>[vector<16xi32>, vector<16xi32>], vector<16xf32>,
      %add3A_2591 = arith.constant 16 : i32
      %add3A_2592 = vector.broadcast %add3A_2591 : i32 to vector<16xi32>
      %add3A_2593 = arith.addi %iota3A, %add3A_2592 : vector<16xi32>
      %gather3A_2594 = arith.constant 8 : i32
      %gather3A_2595 = arith.constant 0 : i32
      %gather3A_2596 = arith.constant 0 : i32
      %gather3A_2597 = tpu.memref_slice %arg10[%gather3A_2594, %gather3A_2595, %gather3A_2596] : memref<11x64x128xf32, #tpu.memory_space<vmem>> -> memref<1x64x128xf32, #tpu.memory_space<vmem>>
      %gather3A_2598 = tpu.memref_squeeze %gather3A_2597 : memref<1x64x128xf32, #tpu.memory_space<vmem>> -> memref<64x128xf32, #tpu.memory_space<vmem>>
      %gather3A_2599 = tpu.vector_load_idx %gather3A_2598[%add3A_2593, %broadcast_in_dim3A_2580] : memref<64x128xf32, #tpu.memory_space<vmem>>[vector<16xi32>, vector<16xi32>], vector<16xf32>,
      tpu.vector_store_idx %arg11[%add3A_2593, %broadcast_in_dim3A_2581], %gather3A_2599 : memref<64x512xf32, #tpu.memory_space<vmem>>[vector<16xi32>, vector<16xi32>], vector<16xf32>,
      %add3A_2600 = arith.constant 32 : i32
      %add3A_2601 = vector.broadcast %add3A_2600 : i32 to vector<16xi32>
      %add3A_2602 = arith.addi %iota3A, %add3A_2601 : vector<16xi32>
      %gather3A_2603 = arith.constant 8 : i32
      %gather3A_2604 = arith.constant 0 : i32
      %gather3A_2605 = arith.constant 0 : i32
      %gather3A_2606 = tpu.memref_slice %arg10[%gather3A_2603, %gather3A_2604, %gather3A_2605] : memref<11x64x128xf32, #tpu.memory_space<vmem>> -> memref<1x64x128xf32, #tpu.memory_space<vmem>>
      %gather3A_2607 = tpu.memref_squeeze %gather3A_2606 : memref<1x64x128xf32, #tpu.memory_space<vmem>> -> memref<64x128xf32, #tpu.memory_space<vmem>>
      %gather3A_2608 = tpu.vector_load_idx %gather3A_2607[%add3A_2602, %broadcast_in_dim3A_2580] : memref<64x128xf32, #tpu.memory_space<vmem>>[vector<16xi32>, vector<16xi32>], vector<16xf32>,
      tpu.vector_store_idx %arg11[%add3A_2602, %broadcast_in_dim3A_2581], %gather3A_2608 : memref<64x512xf32, #tpu.memory_space<vmem>>[vector<16xi32>, vector<16xi32>], vector<16xf32>,
      %add3A_2609 = arith.constant 48 : i32
      %add3A_2610 = vector.broadcast %add3A_2609 : i32 to vector<16xi32>
      %add3A_2611 = arith.addi %iota3A, %add3A_2610 : vector<16xi32>
      %gather3A_2612 = arith.constant 8 : i32
      %gather3A_2613 = arith.constant 0 : i32
      %gather3A_2614 = arith.constant 0 : i32
      %gather3A_2615 = tpu.memref_slice %arg10[%gather3A_2612, %gather3A_2613, %gather3A_2614] : memref<11x64x128xf32, #tpu.memory_space<vmem>> -> memref<1x64x128xf32, #tpu.memory_space<vmem>>
      %gather3A_2616 = tpu.memref_squeeze %gather3A_2615 : memref<1x64x128xf32, #tpu.memory_space<vmem>> -> memref<64x128xf32, #tpu.memory_space<vmem>>
      %gather3A_2617 = tpu.vector_load_idx %gather3A_2616[%add3A_2611, %broadcast_in_dim3A_2580] : memref<64x128xf32, #tpu.memory_space<vmem>>[vector<16xi32>, vector<16xi32>], vector<16xf32>,
      tpu.vector_store_idx %arg11[%add3A_2611, %broadcast_in_dim3A_2581], %gather3A_2617 : memref<64x512xf32, #tpu.memory_space<vmem>>[vector<16xi32>, vector<16xi32>], vector<16xf32>,
      %add3A_2618 = arith.constant 11 : i32
      %add3A_2619 = arith.addi %add3A_2554, %add3A_2618 : i32
      %min3A_2620 = arith.constant 511 : i32
      %min3A_2621 = arith.minsi %add3A_2619, %min3A_2620 : i32
      %get3A_2622 = arith.index_cast %min3A_2621 : i32 to index
      %get3A_2623 = tpu.vector_load %arg9[%get3A_2622] {strides = array<i32>} : memref<512xi32, #tpu.memory_space<vmem>>, vector<16xi32>,
      %slice3A_2624 = vector.extract_strided_slice %get3A_2623 {offsets = [0], sizes = [1], strides = [1]} : vector<16xi32> to vector<1xi32>
      %squeeze3A_2625 = vector.extract %slice3A_2624[0] : i32 from vector<1xi32>
      %shift_right_arithmetic3A_2626 = arith.constant 7 : i32
      %shift_right_arithmetic3A_2627 = arith.shrsi %squeeze3A_2625, %shift_right_arithmetic3A_2626 : i32
      %shift_left3A_2628 = arith.constant 7 : i32
      %shift_left3A_2629 = arith.shli %shift_right_arithmetic3A_2627, %shift_left3A_2628 : i32
      %multiple_of3A_2630 = tpu.assume_multiple %shift_left3A_2629, 128 : i32
      %dma_start3A_2631 = arith.constant 8 : i32
      %dma_start3A_2632 = arith.constant 0 : i32
      %dma_start3A_2633 = arith.constant 0 : i32
      %dma_start3A_2634 = tpu.memref_slice %arg10[%dma_start3A_2631, %dma_start3A_2632, %dma_start3A_2633] : memref<11x64x128xf32, #tpu.memory_space<vmem>> -> memref<1x64x128xf32, #tpu.memory_space<vmem>>
      %dma_start3A_2635 = tpu.memref_squeeze %dma_start3A_2634 : memref<1x64x128xf32, #tpu.memory_space<vmem>> -> memref<64x128xf32, #tpu.memory_space<vmem>>
      %dma_start3A_2636 = arith.constant 0 : i32
      %dma_start3A_2637 = tpu.memref_slice %arg5[%dma_start3A_2636, %multiple_of3A_2630] : memref<64x1000000xf32, #tpu.memory_space<hbm>> -> memref<64x128xf32, #tpu.memory_space<hbm>>
      %dma_start3A_2638 = arith.constant 0 : i32
      %dma_start3A_2639 = arith.constant 0 : i32
      %dma_start3A_2640 = tpu.memref_slice %arg10[%dma_start3A_2631, %dma_start3A_2638, %dma_start3A_2639] : memref<11x64x128xf32, #tpu.memory_space<vmem>> -> memref<1x64x128xf32, #tpu.memory_space<vmem>>
      %dma_start3A_2641 = tpu.memref_squeeze %dma_start3A_2640 : memref<1x64x128xf32, #tpu.memory_space<vmem>> -> memref<64x128xf32, #tpu.memory_space<vmem>>
      %dma_start3A_2642 = arith.constant 0 : i32
      %dma_start3A_2643 = tpu.memref_slice %arg5[%dma_start3A_2642, %multiple_of3A_2630] : memref<64x1000000xf32, #tpu.memory_space<hbm>> -> memref<64x128xf32, #tpu.memory_space<hbm>>
      tpu.enqueue_dma source(%dma_start3A_2643 : memref<64x128xf32, #tpu.memory_space<hbm>>) target(%dma_start3A_2641 : memref<64x128xf32, #tpu.memory_space<vmem>>) target_semaphore(%arg20 : memref<!tpu.dma_semaphore, #tpu.memory_space<semaphore_mem>>)
      %mul3A_2644 = arith.constant 11 : i32
      %mul3A_2645 = arith.muli %scan3A_1807, %mul3A_2644 : i32
      %add3A_2646 = arith.constant 9 : i32
      %add3A_2647 = arith.addi %mul3A_2645, %add3A_2646 : i32
      %dma_wait3A_2648 = arith.constant 9 : i32
      %dma_wait3A_2649 = arith.constant 0 : i32
      %dma_wait3A_2650 = arith.constant 0 : i32
      %dma_wait3A_2651 = tpu.memref_slice %arg10[%dma_wait3A_2648, %dma_wait3A_2649, %dma_wait3A_2650] : memref<11x64x128xf32, #tpu.memory_space<vmem>> -> memref<1x64x128xf32, #tpu.memory_space<vmem>>
      %dma_wait3A_2652 = tpu.memref_squeeze %dma_wait3A_2651 : memref<1x64x128xf32, #tpu.memory_space<vmem>> -> memref<64x128xf32, #tpu.memory_space<vmem>>
      %dma_wait3A_2653 = arith.constant 0 : i32
      %dma_wait3A_2654 = arith.constant 0 : i32
      %dma_wait3A_2655 = tpu.memref_slice %arg5[%dma_wait3A_2653, %dma_wait3A_2654] : memref<64x1000000xf32, #tpu.memory_space<hbm>> -> memref<64x128xf32, #tpu.memory_space<hbm>>
      %dma_wait3A_2656 = arith.constant 0 : i32
      %dma_wait3A_2657 = arith.constant 0 : i32
      %dma_wait3A_2658 = tpu.memref_slice %arg10[%dma_wait3A_2648, %dma_wait3A_2656, %dma_wait3A_2657] : memref<11x64x128xf32, #tpu.memory_space<vmem>> -> memref<1x64x128xf32, #tpu.memory_space<vmem>>
      %dma_wait3A_2659 = tpu.memref_squeeze %dma_wait3A_2658 : memref<1x64x128xf32, #tpu.memory_space<vmem>> -> memref<64x128xf32, #tpu.memory_space<vmem>>
      %dma_wait3A_2660 = arith.constant 0 : i32
      %dma_wait3A_2661 = arith.constant 0 : i32
      %dma_wait3A_2662 = tpu.memref_slice %arg5[%dma_wait3A_2660, %dma_wait3A_2661] : memref<64x1000000xf32, #tpu.memory_space<hbm>> -> memref<64x128xf32, #tpu.memory_space<hbm>>
      tpu.wait_dma2 semaphore(%arg21 : memref<!tpu.dma_semaphore, #tpu.memory_space<semaphore_mem>>) src(%dma_wait3A_2662 : memref<64x128xf32, #tpu.memory_space<hbm>>) dst(%dma_wait3A_2659 : memref<64x128xf32, #tpu.memory_space<vmem>>)
      %min3A_2663 = arith.constant 511 : i32
      %min3A_2664 = arith.minsi %add3A_2647, %min3A_2663 : i32
      %get3A_2665 = arith.index_cast %min3A_2664 : i32 to index
      %get3A_2666 = tpu.vector_load %arg9[%get3A_2665] {strides = array<i32>} : memref<512xi32, #tpu.memory_space<vmem>>, vector<16xi32>,
      %slice3A_2667 = vector.extract_strided_slice %get3A_2666 {offsets = [0], sizes = [1], strides = [1]} : vector<16xi32> to vector<1xi32>
      %squeeze3A_2668 = vector.extract %slice3A_2667[0] : i32 from vector<1xi32>
      %min3A_2669 = arith.constant 511 : i32
      %min3A_2670 = arith.minsi %add3A_2647, %min3A_2669 : i32
      %and3A_2671 = arith.constant 127 : i32
      %and3A_2672 = arith.andi %squeeze3A_2668, %and3A_2671 : i32
      %broadcast_in_dim3A_2673 = vector.broadcast %and3A_2672 : i32 to vector<16xi32>
      %broadcast_in_dim3A_2674 = vector.broadcast %min3A_2670 : i32 to vector<16xi32>
      %add3A_2675 = arith.constant 0 : i32
      %add3A_2676 = vector.broadcast %add3A_2675 : i32 to vector<16xi32>
      %add3A_2677 = arith.addi %iota3A, %add3A_2676 : vector<16xi32>
      %gather3A_2678 = arith.constant 9 : i32
      %gather3A_2679 = arith.constant 0 : i32
      %gather3A_2680 = arith.constant 0 : i32
      %gather3A_2681 = tpu.memref_slice %arg10[%gather3A_2678, %gather3A_2679, %gather3A_2680] : memref<11x64x128xf32, #tpu.memory_space<vmem>> -> memref<1x64x128xf32, #tpu.memory_space<vmem>>
      %gather3A_2682 = tpu.memref_squeeze %gather3A_2681 : memref<1x64x128xf32, #tpu.memory_space<vmem>> -> memref<64x128xf32, #tpu.memory_space<vmem>>
      %gather3A_2683 = tpu.vector_load_idx %gather3A_2682[%add3A_2677, %broadcast_in_dim3A_2673] : memref<64x128xf32, #tpu.memory_space<vmem>>[vector<16xi32>, vector<16xi32>], vector<16xf32>,
      tpu.vector_store_idx %arg11[%add3A_2677, %broadcast_in_dim3A_2674], %gather3A_2683 : memref<64x512xf32, #tpu.memory_space<vmem>>[vector<16xi32>, vector<16xi32>], vector<16xf32>,
      %add3A_2684 = arith.constant 16 : i32
      %add3A_2685 = vector.broadcast %add3A_2684 : i32 to vector<16xi32>
      %add3A_2686 = arith.addi %iota3A, %add3A_2685 : vector<16xi32>
      %gather3A_2687 = arith.constant 9 : i32
      %gather3A_2688 = arith.constant 0 : i32
      %gather3A_2689 = arith.constant 0 : i32
      %gather3A_2690 = tpu.memref_slice %arg10[%gather3A_2687, %gather3A_2688, %gather3A_2689] : memref<11x64x128xf32, #tpu.memory_space<vmem>> -> memref<1x64x128xf32, #tpu.memory_space<vmem>>
      %gather3A_2691 = tpu.memref_squeeze %gather3A_2690 : memref<1x64x128xf32, #tpu.memory_space<vmem>> -> memref<64x128xf32, #tpu.memory_space<vmem>>
      %gather3A_2692 = tpu.vector_load_idx %gather3A_2691[%add3A_2686, %broadcast_in_dim3A_2673] : memref<64x128xf32, #tpu.memory_space<vmem>>[vector<16xi32>, vector<16xi32>], vector<16xf32>,
      tpu.vector_store_idx %arg11[%add3A_2686, %broadcast_in_dim3A_2674], %gather3A_2692 : memref<64x512xf32, #tpu.memory_space<vmem>>[vector<16xi32>, vector<16xi32>], vector<16xf32>,
      %add3A_2693 = arith.constant 32 : i32
      %add3A_2694 = vector.broadcast %add3A_2693 : i32 to vector<16xi32>
      %add3A_2695 = arith.addi %iota3A, %add3A_2694 : vector<16xi32>
      %gather3A_2696 = arith.constant 9 : i32
      %gather3A_2697 = arith.constant 0 : i32
      %gather3A_2698 = arith.constant 0 : i32
      %gather3A_2699 = tpu.memref_slice %arg10[%gather3A_2696, %gather3A_2697, %gather3A_2698] : memref<11x64x128xf32, #tpu.memory_space<vmem>> -> memref<1x64x128xf32, #tpu.memory_space<vmem>>
      %gather3A_2700 = tpu.memref_squeeze %gather3A_2699 : memref<1x64x128xf32, #tpu.memory_space<vmem>> -> memref<64x128xf32, #tpu.memory_space<vmem>>
      %gather3A_2701 = tpu.vector_load_idx %gather3A_2700[%add3A_2695, %broadcast_in_dim3A_2673] : memref<64x128xf32, #tpu.memory_space<vmem>>[vector<16xi32>, vector<16xi32>], vector<16xf32>,
      tpu.vector_store_idx %arg11[%add3A_2695, %broadcast_in_dim3A_2674], %gather3A_2701 : memref<64x512xf32, #tpu.memory_space<vmem>>[vector<16xi32>, vector<16xi32>], vector<16xf32>,
      %add3A_2702 = arith.constant 48 : i32
      %add3A_2703 = vector.broadcast %add3A_2702 : i32 to vector<16xi32>
      %add3A_2704 = arith.addi %iota3A, %add3A_2703 : vector<16xi32>
      %gather3A_2705 = arith.constant 9 : i32
      %gather3A_2706 = arith.constant 0 : i32
      %gather3A_2707 = arith.constant 0 : i32
      %gather3A_2708 = tpu.memref_slice %arg10[%gather3A_2705, %gather3A_2706, %gather3A_2707] : memref<11x64x128xf32, #tpu.memory_space<vmem>> -> memref<1x64x128xf32, #tpu.memory_space<vmem>>
      %gather3A_2709 = tpu.memref_squeeze %gather3A_2708 : memref<1x64x128xf32, #tpu.memory_space<vmem>> -> memref<64x128xf32, #tpu.memory_space<vmem>>
      %gather3A_2710 = tpu.vector_load_idx %gather3A_2709[%add3A_2704, %broadcast_in_dim3A_2673] : memref<64x128xf32, #tpu.memory_space<vmem>>[vector<16xi32>, vector<16xi32>], vector<16xf32>,
      tpu.vector_store_idx %arg11[%add3A_2704, %broadcast_in_dim3A_2674], %gather3A_2710 : memref<64x512xf32, #tpu.memory_space<vmem>>[vector<16xi32>, vector<16xi32>], vector<16xf32>,
      %add3A_2711 = arith.constant 11 : i32
      %add3A_2712 = arith.addi %add3A_2647, %add3A_2711 : i32
      %min3A_2713 = arith.constant 511 : i32
      %min3A_2714 = arith.minsi %add3A_2712, %min3A_2713 : i32
      %get3A_2715 = arith.index_cast %min3A_2714 : i32 to index
      %get3A_2716 = tpu.vector_load %arg9[%get3A_2715] {strides = array<i32>} : memref<512xi32, #tpu.memory_space<vmem>>, vector<16xi32>,
      %slice3A_2717 = vector.extract_strided_slice %get3A_2716 {offsets = [0], sizes = [1], strides = [1]} : vector<16xi32> to vector<1xi32>
      %squeeze3A_2718 = vector.extract %slice3A_2717[0] : i32 from vector<1xi32>
      %shift_right_arithmetic3A_2719 = arith.constant 7 : i32
      %shift_right_arithmetic3A_2720 = arith.shrsi %squeeze3A_2718, %shift_right_arithmetic3A_2719 : i32
      %shift_left3A_2721 = arith.constant 7 : i32
      %shift_left3A_2722 = arith.shli %shift_right_arithmetic3A_2720, %shift_left3A_2721 : i32
      %multiple_of3A_2723 = tpu.assume_multiple %shift_left3A_2722, 128 : i32
      %dma_start3A_2724 = arith.constant 9 : i32
      %dma_start3A_2725 = arith.constant 0 : i32
      %dma_start3A_2726 = arith.constant 0 : i32
      %dma_start3A_2727 = tpu.memref_slice %arg10[%dma_start3A_2724, %dma_start3A_2725, %dma_start3A_2726] : memref<11x64x128xf32, #tpu.memory_space<vmem>> -> memref<1x64x128xf32, #tpu.memory_space<vmem>>
      %dma_start3A_2728 = tpu.memref_squeeze %dma_start3A_2727 : memref<1x64x128xf32, #tpu.memory_space<vmem>> -> memref<64x128xf32, #tpu.memory_space<vmem>>
      %dma_start3A_2729 = arith.constant 0 : i32
      %dma_start3A_2730 = tpu.memref_slice %arg5[%dma_start3A_2729, %multiple_of3A_2723] : memref<64x1000000xf32, #tpu.memory_space<hbm>> -> memref<64x128xf32, #tpu.memory_space<hbm>>
      %dma_start3A_2731 = arith.constant 0 : i32
      %dma_start3A_2732 = arith.constant 0 : i32
      %dma_start3A_2733 = tpu.memref_slice %arg10[%dma_start3A_2724, %dma_start3A_2731, %dma_start3A_2732] : memref<11x64x128xf32, #tpu.memory_space<vmem>> -> memref<1x64x128xf32, #tpu.memory_space<vmem>>
      %dma_start3A_2734 = tpu.memref_squeeze %dma_start3A_2733 : memref<1x64x128xf32, #tpu.memory_space<vmem>> -> memref<64x128xf32, #tpu.memory_space<vmem>>
      %dma_start3A_2735 = arith.constant 0 : i32
      %dma_start3A_2736 = tpu.memref_slice %arg5[%dma_start3A_2735, %multiple_of3A_2723] : memref<64x1000000xf32, #tpu.memory_space<hbm>> -> memref<64x128xf32, #tpu.memory_space<hbm>>
      tpu.enqueue_dma source(%dma_start3A_2736 : memref<64x128xf32, #tpu.memory_space<hbm>>) target(%dma_start3A_2734 : memref<64x128xf32, #tpu.memory_space<vmem>>) target_semaphore(%arg21 : memref<!tpu.dma_semaphore, #tpu.memory_space<semaphore_mem>>)
      %mul3A_2737 = arith.constant 11 : i32
      %mul3A_2738 = arith.muli %scan3A_1807, %mul3A_2737 : i32
      %add3A_2739 = arith.constant 10 : i32
      %add3A_2740 = arith.addi %mul3A_2738, %add3A_2739 : i32
      %dma_wait3A_2741 = arith.constant 10 : i32
      %dma_wait3A_2742 = arith.constant 0 : i32
      %dma_wait3A_2743 = arith.constant 0 : i32
      %dma_wait3A_2744 = tpu.memref_slice %arg10[%dma_wait3A_2741, %dma_wait3A_2742, %dma_wait3A_2743] : memref<11x64x128xf32, #tpu.memory_space<vmem>> -> memref<1x64x128xf32, #tpu.memory_space<vmem>>
      %dma_wait3A_2745 = tpu.memref_squeeze %dma_wait3A_2744 : memref<1x64x128xf32, #tpu.memory_space<vmem>> -> memref<64x128xf32, #tpu.memory_space<vmem>>
      %dma_wait3A_2746 = arith.constant 0 : i32
      %dma_wait3A_2747 = arith.constant 0 : i32
      %dma_wait3A_2748 = tpu.memref_slice %arg5[%dma_wait3A_2746, %dma_wait3A_2747] : memref<64x1000000xf32, #tpu.memory_space<hbm>> -> memref<64x128xf32, #tpu.memory_space<hbm>>
      %dma_wait3A_2749 = arith.constant 0 : i32
      %dma_wait3A_2750 = arith.constant 0 : i32
      %dma_wait3A_2751 = tpu.memref_slice %arg10[%dma_wait3A_2741, %dma_wait3A_2749, %dma_wait3A_2750] : memref<11x64x128xf32, #tpu.memory_space<vmem>> -> memref<1x64x128xf32, #tpu.memory_space<vmem>>
      %dma_wait3A_2752 = tpu.memref_squeeze %dma_wait3A_2751 : memref<1x64x128xf32, #tpu.memory_space<vmem>> -> memref<64x128xf32, #tpu.memory_space<vmem>>
      %dma_wait3A_2753 = arith.constant 0 : i32
      %dma_wait3A_2754 = arith.constant 0 : i32
      %dma_wait3A_2755 = tpu.memref_slice %arg5[%dma_wait3A_2753, %dma_wait3A_2754] : memref<64x1000000xf32, #tpu.memory_space<hbm>> -> memref<64x128xf32, #tpu.memory_space<hbm>>
      tpu.wait_dma2 semaphore(%arg22 : memref<!tpu.dma_semaphore, #tpu.memory_space<semaphore_mem>>) src(%dma_wait3A_2755 : memref<64x128xf32, #tpu.memory_space<hbm>>) dst(%dma_wait3A_2752 : memref<64x128xf32, #tpu.memory_space<vmem>>)
      %min3A_2756 = arith.constant 511 : i32
      %min3A_2757 = arith.minsi %add3A_2740, %min3A_2756 : i32
      %get3A_2758 = arith.index_cast %min3A_2757 : i32 to index
      %get3A_2759 = tpu.vector_load %arg9[%get3A_2758] {strides = array<i32>} : memref<512xi32, #tpu.memory_space<vmem>>, vector<16xi32>,
      %slice3A_2760 = vector.extract_strided_slice %get3A_2759 {offsets = [0], sizes = [1], strides = [1]} : vector<16xi32> to vector<1xi32>
      %squeeze3A_2761 = vector.extract %slice3A_2760[0] : i32 from vector<1xi32>
      %min3A_2762 = arith.constant 511 : i32
      %min3A_2763 = arith.minsi %add3A_2740, %min3A_2762 : i32
      %and3A_2764 = arith.constant 127 : i32
      %and3A_2765 = arith.andi %squeeze3A_2761, %and3A_2764 : i32
      %broadcast_in_dim3A_2766 = vector.broadcast %and3A_2765 : i32 to vector<16xi32>
      %broadcast_in_dim3A_2767 = vector.broadcast %min3A_2763 : i32 to vector<16xi32>
      %add3A_2768 = arith.constant 0 : i32
      %add3A_2769 = vector.broadcast %add3A_2768 : i32 to vector<16xi32>
      %add3A_2770 = arith.addi %iota3A, %add3A_2769 : vector<16xi32>
      %gather3A_2771 = arith.constant 10 : i32
      %gather3A_2772 = arith.constant 0 : i32
      %gather3A_2773 = arith.constant 0 : i32
      %gather3A_2774 = tpu.memref_slice %arg10[%gather3A_2771, %gather3A_2772, %gather3A_2773] : memref<11x64x128xf32, #tpu.memory_space<vmem>> -> memref<1x64x128xf32, #tpu.memory_space<vmem>>
      %gather3A_2775 = tpu.memref_squeeze %gather3A_2774 : memref<1x64x128xf32, #tpu.memory_space<vmem>> -> memref<64x128xf32, #tpu.memory_space<vmem>>
      %gather3A_2776 = tpu.vector_load_idx %gather3A_2775[%add3A_2770, %broadcast_in_dim3A_2766] : memref<64x128xf32, #tpu.memory_space<vmem>>[vector<16xi32>, vector<16xi32>], vector<16xf32>,
      tpu.vector_store_idx %arg11[%add3A_2770, %broadcast_in_dim3A_2767], %gather3A_2776 : memref<64x512xf32, #tpu.memory_space<vmem>>[vector<16xi32>, vector<16xi32>], vector<16xf32>,
      %add3A_2777 = arith.constant 16 : i32
      %add3A_2778 = vector.broadcast %add3A_2777 : i32 to vector<16xi32>
      %add3A_2779 = arith.addi %iota3A, %add3A_2778 : vector<16xi32>
      %gather3A_2780 = arith.constant 10 : i32
      %gather3A_2781 = arith.constant 0 : i32
      %gather3A_2782 = arith.constant 0 : i32
      %gather3A_2783 = tpu.memref_slice %arg10[%gather3A_2780, %gather3A_2781, %gather3A_2782] : memref<11x64x128xf32, #tpu.memory_space<vmem>> -> memref<1x64x128xf32, #tpu.memory_space<vmem>>
      %gather3A_2784 = tpu.memref_squeeze %gather3A_2783 : memref<1x64x128xf32, #tpu.memory_space<vmem>> -> memref<64x128xf32, #tpu.memory_space<vmem>>
      %gather3A_2785 = tpu.vector_load_idx %gather3A_2784[%add3A_2779, %broadcast_in_dim3A_2766] : memref<64x128xf32, #tpu.memory_space<vmem>>[vector<16xi32>, vector<16xi32>], vector<16xf32>,
      tpu.vector_store_idx %arg11[%add3A_2779, %broadcast_in_dim3A_2767], %gather3A_2785 : memref<64x512xf32, #tpu.memory_space<vmem>>[vector<16xi32>, vector<16xi32>], vector<16xf32>,
      %add3A_2786 = arith.constant 32 : i32
      %add3A_2787 = vector.broadcast %add3A_2786 : i32 to vector<16xi32>
      %add3A_2788 = arith.addi %iota3A, %add3A_2787 : vector<16xi32>
      %gather3A_2789 = arith.constant 10 : i32
      %gather3A_2790 = arith.constant 0 : i32
      %gather3A_2791 = arith.constant 0 : i32
      %gather3A_2792 = tpu.memref_slice %arg10[%gather3A_2789, %gather3A_2790, %gather3A_2791] : memref<11x64x128xf32, #tpu.memory_space<vmem>> -> memref<1x64x128xf32, #tpu.memory_space<vmem>>
      %gather3A_2793 = tpu.memref_squeeze %gather3A_2792 : memref<1x64x128xf32, #tpu.memory_space<vmem>> -> memref<64x128xf32, #tpu.memory_space<vmem>>
      %gather3A_2794 = tpu.vector_load_idx %gather3A_2793[%add3A_2788, %broadcast_in_dim3A_2766] : memref<64x128xf32, #tpu.memory_space<vmem>>[vector<16xi32>, vector<16xi32>], vector<16xf32>,
      tpu.vector_store_idx %arg11[%add3A_2788, %broadcast_in_dim3A_2767], %gather3A_2794 : memref<64x512xf32, #tpu.memory_space<vmem>>[vector<16xi32>, vector<16xi32>], vector<16xf32>,
      %add3A_2795 = arith.constant 48 : i32
      %add3A_2796 = vector.broadcast %add3A_2795 : i32 to vector<16xi32>
      %add3A_2797 = arith.addi %iota3A, %add3A_2796 : vector<16xi32>
      %gather3A_2798 = arith.constant 10 : i32
      %gather3A_2799 = arith.constant 0 : i32
      %gather3A_2800 = arith.constant 0 : i32
      %gather3A_2801 = tpu.memref_slice %arg10[%gather3A_2798, %gather3A_2799, %gather3A_2800] : memref<11x64x128xf32, #tpu.memory_space<vmem>> -> memref<1x64x128xf32, #tpu.memory_space<vmem>>
      %gather3A_2802 = tpu.memref_squeeze %gather3A_2801 : memref<1x64x128xf32, #tpu.memory_space<vmem>> -> memref<64x128xf32, #tpu.memory_space<vmem>>
      %gather3A_2803 = tpu.vector_load_idx %gather3A_2802[%add3A_2797, %broadcast_in_dim3A_2766] : memref<64x128xf32, #tpu.memory_space<vmem>>[vector<16xi32>, vector<16xi32>], vector<16xf32>,
      tpu.vector_store_idx %arg11[%add3A_2797, %broadcast_in_dim3A_2767], %gather3A_2803 : memref<64x512xf32, #tpu.memory_space<vmem>>[vector<16xi32>, vector<16xi32>], vector<16xf32>,
      %add3A_2804 = arith.constant 11 : i32
      %add3A_2805 = arith.addi %add3A_2740, %add3A_2804 : i32
      %min3A_2806 = arith.constant 511 : i32
      %min3A_2807 = arith.minsi %add3A_2805, %min3A_2806 : i32
      %get3A_2808 = arith.index_cast %min3A_2807 : i32 to index
      %get3A_2809 = tpu.vector_load %arg9[%get3A_2808] {strides = array<i32>} : memref<512xi32, #tpu.memory_space<vmem>>, vector<16xi32>,
      %slice3A_2810 = vector.extract_strided_slice %get3A_2809 {offsets = [0], sizes = [1], strides = [1]} : vector<16xi32> to vector<1xi32>
      %squeeze3A_2811 = vector.extract %slice3A_2810[0] : i32 from vector<1xi32>
      %shift_right_arithmetic3A_2812 = arith.constant 7 : i32
      %shift_right_arithmetic3A_2813 = arith.shrsi %squeeze3A_2811, %shift_right_arithmetic3A_2812 : i32
      %shift_left3A_2814 = arith.constant 7 : i32
      %shift_left3A_2815 = arith.shli %shift_right_arithmetic3A_2813, %shift_left3A_2814 : i32
      %multiple_of3A_2816 = tpu.assume_multiple %shift_left3A_2815, 128 : i32
      %dma_start3A_2817 = arith.constant 10 : i32
      %dma_start3A_2818 = arith.constant 0 : i32
      %dma_start3A_2819 = arith.constant 0 : i32
      %dma_start3A_2820 = tpu.memref_slice %arg10[%dma_start3A_2817, %dma_start3A_2818, %dma_start3A_2819] : memref<11x64x128xf32, #tpu.memory_space<vmem>> -> memref<1x64x128xf32, #tpu.memory_space<vmem>>
      %dma_start3A_2821 = tpu.memref_squeeze %dma_start3A_2820 : memref<1x64x128xf32, #tpu.memory_space<vmem>> -> memref<64x128xf32, #tpu.memory_space<vmem>>
      %dma_start3A_2822 = arith.constant 0 : i32
      %dma_start3A_2823 = tpu.memref_slice %arg5[%dma_start3A_2822, %multiple_of3A_2816] : memref<64x1000000xf32, #tpu.memory_space<hbm>> -> memref<64x128xf32, #tpu.memory_space<hbm>>
      %dma_start3A_2824 = arith.constant 0 : i32
      %dma_start3A_2825 = arith.constant 0 : i32
      %dma_start3A_2826 = tpu.memref_slice %arg10[%dma_start3A_2817, %dma_start3A_2824, %dma_start3A_2825] : memref<11x64x128xf32, #tpu.memory_space<vmem>> -> memref<1x64x128xf32, #tpu.memory_space<vmem>>
      %dma_start3A_2827 = tpu.memref_squeeze %dma_start3A_2826 : memref<1x64x128xf32, #tpu.memory_space<vmem>> -> memref<64x128xf32, #tpu.memory_space<vmem>>
      %dma_start3A_2828 = arith.constant 0 : i32
      %dma_start3A_2829 = tpu.memref_slice %arg5[%dma_start3A_2828, %multiple_of3A_2816] : memref<64x1000000xf32, #tpu.memory_space<hbm>> -> memref<64x128xf32, #tpu.memory_space<hbm>>
      tpu.enqueue_dma source(%dma_start3A_2829 : memref<64x128xf32, #tpu.memory_space<hbm>>) target(%dma_start3A_2827 : memref<64x128xf32, #tpu.memory_space<vmem>>) target_semaphore(%arg22 : memref<!tpu.dma_semaphore, #tpu.memory_space<semaphore_mem>>)
    }
    %scan3A_1146 = arith.constant 46 : i32
    %dma_wait3A_1147 = arith.constant 0 : i32
    %dma_wait3A_1148 = arith.constant 0 : i32
    %dma_wait3A_1149 = arith.constant 0 : i32
    %dma_wait3A_1150 = tpu.memref_slice %arg10[%dma_wait3A_1147, %dma_wait3A_1148, %dma_wait3A_1149] : memref<11x64x128xf32, #tpu.memory_space<vmem>> -> memref<1x64x128xf32, #tpu.memory_space<vmem>>
    %dma_wait3A_1151 = tpu.memref_squeeze %dma_wait3A_1150 : memref<1x64x128xf32, #tpu.memory_space<vmem>> -> memref<64x128xf32, #tpu.memory_space<vmem>>
    %dma_wait3A_1152 = arith.constant 0 : i32
    %dma_wait3A_1153 = arith.constant 0 : i32
    %dma_wait3A_1154 = tpu.memref_slice %arg5[%dma_wait3A_1152, %dma_wait3A_1153] : memref<64x1000000xf32, #tpu.memory_space<hbm>> -> memref<64x128xf32, #tpu.memory_space<hbm>>
    %dma_wait3A_1155 = arith.constant 0 : i32
    %dma_wait3A_1156 = arith.constant 0 : i32
    %dma_wait3A_1157 = tpu.memref_slice %arg10[%dma_wait3A_1147, %dma_wait3A_1155, %dma_wait3A_1156] : memref<11x64x128xf32, #tpu.memory_space<vmem>> -> memref<1x64x128xf32, #tpu.memory_space<vmem>>
    %dma_wait3A_1158 = tpu.memref_squeeze %dma_wait3A_1157 : memref<1x64x128xf32, #tpu.memory_space<vmem>> -> memref<64x128xf32, #tpu.memory_space<vmem>>
    %dma_wait3A_1159 = arith.constant 0 : i32
    %dma_wait3A_1160 = arith.constant 0 : i32
    %dma_wait3A_1161 = tpu.memref_slice %arg5[%dma_wait3A_1159, %dma_wait3A_1160] : memref<64x1000000xf32, #tpu.memory_space<hbm>> -> memref<64x128xf32, #tpu.memory_space<hbm>>
    tpu.wait_dma2 semaphore(%arg12 : memref<!tpu.dma_semaphore, #tpu.memory_space<semaphore_mem>>) src(%dma_wait3A_1161 : memref<64x128xf32, #tpu.memory_space<hbm>>) dst(%dma_wait3A_1158 : memref<64x128xf32, #tpu.memory_space<vmem>>)
    %get3A_1162 = arith.constant 496 : index
    %get3A_1163 = tpu.vector_load %arg9[%get3A_1162] {strides = array<i32>} : memref<512xi32, #tpu.memory_space<vmem>>, vector<16xi32>,
    %slice3A_1164 = vector.extract_strided_slice %get3A_1163 {offsets = [10], sizes = [1], strides = [1]} : vector<16xi32> to vector<1xi32>
    %squeeze3A_1165 = vector.extract %slice3A_1164[0] : i32 from vector<1xi32>
    %and3A_1166 = arith.constant 127 : i32
    %and3A_1167 = arith.andi %squeeze3A_1165, %and3A_1166 : i32
    %broadcast_in_dim3A_1168 = vector.broadcast %and3A_1167 : i32 to vector<16xi32>
    %broadcast_in_dim3A_1169 = arith.constant 506 : i32
    %broadcast_in_dim3A_1170 = vector.broadcast %broadcast_in_dim3A_1169 : i32 to vector<16xi32>
    %add3A_1171 = arith.constant 0 : i32
    %add3A_1172 = vector.broadcast %add3A_1171 : i32 to vector<16xi32>
    %add3A_1173 = arith.addi %iota3A, %add3A_1172 : vector<16xi32>
    %gather3A_1174 = arith.constant 0 : i32
    %gather3A_1175 = arith.constant 0 : i32
    %gather3A_1176 = arith.constant 0 : i32
    %gather3A_1177 = tpu.memref_slice %arg10[%gather3A_1174, %gather3A_1175, %gather3A_1176] : memref<11x64x128xf32, #tpu.memory_space<vmem>> -> memref<1x64x128xf32, #tpu.memory_space<vmem>>
    %gather3A_1178 = tpu.memref_squeeze %gather3A_1177 : memref<1x64x128xf32, #tpu.memory_space<vmem>> -> memref<64x128xf32, #tpu.memory_space<vmem>>
    %gather3A_1179 = tpu.vector_load_idx %gather3A_1178[%add3A_1173, %broadcast_in_dim3A_1168] : memref<64x128xf32, #tpu.memory_space<vmem>>[vector<16xi32>, vector<16xi32>], vector<16xf32>,
    tpu.vector_store_idx %arg11[%add3A_1173, %broadcast_in_dim3A_1170], %gather3A_1179 : memref<64x512xf32, #tpu.memory_space<vmem>>[vector<16xi32>, vector<16xi32>], vector<16xf32>,
    %add3A_1180 = arith.constant 16 : i32
    %add3A_1181 = vector.broadcast %add3A_1180 : i32 to vector<16xi32>
    %add3A_1182 = arith.addi %iota3A, %add3A_1181 : vector<16xi32>
    %gather3A_1183 = arith.constant 0 : i32
    %gather3A_1184 = arith.constant 0 : i32
    %gather3A_1185 = arith.constant 0 : i32
    %gather3A_1186 = tpu.memref_slice %arg10[%gather3A_1183, %gather3A_1184, %gather3A_1185] : memref<11x64x128xf32, #tpu.memory_space<vmem>> -> memref<1x64x128xf32, #tpu.memory_space<vmem>>
    %gather3A_1187 = tpu.memref_squeeze %gather3A_1186 : memref<1x64x128xf32, #tpu.memory_space<vmem>> -> memref<64x128xf32, #tpu.memory_space<vmem>>
    %gather3A_1188 = tpu.vector_load_idx %gather3A_1187[%add3A_1182, %broadcast_in_dim3A_1168] : memref<64x128xf32, #tpu.memory_space<vmem>>[vector<16xi32>, vector<16xi32>], vector<16xf32>,
    tpu.vector_store_idx %arg11[%add3A_1182, %broadcast_in_dim3A_1170], %gather3A_1188 : memref<64x512xf32, #tpu.memory_space<vmem>>[vector<16xi32>, vector<16xi32>], vector<16xf32>,
    %add3A_1189 = arith.constant 32 : i32
    %add3A_1190 = vector.broadcast %add3A_1189 : i32 to vector<16xi32>
    %add3A_1191 = arith.addi %iota3A, %add3A_1190 : vector<16xi32>
    %gather3A_1192 = arith.constant 0 : i32
    %gather3A_1193 = arith.constant 0 : i32
    %gather3A_1194 = arith.constant 0 : i32
    %gather3A_1195 = tpu.memref_slice %arg10[%gather3A_1192, %gather3A_1193, %gather3A_1194] : memref<11x64x128xf32, #tpu.memory_space<vmem>> -> memref<1x64x128xf32, #tpu.memory_space<vmem>>
    %gather3A_1196 = tpu.memref_squeeze %gather3A_1195 : memref<1x64x128xf32, #tpu.memory_space<vmem>> -> memref<64x128xf32, #tpu.memory_space<vmem>>
    %gather3A_1197 = tpu.vector_load_idx %gather3A_1196[%add3A_1191, %broadcast_in_dim3A_1168] : memref<64x128xf32, #tpu.memory_space<vmem>>[vector<16xi32>, vector<16xi32>], vector<16xf32>,
    tpu.vector_store_idx %arg11[%add3A_1191, %broadcast_in_dim3A_1170], %gather3A_1197 : memref<64x512xf32, #tpu.memory_space<vmem>>[vector<16xi32>, vector<16xi32>], vector<16xf32>,
    %add3A_1198 = arith.constant 48 : i32
    %add3A_1199 = vector.broadcast %add3A_1198 : i32 to vector<16xi32>
    %add3A_1200 = arith.addi %iota3A, %add3A_1199 : vector<16xi32>
    %gather3A_1201 = arith.constant 0 : i32
    %gather3A_1202 = arith.constant 0 : i32
    %gather3A_1203 = arith.constant 0 : i32
    %gather3A_1204 = tpu.memref_slice %arg10[%gather3A_1201, %gather3A_1202, %gather3A_1203] : memref<11x64x128xf32, #tpu.memory_space<vmem>> -> memref<1x64x128xf32, #tpu.memory_space<vmem>>
    %gather3A_1205 = tpu.memref_squeeze %gather3A_1204 : memref<1x64x128xf32, #tpu.memory_space<vmem>> -> memref<64x128xf32, #tpu.memory_space<vmem>>
    %gather3A_1206 = tpu.vector_load_idx %gather3A_1205[%add3A_1200, %broadcast_in_dim3A_1168] : memref<64x128xf32, #tpu.memory_space<vmem>>[vector<16xi32>, vector<16xi32>], vector<16xf32>,
    tpu.vector_store_idx %arg11[%add3A_1200, %broadcast_in_dim3A_1170], %gather3A_1206 : memref<64x512xf32, #tpu.memory_space<vmem>>[vector<16xi32>, vector<16xi32>], vector<16xf32>,
    %dma_wait3A_1207 = arith.constant 1 : i32
    %dma_wait3A_1208 = arith.constant 0 : i32
    %dma_wait3A_1209 = arith.constant 0 : i32
    %dma_wait3A_1210 = tpu.memref_slice %arg10[%dma_wait3A_1207, %dma_wait3A_1208, %dma_wait3A_1209] : memref<11x64x128xf32, #tpu.memory_space<vmem>> -> memref<1x64x128xf32, #tpu.memory_space<vmem>>
    %dma_wait3A_1211 = tpu.memref_squeeze %dma_wait3A_1210 : memref<1x64x128xf32, #tpu.memory_space<vmem>> -> memref<64x128xf32, #tpu.memory_space<vmem>>
    %dma_wait3A_1212 = arith.constant 0 : i32
    %dma_wait3A_1213 = arith.constant 0 : i32
    %dma_wait3A_1214 = tpu.memref_slice %arg5[%dma_wait3A_1212, %dma_wait3A_1213] : memref<64x1000000xf32, #tpu.memory_space<hbm>> -> memref<64x128xf32, #tpu.memory_space<hbm>>
    %dma_wait3A_1215 = arith.constant 0 : i32
    %dma_wait3A_1216 = arith.constant 0 : i32
    %dma_wait3A_1217 = tpu.memref_slice %arg10[%dma_wait3A_1207, %dma_wait3A_1215, %dma_wait3A_1216] : memref<11x64x128xf32, #tpu.memory_space<vmem>> -> memref<1x64x128xf32, #tpu.memory_space<vmem>>
    %dma_wait3A_1218 = tpu.memref_squeeze %dma_wait3A_1217 : memref<1x64x128xf32, #tpu.memory_space<vmem>> -> memref<64x128xf32, #tpu.memory_space<vmem>>
    %dma_wait3A_1219 = arith.constant 0 : i32
    %dma_wait3A_1220 = arith.constant 0 : i32
    %dma_wait3A_1221 = tpu.memref_slice %arg5[%dma_wait3A_1219, %dma_wait3A_1220] : memref<64x1000000xf32, #tpu.memory_space<hbm>> -> memref<64x128xf32, #tpu.memory_space<hbm>>
    tpu.wait_dma2 semaphore(%arg13 : memref<!tpu.dma_semaphore, #tpu.memory_space<semaphore_mem>>) src(%dma_wait3A_1221 : memref<64x128xf32, #tpu.memory_space<hbm>>) dst(%dma_wait3A_1218 : memref<64x128xf32, #tpu.memory_space<vmem>>)
    %get3A_1222 = arith.constant 496 : index
    %get3A_1223 = tpu.vector_load %arg9[%get3A_1222] {strides = array<i32>} : memref<512xi32, #tpu.memory_space<vmem>>, vector<16xi32>,
    %slice3A_1224 = vector.extract_strided_slice %get3A_1223 {offsets = [11], sizes = [1], strides = [1]} : vector<16xi32> to vector<1xi32>
    %squeeze3A_1225 = vector.extract %slice3A_1224[0] : i32 from vector<1xi32>
    %and3A_1226 = arith.constant 127 : i32
    %and3A_1227 = arith.andi %squeeze3A_1225, %and3A_1226 : i32
    %broadcast_in_dim3A_1228 = vector.broadcast %and3A_1227 : i32 to vector<16xi32>
    %broadcast_in_dim3A_1229 = arith.constant 507 : i32
    %broadcast_in_dim3A_1230 = vector.broadcast %broadcast_in_dim3A_1229 : i32 to vector<16xi32>
    %add3A_1231 = arith.constant 0 : i32
    %add3A_1232 = vector.broadcast %add3A_1231 : i32 to vector<16xi32>
    %add3A_1233 = arith.addi %iota3A, %add3A_1232 : vector<16xi32>
    %gather3A_1234 = arith.constant 1 : i32
    %gather3A_1235 = arith.constant 0 : i32
    %gather3A_1236 = arith.constant 0 : i32
    %gather3A_1237 = tpu.memref_slice %arg10[%gather3A_1234, %gather3A_1235, %gather3A_1236] : memref<11x64x128xf32, #tpu.memory_space<vmem>> -> memref<1x64x128xf32, #tpu.memory_space<vmem>>
    %gather3A_1238 = tpu.memref_squeeze %gather3A_1237 : memref<1x64x128xf32, #tpu.memory_space<vmem>> -> memref<64x128xf32, #tpu.memory_space<vmem>>
    %gather3A_1239 = tpu.vector_load_idx %gather3A_1238[%add3A_1233, %broadcast_in_dim3A_1228] : memref<64x128xf32, #tpu.memory_space<vmem>>[vector<16xi32>, vector<16xi32>], vector<16xf32>,
    tpu.vector_store_idx %arg11[%add3A_1233, %broadcast_in_dim3A_1230], %gather3A_1239 : memref<64x512xf32, #tpu.memory_space<vmem>>[vector<16xi32>, vector<16xi32>], vector<16xf32>,
    %add3A_1240 = arith.constant 16 : i32
    %add3A_1241 = vector.broadcast %add3A_1240 : i32 to vector<16xi32>
    %add3A_1242 = arith.addi %iota3A, %add3A_1241 : vector<16xi32>
    %gather3A_1243 = arith.constant 1 : i32
    %gather3A_1244 = arith.constant 0 : i32
    %gather3A_1245 = arith.constant 0 : i32
    %gather3A_1246 = tpu.memref_slice %arg10[%gather3A_1243, %gather3A_1244, %gather3A_1245] : memref<11x64x128xf32, #tpu.memory_space<vmem>> -> memref<1x64x128xf32, #tpu.memory_space<vmem>>
    %gather3A_1247 = tpu.memref_squeeze %gather3A_1246 : memref<1x64x128xf32, #tpu.memory_space<vmem>> -> memref<64x128xf32, #tpu.memory_space<vmem>>
    %gather3A_1248 = tpu.vector_load_idx %gather3A_1247[%add3A_1242, %broadcast_in_dim3A_1228] : memref<64x128xf32, #tpu.memory_space<vmem>>[vector<16xi32>, vector<16xi32>], vector<16xf32>,
    tpu.vector_store_idx %arg11[%add3A_1242, %broadcast_in_dim3A_1230], %gather3A_1248 : memref<64x512xf32, #tpu.memory_space<vmem>>[vector<16xi32>, vector<16xi32>], vector<16xf32>,
    %add3A_1249 = arith.constant 32 : i32
    %add3A_1250 = vector.broadcast %add3A_1249 : i32 to vector<16xi32>
    %add3A_1251 = arith.addi %iota3A, %add3A_1250 : vector<16xi32>
    %gather3A_1252 = arith.constant 1 : i32
    %gather3A_1253 = arith.constant 0 : i32
    %gather3A_1254 = arith.constant 0 : i32
    %gather3A_1255 = tpu.memref_slice %arg10[%gather3A_1252, %gather3A_1253, %gather3A_1254] : memref<11x64x128xf32, #tpu.memory_space<vmem>> -> memref<1x64x128xf32, #tpu.memory_space<vmem>>
    %gather3A_1256 = tpu.memref_squeeze %gather3A_1255 : memref<1x64x128xf32, #tpu.memory_space<vmem>> -> memref<64x128xf32, #tpu.memory_space<vmem>>
    %gather3A_1257 = tpu.vector_load_idx %gather3A_1256[%add3A_1251, %broadcast_in_dim3A_1228] : memref<64x128xf32, #tpu.memory_space<vmem>>[vector<16xi32>, vector<16xi32>], vector<16xf32>,
    tpu.vector_store_idx %arg11[%add3A_1251, %broadcast_in_dim3A_1230], %gather3A_1257 : memref<64x512xf32, #tpu.memory_space<vmem>>[vector<16xi32>, vector<16xi32>], vector<16xf32>,
    %add3A_1258 = arith.constant 48 : i32
    %add3A_1259 = vector.broadcast %add3A_1258 : i32 to vector<16xi32>
    %add3A_1260 = arith.addi %iota3A, %add3A_1259 : vector<16xi32>
    %gather3A_1261 = arith.constant 1 : i32
    %gather3A_1262 = arith.constant 0 : i32
    %gather3A_1263 = arith.constant 0 : i32
    %gather3A_1264 = tpu.memref_slice %arg10[%gather3A_1261, %gather3A_1262, %gather3A_1263] : memref<11x64x128xf32, #tpu.memory_space<vmem>> -> memref<1x64x128xf32, #tpu.memory_space<vmem>>
    %gather3A_1265 = tpu.memref_squeeze %gather3A_1264 : memref<1x64x128xf32, #tpu.memory_space<vmem>> -> memref<64x128xf32, #tpu.memory_space<vmem>>
    %gather3A_1266 = tpu.vector_load_idx %gather3A_1265[%add3A_1260, %broadcast_in_dim3A_1228] : memref<64x128xf32, #tpu.memory_space<vmem>>[vector<16xi32>, vector<16xi32>], vector<16xf32>,
    tpu.vector_store_idx %arg11[%add3A_1260, %broadcast_in_dim3A_1230], %gather3A_1266 : memref<64x512xf32, #tpu.memory_space<vmem>>[vector<16xi32>, vector<16xi32>], vector<16xf32>,
    %dma_wait3A_1267 = arith.constant 2 : i32
    %dma_wait3A_1268 = arith.constant 0 : i32
    %dma_wait3A_1269 = arith.constant 0 : i32
    %dma_wait3A_1270 = tpu.memref_slice %arg10[%dma_wait3A_1267, %dma_wait3A_1268, %dma_wait3A_1269] : memref<11x64x128xf32, #tpu.memory_space<vmem>> -> memref<1x64x128xf32, #tpu.memory_space<vmem>>
    %dma_wait3A_1271 = tpu.memref_squeeze %dma_wait3A_1270 : memref<1x64x128xf32, #tpu.memory_space<vmem>> -> memref<64x128xf32, #tpu.memory_space<vmem>>
    %dma_wait3A_1272 = arith.constant 0 : i32
    %dma_wait3A_1273 = arith.constant 0 : i32
    %dma_wait3A_1274 = tpu.memref_slice %arg5[%dma_wait3A_1272, %dma_wait3A_1273] : memref<64x1000000xf32, #tpu.memory_space<hbm>> -> memref<64x128xf32, #tpu.memory_space<hbm>>
    %dma_wait3A_1275 = arith.constant 0 : i32
    %dma_wait3A_1276 = arith.constant 0 : i32
    %dma_wait3A_1277 = tpu.memref_slice %arg10[%dma_wait3A_1267, %dma_wait3A_1275, %dma_wait3A_1276] : memref<11x64x128xf32, #tpu.memory_space<vmem>> -> memref<1x64x128xf32, #tpu.memory_space<vmem>>
    %dma_wait3A_1278 = tpu.memref_squeeze %dma_wait3A_1277 : memref<1x64x128xf32, #tpu.memory_space<vmem>> -> memref<64x128xf32, #tpu.memory_space<vmem>>
    %dma_wait3A_1279 = arith.constant 0 : i32
    %dma_wait3A_1280 = arith.constant 0 : i32
    %dma_wait3A_1281 = tpu.memref_slice %arg5[%dma_wait3A_1279, %dma_wait3A_1280] : memref<64x1000000xf32, #tpu.memory_space<hbm>> -> memref<64x128xf32, #tpu.memory_space<hbm>>
    tpu.wait_dma2 semaphore(%arg14 : memref<!tpu.dma_semaphore, #tpu.memory_space<semaphore_mem>>) src(%dma_wait3A_1281 : memref<64x128xf32, #tpu.memory_space<hbm>>) dst(%dma_wait3A_1278 : memref<64x128xf32, #tpu.memory_space<vmem>>)
    %get3A_1282 = arith.constant 496 : index
    %get3A_1283 = tpu.vector_load %arg9[%get3A_1282] {strides = array<i32>} : memref<512xi32, #tpu.memory_space<vmem>>, vector<16xi32>,
    %slice3A_1284 = vector.extract_strided_slice %get3A_1283 {offsets = [12], sizes = [1], strides = [1]} : vector<16xi32> to vector<1xi32>
    %squeeze3A_1285 = vector.extract %slice3A_1284[0] : i32 from vector<1xi32>
    %and3A_1286 = arith.constant 127 : i32
    %and3A_1287 = arith.andi %squeeze3A_1285, %and3A_1286 : i32
    %broadcast_in_dim3A_1288 = vector.broadcast %and3A_1287 : i32 to vector<16xi32>
    %broadcast_in_dim3A_1289 = arith.constant 508 : i32
    %broadcast_in_dim3A_1290 = vector.broadcast %broadcast_in_dim3A_1289 : i32 to vector<16xi32>
    %add3A_1291 = arith.constant 0 : i32
    %add3A_1292 = vector.broadcast %add3A_1291 : i32 to vector<16xi32>
    %add3A_1293 = arith.addi %iota3A, %add3A_1292 : vector<16xi32>
    %gather3A_1294 = arith.constant 2 : i32
    %gather3A_1295 = arith.constant 0 : i32
    %gather3A_1296 = arith.constant 0 : i32
    %gather3A_1297 = tpu.memref_slice %arg10[%gather3A_1294, %gather3A_1295, %gather3A_1296] : memref<11x64x128xf32, #tpu.memory_space<vmem>> -> memref<1x64x128xf32, #tpu.memory_space<vmem>>
    %gather3A_1298 = tpu.memref_squeeze %gather3A_1297 : memref<1x64x128xf32, #tpu.memory_space<vmem>> -> memref<64x128xf32, #tpu.memory_space<vmem>>
    %gather3A_1299 = tpu.vector_load_idx %gather3A_1298[%add3A_1293, %broadcast_in_dim3A_1288] : memref<64x128xf32, #tpu.memory_space<vmem>>[vector<16xi32>, vector<16xi32>], vector<16xf32>,
    tpu.vector_store_idx %arg11[%add3A_1293, %broadcast_in_dim3A_1290], %gather3A_1299 : memref<64x512xf32, #tpu.memory_space<vmem>>[vector<16xi32>, vector<16xi32>], vector<16xf32>,
    %add3A_1300 = arith.constant 16 : i32
    %add3A_1301 = vector.broadcast %add3A_1300 : i32 to vector<16xi32>
    %add3A_1302 = arith.addi %iota3A, %add3A_1301 : vector<16xi32>
    %gather3A_1303 = arith.constant 2 : i32
    %gather3A_1304 = arith.constant 0 : i32
    %gather3A_1305 = arith.constant 0 : i32
    %gather3A_1306 = tpu.memref_slice %arg10[%gather3A_1303, %gather3A_1304, %gather3A_1305] : memref<11x64x128xf32, #tpu.memory_space<vmem>> -> memref<1x64x128xf32, #tpu.memory_space<vmem>>
    %gather3A_1307 = tpu.memref_squeeze %gather3A_1306 : memref<1x64x128xf32, #tpu.memory_space<vmem>> -> memref<64x128xf32, #tpu.memory_space<vmem>>
    %gather3A_1308 = tpu.vector_load_idx %gather3A_1307[%add3A_1302, %broadcast_in_dim3A_1288] : memref<64x128xf32, #tpu.memory_space<vmem>>[vector<16xi32>, vector<16xi32>], vector<16xf32>,
    tpu.vector_store_idx %arg11[%add3A_1302, %broadcast_in_dim3A_1290], %gather3A_1308 : memref<64x512xf32, #tpu.memory_space<vmem>>[vector<16xi32>, vector<16xi32>], vector<16xf32>,
    %add3A_1309 = arith.constant 32 : i32
    %add3A_1310 = vector.broadcast %add3A_1309 : i32 to vector<16xi32>
    %add3A_1311 = arith.addi %iota3A, %add3A_1310 : vector<16xi32>
    %gather3A_1312 = arith.constant 2 : i32
    %gather3A_1313 = arith.constant 0 : i32
    %gather3A_1314 = arith.constant 0 : i32
    %gather3A_1315 = tpu.memref_slice %arg10[%gather3A_1312, %gather3A_1313, %gather3A_1314] : memref<11x64x128xf32, #tpu.memory_space<vmem>> -> memref<1x64x128xf32, #tpu.memory_space<vmem>>
    %gather3A_1316 = tpu.memref_squeeze %gather3A_1315 : memref<1x64x128xf32, #tpu.memory_space<vmem>> -> memref<64x128xf32, #tpu.memory_space<vmem>>
    %gather3A_1317 = tpu.vector_load_idx %gather3A_1316[%add3A_1311, %broadcast_in_dim3A_1288] : memref<64x128xf32, #tpu.memory_space<vmem>>[vector<16xi32>, vector<16xi32>], vector<16xf32>,
    tpu.vector_store_idx %arg11[%add3A_1311, %broadcast_in_dim3A_1290], %gather3A_1317 : memref<64x512xf32, #tpu.memory_space<vmem>>[vector<16xi32>, vector<16xi32>], vector<16xf32>,
    %add3A_1318 = arith.constant 48 : i32
    %add3A_1319 = vector.broadcast %add3A_1318 : i32 to vector<16xi32>
    %add3A_1320 = arith.addi %iota3A, %add3A_1319 : vector<16xi32>
    %gather3A_1321 = arith.constant 2 : i32
    %gather3A_1322 = arith.constant 0 : i32
    %gather3A_1323 = arith.constant 0 : i32
    %gather3A_1324 = tpu.memref_slice %arg10[%gather3A_1321, %gather3A_1322, %gather3A_1323] : memref<11x64x128xf32, #tpu.memory_space<vmem>> -> memref<1x64x128xf32, #tpu.memory_space<vmem>>
    %gather3A_1325 = tpu.memref_squeeze %gather3A_1324 : memref<1x64x128xf32, #tpu.memory_space<vmem>> -> memref<64x128xf32, #tpu.memory_space<vmem>>
    %gather3A_1326 = tpu.vector_load_idx %gather3A_1325[%add3A_1320, %broadcast_in_dim3A_1288] : memref<64x128xf32, #tpu.memory_space<vmem>>[vector<16xi32>, vector<16xi32>], vector<16xf32>,
    tpu.vector_store_idx %arg11[%add3A_1320, %broadcast_in_dim3A_1290], %gather3A_1326 : memref<64x512xf32, #tpu.memory_space<vmem>>[vector<16xi32>, vector<16xi32>], vector<16xf32>,
    %dma_wait3A_1327 = arith.constant 3 : i32
    %dma_wait3A_1328 = arith.constant 0 : i32
    %dma_wait3A_1329 = arith.constant 0 : i32
    %dma_wait3A_1330 = tpu.memref_slice %arg10[%dma_wait3A_1327, %dma_wait3A_1328, %dma_wait3A_1329] : memref<11x64x128xf32, #tpu.memory_space<vmem>> -> memref<1x64x128xf32, #tpu.memory_space<vmem>>
    %dma_wait3A_1331 = tpu.memref_squeeze %dma_wait3A_1330 : memref<1x64x128xf32, #tpu.memory_space<vmem>> -> memref<64x128xf32, #tpu.memory_space<vmem>>
    %dma_wait3A_1332 = arith.constant 0 : i32
    %dma_wait3A_1333 = arith.constant 0 : i32
    %dma_wait3A_1334 = tpu.memref_slice %arg5[%dma_wait3A_1332, %dma_wait3A_1333] : memref<64x1000000xf32, #tpu.memory_space<hbm>> -> memref<64x128xf32, #tpu.memory_space<hbm>>
    %dma_wait3A_1335 = arith.constant 0 : i32
    %dma_wait3A_1336 = arith.constant 0 : i32
    %dma_wait3A_1337 = tpu.memref_slice %arg10[%dma_wait3A_1327, %dma_wait3A_1335, %dma_wait3A_1336] : memref<11x64x128xf32, #tpu.memory_space<vmem>> -> memref<1x64x128xf32, #tpu.memory_space<vmem>>
    %dma_wait3A_1338 = tpu.memref_squeeze %dma_wait3A_1337 : memref<1x64x128xf32, #tpu.memory_space<vmem>> -> memref<64x128xf32, #tpu.memory_space<vmem>>
    %dma_wait3A_1339 = arith.constant 0 : i32
    %dma_wait3A_1340 = arith.constant 0 : i32
    %dma_wait3A_1341 = tpu.memref_slice %arg5[%dma_wait3A_1339, %dma_wait3A_1340] : memref<64x1000000xf32, #tpu.memory_space<hbm>> -> memref<64x128xf32, #tpu.memory_space<hbm>>
    tpu.wait_dma2 semaphore(%arg15 : memref<!tpu.dma_semaphore, #tpu.memory_space<semaphore_mem>>) src(%dma_wait3A_1341 : memref<64x128xf32, #tpu.memory_space<hbm>>) dst(%dma_wait3A_1338 : memref<64x128xf32, #tpu.memory_space<vmem>>)
    %get3A_1342 = arith.constant 496 : index
    %get3A_1343 = tpu.vector_load %arg9[%get3A_1342] {strides = array<i32>} : memref<512xi32, #tpu.memory_space<vmem>>, vector<16xi32>,
    %slice3A_1344 = vector.extract_strided_slice %get3A_1343 {offsets = [13], sizes = [1], strides = [1]} : vector<16xi32> to vector<1xi32>
    %squeeze3A_1345 = vector.extract %slice3A_1344[0] : i32 from vector<1xi32>
    %and3A_1346 = arith.constant 127 : i32
    %and3A_1347 = arith.andi %squeeze3A_1345, %and3A_1346 : i32
    %broadcast_in_dim3A_1348 = vector.broadcast %and3A_1347 : i32 to vector<16xi32>
    %broadcast_in_dim3A_1349 = arith.constant 509 : i32
    %broadcast_in_dim3A_1350 = vector.broadcast %broadcast_in_dim3A_1349 : i32 to vector<16xi32>
    %add3A_1351 = arith.constant 0 : i32
    %add3A_1352 = vector.broadcast %add3A_1351 : i32 to vector<16xi32>
    %add3A_1353 = arith.addi %iota3A, %add3A_1352 : vector<16xi32>
    %gather3A_1354 = arith.constant 3 : i32
    %gather3A_1355 = arith.constant 0 : i32
    %gather3A_1356 = arith.constant 0 : i32
    %gather3A_1357 = tpu.memref_slice %arg10[%gather3A_1354, %gather3A_1355, %gather3A_1356] : memref<11x64x128xf32, #tpu.memory_space<vmem>> -> memref<1x64x128xf32, #tpu.memory_space<vmem>>
    %gather3A_1358 = tpu.memref_squeeze %gather3A_1357 : memref<1x64x128xf32, #tpu.memory_space<vmem>> -> memref<64x128xf32, #tpu.memory_space<vmem>>
    %gather3A_1359 = tpu.vector_load_idx %gather3A_1358[%add3A_1353, %broadcast_in_dim3A_1348] : memref<64x128xf32, #tpu.memory_space<vmem>>[vector<16xi32>, vector<16xi32>], vector<16xf32>,
    tpu.vector_store_idx %arg11[%add3A_1353, %broadcast_in_dim3A_1350], %gather3A_1359 : memref<64x512xf32, #tpu.memory_space<vmem>>[vector<16xi32>, vector<16xi32>], vector<16xf32>,
    %add3A_1360 = arith.constant 16 : i32
    %add3A_1361 = vector.broadcast %add3A_1360 : i32 to vector<16xi32>
    %add3A_1362 = arith.addi %iota3A, %add3A_1361 : vector<16xi32>
    %gather3A_1363 = arith.constant 3 : i32
    %gather3A_1364 = arith.constant 0 : i32
    %gather3A_1365 = arith.constant 0 : i32
    %gather3A_1366 = tpu.memref_slice %arg10[%gather3A_1363, %gather3A_1364, %gather3A_1365] : memref<11x64x128xf32, #tpu.memory_space<vmem>> -> memref<1x64x128xf32, #tpu.memory_space<vmem>>
    %gather3A_1367 = tpu.memref_squeeze %gather3A_1366 : memref<1x64x128xf32, #tpu.memory_space<vmem>> -> memref<64x128xf32, #tpu.memory_space<vmem>>
    %gather3A_1368 = tpu.vector_load_idx %gather3A_1367[%add3A_1362, %broadcast_in_dim3A_1348] : memref<64x128xf32, #tpu.memory_space<vmem>>[vector<16xi32>, vector<16xi32>], vector<16xf32>,
    tpu.vector_store_idx %arg11[%add3A_1362, %broadcast_in_dim3A_1350], %gather3A_1368 : memref<64x512xf32, #tpu.memory_space<vmem>>[vector<16xi32>, vector<16xi32>], vector<16xf32>,
    %add3A_1369 = arith.constant 32 : i32
    %add3A_1370 = vector.broadcast %add3A_1369 : i32 to vector<16xi32>
    %add3A_1371 = arith.addi %iota3A, %add3A_1370 : vector<16xi32>
    %gather3A_1372 = arith.constant 3 : i32
    %gather3A_1373 = arith.constant 0 : i32
    %gather3A_1374 = arith.constant 0 : i32
    %gather3A_1375 = tpu.memref_slice %arg10[%gather3A_1372, %gather3A_1373, %gather3A_1374] : memref<11x64x128xf32, #tpu.memory_space<vmem>> -> memref<1x64x128xf32, #tpu.memory_space<vmem>>
    %gather3A_1376 = tpu.memref_squeeze %gather3A_1375 : memref<1x64x128xf32, #tpu.memory_space<vmem>> -> memref<64x128xf32, #tpu.memory_space<vmem>>
    %gather3A_1377 = tpu.vector_load_idx %gather3A_1376[%add3A_1371, %broadcast_in_dim3A_1348] : memref<64x128xf32, #tpu.memory_space<vmem>>[vector<16xi32>, vector<16xi32>], vector<16xf32>,
    tpu.vector_store_idx %arg11[%add3A_1371, %broadcast_in_dim3A_1350], %gather3A_1377 : memref<64x512xf32, #tpu.memory_space<vmem>>[vector<16xi32>, vector<16xi32>], vector<16xf32>,
    %add3A_1378 = arith.constant 48 : i32
    %add3A_1379 = vector.broadcast %add3A_1378 : i32 to vector<16xi32>
    %add3A_1380 = arith.addi %iota3A, %add3A_1379 : vector<16xi32>
    %gather3A_1381 = arith.constant 3 : i32
    %gather3A_1382 = arith.constant 0 : i32
    %gather3A_1383 = arith.constant 0 : i32
    %gather3A_1384 = tpu.memref_slice %arg10[%gather3A_1381, %gather3A_1382, %gather3A_1383] : memref<11x64x128xf32, #tpu.memory_space<vmem>> -> memref<1x64x128xf32, #tpu.memory_space<vmem>>
    %gather3A_1385 = tpu.memref_squeeze %gather3A_1384 : memref<1x64x128xf32, #tpu.memory_space<vmem>> -> memref<64x128xf32, #tpu.memory_space<vmem>>
    %gather3A_1386 = tpu.vector_load_idx %gather3A_1385[%add3A_1380, %broadcast_in_dim3A_1348] : memref<64x128xf32, #tpu.memory_space<vmem>>[vector<16xi32>, vector<16xi32>], vector<16xf32>,
    tpu.vector_store_idx %arg11[%add3A_1380, %broadcast_in_dim3A_1350], %gather3A_1386 : memref<64x512xf32, #tpu.memory_space<vmem>>[vector<16xi32>, vector<16xi32>], vector<16xf32>,
    %dma_wait3A_1387 = arith.constant 4 : i32
    %dma_wait3A_1388 = arith.constant 0 : i32
    %dma_wait3A_1389 = arith.constant 0 : i32
    %dma_wait3A_1390 = tpu.memref_slice %arg10[%dma_wait3A_1387, %dma_wait3A_1388, %dma_wait3A_1389] : memref<11x64x128xf32, #tpu.memory_space<vmem>> -> memref<1x64x128xf32, #tpu.memory_space<vmem>>
    %dma_wait3A_1391 = tpu.memref_squeeze %dma_wait3A_1390 : memref<1x64x128xf32, #tpu.memory_space<vmem>> -> memref<64x128xf32, #tpu.memory_space<vmem>>
    %dma_wait3A_1392 = arith.constant 0 : i32
    %dma_wait3A_1393 = arith.constant 0 : i32
    %dma_wait3A_1394 = tpu.memref_slice %arg5[%dma_wait3A_1392, %dma_wait3A_1393] : memref<64x1000000xf32, #tpu.memory_space<hbm>> -> memref<64x128xf32, #tpu.memory_space<hbm>>
    %dma_wait3A_1395 = arith.constant 0 : i32
    %dma_wait3A_1396 = arith.constant 0 : i32
    %dma_wait3A_1397 = tpu.memref_slice %arg10[%dma_wait3A_1387, %dma_wait3A_1395, %dma_wait3A_1396] : memref<11x64x128xf32, #tpu.memory_space<vmem>> -> memref<1x64x128xf32, #tpu.memory_space<vmem>>
    %dma_wait3A_1398 = tpu.memref_squeeze %dma_wait3A_1397 : memref<1x64x128xf32, #tpu.memory_space<vmem>> -> memref<64x128xf32, #tpu.memory_space<vmem>>
    %dma_wait3A_1399 = arith.constant 0 : i32
    %dma_wait3A_1400 = arith.constant 0 : i32
    %dma_wait3A_1401 = tpu.memref_slice %arg5[%dma_wait3A_1399, %dma_wait3A_1400] : memref<64x1000000xf32, #tpu.memory_space<hbm>> -> memref<64x128xf32, #tpu.memory_space<hbm>>
    tpu.wait_dma2 semaphore(%arg16 : memref<!tpu.dma_semaphore, #tpu.memory_space<semaphore_mem>>) src(%dma_wait3A_1401 : memref<64x128xf32, #tpu.memory_space<hbm>>) dst(%dma_wait3A_1398 : memref<64x128xf32, #tpu.memory_space<vmem>>)
    %get3A_1402 = arith.constant 496 : index
    %get3A_1403 = tpu.vector_load %arg9[%get3A_1402] {strides = array<i32>} : memref<512xi32, #tpu.memory_space<vmem>>, vector<16xi32>,
    %slice3A_1404 = vector.extract_strided_slice %get3A_1403 {offsets = [14], sizes = [1], strides = [1]} : vector<16xi32> to vector<1xi32>
    %squeeze3A_1405 = vector.extract %slice3A_1404[0] : i32 from vector<1xi32>
    %and3A_1406 = arith.constant 127 : i32
    %and3A_1407 = arith.andi %squeeze3A_1405, %and3A_1406 : i32
    %broadcast_in_dim3A_1408 = vector.broadcast %and3A_1407 : i32 to vector<16xi32>
    %broadcast_in_dim3A_1409 = arith.constant 510 : i32
    %broadcast_in_dim3A_1410 = vector.broadcast %broadcast_in_dim3A_1409 : i32 to vector<16xi32>
    %add3A_1411 = arith.constant 0 : i32
    %add3A_1412 = vector.broadcast %add3A_1411 : i32 to vector<16xi32>
    %add3A_1413 = arith.addi %iota3A, %add3A_1412 : vector<16xi32>
    %gather3A_1414 = arith.constant 4 : i32
    %gather3A_1415 = arith.constant 0 : i32
    %gather3A_1416 = arith.constant 0 : i32
    %gather3A_1417 = tpu.memref_slice %arg10[%gather3A_1414, %gather3A_1415, %gather3A_1416] : memref<11x64x128xf32, #tpu.memory_space<vmem>> -> memref<1x64x128xf32, #tpu.memory_space<vmem>>
    %gather3A_1418 = tpu.memref_squeeze %gather3A_1417 : memref<1x64x128xf32, #tpu.memory_space<vmem>> -> memref<64x128xf32, #tpu.memory_space<vmem>>
    %gather3A_1419 = tpu.vector_load_idx %gather3A_1418[%add3A_1413, %broadcast_in_dim3A_1408] : memref<64x128xf32, #tpu.memory_space<vmem>>[vector<16xi32>, vector<16xi32>], vector<16xf32>,
    tpu.vector_store_idx %arg11[%add3A_1413, %broadcast_in_dim3A_1410], %gather3A_1419 : memref<64x512xf32, #tpu.memory_space<vmem>>[vector<16xi32>, vector<16xi32>], vector<16xf32>,
    %add3A_1420 = arith.constant 16 : i32
    %add3A_1421 = vector.broadcast %add3A_1420 : i32 to vector<16xi32>
    %add3A_1422 = arith.addi %iota3A, %add3A_1421 : vector<16xi32>
    %gather3A_1423 = arith.constant 4 : i32
    %gather3A_1424 = arith.constant 0 : i32
    %gather3A_1425 = arith.constant 0 : i32
    %gather3A_1426 = tpu.memref_slice %arg10[%gather3A_1423, %gather3A_1424, %gather3A_1425] : memref<11x64x128xf32, #tpu.memory_space<vmem>> -> memref<1x64x128xf32, #tpu.memory_space<vmem>>
    %gather3A_1427 = tpu.memref_squeeze %gather3A_1426 : memref<1x64x128xf32, #tpu.memory_space<vmem>> -> memref<64x128xf32, #tpu.memory_space<vmem>>
    %gather3A_1428 = tpu.vector_load_idx %gather3A_1427[%add3A_1422, %broadcast_in_dim3A_1408] : memref<64x128xf32, #tpu.memory_space<vmem>>[vector<16xi32>, vector<16xi32>], vector<16xf32>,
    tpu.vector_store_idx %arg11[%add3A_1422, %broadcast_in_dim3A_1410], %gather3A_1428 : memref<64x512xf32, #tpu.memory_space<vmem>>[vector<16xi32>, vector<16xi32>], vector<16xf32>,
    %add3A_1429 = arith.constant 32 : i32
    %add3A_1430 = vector.broadcast %add3A_1429 : i32 to vector<16xi32>
    %add3A_1431 = arith.addi %iota3A, %add3A_1430 : vector<16xi32>
    %gather3A_1432 = arith.constant 4 : i32
    %gather3A_1433 = arith.constant 0 : i32
    %gather3A_1434 = arith.constant 0 : i32
    %gather3A_1435 = tpu.memref_slice %arg10[%gather3A_1432, %gather3A_1433, %gather3A_1434] : memref<11x64x128xf32, #tpu.memory_space<vmem>> -> memref<1x64x128xf32, #tpu.memory_space<vmem>>
    %gather3A_1436 = tpu.memref_squeeze %gather3A_1435 : memref<1x64x128xf32, #tpu.memory_space<vmem>> -> memref<64x128xf32, #tpu.memory_space<vmem>>
    %gather3A_1437 = tpu.vector_load_idx %gather3A_1436[%add3A_1431, %broadcast_in_dim3A_1408] : memref<64x128xf32, #tpu.memory_space<vmem>>[vector<16xi32>, vector<16xi32>], vector<16xf32>,
    tpu.vector_store_idx %arg11[%add3A_1431, %broadcast_in_dim3A_1410], %gather3A_1437 : memref<64x512xf32, #tpu.memory_space<vmem>>[vector<16xi32>, vector<16xi32>], vector<16xf32>,
    %add3A_1438 = arith.constant 48 : i32
    %add3A_1439 = vector.broadcast %add3A_1438 : i32 to vector<16xi32>
    %add3A_1440 = arith.addi %iota3A, %add3A_1439 : vector<16xi32>
    %gather3A_1441 = arith.constant 4 : i32
    %gather3A_1442 = arith.constant 0 : i32
    %gather3A_1443 = arith.constant 0 : i32
    %gather3A_1444 = tpu.memref_slice %arg10[%gather3A_1441, %gather3A_1442, %gather3A_1443] : memref<11x64x128xf32, #tpu.memory_space<vmem>> -> memref<1x64x128xf32, #tpu.memory_space<vmem>>
    %gather3A_1445 = tpu.memref_squeeze %gather3A_1444 : memref<1x64x128xf32, #tpu.memory_space<vmem>> -> memref<64x128xf32, #tpu.memory_space<vmem>>
    %gather3A_1446 = tpu.vector_load_idx %gather3A_1445[%add3A_1440, %broadcast_in_dim3A_1408] : memref<64x128xf32, #tpu.memory_space<vmem>>[vector<16xi32>, vector<16xi32>], vector<16xf32>,
    tpu.vector_store_idx %arg11[%add3A_1440, %broadcast_in_dim3A_1410], %gather3A_1446 : memref<64x512xf32, #tpu.memory_space<vmem>>[vector<16xi32>, vector<16xi32>], vector<16xf32>,
    %dma_wait3A_1447 = arith.constant 5 : i32
    %dma_wait3A_1448 = arith.constant 0 : i32
    %dma_wait3A_1449 = arith.constant 0 : i32
    %dma_wait3A_1450 = tpu.memref_slice %arg10[%dma_wait3A_1447, %dma_wait3A_1448, %dma_wait3A_1449] : memref<11x64x128xf32, #tpu.memory_space<vmem>> -> memref<1x64x128xf32, #tpu.memory_space<vmem>>
    %dma_wait3A_1451 = tpu.memref_squeeze %dma_wait3A_1450 : memref<1x64x128xf32, #tpu.memory_space<vmem>> -> memref<64x128xf32, #tpu.memory_space<vmem>>
    %dma_wait3A_1452 = arith.constant 0 : i32
    %dma_wait3A_1453 = arith.constant 0 : i32
    %dma_wait3A_1454 = tpu.memref_slice %arg5[%dma_wait3A_1452, %dma_wait3A_1453] : memref<64x1000000xf32, #tpu.memory_space<hbm>> -> memref<64x128xf32, #tpu.memory_space<hbm>>
    %dma_wait3A_1455 = arith.constant 0 : i32
    %dma_wait3A_1456 = arith.constant 0 : i32
    %dma_wait3A_1457 = tpu.memref_slice %arg10[%dma_wait3A_1447, %dma_wait3A_1455, %dma_wait3A_1456] : memref<11x64x128xf32, #tpu.memory_space<vmem>> -> memref<1x64x128xf32, #tpu.memory_space<vmem>>
    %dma_wait3A_1458 = tpu.memref_squeeze %dma_wait3A_1457 : memref<1x64x128xf32, #tpu.memory_space<vmem>> -> memref<64x128xf32, #tpu.memory_space<vmem>>
    %dma_wait3A_1459 = arith.constant 0 : i32
    %dma_wait3A_1460 = arith.constant 0 : i32
    %dma_wait3A_1461 = tpu.memref_slice %arg5[%dma_wait3A_1459, %dma_wait3A_1460] : memref<64x1000000xf32, #tpu.memory_space<hbm>> -> memref<64x128xf32, #tpu.memory_space<hbm>>
    tpu.wait_dma2 semaphore(%arg17 : memref<!tpu.dma_semaphore, #tpu.memory_space<semaphore_mem>>) src(%dma_wait3A_1461 : memref<64x128xf32, #tpu.memory_space<hbm>>) dst(%dma_wait3A_1458 : memref<64x128xf32, #tpu.memory_space<vmem>>)
    %get3A_1462 = arith.constant 496 : index
    %get3A_1463 = tpu.vector_load %arg9[%get3A_1462] {strides = array<i32>} : memref<512xi32, #tpu.memory_space<vmem>>, vector<16xi32>,
    %slice3A_1464 = vector.extract_strided_slice %get3A_1463 {offsets = [15], sizes = [1], strides = [1]} : vector<16xi32> to vector<1xi32>
    %squeeze3A_1465 = vector.extract %slice3A_1464[0] : i32 from vector<1xi32>
    %and3A_1466 = arith.constant 127 : i32
    %and3A_1467 = arith.andi %squeeze3A_1465, %and3A_1466 : i32
    %broadcast_in_dim3A_1468 = vector.broadcast %and3A_1467 : i32 to vector<16xi32>
    %broadcast_in_dim3A_1469 = arith.constant 511 : i32
    %broadcast_in_dim3A_1470 = vector.broadcast %broadcast_in_dim3A_1469 : i32 to vector<16xi32>
    %add3A_1471 = arith.constant 0 : i32
    %add3A_1472 = vector.broadcast %add3A_1471 : i32 to vector<16xi32>
    %add3A_1473 = arith.addi %iota3A, %add3A_1472 : vector<16xi32>
    %gather3A_1474 = arith.constant 5 : i32
    %gather3A_1475 = arith.constant 0 : i32
    %gather3A_1476 = arith.constant 0 : i32
    %gather3A_1477 = tpu.memref_slice %arg10[%gather3A_1474, %gather3A_1475, %gather3A_1476] : memref<11x64x128xf32, #tpu.memory_space<vmem>> -> memref<1x64x128xf32, #tpu.memory_space<vmem>>
    %gather3A_1478 = tpu.memref_squeeze %gather3A_1477 : memref<1x64x128xf32, #tpu.memory_space<vmem>> -> memref<64x128xf32, #tpu.memory_space<vmem>>
    %gather3A_1479 = tpu.vector_load_idx %gather3A_1478[%add3A_1473, %broadcast_in_dim3A_1468] : memref<64x128xf32, #tpu.memory_space<vmem>>[vector<16xi32>, vector<16xi32>], vector<16xf32>,
    tpu.vector_store_idx %arg11[%add3A_1473, %broadcast_in_dim3A_1470], %gather3A_1479 : memref<64x512xf32, #tpu.memory_space<vmem>>[vector<16xi32>, vector<16xi32>], vector<16xf32>,
    %add3A_1480 = arith.constant 16 : i32
    %add3A_1481 = vector.broadcast %add3A_1480 : i32 to vector<16xi32>
    %add3A_1482 = arith.addi %iota3A, %add3A_1481 : vector<16xi32>
    %gather3A_1483 = arith.constant 5 : i32
    %gather3A_1484 = arith.constant 0 : i32
    %gather3A_1485 = arith.constant 0 : i32
    %gather3A_1486 = tpu.memref_slice %arg10[%gather3A_1483, %gather3A_1484, %gather3A_1485] : memref<11x64x128xf32, #tpu.memory_space<vmem>> -> memref<1x64x128xf32, #tpu.memory_space<vmem>>
    %gather3A_1487 = tpu.memref_squeeze %gather3A_1486 : memref<1x64x128xf32, #tpu.memory_space<vmem>> -> memref<64x128xf32, #tpu.memory_space<vmem>>
    %gather3A_1488 = tpu.vector_load_idx %gather3A_1487[%add3A_1482, %broadcast_in_dim3A_1468] : memref<64x128xf32, #tpu.memory_space<vmem>>[vector<16xi32>, vector<16xi32>], vector<16xf32>,
    tpu.vector_store_idx %arg11[%add3A_1482, %broadcast_in_dim3A_1470], %gather3A_1488 : memref<64x512xf32, #tpu.memory_space<vmem>>[vector<16xi32>, vector<16xi32>], vector<16xf32>,
    %add3A_1489 = arith.constant 32 : i32
    %add3A_1490 = vector.broadcast %add3A_1489 : i32 to vector<16xi32>
    %add3A_1491 = arith.addi %iota3A, %add3A_1490 : vector<16xi32>
    %gather3A_1492 = arith.constant 5 : i32
    %gather3A_1493 = arith.constant 0 : i32
    %gather3A_1494 = arith.constant 0 : i32
    %gather3A_1495 = tpu.memref_slice %arg10[%gather3A_1492, %gather3A_1493, %gather3A_1494] : memref<11x64x128xf32, #tpu.memory_space<vmem>> -> memref<1x64x128xf32, #tpu.memory_space<vmem>>
    %gather3A_1496 = tpu.memref_squeeze %gather3A_1495 : memref<1x64x128xf32, #tpu.memory_space<vmem>> -> memref<64x128xf32, #tpu.memory_space<vmem>>
    %gather3A_1497 = tpu.vector_load_idx %gather3A_1496[%add3A_1491, %broadcast_in_dim3A_1468] : memref<64x128xf32, #tpu.memory_space<vmem>>[vector<16xi32>, vector<16xi32>], vector<16xf32>,
    tpu.vector_store_idx %arg11[%add3A_1491, %broadcast_in_dim3A_1470], %gather3A_1497 : memref<64x512xf32, #tpu.memory_space<vmem>>[vector<16xi32>, vector<16xi32>], vector<16xf32>,
    %add3A_1498 = arith.constant 48 : i32
    %add3A_1499 = vector.broadcast %add3A_1498 : i32 to vector<16xi32>
    %add3A_1500 = arith.addi %iota3A, %add3A_1499 : vector<16xi32>
    %gather3A_1501 = arith.constant 5 : i32
    %gather3A_1502 = arith.constant 0 : i32
    %gather3A_1503 = arith.constant 0 : i32
    %gather3A_1504 = tpu.memref_slice %arg10[%gather3A_1501, %gather3A_1502, %gather3A_1503] : memref<11x64x128xf32, #tpu.memory_space<vmem>> -> memref<1x64x128xf32, #tpu.memory_space<vmem>>
    %gather3A_1505 = tpu.memref_squeeze %gather3A_1504 : memref<1x64x128xf32, #tpu.memory_space<vmem>> -> memref<64x128xf32, #tpu.memory_space<vmem>>
    %gather3A_1506 = tpu.vector_load_idx %gather3A_1505[%add3A_1500, %broadcast_in_dim3A_1468] : memref<64x128xf32, #tpu.memory_space<vmem>>[vector<16xi32>, vector<16xi32>], vector<16xf32>,
    tpu.vector_store_idx %arg11[%add3A_1500, %broadcast_in_dim3A_1470], %gather3A_1506 : memref<64x512xf32, #tpu.memory_space<vmem>>[vector<16xi32>, vector<16xi32>], vector<16xf32>,
    %dma_wait3A_1507 = arith.constant 6 : i32
    %dma_wait3A_1508 = arith.constant 0 : i32
    %dma_wait3A_1509 = arith.constant 0 : i32
    %dma_wait3A_1510 = tpu.memref_slice %arg10[%dma_wait3A_1507, %dma_wait3A_1508, %dma_wait3A_1509] : memref<11x64x128xf32, #tpu.memory_space<vmem>> -> memref<1x64x128xf32, #tpu.memory_space<vmem>>
    %dma_wait3A_1511 = tpu.memref_squeeze %dma_wait3A_1510 : memref<1x64x128xf32, #tpu.memory_space<vmem>> -> memref<64x128xf32, #tpu.memory_space<vmem>>
    %dma_wait3A_1512 = arith.constant 0 : i32
    %dma_wait3A_1513 = arith.constant 0 : i32
    %dma_wait3A_1514 = tpu.memref_slice %arg5[%dma_wait3A_1512, %dma_wait3A_1513] : memref<64x1000000xf32, #tpu.memory_space<hbm>> -> memref<64x128xf32, #tpu.memory_space<hbm>>
    %dma_wait3A_1515 = arith.constant 0 : i32
    %dma_wait3A_1516 = arith.constant 0 : i32
    %dma_wait3A_1517 = tpu.memref_slice %arg10[%dma_wait3A_1507, %dma_wait3A_1515, %dma_wait3A_1516] : memref<11x64x128xf32, #tpu.memory_space<vmem>> -> memref<1x64x128xf32, #tpu.memory_space<vmem>>
    %dma_wait3A_1518 = tpu.memref_squeeze %dma_wait3A_1517 : memref<1x64x128xf32, #tpu.memory_space<vmem>> -> memref<64x128xf32, #tpu.memory_space<vmem>>
    %dma_wait3A_1519 = arith.constant 0 : i32
    %dma_wait3A_1520 = arith.constant 0 : i32
    %dma_wait3A_1521 = tpu.memref_slice %arg5[%dma_wait3A_1519, %dma_wait3A_1520] : memref<64x1000000xf32, #tpu.memory_space<hbm>> -> memref<64x128xf32, #tpu.memory_space<hbm>>
    tpu.wait_dma2 semaphore(%arg18 : memref<!tpu.dma_semaphore, #tpu.memory_space<semaphore_mem>>) src(%dma_wait3A_1521 : memref<64x128xf32, #tpu.memory_space<hbm>>) dst(%dma_wait3A_1518 : memref<64x128xf32, #tpu.memory_space<vmem>>)
    %get3A_1522 = arith.constant 496 : index
    %get3A_1523 = tpu.vector_load %arg9[%get3A_1522] {strides = array<i32>} : memref<512xi32, #tpu.memory_space<vmem>>, vector<16xi32>,
    %slice3A_1524 = vector.extract_strided_slice %get3A_1523 {offsets = [15], sizes = [1], strides = [1]} : vector<16xi32> to vector<1xi32>
    %squeeze3A_1525 = vector.extract %slice3A_1524[0] : i32 from vector<1xi32>
    %and3A_1526 = arith.constant 127 : i32
    %and3A_1527 = arith.andi %squeeze3A_1525, %and3A_1526 : i32
    %broadcast_in_dim3A_1528 = vector.broadcast %and3A_1527 : i32 to vector<16xi32>
    %broadcast_in_dim3A_1529 = arith.constant 511 : i32
    %broadcast_in_dim3A_1530 = vector.broadcast %broadcast_in_dim3A_1529 : i32 to vector<16xi32>
    %add3A_1531 = arith.constant 0 : i32
    %add3A_1532 = vector.broadcast %add3A_1531 : i32 to vector<16xi32>
    %add3A_1533 = arith.addi %iota3A, %add3A_1532 : vector<16xi32>
    %gather3A_1534 = arith.constant 6 : i32
    %gather3A_1535 = arith.constant 0 : i32
    %gather3A_1536 = arith.constant 0 : i32
    %gather3A_1537 = tpu.memref_slice %arg10[%gather3A_1534, %gather3A_1535, %gather3A_1536] : memref<11x64x128xf32, #tpu.memory_space<vmem>> -> memref<1x64x128xf32, #tpu.memory_space<vmem>>
    %gather3A_1538 = tpu.memref_squeeze %gather3A_1537 : memref<1x64x128xf32, #tpu.memory_space<vmem>> -> memref<64x128xf32, #tpu.memory_space<vmem>>
    %gather3A_1539 = tpu.vector_load_idx %gather3A_1538[%add3A_1533, %broadcast_in_dim3A_1528] : memref<64x128xf32, #tpu.memory_space<vmem>>[vector<16xi32>, vector<16xi32>], vector<16xf32>,
    tpu.vector_store_idx %arg11[%add3A_1533, %broadcast_in_dim3A_1530], %gather3A_1539 : memref<64x512xf32, #tpu.memory_space<vmem>>[vector<16xi32>, vector<16xi32>], vector<16xf32>,
    %add3A_1540 = arith.constant 16 : i32
    %add3A_1541 = vector.broadcast %add3A_1540 : i32 to vector<16xi32>
    %add3A_1542 = arith.addi %iota3A, %add3A_1541 : vector<16xi32>
    %gather3A_1543 = arith.constant 6 : i32
    %gather3A_1544 = arith.constant 0 : i32
    %gather3A_1545 = arith.constant 0 : i32
    %gather3A_1546 = tpu.memref_slice %arg10[%gather3A_1543, %gather3A_1544, %gather3A_1545] : memref<11x64x128xf32, #tpu.memory_space<vmem>> -> memref<1x64x128xf32, #tpu.memory_space<vmem>>
    %gather3A_1547 = tpu.memref_squeeze %gather3A_1546 : memref<1x64x128xf32, #tpu.memory_space<vmem>> -> memref<64x128xf32, #tpu.memory_space<vmem>>
    %gather3A_1548 = tpu.vector_load_idx %gather3A_1547[%add3A_1542, %broadcast_in_dim3A_1528] : memref<64x128xf32, #tpu.memory_space<vmem>>[vector<16xi32>, vector<16xi32>], vector<16xf32>,
    tpu.vector_store_idx %arg11[%add3A_1542, %broadcast_in_dim3A_1530], %gather3A_1548 : memref<64x512xf32, #tpu.memory_space<vmem>>[vector<16xi32>, vector<16xi32>], vector<16xf32>,
    %add3A_1549 = arith.constant 32 : i32
    %add3A_1550 = vector.broadcast %add3A_1549 : i32 to vector<16xi32>
    %add3A_1551 = arith.addi %iota3A, %add3A_1550 : vector<16xi32>
    %gather3A_1552 = arith.constant 6 : i32
    %gather3A_1553 = arith.constant 0 : i32
    %gather3A_1554 = arith.constant 0 : i32
    %gather3A_1555 = tpu.memref_slice %arg10[%gather3A_1552, %gather3A_1553, %gather3A_1554] : memref<11x64x128xf32, #tpu.memory_space<vmem>> -> memref<1x64x128xf32, #tpu.memory_space<vmem>>
    %gather3A_1556 = tpu.memref_squeeze %gather3A_1555 : memref<1x64x128xf32, #tpu.memory_space<vmem>> -> memref<64x128xf32, #tpu.memory_space<vmem>>
    %gather3A_1557 = tpu.vector_load_idx %gather3A_1556[%add3A_1551, %broadcast_in_dim3A_1528] : memref<64x128xf32, #tpu.memory_space<vmem>>[vector<16xi32>, vector<16xi32>], vector<16xf32>,
    tpu.vector_store_idx %arg11[%add3A_1551, %broadcast_in_dim3A_1530], %gather3A_1557 : memref<64x512xf32, #tpu.memory_space<vmem>>[vector<16xi32>, vector<16xi32>], vector<16xf32>,
    %add3A_1558 = arith.constant 48 : i32
    %add3A_1559 = vector.broadcast %add3A_1558 : i32 to vector<16xi32>
    %add3A_1560 = arith.addi %iota3A, %add3A_1559 : vector<16xi32>
    %gather3A_1561 = arith.constant 6 : i32
    %gather3A_1562 = arith.constant 0 : i32
    %gather3A_1563 = arith.constant 0 : i32
    %gather3A_1564 = tpu.memref_slice %arg10[%gather3A_1561, %gather3A_1562, %gather3A_1563] : memref<11x64x128xf32, #tpu.memory_space<vmem>> -> memref<1x64x128xf32, #tpu.memory_space<vmem>>
    %gather3A_1565 = tpu.memref_squeeze %gather3A_1564 : memref<1x64x128xf32, #tpu.memory_space<vmem>> -> memref<64x128xf32, #tpu.memory_space<vmem>>
    %gather3A_1566 = tpu.vector_load_idx %gather3A_1565[%add3A_1560, %broadcast_in_dim3A_1528] : memref<64x128xf32, #tpu.memory_space<vmem>>[vector<16xi32>, vector<16xi32>], vector<16xf32>,
    tpu.vector_store_idx %arg11[%add3A_1560, %broadcast_in_dim3A_1530], %gather3A_1566 : memref<64x512xf32, #tpu.memory_space<vmem>>[vector<16xi32>, vector<16xi32>], vector<16xf32>,
    %dma_wait3A_1567 = arith.constant 7 : i32
    %dma_wait3A_1568 = arith.constant 0 : i32
    %dma_wait3A_1569 = arith.constant 0 : i32
    %dma_wait3A_1570 = tpu.memref_slice %arg10[%dma_wait3A_1567, %dma_wait3A_1568, %dma_wait3A_1569] : memref<11x64x128xf32, #tpu.memory_space<vmem>> -> memref<1x64x128xf32, #tpu.memory_space<vmem>>
    %dma_wait3A_1571 = tpu.memref_squeeze %dma_wait3A_1570 : memref<1x64x128xf32, #tpu.memory_space<vmem>> -> memref<64x128xf32, #tpu.memory_space<vmem>>
    %dma_wait3A_1572 = arith.constant 0 : i32
    %dma_wait3A_1573 = arith.constant 0 : i32
    %dma_wait3A_1574 = tpu.memref_slice %arg5[%dma_wait3A_1572, %dma_wait3A_1573] : memref<64x1000000xf32, #tpu.memory_space<hbm>> -> memref<64x128xf32, #tpu.memory_space<hbm>>
    %dma_wait3A_1575 = arith.constant 0 : i32
    %dma_wait3A_1576 = arith.constant 0 : i32
    %dma_wait3A_1577 = tpu.memref_slice %arg10[%dma_wait3A_1567, %dma_wait3A_1575, %dma_wait3A_1576] : memref<11x64x128xf32, #tpu.memory_space<vmem>> -> memref<1x64x128xf32, #tpu.memory_space<vmem>>
    %dma_wait3A_1578 = tpu.memref_squeeze %dma_wait3A_1577 : memref<1x64x128xf32, #tpu.memory_space<vmem>> -> memref<64x128xf32, #tpu.memory_space<vmem>>
    %dma_wait3A_1579 = arith.constant 0 : i32
    %dma_wait3A_1580 = arith.constant 0 : i32
    %dma_wait3A_1581 = tpu.memref_slice %arg5[%dma_wait3A_1579, %dma_wait3A_1580] : memref<64x1000000xf32, #tpu.memory_space<hbm>> -> memref<64x128xf32, #tpu.memory_space<hbm>>
    tpu.wait_dma2 semaphore(%arg19 : memref<!tpu.dma_semaphore, #tpu.memory_space<semaphore_mem>>) src(%dma_wait3A_1581 : memref<64x128xf32, #tpu.memory_space<hbm>>) dst(%dma_wait3A_1578 : memref<64x128xf32, #tpu.memory_space<vmem>>)
    %get3A_1582 = arith.constant 496 : index
    %get3A_1583 = tpu.vector_load %arg9[%get3A_1582] {strides = array<i32>} : memref<512xi32, #tpu.memory_space<vmem>>, vector<16xi32>,
    %slice3A_1584 = vector.extract_strided_slice %get3A_1583 {offsets = [15], sizes = [1], strides = [1]} : vector<16xi32> to vector<1xi32>
    %squeeze3A_1585 = vector.extract %slice3A_1584[0] : i32 from vector<1xi32>
    %and3A_1586 = arith.constant 127 : i32
    %and3A_1587 = arith.andi %squeeze3A_1585, %and3A_1586 : i32
    %broadcast_in_dim3A_1588 = vector.broadcast %and3A_1587 : i32 to vector<16xi32>
    %broadcast_in_dim3A_1589 = arith.constant 511 : i32
    %broadcast_in_dim3A_1590 = vector.broadcast %broadcast_in_dim3A_1589 : i32 to vector<16xi32>
    %add3A_1591 = arith.constant 0 : i32
    %add3A_1592 = vector.broadcast %add3A_1591 : i32 to vector<16xi32>
    %add3A_1593 = arith.addi %iota3A, %add3A_1592 : vector<16xi32>
    %gather3A_1594 = arith.constant 7 : i32
    %gather3A_1595 = arith.constant 0 : i32
    %gather3A_1596 = arith.constant 0 : i32
    %gather3A_1597 = tpu.memref_slice %arg10[%gather3A_1594, %gather3A_1595, %gather3A_1596] : memref<11x64x128xf32, #tpu.memory_space<vmem>> -> memref<1x64x128xf32, #tpu.memory_space<vmem>>
    %gather3A_1598 = tpu.memref_squeeze %gather3A_1597 : memref<1x64x128xf32, #tpu.memory_space<vmem>> -> memref<64x128xf32, #tpu.memory_space<vmem>>
    %gather3A_1599 = tpu.vector_load_idx %gather3A_1598[%add3A_1593, %broadcast_in_dim3A_1588] : memref<64x128xf32, #tpu.memory_space<vmem>>[vector<16xi32>, vector<16xi32>], vector<16xf32>,
    tpu.vector_store_idx %arg11[%add3A_1593, %broadcast_in_dim3A_1590], %gather3A_1599 : memref<64x512xf32, #tpu.memory_space<vmem>>[vector<16xi32>, vector<16xi32>], vector<16xf32>,
    %add3A_1600 = arith.constant 16 : i32
    %add3A_1601 = vector.broadcast %add3A_1600 : i32 to vector<16xi32>
    %add3A_1602 = arith.addi %iota3A, %add3A_1601 : vector<16xi32>
    %gather3A_1603 = arith.constant 7 : i32
    %gather3A_1604 = arith.constant 0 : i32
    %gather3A_1605 = arith.constant 0 : i32
    %gather3A_1606 = tpu.memref_slice %arg10[%gather3A_1603, %gather3A_1604, %gather3A_1605] : memref<11x64x128xf32, #tpu.memory_space<vmem>> -> memref<1x64x128xf32, #tpu.memory_space<vmem>>
    %gather3A_1607 = tpu.memref_squeeze %gather3A_1606 : memref<1x64x128xf32, #tpu.memory_space<vmem>> -> memref<64x128xf32, #tpu.memory_space<vmem>>
    %gather3A_1608 = tpu.vector_load_idx %gather3A_1607[%add3A_1602, %broadcast_in_dim3A_1588] : memref<64x128xf32, #tpu.memory_space<vmem>>[vector<16xi32>, vector<16xi32>], vector<16xf32>,
    tpu.vector_store_idx %arg11[%add3A_1602, %broadcast_in_dim3A_1590], %gather3A_1608 : memref<64x512xf32, #tpu.memory_space<vmem>>[vector<16xi32>, vector<16xi32>], vector<16xf32>,
    %add3A_1609 = arith.constant 32 : i32
    %add3A_1610 = vector.broadcast %add3A_1609 : i32 to vector<16xi32>
    %add3A_1611 = arith.addi %iota3A, %add3A_1610 : vector<16xi32>
    %gather3A_1612 = arith.constant 7 : i32
    %gather3A_1613 = arith.constant 0 : i32
    %gather3A_1614 = arith.constant 0 : i32
    %gather3A_1615 = tpu.memref_slice %arg10[%gather3A_1612, %gather3A_1613, %gather3A_1614] : memref<11x64x128xf32, #tpu.memory_space<vmem>> -> memref<1x64x128xf32, #tpu.memory_space<vmem>>
    %gather3A_1616 = tpu.memref_squeeze %gather3A_1615 : memref<1x64x128xf32, #tpu.memory_space<vmem>> -> memref<64x128xf32, #tpu.memory_space<vmem>>
    %gather3A_1617 = tpu.vector_load_idx %gather3A_1616[%add3A_1611, %broadcast_in_dim3A_1588] : memref<64x128xf32, #tpu.memory_space<vmem>>[vector<16xi32>, vector<16xi32>], vector<16xf32>,
    tpu.vector_store_idx %arg11[%add3A_1611, %broadcast_in_dim3A_1590], %gather3A_1617 : memref<64x512xf32, #tpu.memory_space<vmem>>[vector<16xi32>, vector<16xi32>], vector<16xf32>,
    %add3A_1618 = arith.constant 48 : i32
    %add3A_1619 = vector.broadcast %add3A_1618 : i32 to vector<16xi32>
    %add3A_1620 = arith.addi %iota3A, %add3A_1619 : vector<16xi32>
    %gather3A_1621 = arith.constant 7 : i32
    %gather3A_1622 = arith.constant 0 : i32
    %gather3A_1623 = arith.constant 0 : i32
    %gather3A_1624 = tpu.memref_slice %arg10[%gather3A_1621, %gather3A_1622, %gather3A_1623] : memref<11x64x128xf32, #tpu.memory_space<vmem>> -> memref<1x64x128xf32, #tpu.memory_space<vmem>>
    %gather3A_1625 = tpu.memref_squeeze %gather3A_1624 : memref<1x64x128xf32, #tpu.memory_space<vmem>> -> memref<64x128xf32, #tpu.memory_space<vmem>>
    %gather3A_1626 = tpu.vector_load_idx %gather3A_1625[%add3A_1620, %broadcast_in_dim3A_1588] : memref<64x128xf32, #tpu.memory_space<vmem>>[vector<16xi32>, vector<16xi32>], vector<16xf32>,
    tpu.vector_store_idx %arg11[%add3A_1620, %broadcast_in_dim3A_1590], %gather3A_1626 : memref<64x512xf32, #tpu.memory_space<vmem>>[vector<16xi32>, vector<16xi32>], vector<16xf32>,
    %dma_wait3A_1627 = arith.constant 8 : i32
    %dma_wait3A_1628 = arith.constant 0 : i32
    %dma_wait3A_1629 = arith.constant 0 : i32
    %dma_wait3A_1630 = tpu.memref_slice %arg10[%dma_wait3A_1627, %dma_wait3A_1628, %dma_wait3A_1629] : memref<11x64x128xf32, #tpu.memory_space<vmem>> -> memref<1x64x128xf32, #tpu.memory_space<vmem>>
    %dma_wait3A_1631 = tpu.memref_squeeze %dma_wait3A_1630 : memref<1x64x128xf32, #tpu.memory_space<vmem>> -> memref<64x128xf32, #tpu.memory_space<vmem>>
    %dma_wait3A_1632 = arith.constant 0 : i32
    %dma_wait3A_1633 = arith.constant 0 : i32
    %dma_wait3A_1634 = tpu.memref_slice %arg5[%dma_wait3A_1632, %dma_wait3A_1633] : memref<64x1000000xf32, #tpu.memory_space<hbm>> -> memref<64x128xf32, #tpu.memory_space<hbm>>
    %dma_wait3A_1635 = arith.constant 0 : i32
    %dma_wait3A_1636 = arith.constant 0 : i32
    %dma_wait3A_1637 = tpu.memref_slice %arg10[%dma_wait3A_1627, %dma_wait3A_1635, %dma_wait3A_1636] : memref<11x64x128xf32, #tpu.memory_space<vmem>> -> memref<1x64x128xf32, #tpu.memory_space<vmem>>
    %dma_wait3A_1638 = tpu.memref_squeeze %dma_wait3A_1637 : memref<1x64x128xf32, #tpu.memory_space<vmem>> -> memref<64x128xf32, #tpu.memory_space<vmem>>
    %dma_wait3A_1639 = arith.constant 0 : i32
    %dma_wait3A_1640 = arith.constant 0 : i32
    %dma_wait3A_1641 = tpu.memref_slice %arg5[%dma_wait3A_1639, %dma_wait3A_1640] : memref<64x1000000xf32, #tpu.memory_space<hbm>> -> memref<64x128xf32, #tpu.memory_space<hbm>>
    tpu.wait_dma2 semaphore(%arg20 : memref<!tpu.dma_semaphore, #tpu.memory_space<semaphore_mem>>) src(%dma_wait3A_1641 : memref<64x128xf32, #tpu.memory_space<hbm>>) dst(%dma_wait3A_1638 : memref<64x128xf32, #tpu.memory_space<vmem>>)
    %get3A_1642 = arith.constant 496 : index
    %get3A_1643 = tpu.vector_load %arg9[%get3A_1642] {strides = array<i32>} : memref<512xi32, #tpu.memory_space<vmem>>, vector<16xi32>,
    %slice3A_1644 = vector.extract_strided_slice %get3A_1643 {offsets = [15], sizes = [1], strides = [1]} : vector<16xi32> to vector<1xi32>
    %squeeze3A_1645 = vector.extract %slice3A_1644[0] : i32 from vector<1xi32>
    %and3A_1646 = arith.constant 127 : i32
    %and3A_1647 = arith.andi %squeeze3A_1645, %and3A_1646 : i32
    %broadcast_in_dim3A_1648 = vector.broadcast %and3A_1647 : i32 to vector<16xi32>
    %broadcast_in_dim3A_1649 = arith.constant 511 : i32
    %broadcast_in_dim3A_1650 = vector.broadcast %broadcast_in_dim3A_1649 : i32 to vector<16xi32>
    %add3A_1651 = arith.constant 0 : i32
    %add3A_1652 = vector.broadcast %add3A_1651 : i32 to vector<16xi32>
    %add3A_1653 = arith.addi %iota3A, %add3A_1652 : vector<16xi32>
    %gather3A_1654 = arith.constant 8 : i32
    %gather3A_1655 = arith.constant 0 : i32
    %gather3A_1656 = arith.constant 0 : i32
    %gather3A_1657 = tpu.memref_slice %arg10[%gather3A_1654, %gather3A_1655, %gather3A_1656] : memref<11x64x128xf32, #tpu.memory_space<vmem>> -> memref<1x64x128xf32, #tpu.memory_space<vmem>>
    %gather3A_1658 = tpu.memref_squeeze %gather3A_1657 : memref<1x64x128xf32, #tpu.memory_space<vmem>> -> memref<64x128xf32, #tpu.memory_space<vmem>>
    %gather3A_1659 = tpu.vector_load_idx %gather3A_1658[%add3A_1653, %broadcast_in_dim3A_1648] : memref<64x128xf32, #tpu.memory_space<vmem>>[vector<16xi32>, vector<16xi32>], vector<16xf32>,
    tpu.vector_store_idx %arg11[%add3A_1653, %broadcast_in_dim3A_1650], %gather3A_1659 : memref<64x512xf32, #tpu.memory_space<vmem>>[vector<16xi32>, vector<16xi32>], vector<16xf32>,
    %add3A_1660 = arith.constant 16 : i32
    %add3A_1661 = vector.broadcast %add3A_1660 : i32 to vector<16xi32>
    %add3A_1662 = arith.addi %iota3A, %add3A_1661 : vector<16xi32>
    %gather3A_1663 = arith.constant 8 : i32
    %gather3A_1664 = arith.constant 0 : i32
    %gather3A_1665 = arith.constant 0 : i32
    %gather3A_1666 = tpu.memref_slice %arg10[%gather3A_1663, %gather3A_1664, %gather3A_1665] : memref<11x64x128xf32, #tpu.memory_space<vmem>> -> memref<1x64x128xf32, #tpu.memory_space<vmem>>
    %gather3A_1667 = tpu.memref_squeeze %gather3A_1666 : memref<1x64x128xf32, #tpu.memory_space<vmem>> -> memref<64x128xf32, #tpu.memory_space<vmem>>
    %gather3A_1668 = tpu.vector_load_idx %gather3A_1667[%add3A_1662, %broadcast_in_dim3A_1648] : memref<64x128xf32, #tpu.memory_space<vmem>>[vector<16xi32>, vector<16xi32>], vector<16xf32>,
    tpu.vector_store_idx %arg11[%add3A_1662, %broadcast_in_dim3A_1650], %gather3A_1668 : memref<64x512xf32, #tpu.memory_space<vmem>>[vector<16xi32>, vector<16xi32>], vector<16xf32>,
    %add3A_1669 = arith.constant 32 : i32
    %add3A_1670 = vector.broadcast %add3A_1669 : i32 to vector<16xi32>
    %add3A_1671 = arith.addi %iota3A, %add3A_1670 : vector<16xi32>
    %gather3A_1672 = arith.constant 8 : i32
    %gather3A_1673 = arith.constant 0 : i32
    %gather3A_1674 = arith.constant 0 : i32
    %gather3A_1675 = tpu.memref_slice %arg10[%gather3A_1672, %gather3A_1673, %gather3A_1674] : memref<11x64x128xf32, #tpu.memory_space<vmem>> -> memref<1x64x128xf32, #tpu.memory_space<vmem>>
    %gather3A_1676 = tpu.memref_squeeze %gather3A_1675 : memref<1x64x128xf32, #tpu.memory_space<vmem>> -> memref<64x128xf32, #tpu.memory_space<vmem>>
    %gather3A_1677 = tpu.vector_load_idx %gather3A_1676[%add3A_1671, %broadcast_in_dim3A_1648] : memref<64x128xf32, #tpu.memory_space<vmem>>[vector<16xi32>, vector<16xi32>], vector<16xf32>,
    tpu.vector_store_idx %arg11[%add3A_1671, %broadcast_in_dim3A_1650], %gather3A_1677 : memref<64x512xf32, #tpu.memory_space<vmem>>[vector<16xi32>, vector<16xi32>], vector<16xf32>,
    %add3A_1678 = arith.constant 48 : i32
    %add3A_1679 = vector.broadcast %add3A_1678 : i32 to vector<16xi32>
    %add3A_1680 = arith.addi %iota3A, %add3A_1679 : vector<16xi32>
    %gather3A_1681 = arith.constant 8 : i32
    %gather3A_1682 = arith.constant 0 : i32
    %gather3A_1683 = arith.constant 0 : i32
    %gather3A_1684 = tpu.memref_slice %arg10[%gather3A_1681, %gather3A_1682, %gather3A_1683] : memref<11x64x128xf32, #tpu.memory_space<vmem>> -> memref<1x64x128xf32, #tpu.memory_space<vmem>>
    %gather3A_1685 = tpu.memref_squeeze %gather3A_1684 : memref<1x64x128xf32, #tpu.memory_space<vmem>> -> memref<64x128xf32, #tpu.memory_space<vmem>>
    %gather3A_1686 = tpu.vector_load_idx %gather3A_1685[%add3A_1680, %broadcast_in_dim3A_1648] : memref<64x128xf32, #tpu.memory_space<vmem>>[vector<16xi32>, vector<16xi32>], vector<16xf32>,
    tpu.vector_store_idx %arg11[%add3A_1680, %broadcast_in_dim3A_1650], %gather3A_1686 : memref<64x512xf32, #tpu.memory_space<vmem>>[vector<16xi32>, vector<16xi32>], vector<16xf32>,
    %dma_wait3A_1687 = arith.constant 9 : i32
    %dma_wait3A_1688 = arith.constant 0 : i32
    %dma_wait3A_1689 = arith.constant 0 : i32
    %dma_wait3A_1690 = tpu.memref_slice %arg10[%dma_wait3A_1687, %dma_wait3A_1688, %dma_wait3A_1689] : memref<11x64x128xf32, #tpu.memory_space<vmem>> -> memref<1x64x128xf32, #tpu.memory_space<vmem>>
    %dma_wait3A_1691 = tpu.memref_squeeze %dma_wait3A_1690 : memref<1x64x128xf32, #tpu.memory_space<vmem>> -> memref<64x128xf32, #tpu.memory_space<vmem>>
    %dma_wait3A_1692 = arith.constant 0 : i32
    %dma_wait3A_1693 = arith.constant 0 : i32
    %dma_wait3A_1694 = tpu.memref_slice %arg5[%dma_wait3A_1692, %dma_wait3A_1693] : memref<64x1000000xf32, #tpu.memory_space<hbm>> -> memref<64x128xf32, #tpu.memory_space<hbm>>
    %dma_wait3A_1695 = arith.constant 0 : i32
    %dma_wait3A_1696 = arith.constant 0 : i32
    %dma_wait3A_1697 = tpu.memref_slice %arg10[%dma_wait3A_1687, %dma_wait3A_1695, %dma_wait3A_1696] : memref<11x64x128xf32, #tpu.memory_space<vmem>> -> memref<1x64x128xf32, #tpu.memory_space<vmem>>
    %dma_wait3A_1698 = tpu.memref_squeeze %dma_wait3A_1697 : memref<1x64x128xf32, #tpu.memory_space<vmem>> -> memref<64x128xf32, #tpu.memory_space<vmem>>
    %dma_wait3A_1699 = arith.constant 0 : i32
    %dma_wait3A_1700 = arith.constant 0 : i32
    %dma_wait3A_1701 = tpu.memref_slice %arg5[%dma_wait3A_1699, %dma_wait3A_1700] : memref<64x1000000xf32, #tpu.memory_space<hbm>> -> memref<64x128xf32, #tpu.memory_space<hbm>>
    tpu.wait_dma2 semaphore(%arg21 : memref<!tpu.dma_semaphore, #tpu.memory_space<semaphore_mem>>) src(%dma_wait3A_1701 : memref<64x128xf32, #tpu.memory_space<hbm>>) dst(%dma_wait3A_1698 : memref<64x128xf32, #tpu.memory_space<vmem>>)
    %get3A_1702 = arith.constant 496 : index
    %get3A_1703 = tpu.vector_load %arg9[%get3A_1702] {strides = array<i32>} : memref<512xi32, #tpu.memory_space<vmem>>, vector<16xi32>,
    %slice3A_1704 = vector.extract_strided_slice %get3A_1703 {offsets = [15], sizes = [1], strides = [1]} : vector<16xi32> to vector<1xi32>
    %squeeze3A_1705 = vector.extract %slice3A_1704[0] : i32 from vector<1xi32>
    %and3A_1706 = arith.constant 127 : i32
    %and3A_1707 = arith.andi %squeeze3A_1705, %and3A_1706 : i32
    %broadcast_in_dim3A_1708 = vector.broadcast %and3A_1707 : i32 to vector<16xi32>
    %broadcast_in_dim3A_1709 = arith.constant 511 : i32
    %broadcast_in_dim3A_1710 = vector.broadcast %broadcast_in_dim3A_1709 : i32 to vector<16xi32>
    %add3A_1711 = arith.constant 0 : i32
    %add3A_1712 = vector.broadcast %add3A_1711 : i32 to vector<16xi32>
    %add3A_1713 = arith.addi %iota3A, %add3A_1712 : vector<16xi32>
    %gather3A_1714 = arith.constant 9 : i32
    %gather3A_1715 = arith.constant 0 : i32
    %gather3A_1716 = arith.constant 0 : i32
    %gather3A_1717 = tpu.memref_slice %arg10[%gather3A_1714, %gather3A_1715, %gather3A_1716] : memref<11x64x128xf32, #tpu.memory_space<vmem>> -> memref<1x64x128xf32, #tpu.memory_space<vmem>>
    %gather3A_1718 = tpu.memref_squeeze %gather3A_1717 : memref<1x64x128xf32, #tpu.memory_space<vmem>> -> memref<64x128xf32, #tpu.memory_space<vmem>>
    %gather3A_1719 = tpu.vector_load_idx %gather3A_1718[%add3A_1713, %broadcast_in_dim3A_1708] : memref<64x128xf32, #tpu.memory_space<vmem>>[vector<16xi32>, vector<16xi32>], vector<16xf32>,
    tpu.vector_store_idx %arg11[%add3A_1713, %broadcast_in_dim3A_1710], %gather3A_1719 : memref<64x512xf32, #tpu.memory_space<vmem>>[vector<16xi32>, vector<16xi32>], vector<16xf32>,
    %add3A_1720 = arith.constant 16 : i32
    %add3A_1721 = vector.broadcast %add3A_1720 : i32 to vector<16xi32>
    %add3A_1722 = arith.addi %iota3A, %add3A_1721 : vector<16xi32>
    %gather3A_1723 = arith.constant 9 : i32
    %gather3A_1724 = arith.constant 0 : i32
    %gather3A_1725 = arith.constant 0 : i32
    %gather3A_1726 = tpu.memref_slice %arg10[%gather3A_1723, %gather3A_1724, %gather3A_1725] : memref<11x64x128xf32, #tpu.memory_space<vmem>> -> memref<1x64x128xf32, #tpu.memory_space<vmem>>
    %gather3A_1727 = tpu.memref_squeeze %gather3A_1726 : memref<1x64x128xf32, #tpu.memory_space<vmem>> -> memref<64x128xf32, #tpu.memory_space<vmem>>
    %gather3A_1728 = tpu.vector_load_idx %gather3A_1727[%add3A_1722, %broadcast_in_dim3A_1708] : memref<64x128xf32, #tpu.memory_space<vmem>>[vector<16xi32>, vector<16xi32>], vector<16xf32>,
    tpu.vector_store_idx %arg11[%add3A_1722, %broadcast_in_dim3A_1710], %gather3A_1728 : memref<64x512xf32, #tpu.memory_space<vmem>>[vector<16xi32>, vector<16xi32>], vector<16xf32>,
    %add3A_1729 = arith.constant 32 : i32
    %add3A_1730 = vector.broadcast %add3A_1729 : i32 to vector<16xi32>
    %add3A_1731 = arith.addi %iota3A, %add3A_1730 : vector<16xi32>
    %gather3A_1732 = arith.constant 9 : i32
    %gather3A_1733 = arith.constant 0 : i32
    %gather3A_1734 = arith.constant 0 : i32
    %gather3A_1735 = tpu.memref_slice %arg10[%gather3A_1732, %gather3A_1733, %gather3A_1734] : memref<11x64x128xf32, #tpu.memory_space<vmem>> -> memref<1x64x128xf32, #tpu.memory_space<vmem>>
    %gather3A_1736 = tpu.memref_squeeze %gather3A_1735 : memref<1x64x128xf32, #tpu.memory_space<vmem>> -> memref<64x128xf32, #tpu.memory_space<vmem>>
    %gather3A_1737 = tpu.vector_load_idx %gather3A_1736[%add3A_1731, %broadcast_in_dim3A_1708] : memref<64x128xf32, #tpu.memory_space<vmem>>[vector<16xi32>, vector<16xi32>], vector<16xf32>,
    tpu.vector_store_idx %arg11[%add3A_1731, %broadcast_in_dim3A_1710], %gather3A_1737 : memref<64x512xf32, #tpu.memory_space<vmem>>[vector<16xi32>, vector<16xi32>], vector<16xf32>,
    %add3A_1738 = arith.constant 48 : i32
    %add3A_1739 = vector.broadcast %add3A_1738 : i32 to vector<16xi32>
    %add3A_1740 = arith.addi %iota3A, %add3A_1739 : vector<16xi32>
    %gather3A_1741 = arith.constant 9 : i32
    %gather3A_1742 = arith.constant 0 : i32
    %gather3A_1743 = arith.constant 0 : i32
    %gather3A_1744 = tpu.memref_slice %arg10[%gather3A_1741, %gather3A_1742, %gather3A_1743] : memref<11x64x128xf32, #tpu.memory_space<vmem>> -> memref<1x64x128xf32, #tpu.memory_space<vmem>>
    %gather3A_1745 = tpu.memref_squeeze %gather3A_1744 : memref<1x64x128xf32, #tpu.memory_space<vmem>> -> memref<64x128xf32, #tpu.memory_space<vmem>>
    %gather3A_1746 = tpu.vector_load_idx %gather3A_1745[%add3A_1740, %broadcast_in_dim3A_1708] : memref<64x128xf32, #tpu.memory_space<vmem>>[vector<16xi32>, vector<16xi32>], vector<16xf32>,
    tpu.vector_store_idx %arg11[%add3A_1740, %broadcast_in_dim3A_1710], %gather3A_1746 : memref<64x512xf32, #tpu.memory_space<vmem>>[vector<16xi32>, vector<16xi32>], vector<16xf32>,
    %dma_wait3A_1747 = arith.constant 10 : i32
    %dma_wait3A_1748 = arith.constant 0 : i32
    %dma_wait3A_1749 = arith.constant 0 : i32
    %dma_wait3A_1750 = tpu.memref_slice %arg10[%dma_wait3A_1747, %dma_wait3A_1748, %dma_wait3A_1749] : memref<11x64x128xf32, #tpu.memory_space<vmem>> -> memref<1x64x128xf32, #tpu.memory_space<vmem>>
    %dma_wait3A_1751 = tpu.memref_squeeze %dma_wait3A_1750 : memref<1x64x128xf32, #tpu.memory_space<vmem>> -> memref<64x128xf32, #tpu.memory_space<vmem>>
    %dma_wait3A_1752 = arith.constant 0 : i32
    %dma_wait3A_1753 = arith.constant 0 : i32
    %dma_wait3A_1754 = tpu.memref_slice %arg5[%dma_wait3A_1752, %dma_wait3A_1753] : memref<64x1000000xf32, #tpu.memory_space<hbm>> -> memref<64x128xf32, #tpu.memory_space<hbm>>
    %dma_wait3A_1755 = arith.constant 0 : i32
    %dma_wait3A_1756 = arith.constant 0 : i32
    %dma_wait3A_1757 = tpu.memref_slice %arg10[%dma_wait3A_1747, %dma_wait3A_1755, %dma_wait3A_1756] : memref<11x64x128xf32, #tpu.memory_space<vmem>> -> memref<1x64x128xf32, #tpu.memory_space<vmem>>
    %dma_wait3A_1758 = tpu.memref_squeeze %dma_wait3A_1757 : memref<1x64x128xf32, #tpu.memory_space<vmem>> -> memref<64x128xf32, #tpu.memory_space<vmem>>
    %dma_wait3A_1759 = arith.constant 0 : i32
    %dma_wait3A_1760 = arith.constant 0 : i32
    %dma_wait3A_1761 = tpu.memref_slice %arg5[%dma_wait3A_1759, %dma_wait3A_1760] : memref<64x1000000xf32, #tpu.memory_space<hbm>> -> memref<64x128xf32, #tpu.memory_space<hbm>>
    tpu.wait_dma2 semaphore(%arg22 : memref<!tpu.dma_semaphore, #tpu.memory_space<semaphore_mem>>) src(%dma_wait3A_1761 : memref<64x128xf32, #tpu.memory_space<hbm>>) dst(%dma_wait3A_1758 : memref<64x128xf32, #tpu.memory_space<vmem>>)
    %get3A_1762 = arith.constant 496 : index
    %get3A_1763 = tpu.vector_load %arg9[%get3A_1762] {strides = array<i32>} : memref<512xi32, #tpu.memory_space<vmem>>, vector<16xi32>,
    %slice3A_1764 = vector.extract_strided_slice %get3A_1763 {offsets = [15], sizes = [1], strides = [1]} : vector<16xi32> to vector<1xi32>
    %squeeze3A_1765 = vector.extract %slice3A_1764[0] : i32 from vector<1xi32>
    %and3A_1766 = arith.constant 127 : i32
    %and3A_1767 = arith.andi %squeeze3A_1765, %and3A_1766 : i32
    %broadcast_in_dim3A_1768 = vector.broadcast %and3A_1767 : i32 to vector<16xi32>
    %broadcast_in_dim3A_1769 = arith.constant 511 : i32
    %broadcast_in_dim3A_1770 = vector.broadcast %broadcast_in_dim3A_1769 : i32 to vector<16xi32>
    %add3A_1771 = arith.constant 0 : i32
    %add3A_1772 = vector.broadcast %add3A_1771 : i32 to vector<16xi32>
    %add3A_1773 = arith.addi %iota3A, %add3A_1772 : vector<16xi32>
    %gather3A_1774 = arith.constant 10 : i32
    %gather3A_1775 = arith.constant 0 : i32
    %gather3A_1776 = arith.constant 0 : i32
    %gather3A_1777 = tpu.memref_slice %arg10[%gather3A_1774, %gather3A_1775, %gather3A_1776] : memref<11x64x128xf32, #tpu.memory_space<vmem>> -> memref<1x64x128xf32, #tpu.memory_space<vmem>>
    %gather3A_1778 = tpu.memref_squeeze %gather3A_1777 : memref<1x64x128xf32, #tpu.memory_space<vmem>> -> memref<64x128xf32, #tpu.memory_space<vmem>>
    %gather3A_1779 = tpu.vector_load_idx %gather3A_1778[%add3A_1773, %broadcast_in_dim3A_1768] : memref<64x128xf32, #tpu.memory_space<vmem>>[vector<16xi32>, vector<16xi32>], vector<16xf32>,
    tpu.vector_store_idx %arg11[%add3A_1773, %broadcast_in_dim3A_1770], %gather3A_1779 : memref<64x512xf32, #tpu.memory_space<vmem>>[vector<16xi32>, vector<16xi32>], vector<16xf32>,
    %add3A_1780 = arith.constant 16 : i32
    %add3A_1781 = vector.broadcast %add3A_1780 : i32 to vector<16xi32>
    %add3A_1782 = arith.addi %iota3A, %add3A_1781 : vector<16xi32>
    %gather3A_1783 = arith.constant 10 : i32
    %gather3A_1784 = arith.constant 0 : i32
    %gather3A_1785 = arith.constant 0 : i32
    %gather3A_1786 = tpu.memref_slice %arg10[%gather3A_1783, %gather3A_1784, %gather3A_1785] : memref<11x64x128xf32, #tpu.memory_space<vmem>> -> memref<1x64x128xf32, #tpu.memory_space<vmem>>
    %gather3A_1787 = tpu.memref_squeeze %gather3A_1786 : memref<1x64x128xf32, #tpu.memory_space<vmem>> -> memref<64x128xf32, #tpu.memory_space<vmem>>
    %gather3A_1788 = tpu.vector_load_idx %gather3A_1787[%add3A_1782, %broadcast_in_dim3A_1768] : memref<64x128xf32, #tpu.memory_space<vmem>>[vector<16xi32>, vector<16xi32>], vector<16xf32>,
    tpu.vector_store_idx %arg11[%add3A_1782, %broadcast_in_dim3A_1770], %gather3A_1788 : memref<64x512xf32, #tpu.memory_space<vmem>>[vector<16xi32>, vector<16xi32>], vector<16xf32>,
    %add3A_1789 = arith.constant 32 : i32
    %add3A_1790 = vector.broadcast %add3A_1789 : i32 to vector<16xi32>
    %add3A_1791 = arith.addi %iota3A, %add3A_1790 : vector<16xi32>
    %gather3A_1792 = arith.constant 10 : i32
    %gather3A_1793 = arith.constant 0 : i32
    %gather3A_1794 = arith.constant 0 : i32
    %gather3A_1795 = tpu.memref_slice %arg10[%gather3A_1792, %gather3A_1793, %gather3A_1794] : memref<11x64x128xf32, #tpu.memory_space<vmem>> -> memref<1x64x128xf32, #tpu.memory_space<vmem>>
    %gather3A_1796 = tpu.memref_squeeze %gather3A_1795 : memref<1x64x128xf32, #tpu.memory_space<vmem>> -> memref<64x128xf32, #tpu.memory_space<vmem>>
    %gather3A_1797 = tpu.vector_load_idx %gather3A_1796[%add3A_1791, %broadcast_in_dim3A_1768] : memref<64x128xf32, #tpu.memory_space<vmem>>[vector<16xi32>, vector<16xi32>], vector<16xf32>,
    tpu.vector_store_idx %arg11[%add3A_1791, %broadcast_in_dim3A_1770], %gather3A_1797 : memref<64x512xf32, #tpu.memory_space<vmem>>[vector<16xi32>, vector<16xi32>], vector<16xf32>,
    %add3A_1798 = arith.constant 48 : i32
    %add3A_1799 = vector.broadcast %add3A_1798 : i32 to vector<16xi32>
    %add3A_1800 = arith.addi %iota3A, %add3A_1799 : vector<16xi32>
    %gather3A_1801 = arith.constant 10 : i32
    %gather3A_1802 = arith.constant 0 : i32
    %gather3A_1803 = arith.constant 0 : i32
    %gather3A_1804 = tpu.memref_slice %arg10[%gather3A_1801, %gather3A_1802, %gather3A_1803] : memref<11x64x128xf32, #tpu.memory_space<vmem>> -> memref<1x64x128xf32, #tpu.memory_space<vmem>>
    %gather3A_1805 = tpu.memref_squeeze %gather3A_1804 : memref<1x64x128xf32, #tpu.memory_space<vmem>> -> memref<64x128xf32, #tpu.memory_space<vmem>>
    %gather3A_1806 = tpu.vector_load_idx %gather3A_1805[%add3A_1800, %broadcast_in_dim3A_1768] : memref<64x128xf32, #tpu.memory_space<vmem>>[vector<16xi32>, vector<16xi32>], vector<16xf32>,
    tpu.vector_store_idx %arg11[%add3A_1800, %broadcast_in_dim3A_1770], %gather3A_1806 : memref<64x512xf32, #tpu.memory_space<vmem>>[vector<16xi32>, vector<16xi32>], vector<16xf32>,
    "tpu.region"() ({
      %run_scoped3A = tpu.sem_alloc : memref<!tpu.dma_semaphore, #tpu.memory_space<semaphore_mem>>
      %dma_start3A_1807 = arith.constant 0 : i32
      %dma_start3A_1808 = tpu.memref_slice %arg7[%dma_start3A_1807, %mul3A_2] : memref<64x16384xf32, #tpu.memory_space<hbm>> -> memref<64x512xf32, #tpu.memory_space<hbm>>
      %dma_start3A_1809 = arith.constant 0 : i32
      %dma_start3A_1810 = tpu.memref_slice %arg7[%dma_start3A_1809, %mul3A_2] : memref<64x16384xf32, #tpu.memory_space<hbm>> -> memref<64x512xf32, #tpu.memory_space<hbm>>
      tpu.enqueue_dma source(%arg11 : memref<64x512xf32, #tpu.memory_space<vmem>>) target(%dma_start3A_1810 : memref<64x512xf32, #tpu.memory_space<hbm>>) target_semaphore(%run_scoped3A : memref<!tpu.dma_semaphore, #tpu.memory_space<semaphore_mem>>)
      %dma_wait3A_1811 = arith.constant 0 : i32
      %dma_wait3A_1812 = tpu.memref_slice %arg7[%dma_wait3A_1811, %mul3A_2] : memref<64x16384xf32, #tpu.memory_space<hbm>> -> memref<64x512xf32, #tpu.memory_space<hbm>>
      %dma_wait3A_1813 = arith.constant 0 : i32
      %dma_wait3A_1814 = tpu.memref_slice %arg7[%dma_wait3A_1813, %mul3A_2] : memref<64x16384xf32, #tpu.memory_space<hbm>> -> memref<64x512xf32, #tpu.memory_space<hbm>>
      tpu.wait_dma2 semaphore(%run_scoped3A : memref<!tpu.dma_semaphore, #tpu.memory_space<semaphore_mem>>) src(%arg11 : memref<64x512xf32, #tpu.memory_space<vmem>>) dst(%dma_wait3A_1814 : memref<64x512xf32, #tpu.memory_space<hbm>>)
      tpu.yield
    }) : () -> ()
    return
  }
}

</mosaic_0001>

<sc_bundles>
// kernel: kernel.3.cloned.1.call-start
scs
__scs_entry_jumppad:
0x0: {  	(pc) =	sbr.rel $0x88, $3  }
0x1: {  	(tag) =	ssettag $0x0;
	lr =	simm.s32 $0x1  }
0x2: {  	[smem:$0x3F9D] =	sst lr;
	_ =	strace $0xD0000000  }
0x3: {  	_ = 	snop  }
0x4: {  	_ = 	snop  }
0x5: {  	_ = 	snop  }
0x6: {  	_ = 	snop  }
0x7: {  	_ = 	snop  }
__scs_overlays_trampoline_lowered:
0x8: {  	[smem:$0x3FAC] =	sst s0  }
0x9: {  	[smem:$0x3FAD] =	sst s1  }
0xa: {  	[smem:$0x3FAE] =	sst s2  }
0xb: {  	[smem:$0x3FAF] =	sst s3  }
0xc: {  	[smem:$0x3FB0] =	sst s4  }
0xd: {  	[smem:$0x3FB1] =	sst s5  }
0xe: {  	[smem:$0x3FB2] =	sst s6  }
0xf: {  	[smem:$0x3FB3] =	sst s7  }
0x10: {  	[smem:$0x3FB4] =	sst s8  }
0x11: {  	[smem:$0x3FB5] =	sst s9;
	s0 =	simm.s32 @!p0 $0x0  }
0x12: {  	s1 =	sld [smem:$0x3F9B];
	s0 =	simm.s32 @p0 $0x1  }
0x13: {  	[smem:$0x3FB6] =	sst s0;
	s0 =	simm.s32 @!p1 $0x0  }
0x14: {  	s2 =	sld [smem:$0x3F9A];
	s0 =	simm.s32 @p1 $0x1  }
0x15: {  	[smem:$0x3FB7] =	sst s0;
	s0 =	simm.s32 @!p2 $0x0  }
0x16: {  	s3 =	sld [smem:$0x3FDB];
	s0 =	simm.s32 @p2 $0x1  }
0x17: {  	s4 =	simm.s32 $0x1BF5;
	[smem:$0x3FB9] =	sst s0  }
0x18: {  	s0 =	sld [smem:$0x3F9C];
	_ =	swait.ge [sflag:s4], $0x0  }
0x19: {  	s7 =	sld [smem:$0x3F9D]  }
0x1a: {  	s8 =	sadd.s32 $0xFFFFE003, lr  }
0x1b: {  	s9 =	sadd.s32 $0xFFFFFEF7, lr;
	s5 =	simm.s32 $0xFFFFFFFF;
	p2 =	slt.u32 s8, $0xFFFFF086  }
0x1c: {  	p1 =	slt.u32 s9, $0xF7A;
	s5 =	simm.s32 @!p2 $0x0  }
0x1d: {  	s5 =	simm.s32 @p1 $0x1;
	p0 =	seq.s32 s7, s2  }
0x1e: {  	s7 =	smul.u32 @!p0 $0xF7A, s2;
	p2 =	seq.s32 @!p0 s5, $0x0  }
0x1f: {  	s9 =	smul.u32 $0xF7A, s1;
	s8 =	simm.s32 @!p0 $0x1BF5;
	p2 =	por !p2, p0  }
0x20: {  	[sflag:s8] =	ssyncset.s32 @!p0 $0xFFFFF086;
	s6 =	sadd.s32 @!p0 s3, s7;
	s7 =	simm.s32 @!p0 $0x108  }
0x21: {  	s3 =	sadd.s32 s3, s9;
	s6 =	sadd.s32 @!p0 $0x88, s6;
	s7 =	simm.s32 @p2 $0x1082  }
0x22: {  	[simem:s7], [sflag:s8] =	dma.local @!p0 [hbm:s6], $0xF7A  }
0x23: {  	s9 =	sor.u32 $0xD0000000, s2;
	s6 =	simm.s32 $0x108;
	_ =	swait.ge @!p0 [sflag:s8], $0x0  }
0x24: {  	s3 =	sadd.s32 $0x88, s3;
	s6 =	simm.s32 @!p1 $0x1082;
	[sflag:s4] =	ssyncset.s32 $0xFFFFF086  }
0x25: {  	[simem:s6], [sflag:s4] =	dma.local [hbm:s3], $0xF7A  }
0x26: {  	[smem:$0x3F9D] =	sst s1;
	(tag) =	ssettag s2;
	_ =	strace s9  }
0x27: {  	s1 =	sld [smem:$0x3FAD]  }
0x28: {  	s2 =	sld [smem:$0x3FAE]  }
0x29: {  	s4 =	sld [smem:$0x3FB0]  }
0x2a: {  	p0 =	seq.s32 s5, $0x0;
	s5 =	sld [smem:$0x3FB1]  }
0x2b: {  	s6 =	sld [smem:$0x3FB2]  }
0x2c: {  	s7 =	sld [smem:$0x3FB3]  }
0x2d: {  	s3 =	simm.s32 $0x108;
	s8 =	sld [smem:$0x3FB4]  }
0x2e: {  	s3 =	simm.s32 @!p0 $0x1082;
	s9 =	sld [smem:$0x3FB5]  }
0x2f: {  	lr =	sadd.s32 s0, s3;
	s0 =	sld [smem:$0x3FAC]  }
0x30: {  	s3 =	sld [smem:$0x3FAF]  }
0x31: {  	[smem:$0x3FB8] =	sst s10  }
0x32: {  	s10 =	sld [smem:$0x3FB6];
	_ =	sdelay $0x3  }
0x33: {  	p0 =	seq.s32 s10, $0x1;
	s10 =	sld [smem:$0x3FB8];
	_ =	sdelay $0x3  }
0x34: {  	[smem:$0x3FB8] =	sst s10  }
0x35: {  	s10 =	sld [smem:$0x3FB7];
	_ =	sdelay $0x3  }
0x36: {  	p1 =	seq.s32 s10, $0x1;
	s10 =	sld [smem:$0x3FB8];
	_ =	sdelay $0x3  }
0x37: {  	[smem:$0x3FB8] =	sst s10  }
0x38: {  	s10 =	sld [smem:$0x3FB9]  }
0x39: {  	_ = 	snop;
	(pc) =	sbr.ind lr, $3  }
0x3a: {  	_ = 	snop  }
0x3b: {  	_ = 	snop  }
0x3c: {  	p2 =	seq.s32 s10, $0x1;
	s10 =	sld [smem:$0x3FB8]  }
0x3d: {  	_ =	shalt  }
0x3e: {  	_ =	shalt  }
0x3f: {  	_ =	shalt  }
0x40: {  	_ =	shalt  }
0x41: {  	_ =	shalt  }
0x42: {  	_ =	shalt  }
0x43: {  	_ =	shalt  }
0x44: {  	_ =	shalt  }
0x45: {  	_ =	shalt  }
0x46: {  	_ =	shalt  }
0x47: {  	_ =	shalt  }
0x48: {  	_ =	shalt  }
0x49: {  	_ =	shalt  }
0x4a: {  	_ =	shalt  }
0x4b: {  	_ =	shalt  }
0x4c: {  	_ =	shalt  }
0x4d: {  	_ =	shalt  }
0x4e: {  	_ =	shalt  }
0x4f: {  	_ =	shalt  }
0x50: {  	_ =	shalt  }
0x51: {  	_ =	shalt  }
0x52: {  	_ =	shalt  }
0x53: {  	_ =	shalt  }
0x54: {  	_ =	shalt  }
0x55: {  	_ =	shalt  }
0x56: {  	_ =	shalt  }
0x57: {  	_ =	shalt  }
0x58: {  	_ =	shalt  }
0x59: {  	_ =	shalt  }
0x5a: {  	_ =	shalt  }
0x5b: {  	_ =	shalt  }
0x5c: {  	_ =	shalt  }
0x5d: {  	_ =	shalt  }
0x5e: {  	_ =	shalt  }
0x5f: {  	_ =	shalt  }
0x60: {  	_ =	shalt  }
0x61: {  	_ =	shalt  }
0x62: {  	_ =	shalt  }
0x63: {  	_ =	shalt  }
0x64: {  	_ =	shalt  }
0x65: {  	_ =	shalt  }
0x66: {  	_ =	shalt  }
0x67: {  	_ =	shalt  }
0x68: {  	_ =	shalt  }
0x69: {  	_ =	shalt  }
0x6a: {  	_ =	shalt  }
0x6b: {  	_ =	shalt  }
0x6c: {  	_ =	shalt  }
0x6d: {  	_ =	shalt  }
0x6e: {  	_ =	shalt  }
0x6f: {  	_ =	shalt  }
0x70: {  	_ =	shalt  }
0x71: {  	_ =	shalt  }
0x72: {  	_ =	shalt  }
0x73: {  	_ =	shalt  }
0x74: {  	_ =	shalt  }
0x75: {  	_ =	shalt  }
0x76: {  	_ =	shalt  }
0x77: {  	_ =	shalt  }
0x78: {  	_ =	shalt  }
0x79: {  	_ =	shalt  }
0x7a: {  	_ =	shalt  }
0x7b: {  	_ =	shalt  }
0x7c: {  	_ =	shalt  }
0x7d: {  	_ =	shalt  }
0x7e: {  	_ =	shalt  }
0x7f: {  	_ =	shalt  }
0x80: {  	_ =	shalt  }
0x81: {  	_ =	shalt  }
0x82: {  	_ =	shalt  }
0x83: {  	_ =	shalt  }
0x84: {  	_ =	shalt  }
0x85: {  	_ =	shalt  }
0x86: {  	_ =	shalt  }
0x87: {  	_ =	shalt  }
.Lfunc_end0:
.L_simem_size_0:
called_computation_lowered:
.L_overlay_start_0:
0x88: {  	s2 =	sld [smem:$0x3FD9]  }
0x89: {  	s3 =	sld [smem:$0x3FFE];
	_ =	sdelay $0x1  }
0x8a: {  	s1 =	srdreg.scid  }
0x8b: {  	s0 =	sand.u32 $0x1, s1  }
0x8c: {  	s15 =	sshll.u32 s0, $0xA;
	s2 =	sadd.s32 s3, s2  }
0x8d: {  	s2 =	sadd.s32 s2, s15  }
0x8e: {  	[smem:$0x3FC4] =	sst s2  }
0x8f: {  	_ = 	snop  }
0x90: {  	s2 =	sld [smem:$0x3FC9]  }
0x91: {  	s16 =	sld [smem:$0x3FD0]  }
0x92: {  	s4 =	sld [smem:$0x3FC8]  }
0x93: {  	s5 =	sld [smem:$0x3FC7]  }
0x94: {  	s7 =	simm.s32 $0xA;
	s8 =	simm.s32 $0x10;
	s6 =	sld [smem:$0x3FC6]  }
0x95: {  	[smem:s8], [sflag:s7] =	dma.local [hbm:s16], $0x1  }
0x96: {  	_ =	swait.eq [sflag:s7], $0x1  }
0x97: {  	[sflag:s7] =	ssyncset.done $0x0  }
0x98: {  	s17 =	sld [smem:$0x10];
	[sflag:s7] =	ssyncadd.s32 $0xFFFFFFFF  }
0x99: {  	s18 =	sld [smem:$0x11];
	(tm) =	ssettm $0x1  }
0x9a: {  	s19 =	sld [smem:$0x3FFB];
	_ =	sdelay $0x3  }
0x9b: {  	_ =	strace s19  }
0x9c: {  	s8 =	sld [smem:$0x3FFC];
	_ =	sdelay $0x3  }
0x9d: {  	_ =	strace s8  }
0x9e: {  	s8 =	sld [smem:$0x3FFD];
	_ =	sdelay $0x3  }
0x9f: {  	_ =	strace s8  }
0xa0: {  	_ =	strace $0x8FFFFFFF  }
0xa1: {  	s20 =	sld [smem:$0x3FDB];
	_ =	sdelay $0x1  }
0xa2: {  	s9 =	simm.s32 $_scs_section_size  }
0xa3: {  	s10 =	simm.s32 $_size__tile_overlayer_lowered;
	s11 =	simm.s32 $_tile_overlayer_lowered  }
0xa4: {  	s23 =	simm.s32 $0x1BFF;
	s22 =	sshll.u32 s11, $0x1;
	s8 =	sadd.s32 s9, s20  }
0xa5: {  	s12 =	simm.s32 $0x0;
	s21 =	sshll.u32 s10, $0x1;
	s10 =	sadd.s32 s22, s8  }
0xa6: {  	[timem:s12], [sflag:s23] =	dma.local [hbm:s10], s21  }
0xa7: {  	_ =	swait.ge [sflag:s23], s21  }
0xa8: {  	s9 =	ssub.s32 $0x0, s21;
	[sflag:s23] =	ssyncset.done $0x0  }
0xa9: {  	[sflag:s23] =	ssyncadd.s32 s9;
	_ =	sdelay $0x1  }
0xaa: {  	s24 =	simm.s32 $0x1B8B  }
0xab: {  	_ =	swait.ge [sflag:s24], $0x1  }
0xac: {  	[sflag:s24] =	ssyncset.done $0x0  }
0xad: {  	s25 =	simm.s32 $0x1B8E;
	[sflag:s24] =	ssyncadd.s32 $0xFFFFFFFF  }
0xae: {  	s26 =	simm.s32 $execute0_lowered;
	[smem:$0x3FD2] =	sst s25  }
0xaf: {  	s9 =	sshll.u32 s26, $0x1;
	_ =	strace $0x80000046;
	[dreg:$0x1] =	wrdreg $0xFFFFFFFF  }
0xb0: {  	s28 =	simm.s32 $_size_execute0_lowered;
	s8 =	sadd.s32 s8, s9;
	[dreg:$0x0] =	wrdreg $0x0  }
0xb1: {  	s9 =	sshll.u32 s28, $0x1;
	[dreg:$0x2] =	wrdreg s8  }
0xb2: {  	[dreg:$0x3] =	wrdreg s9  }
0xb3: {  	[dreg:$0x4] =	wrdreg $0xC0  }
0xb4: {  	_ =	task [dreg:s12], $0x5FFFF  }
0xb5: {  	[dreg:$0x1] =	wrdreg $0xFFFFFFFF  }
0xb6: {  	[dreg:$0x0] =	wrdreg $0x60  }
0xb7: {  	[dreg:$0x2] =	wrdreg s2  }
0xb8: {  	[dreg:$0x3] =	wrdreg s4  }
0xb9: {  	[dreg:$0x4] =	wrdreg s5  }
0xba: {  	[dreg:$0x5] =	wrdreg s6  }
0xbb: {  	[dreg:$0x6] =	wrdreg s17  }
0xbc: {  	[dreg:$0x7] =	wrdreg s18  }
0xbd: {  	[dreg:$0x8] =	wrdreg $0x9  }
0xbe: {  	_ =	task.clear_ibuf [dreg:s12], $0x9FFFF;
	_ =	strace $0x90000046  }
0xbf: {  	s29 =	simm.s32 $0x9;
	_ =	strace $0x80000048  }
0xc0: {  	_ =	swait.ge [sflag:s29], $0x1  }
0xc1: {  	[sflag:s29] =	ssyncadd.s32 $0xFFFFFFFF  }
0xc2: {  	_ =	strace $0x90000048  }
0xc3: {  	_ =	sfence  }
0xc4: {  	s30 =	sld [smem:$0x0];
	_ =	sdelay $0x2  }
0xc5: {  	s31 =	sshll.u32 s1, $0xD;
	s1 =	sshrl.u32 s1, $0x2  }
0xc6: {  	s3 =	sand.u32 $0x4000, s31;
	s1 =	sadd.s32 s1, s30  }
0xc7: {  	s0 =	sor.u32 s3, s0;
	s1 =	sshll.u32 s1, $0x11  }
0xc8: {  	s0 =	sor.u32 s1, s0  }
0xc9: {  	s0 =	sadd.s32 $0x8F2B, s0  }
0xca: {  	[sflag:s0] =	ssyncadd.remote.s32 $0x1  }
0xcb: {  	_ =	sfence.sel $0xFFFF  }
0xcc: {  	[dreg:$0x0] =	wrdreg $0xFFFFFFFF;
	(pc) =	sbr.abs _section_cstart, $3  }
0xcd: {  	[dreg:$0x1] =	wrdreg $0xFFFFFFFF  }
0xce: {  	_ =	task.clear_ibuf [dreg:s12], $0x2FFFF;
	_ =	strace $0x9FFFFFFF  }
0xcf: {  	(tm) =	ssettm $0x7FFFFFFF  }
tec
execute0_lowered:
.L_overlay_start_1:
0x0: {  	(tag) =	ssettag $0x1  }
0x1: {  	v0 =	vimm.s32 $0x1380;
	vm14 =	vcmask $0x300;
	vm13 =	vcmask $0x704  }
0x2: {  	vm12 =	vcmask $0xB08;
	vm11 =	vcmask $0xF0C;
	vm10 =	vcmask $0x1310  }
0x3: {  	vm9 =	vcmask $0x1714;
	vm8 =	vcmask $0x1B18;
	vm7 =	vcmask $0x1F1C  }
0x4: {  	vm6 =	vcmask $0x2320;
	vm5 =	vcmask $0x2724;
	vm4 =	vcmask $0x2B28  }
0x5: {  	vm3 =	vcmask $0x2F2C;
	v1 =	vlaneseq.u32;
	vm2 =	vcmask $0x3330  }
0x6: {  	vm1 =	vcmask $0x3734;
	vm0 =	vcmask $0x3B38;
	v3 =	vimm.s32 $0x3380  }
0x7: {  	v4 =	vimm.s32 $0x5380;
	v5 =	vimm.s32 $0x7380;
	v8 =	vimm.s32 $0x1FFA  }
0x8: {  	v9 =	vimm.s32 $0x3FFA;
	v10 =	vimm.s32 $0x5FFA;
	v11 =	vimm.s32 $0x7FFA  }
0x9: {  	v12 =	vimm.s32 $0x1FFB;
	v13 =	vimm.s32 $0x3FFB;
	v14 =	vimm.s32 $0x5FFB  }
0xa: {  	v15 =	vimm.s32 $0x7FFB;
	v16 =	vimm.s32 $0x1FFC;
	v17 =	vimm.s32 $0x3FFC  }
0xb: {  	v18 =	vimm.s32 $0x5FFC;
	v19 =	vimm.s32 $0x7FFC;
	v20 =	vimm.s32 $0x1FFD  }
0xc: {  	v21 =	vimm.s32 $0x3FFD;
	v22 =	vimm.s32 $0x5FFD;
	v23 =	vimm.s32 $0x7FFD  }
0xd: {  	v24 =	vimm.s32 $0x1FFE;
	v25 =	vimm.s32 $0x3FFE;
	v26 =	vimm.s32 $0x5FFE  }
0xe: {  	v27 =	vimm.s32 $0x7FFE;
	v28 =	vimm.s32 $0x1FFF;
	v29 =	vimm.s32 $0x3FFF  }
0xf: {  	v30 =	vimm.s32 $0x5FFF;
	v31 =	vimm.s32 $0x7FFF;
	v0 =	vsel vm14, $0x0, v0  }
0x10: {  	v3 =	vsel vm14, $0x2000, v3;
	v4 =	vsel vm14, $0x4000, v4;
	v5 =	vsel vm14, $0x6000, v5  }
0x11: {  	v8 =	vsel vm14, $0xC7A, v8;
	v9 =	vsel vm14, $0x2C7A, v9;
	v10 =	vsel vm14, $0x4C7A, v10  }
0x12: {  	v11 =	vsel vm14, $0x6C7A, v11;
	v12 =	vsel vm14, $0xC7B, v12;
	v13 =	vsel vm14, $0x2C7B, v13  }
0x13: {  	v14 =	vsel vm14, $0x4C7B, v14;
	v15 =	vsel vm14, $0x6C7B, v15;
	v16 =	vsel vm14, $0xC7C, v16  }
0x14: {  	v17 =	vsel vm14, $0x2C7C, v17;
	v18 =	vsel vm14, $0x4C7C, v18;
	v19 =	vsel vm14, $0x6C7C, v19  }
0x15: {  	v20 =	vsel vm14, $0xC7D, v20;
	v21 =	vsel vm14, $0x2C7D, v21;
	v22 =	vsel vm14, $0x4C7D, v22  }
0x16: {  	v23 =	vsel vm14, $0x6C7D, v23;
	v24 =	vsel vm14, $0xC7E, v24;
	v25 =	vsel vm14, $0x2C7E, v25  }
0x17: {  	v26 =	vsel vm14, $0x4C7E, v26;
	v27 =	vsel vm14, $0x6C7E, v27;
	v28 =	vsel vm14, $0xC7F, v28  }
0x18: {  	v29 =	vsel vm14, $0x2C7F, v29;
	v30 =	vsel vm14, $0x4C7F, v30;
	v31 =	vsel vm14, $0x6C7F, v31  }
0x19: {  	v0 =	vsel vm13, $0x80, v0;
	v3 =	vsel vm13, $0x2080, v3;
	v4 =	vsel vm13, $0x4080, v4  }
0x1a: {  	v5 =	vsel vm13, $0x6080, v5;
	v8 =	vsel vm13, $0xCFA, v8;
	v9 =	vsel vm13, $0x2CFA, v9  }
0x1b: {  	v10 =	vsel vm13, $0x4CFA, v10;
	v11 =	vsel vm13, $0x6CFA, v11;
	v12 =	vsel vm13, $0xCFB, v12  }
0x1c: {  	v13 =	vsel vm13, $0x2CFB, v13;
	v14 =	vsel vm13, $0x4CFB, v14;
	v15 =	vsel vm13, $0x6CFB, v15  }
0x1d: {  	v16 =	vsel vm13, $0xCFC, v16;
	v17 =	vsel vm13, $0x2CFC, v17;
	v18 =	vsel vm13, $0x4CFC, v18  }
0x1e: {  	v19 =	vsel vm13, $0x6CFC, v19;
	v20 =	vsel vm13, $0xCFD, v20;
	v21 =	vsel vm13, $0x2CFD, v21  }
0x1f: {  	v22 =	vsel vm13, $0x4CFD, v22;
	v23 =	vsel vm13, $0x6CFD, v23;
	v24 =	vsel vm13, $0xCFE, v24  }
0x20: {  	v25 =	vsel vm13, $0x2CFE, v25;
	v26 =	vsel vm13, $0x4CFE, v26;
	v27 =	vsel vm13, $0x6CFE, v27  }
0x21: {  	v28 =	vsel vm13, $0xCFF, v28;
	v29 =	vsel vm13, $0x2CFF, v29;
	v30 =	vsel vm13, $0x4CFF, v30  }
0x22: {  	v31 =	vsel vm13, $0x6CFF, v31;
	v0 =	vsel vm12, $0x100, v0;
	v3 =	vsel vm12, $0x2100, v3  }
0x23: {  	v4 =	vsel vm12, $0x4100, v4;
	v5 =	vsel vm12, $0x6100, v5;
	v8 =	vsel vm12, $0xD7A, v8  }
0x24: {  	v9 =	vsel vm12, $0x2D7A, v9;
	v10 =	vsel vm12, $0x4D7A, v10;
	v11 =	vsel vm12, $0x6D7A, v11  }
0x25: {  	v12 =	vsel vm12, $0xD7B, v12;
	v13 =	vsel vm12, $0x2D7B, v13;
	v14 =	vsel vm12, $0x4D7B, v14  }
0x26: {  	v15 =	vsel vm12, $0x6D7B, v15;
	v16 =	vsel vm12, $0xD7C, v16;
	v17 =	vsel vm12, $0x2D7C, v17  }
0x27: {  	v18 =	vsel vm12, $0x4D7C, v18;
	v19 =	vsel vm12, $0x6D7C, v19;
	v20 =	vsel vm12, $0xD7D, v20  }
0x28: {  	v21 =	vsel vm12, $0x2D7D, v21;
	v22 =	vsel vm12, $0x4D7D, v22;
	v23 =	vsel vm12, $0x6D7D, v23  }
0x29: {  	v24 =	vsel vm12, $0xD7E, v24;
	v25 =	vsel vm12, $0x2D7E, v25;
	v26 =	vsel vm12, $0x4D7E, v26  }
0x2a: {  	v27 =	vsel vm12, $0x6D7E, v27;
	v28 =	vsel vm12, $0xD7F, v28;
	v29 =	vsel vm12, $0x2D7F, v29  }
0x2b: {  	v30 =	vsel vm12, $0x4D7F, v30;
	v31 =	vsel vm12, $0x6D7F, v31;
	v0 =	vsel vm11, $0x180, v0  }
0x2c: {  	v3 =	vsel vm11, $0x2180, v3;
	v4 =	vsel vm11, $0x4180, v4;
	v5 =	vsel vm11, $0x6180, v5  }
0x2d: {  	v8 =	vsel vm11, $0xDFA, v8;
	v9 =	vsel vm11, $0x2DFA, v9;
	v10 =	vsel vm11, $0x4DFA, v10  }
0x2e: {  	v11 =	vsel vm11, $0x6DFA, v11;
	v12 =	vsel vm11, $0xDFB, v12;
	v13 =	vsel vm11, $0x2DFB, v13  }
0x2f: {  	v14 =	vsel vm11, $0x4DFB, v14;
	v15 =	vsel vm11, $0x6DFB, v15;
	v16 =	vsel vm11, $0xDFC, v16  }
0x30: {  	v17 =	vsel vm11, $0x2DFC, v17;
	v18 =	vsel vm11, $0x4DFC, v18;
	v19 =	vsel vm11, $0x6DFC, v19  }
0x31: {  	v20 =	vsel vm11, $0xDFD, v20;
	v21 =	vsel vm11, $0x2DFD, v21;
	v22 =	vsel vm11, $0x4DFD, v22  }
0x32: {  	v23 =	vsel vm11, $0x6DFD, v23;
	v24 =	vsel vm11, $0xDFE, v24;
	v25 =	vsel vm11, $0x2DFE, v25  }
0x33: {  	v26 =	vsel vm11, $0x4DFE, v26;
	v27 =	vsel vm11, $0x6DFE, v27;
	v28 =	vsel vm11, $0xDFF, v28  }
0x34: {  	v29 =	vsel vm11, $0x2DFF, v29;
	v30 =	vsel vm11, $0x4DFF, v30;
	v31 =	vsel vm11, $0x6DFF, v31  }
0x35: {  	v0 =	vsel vm10, $0x200, v0;
	v3 =	vsel vm10, $0x2200, v3;
	v4 =	vsel vm10, $0x4200, v4  }
0x36: {  	v5 =	vsel vm10, $0x6200, v5;
	v8 =	vsel vm10, $0xE7A, v8;
	v9 =	vsel vm10, $0x2E7A, v9  }
0x37: {  	v10 =	vsel vm10, $0x4E7A, v10;
	v11 =	vsel vm10, $0x6E7A, v11;
	v12 =	vsel vm10, $0xE7B, v12  }
0x38: {  	v13 =	vsel vm10, $0x2E7B, v13;
	v14 =	vsel vm10, $0x4E7B, v14;
	v15 =	vsel vm10, $0x6E7B, v15  }
0x39: {  	v16 =	vsel vm10, $0xE7C, v16;
	v17 =	vsel vm10, $0x2E7C, v17;
	v18 =	vsel vm10, $0x4E7C, v18  }
0x3a: {  	v19 =	vsel vm10, $0x6E7C, v19;
	v20 =	vsel vm10, $0xE7D, v20;
	v21 =	vsel vm10, $0x2E7D, v21  }
0x3b: {  	v22 =	vsel vm10, $0x4E7D, v22;
	v23 =	vsel vm10, $0x6E7D, v23;
	v24 =	vsel vm10, $0xE7E, v24  }
0x3c: {  	v25 =	vsel vm10, $0x2E7E, v25;
	v26 =	vsel vm10, $0x4E7E, v26;
	v27 =	vsel vm10, $0x6E7E, v27  }
0x3d: {  	v28 =	vsel vm10, $0xE7F, v28;
	v29 =	vsel vm10, $0x2E7F, v29;
	v30 =	vsel vm10, $0x4E7F, v30  }
0x3e: {  	v31 =	vsel vm10, $0x6E7F, v31;
	v0 =	vsel vm9, $0x280, v0;
	v3 =	vsel vm9, $0x2280, v3  }
0x3f: {  	v4 =	vsel vm9, $0x4280, v4;
	v5 =	vsel vm9, $0x6280, v5;
	v8 =	vsel vm9, $0xEFA, v8  }
0x40: {  	v9 =	vsel vm9, $0x2EFA, v9;
	v10 =	vsel vm9, $0x4EFA, v10;
	v11 =	vsel vm9, $0x6EFA, v11  }
0x41: {  	v12 =	vsel vm9, $0xEFB, v12;
	v13 =	vsel vm9, $0x2EFB, v13;
	v14 =	vsel vm9, $0x4EFB, v14  }
0x42: {  	v15 =	vsel vm9, $0x6EFB, v15;
	v16 =	vsel vm9, $0xEFC, v16;
	v17 =	vsel vm9, $0x2EFC, v17  }
0x43: {  	v18 =	vsel vm9, $0x4EFC, v18;
	v19 =	vsel vm9, $0x6EFC, v19;
	v20 =	vsel vm9, $0xEFD, v20  }
0x44: {  	v21 =	vsel vm9, $0x2EFD, v21;
	v22 =	vsel vm9, $0x4EFD, v22;
	v23 =	vsel vm9, $0x6EFD, v23  }
0x45: {  	v24 =	vsel vm9, $0xEFE, v24;
	v25 =	vsel vm9, $0x2EFE, v25;
	v26 =	vsel vm9, $0x4EFE, v26  }
0x46: {  	v27 =	vsel vm9, $0x6EFE, v27;
	v28 =	vsel vm9, $0xEFF, v28;
	v29 =	vsel vm9, $0x2EFF, v29  }
0x47: {  	v30 =	vsel vm9, $0x4EFF, v30;
	v31 =	vsel vm9, $0x6EFF, v31;
	v0 =	vsel vm8, $0x300, v0  }
0x48: {  	v3 =	vsel vm8, $0x2300, v3;
	v4 =	vsel vm8, $0x4300, v4;
	v5 =	vsel vm8, $0x6300, v5  }
0x49: {  	v8 =	vsel vm8, $0xF7A, v8;
	v9 =	vsel vm8, $0x2F7A, v9;
	v10 =	vsel vm8, $0x4F7A, v10  }
0x4a: {  	v11 =	vsel vm8, $0x6F7A, v11;
	v12 =	vsel vm8, $0xF7B, v12;
	v13 =	vsel vm8, $0x2F7B, v13  }
0x4b: {  	v14 =	vsel vm8, $0x4F7B, v14;
	v15 =	vsel vm8, $0x6F7B, v15;
	v16 =	vsel vm8, $0xF7C, v16  }
0x4c: {  	v17 =	vsel vm8, $0x2F7C, v17;
	v18 =	vsel vm8, $0x4F7C, v18;
	v19 =	vsel vm8, $0x6F7C, v19  }
0x4d: {  	v20 =	vsel vm8, $0xF7D, v20;
	v21 =	vsel vm8, $0x2F7D, v21;
	v22 =	vsel vm8, $0x4F7D, v22  }
0x4e: {  	v23 =	vsel vm8, $0x6F7D, v23;
	v24 =	vsel vm8, $0xF7E, v24;
	v25 =	vsel vm8, $0x2F7E, v25  }
0x4f: {  	v26 =	vsel vm8, $0x4F7E, v26;
	v27 =	vsel vm8, $0x6F7E, v27;
	v28 =	vsel vm8, $0xF7F, v28  }
0x50: {  	v29 =	vsel vm8, $0x2F7F, v29;
	v30 =	vsel vm8, $0x4F7F, v30;
	v31 =	vsel vm8, $0x6F7F, v31  }
0x51: {  	v0 =	vsel vm7, $0x380, v0;
	v3 =	vsel vm7, $0x2380, v3;
	v4 =	vsel vm7, $0x4380, v4  }
0x52: {  	v5 =	vsel vm7, $0x6380, v5;
	v8 =	vsel vm7, $0xFFA, v8;
	v9 =	vsel vm7, $0x2FFA, v9  }
0x53: {  	v10 =	vsel vm7, $0x4FFA, v10;
	v11 =	vsel vm7, $0x6FFA, v11;
	v12 =	vsel vm7, $0xFFB, v12  }
0x54: {  	v13 =	vsel vm7, $0x2FFB, v13;
	v14 =	vsel vm7, $0x4FFB, v14;
	v15 =	vsel vm7, $0x6FFB, v15  }
0x55: {  	v16 =	vsel vm7, $0xFFC, v16;
	v17 =	vsel vm7, $0x2FFC, v17;
	v18 =	vsel vm7, $0x4FFC, v18  }
0x56: {  	v19 =	vsel vm7, $0x6FFC, v19;
	v20 =	vsel vm7, $0xFFD, v20;
	v21 =	vsel vm7, $0x2FFD, v21  }
0x57: {  	v22 =	vsel vm7, $0x4FFD, v22;
	v23 =	vsel vm7, $0x6FFD, v23;
	v24 =	vsel vm7, $0xFFE, v24  }
0x58: {  	v25 =	vsel vm7, $0x2FFE, v25;
	v26 =	vsel vm7, $0x4FFE, v26;
	v27 =	vsel vm7, $0x6FFE, v27  }
0x59: {  	v28 =	vsel vm7, $0xFFF, v28;
	v29 =	vsel vm7, $0x2FFF, v29;
	v30 =	vsel vm7, $0x4FFF, v30  }
0x5a: {  	v31 =	vsel vm7, $0x6FFF, v31;
	v0 =	vsel vm6, $0x1000, v0;
	v3 =	vsel vm6, $0x3000, v3  }
0x5b: {  	v4 =	vsel vm6, $0x5000, v4;
	v5 =	vsel vm6, $0x7000, v5;
	v8 =	vsel vm6, $0x1C7A, v8  }
0x5c: {  	v9 =	vsel vm6, $0x3C7A, v9;
	v10 =	vsel vm6, $0x5C7A, v10;
	v11 =	vsel vm6, $0x7C7A, v11  }
0x5d: {  	v12 =	vsel vm6, $0x1C7B, v12;
	v13 =	vsel vm6, $0x3C7B, v13;
	v14 =	vsel vm6, $0x5C7B, v14  }
0x5e: {  	v15 =	vsel vm6, $0x7C7B, v15;
	v16 =	vsel vm6, $0x1C7C, v16;
	v17 =	vsel vm6, $0x3C7C, v17  }
0x5f: {  	v18 =	vsel vm6, $0x5C7C, v18;
	v19 =	vsel vm6, $0x7C7C, v19;
	v20 =	vsel vm6, $0x1C7D, v20  }
0x60: {  	v21 =	vsel vm6, $0x3C7D, v21;
	v22 =	vsel vm6, $0x5C7D, v22;
	v23 =	vsel vm6, $0x7C7D, v23  }
0x61: {  	v24 =	vsel vm6, $0x1C7E, v24;
	v25 =	vsel vm6, $0x3C7E, v25;
	v26 =	vsel vm6, $0x5C7E, v26  }
0x62: {  	v27 =	vsel vm6, $0x7C7E, v27;
	v28 =	vsel vm6, $0x1C7F, v28;
	v29 =	vsel vm6, $0x3C7F, v29  }
0x63: {  	v30 =	vsel vm6, $0x5C7F, v30;
	v31 =	vsel vm6, $0x7C7F, v31;
	v0 =	vsel vm5, $0x1080, v0  }
0x64: {  	v3 =	vsel vm5, $0x3080, v3;
	v4 =	vsel vm5, $0x5080, v4;
	v5 =	vsel vm5, $0x7080, v5  }
0x65: {  	v8 =	vsel vm5, $0x1CFA, v8;
	v9 =	vsel vm5, $0x3CFA, v9;
	v10 =	vsel vm5, $0x5CFA, v10  }
0x66: {  	v11 =	vsel vm5, $0x7CFA, v11;
	v12 =	vsel vm5, $0x1CFB, v12;
	v13 =	vsel vm5, $0x3CFB, v13  }
0x67: {  	v14 =	vsel vm5, $0x5CFB, v14;
	v15 =	vsel vm5, $0x7CFB, v15;
	v16 =	vsel vm5, $0x1CFC, v16  }
0x68: {  	v17 =	vsel vm5, $0x3CFC, v17;
	v18 =	vsel vm5, $0x5CFC, v18;
	v19 =	vsel vm5, $0x7CFC, v19  }
0x69: {  	v20 =	vsel vm5, $0x1CFD, v20;
	v21 =	vsel vm5, $0x3CFD, v21;
	v22 =	vsel vm5, $0x5CFD, v22  }
0x6a: {  	v23 =	vsel vm5, $0x7CFD, v23;
	v24 =	vsel vm5, $0x1CFE, v24;
	v25 =	vsel vm5, $0x3CFE, v25  }
0x6b: {  	v26 =	vsel vm5, $0x5CFE, v26;
	v27 =	vsel vm5, $0x7CFE, v27;
	v28 =	vsel vm5, $0x1CFF, v28  }
0x6c: {  	v29 =	vsel vm5, $0x3CFF, v29;
	v30 =	vsel vm5, $0x5CFF, v30;
	v31 =	vsel vm5, $0x7CFF, v31  }
0x6d: {  	v0 =	vsel vm4, $0x1100, v0;
	v3 =	vsel vm4, $0x3100, v3;
	v4 =	vsel vm4, $0x5100, v4  }
0x6e: {  	v5 =	vsel vm4, $0x7100, v5;
	v8 =	vsel vm4, $0x1D7A, v8;
	v9 =	vsel vm4, $0x3D7A, v9  }
0x6f: {  	v10 =	vsel vm4, $0x5D7A, v10;
	v11 =	vsel vm4, $0x7D7A, v11;
	v12 =	vsel vm4, $0x1D7B, v12  }
0x70: {  	v13 =	vsel vm4, $0x3D7B, v13;
	v14 =	vsel vm4, $0x5D7B, v14;
	v15 =	vsel vm4, $0x7D7B, v15  }
0x71: {  	v16 =	vsel vm4, $0x1D7C, v16;
	v17 =	vsel vm4, $0x3D7C, v17;
	v18 =	vsel vm4, $0x5D7C, v18  }
0x72: {  	v19 =	vsel vm4, $0x7D7C, v19;
	v20 =	vsel vm4, $0x1D7D, v20;
	v21 =	vsel vm4, $0x3D7D, v21  }
0x73: {  	v22 =	vsel vm4, $0x5D7D, v22;
	v23 =	vsel vm4, $0x7D7D, v23;
	v24 =	vsel vm4, $0x1D7E, v24  }
0x74: {  	v25 =	vsel vm4, $0x3D7E, v25;
	v26 =	vsel vm4, $0x5D7E, v26;
	v27 =	vsel vm4, $0x7D7E, v27  }
0x75: {  	v28 =	vsel vm4, $0x1D7F, v28;
	v29 =	vsel vm4, $0x3D7F, v29;
	v30 =	vsel vm4, $0x5D7F, v30  }
0x76: {  	v31 =	vsel vm4, $0x7D7F, v31;
	v2 =	vsel vm3, $0x1180, v0;
	v0 =	vmul.u32 $0x80, v1  }
0x77: {  	v3 =	vsel vm3, $0x3180, v3;
	v4 =	vsel vm3, $0x5180, v4;
	v5 =	vsel vm3, $0x7180, v5  }
0x78: {  	v8 =	vsel vm3, $0x1DFA, v8;
	v9 =	vsel vm3, $0x3DFA, v9;
	v10 =	vsel vm3, $0x5DFA, v10  }
0x79: {  	v11 =	vsel vm3, $0x7DFA, v11;
	v12 =	vsel vm3, $0x1DFB, v12;
	v13 =	vsel vm3, $0x3DFB, v13  }
0x7a: {  	v14 =	vsel vm3, $0x5DFB, v14;
	v15 =	vsel vm3, $0x7DFB, v15;
	v16 =	vsel vm3, $0x1DFC, v16  }
0x7b: {  	v17 =	vsel vm3, $0x3DFC, v17;
	v18 =	vsel vm3, $0x5DFC, v18;
	v19 =	vsel vm3, $0x7DFC, v19  }
0x7c: {  	v20 =	vsel vm3, $0x1DFD, v20;
	v21 =	vsel vm3, $0x3DFD, v21;
	v22 =	vsel vm3, $0x5DFD, v22  }
0x7d: {  	v23 =	vsel vm3, $0x7DFD, v23;
	v24 =	vsel vm3, $0x1DFE, v24;
	v25 =	vsel vm3, $0x3DFE, v25  }
0x7e: {  	v26 =	vsel vm3, $0x5DFE, v26;
	v27 =	vsel vm3, $0x7DFE, v27;
	v28 =	vsel vm3, $0x1DFF, v28  }
0x7f: {  	v29 =	vsel vm3, $0x3DFF, v29;
	v30 =	vsel vm3, $0x5DFF, v30;
	v31 =	vsel vm3, $0x7DFF, v31  }
0x80: {  	v1 =	vsel vm2, $0x1200, v2;
	v3 =	vsel vm2, $0x3200, v3;
	v6 =	vsel vm2, $0x5200, v4  }
0x81: {  	v5 =	vsel vm2, $0x7200, v5;
	v8 =	vsel vm2, $0x1E7A, v8;
	v9 =	vsel vm2, $0x3E7A, v9  }
0x82: {  	v10 =	vsel vm2, $0x5E7A, v10;
	v11 =	vsel vm2, $0x7E7A, v11;
	v12 =	vsel vm2, $0x1E7B, v12  }
0x83: {  	v13 =	vsel vm2, $0x3E7B, v13;
	v14 =	vsel vm2, $0x5E7B, v14;
	v15 =	vsel vm2, $0x7E7B, v15  }
0x84: {  	v16 =	vsel vm2, $0x1E7C, v16;
	v17 =	vsel vm2, $0x3E7C, v17;
	v18 =	vsel vm2, $0x5E7C, v18  }
0x85: {  	v19 =	vsel vm2, $0x7E7C, v19;
	v20 =	vsel vm2, $0x1E7D, v20;
	v21 =	vsel vm2, $0x3E7D, v21  }
0x86: {  	v22 =	vsel vm2, $0x5E7D, v22;
	v23 =	vsel vm2, $0x7E7D, v23;
	v24 =	vsel vm2, $0x1E7E, v24  }
0x87: {  	s2 =	rddreg [dreg:$0x0];
	v25 =	vsel vm2, $0x3E7E, v25;
	v26 =	vsel vm2, $0x5E7E, v26;
	v27 =	vsel vm2, $0x7E7E, v27  }
0x88: {  	s3 =	rddreg [dreg:$0x1];
	v28 =	vsel vm2, $0x1E7F, v28;
	v29 =	vsel vm2, $0x3E7F, v29;
	v30 =	vsel vm2, $0x5E7F, v30  }
0x89: {  	s0 =	rddreg [dreg:$0x2];
	v31 =	vsel vm2, $0x7E7F, v31;
	v1 =	vsel vm1, $0x1280, v1;
	v2 =	vor.u32 $0x800, v0  }
0x8a: {  	s1 =	rddreg [dreg:$0x3];
	v3 =	vsel vm1, $0x3280, v3;
	v4 =	vor.u32 $0x1000, v0;
	v6 =	vsel vm1, $0x5280, v6  }
0x8b: {  	s4 =	rddreg [dreg:$0x4];
	v7 =	vsel vm1, $0x7280, v5;
	v8 =	vsel vm1, $0x1EFA, v8;
	v9 =	vsel vm1, $0x3EFA, v9  }
0x8c: {  	s5 =	srdreg.scid;
	s6 =	rddreg [dreg:$0x5];
	v10 =	vsel vm1, $0x5EFA, v10;
	v11 =	vsel vm1, $0x7EFA, v11;
	v12 =	vsel vm1, $0x1EFB, v12  }
0x8d: {  	s7 =	stileid.u32;
	s9 =	simm.s32 $0x0;
	s11 =	simm.s32 $0x7A1400;
	v13 =	vsel vm1, $0x3EFB, v13;
	v14 =	vsel vm1, $0x5EFB, v14;
	v15 =	vsel vm1, $0x7EFB, v15  }
0x8e: {  	s13 =	simm.s32 $0x400;
	s14 =	simm.s32 $0x2400;
	s15 =	simm.s32 $0x4400;
	v16 =	vsel vm1, $0x1EFC, v16;
	v17 =	vsel vm1, $0x3EFC, v17;
	v18 =	vsel vm1, $0x5EFC, v18  }
0x8f: {  	s16 =	simm.s32 $0x6400;
	s17 =	simm.s32 $0x8400;
	s18 =	simm.s32 $0xA400;
	v19 =	vsel vm1, $0x7EFC, v19;
	v20 =	vsel vm1, $0x1EFD, v20;
	v21 =	vsel vm1, $0x3EFD, v21  }
0x90: {  	s19 =	simm.s32 $0xC400;
	s20 =	simm.s32 $0xE400;
	s28 =	simm.s32 $0x3;
	v22 =	vsel vm1, $0x5EFD, v22;
	v23 =	vsel vm1, $0x7EFD, v23;
	v24 =	vsel vm1, $0x1EFE, v24  }
0x91: {  	s29 =	simm.s32 $0x4;
	s30 =	simm.s32 $0x5;
	s31 =	simm.s32 $0x6;
	v25 =	vsel vm1, $0x3EFE, v25;
	v26 =	vsel vm1, $0x5EFE, v26;
	v27 =	vsel vm1, $0x7EFE, v27  }
0x92: {  	s12 =	simm.s32 $0x9;
	s5 =	sand.u32 $0x1, s5;
	s7 =	sshll.u32 s7, $0xA;
	v28 =	vsel vm1, $0x1EFF, v28;
	v29 =	vsel vm1, $0x3EFF, v29;
	v30 =	vsel vm1, $0x5EFF, v30  }
0x93: {  	[smem:$0x7FF] =	sst s9;
	s9 =	simm.s32 $0xC;
	s8 =	sshll.u32 s5, $0x9;
	v31 =	vsel vm1, $0x7EFF, v31;
	v1 =	vsel vm0, $0x1300, v1;
	v3 =	vsel vm0, $0x3300, v3  }
0x94: {  	s5 =	ssub.s32 $0x2, s5;
	_ =	strace $0x80000047;
	s7 =	sor.u32 s8, s7;
	v5 =	vsel vm0, $0x5300, v6;
	v6 =	vor.u32 $0x1800, v0;
	v7 =	vsel vm0, $0x7300, v7  }
0x95: {  	s21 =	sshrl.u32 s5, $0x1;
	s8 =	simm.s32 $0x0;
	s22 =	sshrl.u32 s7, $0x3;
	v8 =	vsel vm0, $0x1F7A, v8;
	v9 =	vsel vm0, $0x3F7A, v9;
	v10 =	vsel vm0, $0x5F7A, v10  }
0x96: {  	s5 =	ssub.s32 s5, s21;
	s24 =	sadd.s32 s4, s7;
	s25 =	sadd.s32 s6, s7;
	v11 =	vsel vm0, $0x7F7A, v11;
	v12 =	vsel vm0, $0x1F7B, v12;
	v13 =	vsel vm0, $0x3F7B, v13  }
0x97: {  	s21 =	simm.s32 $0x10400;
	s4 =	simm.s32 $0xA;
	[dreg:$0x9] =	wrdreg s24;
	v14 =	vsel vm0, $0x5F7B, v14;
	v15 =	vsel vm0, $0x7F7B, v15;
	v16 =	vsel vm0, $0x1F7C, v16  }
0x98: {  	s2 =	sadd.s32 s2, s22;
	s23 =	sadd.s32 s3, s22;
	[dreg:$0xa] =	wrdreg s25;
	v17 =	vsel vm0, $0x3F7C, v17;
	v18 =	vsel vm0, $0x5F7C, v18;
	v19 =	vsel vm0, $0x7F7C, v19  }
0x99: {  	s26 =	smax.u32 s5, $0x1;
	s22 =	simm.s32 $0x12400;
	[dreg:$0x7] =	wrdreg s2;
	v20 =	vsel vm0, $0x1F7D, v20;
	v21 =	vsel vm0, $0x3F7D, v21;
	v22 =	vsel vm0, $0x5F7D, v22  }
0x9a: {  	s24 =	simm.s32 $0x1;
	s25 =	simm.s32 $0x16400;
	[dreg:$0x8] =	wrdreg s23;
	v23 =	vsel vm0, $0x7F7D, v23;
	v24 =	vsel vm0, $0x1F7E, v24;
	v25 =	vsel vm0, $0x3F7E, v25  }
0x9b: {  	s3 =	simm.s32 $0x7;
	s5 =	simm.s32 $0xB;
	[dreg:$0xb] =	wrdreg s26;
	v26 =	vsel vm0, $0x5F7E, v26;
	v27 =	vsel vm0, $0x7F7E, v27;
	v28 =	vsel vm0, $0x1F7F, v28  }
0x9c: {  	s23 =	simm.s32 $0x14400;
	s26 =	simm.s32 $0x2;
	s2 =	simm.s32 $0x8;
	v29 =	vsel vm0, $0x3F7F, v29;
	v30 =	vsel vm0, $0x5F7F, v30;
	v31 =	vsel vm0, $0x7F7F, v31  }
.LBB2_1:
0x9d: {  	s6 =	simm.s32 $0x0;
	s7 =	rddreg [dreg:$0x7]  }
0x9e: {  	[tilespmem:s6], [sflag:$0xC] =	stream.linear.gather [hbm4b:s7+s6], $0x200, $0x38;
	[tilespmem:$0x1E400] =	vst v63  }
0x9f: {  	_ =	swait.ge [sflag:s9], $0x200  }
0xa0: {  	[sflag:s9] =	ssyncset.done $0x0  }
0xa1: {  	s10 =	simm.s32 $0x200;
	s7 =	rddreg [dreg:$0x8];
	[sflag:s9] =	ssyncadd.s32 $0xFFFFFE00  }
0xa2: {  	[tilespmem:s10], [sflag:$0xC] =	stream.linear.gather [hbm4b:s7+s6], $0x200, $0x38;
	[tilespmem:$0x1E400] =	vst v63  }
0xa3: {  	_ =	swait.ge [sflag:s9], $0x200  }
0xa4: {  	[sflag:s9] =	ssyncset.done $0x0  }
0xa5: {  	[sflag:s9] =	ssyncadd.s32 $0xFFFFFE00  }
0xa6: {  	v32 =	vld [tilespmem:$0x0];
	_ =	sdelay $0x4  }
0xa7: {  	(v2sf) =	vpush v32, $0x0;
	_ =	sdelay $0xe  }
0xa8: {  	s9 =	spop (v2sf)  }
0xa9: {  	s6 =	sand.u32 $0xFFFFF80, s9  }
0xaa: {  	s6 =	sadd.s32 s0, s6  }
0xab: {  	[tilespmem:s13], [sflag:$0x1] =	stream.strided.gather [hbm4b:s6+s13], $0x2000, s11, s13, $0x38;
	[tilespmem:$0x1E400] =	vst v63  }
0xac: {  	v54 =	vld [tilespmem:$0x0];
	_ =	sdelay $0x4  }
0xad: {  	(v2sf) =	vpush v54, $0x1;
	_ =	sdelay $0xe  }
0xae: {  	s10 =	spop (v2sf)  }
0xaf: {  	s6 =	sand.u32 $0xFFFFF80, s10  }
0xb0: {  	s6 =	sadd.s32 s0, s6  }
0xb1: {  	[tilespmem:s14], [sflag:$0x2] =	stream.strided.gather [hbm4b:s6+s13], $0x2000, s11, s13, $0x38;
	[tilespmem:$0x1E400] =	vst v63  }
0xb2: {  	v55 =	vld [tilespmem:$0x0];
	_ =	sdelay $0x4  }
0xb3: {  	(v2sf) =	vpush v55, $0x2;
	_ =	sdelay $0xe  }
0xb4: {  	s7 =	spop (v2sf)  }
0xb5: {  	s6 =	sand.u32 $0xFFFFF80, s7  }
0xb6: {  	s6 =	sadd.s32 s0, s6  }
0xb7: {  	[tilespmem:s15], [sflag:$0x3] =	stream.strided.gather [hbm4b:s6+s13], $0x2000, s11, s13, $0x38;
	[tilespmem:$0x1E400] =	vst v63  }
0xb8: {  	v56 =	vld [tilespmem:$0x0];
	_ =	sdelay $0x4  }
0xb9: {  	(v2sf) =	vpush v56, $0x3;
	_ =	sdelay $0xe  }
0xba: {  	s9 =	spop (v2sf)  }
0xbb: {  	s6 =	sand.u32 $0xFFFFF80, s9  }
0xbc: {  	s6 =	sadd.s32 s0, s6  }
0xbd: {  	[tilespmem:s16], [sflag:$0x4] =	stream.strided.gather [hbm4b:s6+s13], $0x2000, s11, s13, $0x38;
	[tilespmem:$0x1E400] =	vst v63  }
0xbe: {  	v57 =	vld [tilespmem:$0x0];
	_ =	sdelay $0x4  }
0xbf: {  	(v2sf) =	vpush v57, $0x4;
	_ =	sdelay $0xe  }
0xc0: {  	s10 =	spop (v2sf)  }
0xc1: {  	s6 =	sand.u32 $0xFFFFF80, s10  }
0xc2: {  	s6 =	sadd.s32 s0, s6  }
0xc3: {  	[tilespmem:s17], [sflag:$0x5] =	stream.strided.gather [hbm4b:s6+s13], $0x2000, s11, s13, $0x38;
	[tilespmem:$0x1E400] =	vst v63  }
0xc4: {  	v58 =	vld [tilespmem:$0x0];
	_ =	sdelay $0x4  }
0xc5: {  	(v2sf) =	vpush v58, $0x5;
	_ =	sdelay $0xe  }
0xc6: {  	s7 =	spop (v2sf)  }
0xc7: {  	s6 =	sand.u32 $0xFFFFF80, s7  }
0xc8: {  	s6 =	sadd.s32 s0, s6  }
0xc9: {  	[tilespmem:s18], [sflag:$0x6] =	stream.strided.gather [hbm4b:s6+s13], $0x2000, s11, s13, $0x38;
	[tilespmem:$0x1E400] =	vst v63  }
0xca: {  	v59 =	vld [tilespmem:$0x0];
	_ =	sdelay $0x4  }
0xcb: {  	(v2sf) =	vpush v59, $0x6;
	_ =	sdelay $0xe  }
0xcc: {  	s9 =	spop (v2sf)  }
0xcd: {  	s6 =	sand.u32 $0xFFFFF80, s9  }
0xce: {  	s6 =	sadd.s32 s0, s6  }
0xcf: {  	[tilespmem:s19], [sflag:$0x7] =	stream.strided.gather [hbm4b:s6+s13], $0x2000, s11, s13, $0x38;
	[tilespmem:$0x1E400] =	vst v63  }
0xd0: {  	v60 =	vld [tilespmem:$0x0];
	_ =	sdelay $0x4  }
0xd1: {  	(v2sf) =	vpush v60, $0x7;
	_ =	sdelay $0xe  }
0xd2: {  	s10 =	spop (v2sf)  }
0xd3: {  	s6 =	sand.u32 $0xFFFFF80, s10  }
0xd4: {  	s6 =	sadd.s32 s0, s6  }
0xd5: {  	[tilespmem:s20], [sflag:$0x8] =	stream.strided.gather [hbm4b:s6+s13], $0x2000, s11, s13, $0x38;
	[tilespmem:$0x1E400] =	vst v63  }
0xd6: {  	v61 =	vld [tilespmem:$0x0];
	_ =	sdelay $0x4  }
0xd7: {  	(v2sf) =	vpush v61, $0x8;
	_ =	sdelay $0xe  }
0xd8: {  	s7 =	spop (v2sf)  }
0xd9: {  	s6 =	sand.u32 $0xFFFFF80, s7  }
0xda: {  	s6 =	sadd.s32 s0, s6  }
0xdb: {  	[tilespmem:s21], [sflag:$0x9] =	stream.strided.gather [hbm4b:s6+s13], $0x2000, s11, s13, $0x38;
	[tilespmem:$0x1E400] =	vst v63  }
0xdc: {  	v62 =	vld [tilespmem:$0x0];
	_ =	sdelay $0x4  }
0xdd: {  	(v2sf) =	vpush v62, $0x9;
	_ =	sdelay $0xe  }
0xde: {  	s9 =	spop (v2sf)  }
0xdf: {  	s6 =	sand.u32 $0xFFFFF80, s9  }
0xe0: {  	s6 =	sadd.s32 s0, s6  }
0xe1: {  	[tilespmem:s22], [sflag:$0xA] =	stream.strided.gather [hbm4b:s6+s13], $0x2000, s11, s13, $0x38;
	[tilespmem:$0x1E400] =	vst v63  }
0xe2: {  	v63 =	vld [tilespmem:$0x0];
	_ =	sdelay $0x4  }
0xe3: {  	(v2sf) =	vpush v63, $0xA;
	_ =	sdelay $0xe  }
0xe4: {  	s10 =	spop (v2sf)  }
0xe5: {  	s6 =	sand.u32 $0xFFFFF80, s10  }
0xe6: {  	s6 =	sadd.s32 s0, s6  }
0xe7: {  	[tilespmem:s23], [sflag:$0xB] =	stream.strided.gather [hbm4b:s6+s13], $0x2000, s11, s13, $0x38;
	[tilespmem:$0x1E400] =	vst v63  }
0xe8: {  	s9 =	simm.s32 $0x8;
	s6 =	simm.s32 $0x0  }
.LBB2_2:
0xe9: {  	_ =	swait.ge [sflag:s24], $0x2000  }
0xea: {  	[sflag:s24] =	ssyncset.done $0x0  }
0xeb: {  	[sflag:s24] =	ssyncadd.s32 $0xFFFFE000  }
0xec: {  	v32 =	vld [tilespmem:s9+$0xFFFFFFF8];
	_ =	sdelay $0x4  }
0xed: {  	(v2sf) =	vpush v32, $0x0;
	_ =	sdelay $0xe  }
0xee: {  	s7 =	spop (v2sf)  }
0xef: {  	s7 =	sand.u32 $0x7F, s7  }
0xf0: {  	v53 =	vor.u32 s7, v0  }
0xf1: {  	v33 =	vmov s6  }
0xf2: {  	v34 =	vshll.u32 v33, $0x3  }
0xf3: {  	v33 =	vand.u32 $0x7F, v33;
	v34 =	vand.u32 $0xC00, v34  }
0xf4: {  	v33 =	vor.u32 v33, v34  }
0xf5: {  	v34 =	vor.u32 v1, v33;
	v32 =	vld.idx.msk [tilespmem:v53+s13+$0x0], $0xffff  }
0xf6: {  	v35 =	vor.u32 s7, v2;
	_ =	sdelay $0x3  }
0xf7: {  	[tilespmem:v34+s25+$0x0] =	vst.idx.msk $0xffff, v32  }
0xf8: {  	v54 =	vor.u32 v3, v33;
	v32 =	vld.idx.msk [tilespmem:v35+s13+$0x0], $0xffff  }
0xf9: {  	v55 =	vor.u32 s7, v4;
	_ =	sdelay $0x3  }
0xfa: {  	[tilespmem:v54+s25+$0x0] =	vst.idx.msk $0xffff, v32  }
0xfb: {  	v56 =	vor.u32 v5, v33;
	v32 =	vld.idx.msk [tilespmem:v55+s13+$0x0], $0xffff  }
0xfc: {  	v57 =	vor.u32 s7, v6;
	_ =	sdelay $0x3  }
0xfd: {  	[tilespmem:v56+s25+$0x0] =	vst.idx.msk $0xffff, v32  }
0xfe: {  	v33 =	vor.u32 v7, v33;
	v32 =	vld.idx.msk [tilespmem:v57+s13+$0x0], $0xffff;
	_ =	sdelay $0x4  }
0xff: {  	[tilespmem:v33+s25+$0x0] =	vst.idx.msk $0xffff, v32  }
0x100: {  	v32 =	vld [tilespmem:s9+$0x3];
	_ =	sdelay $0x4  }
0x101: {  	(v2sf) =	vpush v32, $0x0;
	_ =	sdelay $0xe  }
0x102: {  	s10 =	spop (v2sf)  }
0x103: {  	s7 =	sand.u32 $0xFFFFF80, s10  }
0x104: {  	s7 =	sadd.s32 s0, s7  }
0x105: {  	[tilespmem:s13], [sflag:$0x1] =	stream.strided.gather [hbm4b:s7+s13], $0x2000, s11, s13, $0x38;
	[tilespmem:$0x1E400] =	vst v63  }
0x106: {  	_ =	swait.ge [sflag:s26], $0x2000  }
0x107: {  	[sflag:s26] =	ssyncset.done $0x0  }
0x108: {  	[sflag:s26] =	ssyncadd.s32 $0xFFFFE000  }
0x109: {  	v58 =	vld [tilespmem:s9+$0xFFFFFFF9];
	_ =	sdelay $0x4  }
0x10a: {  	(v2sf) =	vpush v58, $0x0;
	_ =	sdelay $0xe  }
0x10b: {  	s10 =	spop (v2sf)  }
0x10c: {  	s7 =	sand.u32 $0x7F, s10  }
0x10d: {  	s10 =	sadd.s32 $0x1, s6;
	v59 =	vor.u32 s7, v0  }
0x10e: {  	v60 =	vmov s10  }
0x10f: {  	v61 =	vshll.u32 v60, $0x3  }
0x110: {  	v33 =	vand.u32 $0x7F, v60;
	v34 =	vand.u32 $0x1C00, v61  }
0x111: {  	v33 =	vor.u32 v33, v34  }
0x112: {  	v34 =	vadd.s32 v1, v33;
	v32 =	vld.idx.msk [tilespmem:v59+s14+$0x0], $0xffff  }
0x113: {  	v62 =	vor.u32 s7, v2;
	_ =	sdelay $0x3  }
0x114: {  	[tilespmem:v34+s25+$0x0] =	vst.idx.msk $0xffff, v32  }
0x115: {  	v63 =	vadd.s32 v3, v33;
	v32 =	vld.idx.msk [tilespmem:v62+s14+$0x0], $0xffff  }
0x116: {  	v36 =	vor.u32 s7, v4;
	_ =	sdelay $0x3  }
0x117: {  	[tilespmem:v63+s25+$0x0] =	vst.idx.msk $0xffff, v32  }
0x118: {  	v37 =	vadd.s32 v5, v33;
	v32 =	vld.idx.msk [tilespmem:v36+s14+$0x0], $0xffff  }
0x119: {  	v38 =	vor.u32 s7, v6;
	_ =	sdelay $0x3  }
0x11a: {  	[tilespmem:v37+s25+$0x0] =	vst.idx.msk $0xffff, v32  }
0x11b: {  	v33 =	vadd.s32 v7, v33;
	v32 =	vld.idx.msk [tilespmem:v38+s14+$0x0], $0xffff;
	_ =	sdelay $0x4  }
0x11c: {  	[tilespmem:v33+s25+$0x0] =	vst.idx.msk $0xffff, v32  }
0x11d: {  	v32 =	vld [tilespmem:s9+$0x4];
	_ =	sdelay $0x4  }
0x11e: {  	(v2sf) =	vpush v32, $0x0;
	_ =	sdelay $0xe  }
0x11f: {  	s10 =	spop (v2sf)  }
0x120: {  	s7 =	sand.u32 $0xFFFFF80, s10  }
0x121: {  	s7 =	sadd.s32 s0, s7  }
0x122: {  	[tilespmem:s14], [sflag:$0x2] =	stream.strided.gather [hbm4b:s7+s13], $0x2000, s11, s13, $0x38;
	[tilespmem:$0x1E400] =	vst v63  }
0x123: {  	_ =	swait.ge [sflag:s28], $0x2000  }
0x124: {  	[sflag:s28] =	ssyncset.done $0x0  }
0x125: {  	[sflag:s28] =	ssyncadd.s32 $0xFFFFE000  }
0x126: {  	v39 =	vld [tilespmem:s9+$0xFFFFFFFA];
	_ =	sdelay $0x4  }
0x127: {  	(v2sf) =	vpush v39, $0x0;
	_ =	sdelay $0xe  }
0x128: {  	s10 =	spop (v2sf)  }
0x129: {  	s7 =	sand.u32 $0x7F, s10  }
0x12a: {  	s10 =	sadd.s32 $0x2, s6;
	v40 =	vor.u32 s7, v0  }
0x12b: {  	v41 =	vmov s10  }
0x12c: {  	v42 =	vshll.u32 v41, $0x3  }
0x12d: {  	v33 =	vand.u32 $0x7F, v41;
	v34 =	vand.u32 $0x1C00, v42  }
0x12e: {  	v33 =	vor.u32 v33, v34  }
0x12f: {  	v34 =	vadd.s32 v1, v33;
	v32 =	vld.idx.msk [tilespmem:v40+s15+$0x0], $0xffff  }
0x130: {  	v43 =	vor.u32 s7, v2;
	_ =	sdelay $0x3  }
0x131: {  	[tilespmem:v34+s25+$0x0] =	vst.idx.msk $0xffff, v32  }
0x132: {  	v44 =	vadd.s32 v3, v33;
	v32 =	vld.idx.msk [tilespmem:v43+s15+$0x0], $0xffff  }
0x133: {  	v45 =	vor.u32 s7, v4;
	_ =	sdelay $0x3  }
0x134: {  	[tilespmem:v44+s25+$0x0] =	vst.idx.msk $0xffff, v32  }
0x135: {  	v46 =	vadd.s32 v5, v33;
	v32 =	vld.idx.msk [tilespmem:v45+s15+$0x0], $0xffff  }
0x136: {  	v47 =	vor.u32 s7, v6;
	_ =	sdelay $0x3  }
0x137: {  	[tilespmem:v46+s25+$0x0] =	vst.idx.msk $0xffff, v32  }
0x138: {  	v33 =	vadd.s32 v7, v33;
	v32 =	vld.idx.msk [tilespmem:v47+s15+$0x0], $0xffff;
	_ =	sdelay $0x4  }
0x139: {  	[tilespmem:v33+s25+$0x0] =	vst.idx.msk $0xffff, v32  }
0x13a: {  	v32 =	vld [tilespmem:s9+$0x5];
	_ =	sdelay $0x4  }
0x13b: {  	(v2sf) =	vpush v32, $0x0;
	_ =	sdelay $0xe  }
0x13c: {  	s10 =	spop (v2sf)  }
0x13d: {  	s7 =	sand.u32 $0xFFFFF80, s10  }
0x13e: {  	s7 =	sadd.s32 s0, s7  }
0x13f: {  	[tilespmem:s15], [sflag:$0x3] =	stream.strided.gather [hbm4b:s7+s13], $0x2000, s11, s13, $0x38;
	[tilespmem:$0x1E400] =	vst v63  }
0x140: {  	_ =	swait.ge [sflag:s29], $0x2000  }
0x141: {  	[sflag:s29] =	ssyncset.done $0x0  }
0x142: {  	[sflag:s29] =	ssyncadd.s32 $0xFFFFE000  }
0x143: {  	v48 =	vld [tilespmem:s9+$0xFFFFFFFB];
	_ =	sdelay $0x4  }
0x144: {  	(v2sf) =	vpush v48, $0x0;
	_ =	sdelay $0xe  }
0x145: {  	s10 =	spop (v2sf)  }
0x146: {  	s7 =	sand.u32 $0x7F, s10  }
0x147: {  	s10 =	sadd.s32 $0x3, s6;
	v49 =	vor.u32 s7, v0  }
0x148: {  	v50 =	vmov s10  }
0x149: {  	v51 =	vshll.u32 v50, $0x3  }
0x14a: {  	v33 =	vand.u32 $0x7F, v50;
	v34 =	vand.u32 $0x1C00, v51  }
0x14b: {  	v33 =	vor.u32 v33, v34  }
0x14c: {  	v34 =	vadd.s32 v1, v33;
	v32 =	vld.idx.msk [tilespmem:v49+s16+$0x0], $0xffff  }
0x14d: {  	v52 =	vor.u32 s7, v2;
	_ =	sdelay $0x3  }
0x14e: {  	[tilespmem:v34+s25+$0x0] =	vst.idx.msk $0xffff, v32  }
0x14f: {  	v53 =	vadd.s32 v3, v33;
	v32 =	vld.idx.msk [tilespmem:v52+s16+$0x0], $0xffff  }
0x150: {  	v54 =	vor.u32 s7, v4;
	_ =	sdelay $0x3  }
0x151: {  	[tilespmem:v53+s25+$0x0] =	vst.idx.msk $0xffff, v32  }
0x152: {  	v55 =	vadd.s32 v5, v33;
	v32 =	vld.idx.msk [tilespmem:v54+s16+$0x0], $0xffff  }
0x153: {  	v56 =	vor.u32 s7, v6;
	_ =	sdelay $0x3  }
0x154: {  	[tilespmem:v55+s25+$0x0] =	vst.idx.msk $0xffff, v32  }
0x155: {  	v33 =	vadd.s32 v7, v33;
	v32 =	vld.idx.msk [tilespmem:v56+s16+$0x0], $0xffff;
	_ =	sdelay $0x4  }
0x156: {  	[tilespmem:v33+s25+$0x0] =	vst.idx.msk $0xffff, v32  }
0x157: {  	v32 =	vld [tilespmem:s9+$0x6];
	_ =	sdelay $0x4  }
0x158: {  	(v2sf) =	vpush v32, $0x0;
	_ =	sdelay $0xe  }
0x159: {  	s10 =	spop (v2sf)  }
0x15a: {  	s7 =	sand.u32 $0xFFFFF80, s10  }
0x15b: {  	s7 =	sadd.s32 s0, s7  }
0x15c: {  	[tilespmem:s16], [sflag:$0x4] =	stream.strided.gather [hbm4b:s7+s13], $0x2000, s11, s13, $0x38;
	[tilespmem:$0x1E400] =	vst v63  }
0x15d: {  	_ =	swait.ge [sflag:s30], $0x2000  }
0x15e: {  	[sflag:s30] =	ssyncset.done $0x0  }
0x15f: {  	[sflag:s30] =	ssyncadd.s32 $0xFFFFE000  }
0x160: {  	v57 =	vld [tilespmem:s9+$0xFFFFFFFC];
	_ =	sdelay $0x4  }
0x161: {  	(v2sf) =	vpush v57, $0x0;
	_ =	sdelay $0xe  }
0x162: {  	s10 =	spop (v2sf)  }
0x163: {  	s7 =	sand.u32 $0x7F, s10  }
0x164: {  	s10 =	sadd.s32 $0x4, s6;
	v58 =	vor.u32 s7, v0  }
0x165: {  	v59 =	vmov s10  }
0x166: {  	v60 =	vshll.u32 v59, $0x3  }
0x167: {  	v33 =	vand.u32 $0x7F, v59;
	v34 =	vand.u32 $0x1C00, v60  }
0x168: {  	v33 =	vor.u32 v33, v34  }
0x169: {  	v34 =	vadd.s32 v1, v33;
	v32 =	vld.idx.msk [tilespmem:v58+s17+$0x0], $0xffff  }
0x16a: {  	v61 =	vor.u32 s7, v2;
	_ =	sdelay $0x3  }
0x16b: {  	[tilespmem:v34+s25+$0x0] =	vst.idx.msk $0xffff, v32  }
0x16c: {  	v62 =	vadd.s32 v3, v33;
	v32 =	vld.idx.msk [tilespmem:v61+s17+$0x0], $0xffff  }
0x16d: {  	v63 =	vor.u32 s7, v4;
	_ =	sdelay $0x3  }
0x16e: {  	[tilespmem:v62+s25+$0x0] =	vst.idx.msk $0xffff, v32  }
0x16f: {  	v36 =	vadd.s32 v5, v33;
	v32 =	vld.idx.msk [tilespmem:v63+s17+$0x0], $0xffff  }
0x170: {  	v37 =	vor.u32 s7, v6;
	_ =	sdelay $0x3  }
0x171: {  	[tilespmem:v36+s25+$0x0] =	vst.idx.msk $0xffff, v32  }
0x172: {  	v33 =	vadd.s32 v7, v33;
	v32 =	vld.idx.msk [tilespmem:v37+s17+$0x0], $0xffff;
	_ =	sdelay $0x4  }
0x173: {  	[tilespmem:v33+s25+$0x0] =	vst.idx.msk $0xffff, v32  }
0x174: {  	v32 =	vld [tilespmem:s9+$0x7];
	_ =	sdelay $0x4  }
0x175: {  	(v2sf) =	vpush v32, $0x0;
	_ =	sdelay $0xe  }
0x176: {  	s10 =	spop (v2sf)  }
0x177: {  	s7 =	sand.u32 $0xFFFFF80, s10  }
0x178: {  	s7 =	sadd.s32 s0, s7  }
0x179: {  	[tilespmem:s17], [sflag:$0x5] =	stream.strided.gather [hbm4b:s7+s13], $0x2000, s11, s13, $0x38;
	[tilespmem:$0x1E400] =	vst v63  }
0x17a: {  	_ =	swait.ge [sflag:s31], $0x2000  }
0x17b: {  	[sflag:s31] =	ssyncset.done $0x0  }
0x17c: {  	[sflag:s31] =	ssyncadd.s32 $0xFFFFE000  }
0x17d: {  	v38 =	vld [tilespmem:s9+$0xFFFFFFFD];
	_ =	sdelay $0x4  }
0x17e: {  	(v2sf) =	vpush v38, $0x0;
	_ =	sdelay $0xe  }
0x17f: {  	s10 =	spop (v2sf)  }
0x180: {  	s7 =	sand.u32 $0x7F, s10  }
0x181: {  	s10 =	sadd.s32 $0x5, s6;
	v39 =	vor.u32 s7, v0  }
0x182: {  	v40 =	vmov s10  }
0x183: {  	v41 =	vshll.u32 v40, $0x3  }
0x184: {  	v33 =	vand.u32 $0x7F, v40;
	v34 =	vand.u32 $0x1C00, v41  }
0x185: {  	v33 =	vor.u32 v33, v34  }
0x186: {  	v34 =	vadd.s32 v1, v33;
	v32 =	vld.idx.msk [tilespmem:v39+s18+$0x0], $0xffff  }
0x187: {  	v42 =	vor.u32 s7, v2;
	_ =	sdelay $0x3  }
0x188: {  	[tilespmem:v34+s25+$0x0] =	vst.idx.msk $0xffff, v32  }
0x189: {  	v43 =	vadd.s32 v3, v33;
	v32 =	vld.idx.msk [tilespmem:v42+s18+$0x0], $0xffff  }
0x18a: {  	v44 =	vor.u32 s7, v4;
	_ =	sdelay $0x3  }
0x18b: {  	[tilespmem:v43+s25+$0x0] =	vst.idx.msk $0xffff, v32  }
0x18c: {  	v45 =	vadd.s32 v5, v33;
	v32 =	vld.idx.msk [tilespmem:v44+s18+$0x0], $0xffff  }
0x18d: {  	v46 =	vor.u32 s7, v6;
	_ =	sdelay $0x3  }
0x18e: {  	[tilespmem:v45+s25+$0x0] =	vst.idx.msk $0xffff, v32  }
0x18f: {  	v33 =	vadd.s32 v7, v33;
	v32 =	vld.idx.msk [tilespmem:v46+s18+$0x0], $0xffff;
	_ =	sdelay $0x4  }
0x190: {  	[tilespmem:v33+s25+$0x0] =	vst.idx.msk $0xffff, v32  }
0x191: {  	v32 =	vld [tilespmem:s9+$0x8];
	_ =	sdelay $0x4  }
0x192: {  	(v2sf) =	vpush v32, $0x0;
	_ =	sdelay $0xe  }
0x193: {  	s10 =	spop (v2sf)  }
0x194: {  	s7 =	sand.u32 $0xFFFFF80, s10  }
0x195: {  	s7 =	sadd.s32 s0, s7  }
0x196: {  	[tilespmem:s18], [sflag:$0x6] =	stream.strided.gather [hbm4b:s7+s13], $0x2000, s11, s13, $0x38;
	[tilespmem:$0x1E400] =	vst v63  }
0x197: {  	_ =	swait.ge [sflag:s3], $0x2000  }
0x198: {  	[sflag:s3] =	ssyncset.done $0x0  }
0x199: {  	[sflag:s3] =	ssyncadd.s32 $0xFFFFE000  }
0x19a: {  	v47 =	vld [tilespmem:s9+$0xFFFFFFFE];
	_ =	sdelay $0x4  }
0x19b: {  	(v2sf) =	vpush v47, $0x0;
	_ =	sdelay $0xe  }
0x19c: {  	s10 =	spop (v2sf)  }
0x19d: {  	s7 =	sand.u32 $0x7F, s10  }
0x19e: {  	s10 =	sadd.s32 $0x6, s6;
	v48 =	vor.u32 s7, v0  }
0x19f: {  	v49 =	vmov s10  }
0x1a0: {  	v50 =	vshll.u32 v49, $0x3  }
0x1a1: {  	v33 =	vand.u32 $0x7F, v49;
	v34 =	vand.u32 $0x1C00, v50  }
0x1a2: {  	v33 =	vor.u32 v33, v34  }
0x1a3: {  	v34 =	vadd.s32 v1, v33;
	v32 =	vld.idx.msk [tilespmem:v48+s19+$0x0], $0xffff  }
0x1a4: {  	v51 =	vor.u32 s7, v2;
	_ =	sdelay $0x3  }
0x1a5: {  	[tilespmem:v34+s25+$0x0] =	vst.idx.msk $0xffff, v32  }
0x1a6: {  	v52 =	vadd.s32 v3, v33;
	v32 =	vld.idx.msk [tilespmem:v51+s19+$0x0], $0xffff  }
0x1a7: {  	v53 =	vor.u32 s7, v4;
	_ =	sdelay $0x3  }
0x1a8: {  	[tilespmem:v52+s25+$0x0] =	vst.idx.msk $0xffff, v32  }
0x1a9: {  	v54 =	vadd.s32 v5, v33;
	v32 =	vld.idx.msk [tilespmem:v53+s19+$0x0], $0xffff  }
0x1aa: {  	v55 =	vor.u32 s7, v6;
	_ =	sdelay $0x3  }
0x1ab: {  	[tilespmem:v54+s25+$0x0] =	vst.idx.msk $0xffff, v32  }
0x1ac: {  	v33 =	vadd.s32 v7, v33;
	v32 =	vld.idx.msk [tilespmem:v55+s19+$0x0], $0xffff;
	_ =	sdelay $0x4  }
0x1ad: {  	s10 =	smin.u32 s6, $0x1EE;
	[tilespmem:v33+s25+$0x0] =	vst.idx.msk $0xffff, v32  }
0x1ae: {  	v32 =	vld [tilespmem:s10+$0x11];
	_ =	sdelay $0x4  }
0x1af: {  	(v2sf) =	vpush v32, $0x0;
	_ =	sdelay $0xe  }
0x1b0: {  	s10 =	spop (v2sf)  }
0x1b1: {  	s7 =	sand.u32 $0xFFFFF80, s10  }
0x1b2: {  	s7 =	sadd.s32 s0, s7  }
0x1b3: {  	[tilespmem:s19], [sflag:$0x7] =	stream.strided.gather [hbm4b:s7+s13], $0x2000, s11, s13, $0x38;
	[tilespmem:$0x1E400] =	vst v63  }
0x1b4: {  	_ =	swait.ge [sflag:s2], $0x2000  }
0x1b5: {  	[sflag:s2] =	ssyncset.done $0x0  }
0x1b6: {  	[sflag:s2] =	ssyncadd.s32 $0xFFFFE000  }
0x1b7: {  	v56 =	vld [tilespmem:s9+$0xFFFFFFFF];
	_ =	sdelay $0x4  }
0x1b8: {  	(v2sf) =	vpush v56, $0x0;
	_ =	sdelay $0xe  }
0x1b9: {  	s10 =	spop (v2sf)  }
0x1ba: {  	s7 =	sand.u32 $0x7F, s10  }
0x1bb: {  	s10 =	sadd.s32 $0x7, s6;
	v57 =	vor.u32 s7, v0  }
0x1bc: {  	v58 =	vmov s10  }
0x1bd: {  	v59 =	vshll.u32 v58, $0x3  }
0x1be: {  	v33 =	vand.u32 $0x7F, v58;
	v34 =	vand.u32 $0x1C00, v59  }
0x1bf: {  	v33 =	vor.u32 v33, v34  }
0x1c0: {  	v34 =	vadd.s32 v1, v33;
	v32 =	vld.idx.msk [tilespmem:v57+s20+$0x0], $0xffff  }
0x1c1: {  	v60 =	vor.u32 s7, v2;
	_ =	sdelay $0x3  }
0x1c2: {  	[tilespmem:v34+s25+$0x0] =	vst.idx.msk $0xffff, v32  }
0x1c3: {  	v61 =	vadd.s32 v3, v33;
	v32 =	vld.idx.msk [tilespmem:v60+s20+$0x0], $0xffff  }
0x1c4: {  	v62 =	vor.u32 s7, v4;
	_ =	sdelay $0x3  }
0x1c5: {  	[tilespmem:v61+s25+$0x0] =	vst.idx.msk $0xffff, v32  }
0x1c6: {  	v63 =	vadd.s32 v5, v33;
	v32 =	vld.idx.msk [tilespmem:v62+s20+$0x0], $0xffff  }
0x1c7: {  	v36 =	vor.u32 s7, v6;
	_ =	sdelay $0x3  }
0x1c8: {  	[tilespmem:v63+s25+$0x0] =	vst.idx.msk $0xffff, v32  }
0x1c9: {  	v33 =	vadd.s32 v7, v33;
	v32 =	vld.idx.msk [tilespmem:v36+s20+$0x0], $0xffff;
	_ =	sdelay $0x4  }
0x1ca: {  	s10 =	smin.u32 s6, $0x1ED;
	[tilespmem:v33+s25+$0x0] =	vst.idx.msk $0xffff, v32  }
0x1cb: {  	v32 =	vld [tilespmem:s10+$0x12];
	_ =	sdelay $0x4  }
0x1cc: {  	(v2sf) =	vpush v32, $0x0;
	_ =	sdelay $0xe  }
0x1cd: {  	s10 =	spop (v2sf)  }
0x1ce: {  	s7 =	sand.u32 $0xFFFFF80, s10  }
0x1cf: {  	s7 =	sadd.s32 s0, s7  }
0x1d0: {  	[tilespmem:s20], [sflag:$0x8] =	stream.strided.gather [hbm4b:s7+s13], $0x2000, s11, s13, $0x38;
	[tilespmem:$0x1E400] =	vst v63  }
0x1d1: {  	_ =	swait.ge [sflag:s12], $0x2000  }
0x1d2: {  	[sflag:s12] =	ssyncset.done $0x0  }
0x1d3: {  	[sflag:s12] =	ssyncadd.s32 $0xFFFFE000  }
0x1d4: {  	v37 =	vld [tilespmem:s9+$0x0];
	_ =	sdelay $0x4  }
0x1d5: {  	(v2sf) =	vpush v37, $0x0;
	_ =	sdelay $0xe  }
0x1d6: {  	s10 =	spop (v2sf)  }
0x1d7: {  	s7 =	sand.u32 $0x7F, s10  }
0x1d8: {  	s10 =	sadd.s32 $0x8, s6;
	v38 =	vor.u32 s7, v0  }
0x1d9: {  	v39 =	vmov s10  }
0x1da: {  	v40 =	vshll.u32 v39, $0x3  }
0x1db: {  	v33 =	vand.u32 $0x7F, v39;
	v34 =	vand.u32 $0x1C00, v40  }
0x1dc: {  	v33 =	vor.u32 v33, v34  }
0x1dd: {  	v34 =	vadd.s32 v1, v33;
	v32 =	vld.idx.msk [tilespmem:v38+s21+$0x0], $0xffff  }
0x1de: {  	v41 =	vor.u32 s7, v2;
	_ =	sdelay $0x3  }
0x1df: {  	[tilespmem:v34+s25+$0x0] =	vst.idx.msk $0xffff, v32  }
0x1e0: {  	v42 =	vadd.s32 v3, v33;
	v32 =	vld.idx.msk [tilespmem:v41+s21+$0x0], $0xffff  }
0x1e1: {  	v43 =	vor.u32 s7, v4;
	_ =	sdelay $0x3  }
0x1e2: {  	[tilespmem:v42+s25+$0x0] =	vst.idx.msk $0xffff, v32  }
0x1e3: {  	v44 =	vadd.s32 v5, v33;
	v32 =	vld.idx.msk [tilespmem:v43+s21+$0x0], $0xffff  }
0x1e4: {  	v45 =	vor.u32 s7, v6;
	_ =	sdelay $0x3  }
0x1e5: {  	[tilespmem:v44+s25+$0x0] =	vst.idx.msk $0xffff, v32  }
0x1e6: {  	v33 =	vadd.s32 v7, v33;
	v32 =	vld.idx.msk [tilespmem:v45+s21+$0x0], $0xffff;
	_ =	sdelay $0x4  }
0x1e7: {  	s10 =	smin.u32 s6, $0x1EC;
	[tilespmem:v33+s25+$0x0] =	vst.idx.msk $0xffff, v32  }
0x1e8: {  	v32 =	vld [tilespmem:s10+$0x13];
	_ =	sdelay $0x4  }
0x1e9: {  	(v2sf) =	vpush v32, $0x0;
	_ =	sdelay $0xe  }
0x1ea: {  	s10 =	spop (v2sf)  }
0x1eb: {  	s7 =	sand.u32 $0xFFFFF80, s10  }
0x1ec: {  	s7 =	sadd.s32 s0, s7  }
0x1ed: {  	[tilespmem:s21], [sflag:$0x9] =	stream.strided.gather [hbm4b:s7+s13], $0x2000, s11, s13, $0x38;
	[tilespmem:$0x1E400] =	vst v63  }
0x1ee: {  	_ =	swait.ge [sflag:s4], $0x2000  }
0x1ef: {  	[sflag:s4] =	ssyncset.done $0x0  }
0x1f0: {  	[sflag:s4] =	ssyncadd.s32 $0xFFFFE000  }
0x1f1: {  	v46 =	vld [tilespmem:s9+$0x1];
	_ =	sdelay $0x4  }
0x1f2: {  	(v2sf) =	vpush v46, $0x0;
	_ =	sdelay $0xe  }
0x1f3: {  	s10 =	spop (v2sf)  }
0x1f4: {  	s7 =	sand.u32 $0x7F, s10  }
0x1f5: {  	s10 =	sadd.s32 $0x9, s6;
	v47 =	vor.u32 s7, v0  }
0x1f6: {  	v48 =	vmov s10  }
0x1f7: {  	v49 =	vshll.u32 v48, $0x3  }
0x1f8: {  	v33 =	vand.u32 $0x7F, v48;
	v34 =	vand.u32 $0x1C00, v49  }
0x1f9: {  	v33 =	vor.u32 v33, v34  }
0x1fa: {  	v34 =	vadd.s32 v1, v33;
	v32 =	vld.idx.msk [tilespmem:v47+s22+$0x0], $0xffff  }
0x1fb: {  	v50 =	vor.u32 s7, v2;
	_ =	sdelay $0x3  }
0x1fc: {  	[tilespmem:v34+s25+$0x0] =	vst.idx.msk $0xffff, v32  }
0x1fd: {  	v51 =	vadd.s32 v3, v33;
	v32 =	vld.idx.msk [tilespmem:v50+s22+$0x0], $0xffff  }
0x1fe: {  	v52 =	vor.u32 s7, v4;
	_ =	sdelay $0x3  }
0x1ff: {  	[tilespmem:v51+s25+$0x0] =	vst.idx.msk $0xffff, v32  }
0x200: {  	v53 =	vadd.s32 v5, v33;
	v32 =	vld.idx.msk [tilespmem:v52+s22+$0x0], $0xffff  }
0x201: {  	v54 =	vor.u32 s7, v6;
	_ =	sdelay $0x3  }
0x202: {  	[tilespmem:v53+s25+$0x0] =	vst.idx.msk $0xffff, v32  }
0x203: {  	v33 =	vadd.s32 v7, v33;
	v32 =	vld.idx.msk [tilespmem:v54+s22+$0x0], $0xffff;
	_ =	sdelay $0x4  }
0x204: {  	s10 =	smin.u32 s6, $0x1EB;
	[tilespmem:v33+s25+$0x0] =	vst.idx.msk $0xffff, v32  }
0x205: {  	v32 =	vld [tilespmem:s10+$0x14];
	_ =	sdelay $0x4  }
0x206: {  	(v2sf) =	vpush v32, $0x0;
	_ =	sdelay $0xe  }
0x207: {  	s10 =	spop (v2sf)  }
0x208: {  	s7 =	sand.u32 $0xFFFFF80, s10  }
0x209: {  	s7 =	sadd.s32 s0, s7  }
0x20a: {  	[tilespmem:s22], [sflag:$0xA] =	stream.strided.gather [hbm4b:s7+s13], $0x2000, s11, s13, $0x38;
	[tilespmem:$0x1E400] =	vst v63  }
0x20b: {  	_ =	swait.ge [sflag:s5], $0x2000  }
0x20c: {  	[sflag:s5] =	ssyncset.done $0x0  }
0x20d: {  	[sflag:s5] =	ssyncadd.s32 $0xFFFFE000  }
0x20e: {  	v55 =	vld [tilespmem:s9+$0x2];
	_ =	sdelay $0x4  }
0x20f: {  	(v2sf) =	vpush v55, $0x0;
	_ =	sdelay $0xe  }
0x210: {  	s10 =	spop (v2sf)  }
0x211: {  	s7 =	sand.u32 $0x7F, s10  }
0x212: {  	s10 =	sadd.s32 $0xA, s6;
	v56 =	vor.u32 s7, v0  }
0x213: {  	v57 =	vmov s10  }
0x214: {  	v58 =	vshll.u32 v57, $0x3  }
0x215: {  	v33 =	vand.u32 $0x7F, v57;
	v34 =	vand.u32 $0x1C00, v58  }
0x216: {  	v33 =	vor.u32 v33, v34  }
0x217: {  	v34 =	vadd.s32 v1, v33;
	v32 =	vld.idx.msk [tilespmem:v56+s23+$0x0], $0xffff  }
0x218: {  	v59 =	vor.u32 s7, v2;
	_ =	sdelay $0x3  }
0x219: {  	[tilespmem:v34+s25+$0x0] =	vst.idx.msk $0xffff, v32  }
0x21a: {  	v60 =	vadd.s32 v3, v33;
	v32 =	vld.idx.msk [tilespmem:v59+s23+$0x0], $0xffff  }
0x21b: {  	v61 =	vor.u32 s7, v4;
	_ =	sdelay $0x3  }
0x21c: {  	[tilespmem:v60+s25+$0x0] =	vst.idx.msk $0xffff, v32  }
0x21d: {  	v62 =	vadd.s32 v5, v33;
	v32 =	vld.idx.msk [tilespmem:v61+s23+$0x0], $0xffff  }
0x21e: {  	v63 =	vor.u32 s7, v6;
	_ =	sdelay $0x3  }
0x21f: {  	[tilespmem:v62+s25+$0x0] =	vst.idx.msk $0xffff, v32  }
0x220: {  	v33 =	vadd.s32 v7, v33;
	v32 =	vld.idx.msk [tilespmem:v63+s23+$0x0], $0xffff;
	_ =	sdelay $0x4  }
0x221: {  	s10 =	smin.u32 s6, $0x1EA;
	[tilespmem:v33+s25+$0x0] =	vst.idx.msk $0xffff, v32  }
0x222: {  	v32 =	vld [tilespmem:s10+$0x15];
	_ =	sdelay $0x4  }
0x223: {  	(v2sf) =	vpush v32, $0x0;
	_ =	sdelay $0xc  }
0x224: {  	p0 =	sne.s32 s6, $0x1EF  }
.Ltmp0:
0x225: {  	_ = 	snop;
	(pc) =	sbr.rel @p0 .LBB2_2-.Ltmp0, $4  }
0x226: {  	s10 =	spop (v2sf)  }
0x227: {  	s7 =	sand.u32 $0xFFFFF80, s10  }
0x228: {  	s9 =	sadd.s32 $0xB, s9;
	s6 =	sadd.s32 $0xB, s6;
	s7 =	sadd.s32 s0, s7  }
0x229: {  	[tilespmem:s23], [sflag:$0xB] =	stream.strided.gather [hbm4b:s7+s13], $0x2000, s11, s13, $0x38;
	[tilespmem:$0x1E400] =	vst v63  }
0x22a: {  	_ =	swait.ge [sflag:s24], $0x2000  }
0x22b: {  	[sflag:s24] =	ssyncset.done $0x0  }
0x22c: {  	[sflag:s24] =	ssyncadd.s32 $0xFFFFE000  }
0x22d: {  	v32 =	vld [tilespmem:$0x1F0];
	_ =	sdelay $0x4  }
0x22e: {  	(v2sf) =	vpush v32, $0xA;
	_ =	sdelay $0xe  }
0x22f: {  	s6 =	spop (v2sf)  }
0x230: {  	s6 =	sand.u32 $0x7F, s6  }
0x231: {  	v39 =	vor.u32 s6, v0;
	_ =	sdelay $0x4  }
0x232: {  	v32 =	vld.idx.msk [tilespmem:v39+s13+$0x0], $0xffff  }
0x233: {  	v33 =	vor.u32 s6, v2;
	_ =	sdelay $0x3  }
0x234: {  	[tilespmem:v8+s25+$0x0] =	vst.idx.msk $0xffff, v32  }
0x235: {  	v32 =	vld.idx.msk [tilespmem:v33+s13+$0x0], $0xffff  }
0x236: {  	v40 =	vor.u32 s6, v4;
	_ =	sdelay $0x3  }
0x237: {  	[tilespmem:v9+s25+$0x0] =	vst.idx.msk $0xffff, v32  }
0x238: {  	v32 =	vld.idx.msk [tilespmem:v40+s13+$0x0], $0xffff  }
0x239: {  	v41 =	vor.u32 s6, v6;
	_ =	sdelay $0x3  }
0x23a: {  	[tilespmem:v10+s25+$0x0] =	vst.idx.msk $0xffff, v32  }
0x23b: {  	v32 =	vld.idx.msk [tilespmem:v41+s13+$0x0], $0xffff;
	_ =	sdelay $0x4  }
0x23c: {  	[tilespmem:v11+s25+$0x0] =	vst.idx.msk $0xffff, v32  }
0x23d: {  	v32 =	vld [tilespmem:$0x200];
	_ =	sdelay $0x4  }
0x23e: {  	(v2sf) =	vpush v32, $0x0;
	_ =	sdelay $0xe  }
0x23f: {  	s10 =	spop (v2sf)  }
0x240: {  	s6 =	sand.u32 $0xFFFFF80, s10  }
0x241: {  	s6 =	sadd.s32 s1, s6  }
0x242: {  	[tilespmem:s13], [sflag:$0x1] =	stream.strided.gather [hbm4b:s6+s13], $0x2000, s11, s13, $0x38;
	[tilespmem:$0x1E400] =	vst v63  }
0x243: {  	_ =	swait.ge [sflag:s26], $0x2000  }
0x244: {  	[sflag:s26] =	ssyncset.done $0x0  }
0x245: {  	[sflag:s26] =	ssyncadd.s32 $0xFFFFE000  }
0x246: {  	v42 =	vld [tilespmem:$0x1F0];
	_ =	sdelay $0x4  }
0x247: {  	(v2sf) =	vpush v42, $0xB;
	_ =	sdelay $0xe  }
0x248: {  	s7 =	spop (v2sf)  }
0x249: {  	s6 =	sand.u32 $0x7F, s7  }
0x24a: {  	v43 =	vor.u32 s6, v0;
	_ =	sdelay $0x4  }
0x24b: {  	v32 =	vld.idx.msk [tilespmem:v43+s14+$0x0], $0xffff  }
0x24c: {  	v44 =	vor.u32 s6, v2;
	_ =	sdelay $0x3  }
0x24d: {  	[tilespmem:v12+s25+$0x0] =	vst.idx.msk $0xffff, v32  }
0x24e: {  	v32 =	vld.idx.msk [tilespmem:v44+s14+$0x0], $0xffff  }
0x24f: {  	v45 =	vor.u32 s6, v4;
	_ =	sdelay $0x3  }
0x250: {  	[tilespmem:v13+s25+$0x0] =	vst.idx.msk $0xffff, v32  }
0x251: {  	v32 =	vld.idx.msk [tilespmem:v45+s14+$0x0], $0xffff  }
0x252: {  	v46 =	vor.u32 s6, v6;
	_ =	sdelay $0x3  }
0x253: {  	[tilespmem:v14+s25+$0x0] =	vst.idx.msk $0xffff, v32  }
0x254: {  	v32 =	vld.idx.msk [tilespmem:v46+s14+$0x0], $0xffff;
	_ =	sdelay $0x4  }
0x255: {  	[tilespmem:v15+s25+$0x0] =	vst.idx.msk $0xffff, v32  }
0x256: {  	v32 =	vld [tilespmem:$0x200];
	_ =	sdelay $0x4  }
0x257: {  	(v2sf) =	vpush v32, $0x1;
	_ =	sdelay $0xe  }
0x258: {  	s9 =	spop (v2sf)  }
0x259: {  	s6 =	sand.u32 $0xFFFFF80, s9  }
0x25a: {  	s6 =	sadd.s32 s1, s6  }
0x25b: {  	[tilespmem:s14], [sflag:$0x2] =	stream.strided.gather [hbm4b:s6+s13], $0x2000, s11, s13, $0x38;
	[tilespmem:$0x1E400] =	vst v63  }
0x25c: {  	_ =	swait.ge [sflag:s28], $0x2000  }
0x25d: {  	[sflag:s28] =	ssyncset.done $0x0  }
0x25e: {  	[sflag:s28] =	ssyncadd.s32 $0xFFFFE000  }
0x25f: {  	v47 =	vld [tilespmem:$0x1F0];
	_ =	sdelay $0x4  }
0x260: {  	(v2sf) =	vpush v47, $0xC;
	_ =	sdelay $0xe  }
0x261: {  	s10 =	spop (v2sf)  }
0x262: {  	s6 =	sand.u32 $0x7F, s10  }
0x263: {  	v48 =	vor.u32 s6, v0;
	_ =	sdelay $0x4  }
0x264: {  	v32 =	vld.idx.msk [tilespmem:v48+s15+$0x0], $0xffff  }
0x265: {  	v49 =	vor.u32 s6, v2;
	_ =	sdelay $0x3  }
0x266: {  	[tilespmem:v16+s25+$0x0] =	vst.idx.msk $0xffff, v32  }
0x267: {  	v32 =	vld.idx.msk [tilespmem:v49+s15+$0x0], $0xffff  }
0x268: {  	v50 =	vor.u32 s6, v4;
	_ =	sdelay $0x3  }
0x269: {  	[tilespmem:v17+s25+$0x0] =	vst.idx.msk $0xffff, v32  }
0x26a: {  	v32 =	vld.idx.msk [tilespmem:v50+s15+$0x0], $0xffff  }
0x26b: {  	v51 =	vor.u32 s6, v6;
	_ =	sdelay $0x3  }
0x26c: {  	[tilespmem:v18+s25+$0x0] =	vst.idx.msk $0xffff, v32  }
0x26d: {  	v32 =	vld.idx.msk [tilespmem:v51+s15+$0x0], $0xffff;
	_ =	sdelay $0x4  }
0x26e: {  	[tilespmem:v19+s25+$0x0] =	vst.idx.msk $0xffff, v32  }
0x26f: {  	v32 =	vld [tilespmem:$0x200];
	_ =	sdelay $0x4  }
0x270: {  	(v2sf) =	vpush v32, $0x2;
	_ =	sdelay $0xe  }
0x271: {  	s7 =	spop (v2sf)  }
0x272: {  	s6 =	sand.u32 $0xFFFFF80, s7  }
0x273: {  	s6 =	sadd.s32 s1, s6  }
0x274: {  	[tilespmem:s15], [sflag:$0x3] =	stream.strided.gather [hbm4b:s6+s13], $0x2000, s11, s13, $0x38;
	[tilespmem:$0x1E400] =	vst v63  }
0x275: {  	_ =	swait.ge [sflag:s29], $0x2000  }
0x276: {  	[sflag:s29] =	ssyncset.done $0x0  }
0x277: {  	[sflag:s29] =	ssyncadd.s32 $0xFFFFE000  }
0x278: {  	v52 =	vld [tilespmem:$0x1F0];
	_ =	sdelay $0x4  }
0x279: {  	(v2sf) =	vpush v52, $0xD;
	_ =	sdelay $0xe  }
0x27a: {  	s9 =	spop (v2sf)  }
0x27b: {  	s6 =	sand.u32 $0x7F, s9  }
0x27c: {  	v53 =	vor.u32 s6, v0;
	_ =	sdelay $0x4  }
0x27d: {  	v32 =	vld.idx.msk [tilespmem:v53+s16+$0x0], $0xffff  }
0x27e: {  	v54 =	vor.u32 s6, v2;
	_ =	sdelay $0x3  }
0x27f: {  	[tilespmem:v20+s25+$0x0] =	vst.idx.msk $0xffff, v32  }
0x280: {  	v32 =	vld.idx.msk [tilespmem:v54+s16+$0x0], $0xffff  }
0x281: {  	v55 =	vor.u32 s6, v4;
	_ =	sdelay $0x3  }
0x282: {  	[tilespmem:v21+s25+$0x0] =	vst.idx.msk $0xffff, v32  }
0x283: {  	v32 =	vld.idx.msk [tilespmem:v55+s16+$0x0], $0xffff  }
0x284: {  	v56 =	vor.u32 s6, v6;
	_ =	sdelay $0x3  }
0x285: {  	[tilespmem:v22+s25+$0x0] =	vst.idx.msk $0xffff, v32  }
0x286: {  	v32 =	vld.idx.msk [tilespmem:v56+s16+$0x0], $0xffff;
	_ =	sdelay $0x4  }
0x287: {  	[tilespmem:v23+s25+$0x0] =	vst.idx.msk $0xffff, v32  }
0x288: {  	v32 =	vld [tilespmem:$0x200];
	_ =	sdelay $0x4  }
0x289: {  	(v2sf) =	vpush v32, $0x3;
	_ =	sdelay $0xe  }
0x28a: {  	s10 =	spop (v2sf)  }
0x28b: {  	s6 =	sand.u32 $0xFFFFF80, s10  }
0x28c: {  	s6 =	sadd.s32 s1, s6  }
0x28d: {  	[tilespmem:s16], [sflag:$0x4] =	stream.strided.gather [hbm4b:s6+s13], $0x2000, s11, s13, $0x38;
	[tilespmem:$0x1E400] =	vst v63  }
0x28e: {  	_ =	swait.ge [sflag:s30], $0x2000  }
0x28f: {  	[sflag:s30] =	ssyncset.done $0x0  }
0x290: {  	[sflag:s30] =	ssyncadd.s32 $0xFFFFE000  }
0x291: {  	v57 =	vld [tilespmem:$0x1F0];
	_ =	sdelay $0x4  }
0x292: {  	(v2sf) =	vpush v57, $0xE;
	_ =	sdelay $0xe  }
0x293: {  	s7 =	spop (v2sf)  }
0x294: {  	s6 =	sand.u32 $0x7F, s7  }
0x295: {  	v58 =	vor.u32 s6, v0;
	_ =	sdelay $0x4  }
0x296: {  	v32 =	vld.idx.msk [tilespmem:v58+s17+$0x0], $0xffff  }
0x297: {  	v59 =	vor.u32 s6, v2;
	_ =	sdelay $0x3  }
0x298: {  	[tilespmem:v24+s25+$0x0] =	vst.idx.msk $0xffff, v32  }
0x299: {  	v32 =	vld.idx.msk [tilespmem:v59+s17+$0x0], $0xffff  }
0x29a: {  	v60 =	vor.u32 s6, v4;
	_ =	sdelay $0x3  }
0x29b: {  	[tilespmem:v25+s25+$0x0] =	vst.idx.msk $0xffff, v32  }
0x29c: {  	v32 =	vld.idx.msk [tilespmem:v60+s17+$0x0], $0xffff  }
0x29d: {  	v61 =	vor.u32 s6, v6;
	_ =	sdelay $0x3  }
0x29e: {  	[tilespmem:v26+s25+$0x0] =	vst.idx.msk $0xffff, v32  }
0x29f: {  	v32 =	vld.idx.msk [tilespmem:v61+s17+$0x0], $0xffff;
	_ =	sdelay $0x4  }
0x2a0: {  	[tilespmem:v27+s25+$0x0] =	vst.idx.msk $0xffff, v32  }
0x2a1: {  	v32 =	vld [tilespmem:$0x200];
	_ =	sdelay $0x4  }
0x2a2: {  	(v2sf) =	vpush v32, $0x4;
	_ =	sdelay $0xe  }
0x2a3: {  	s9 =	spop (v2sf)  }
0x2a4: {  	s6 =	sand.u32 $0xFFFFF80, s9  }
0x2a5: {  	s6 =	sadd.s32 s1, s6  }
0x2a6: {  	[tilespmem:s17], [sflag:$0x5] =	stream.strided.gather [hbm4b:s6+s13], $0x2000, s11, s13, $0x38;
	[tilespmem:$0x1E400] =	vst v63  }
0x2a7: {  	_ =	swait.ge [sflag:s31], $0x2000  }
0x2a8: {  	[sflag:s31] =	ssyncset.done $0x0  }
0x2a9: {  	[sflag:s31] =	ssyncadd.s32 $0xFFFFE000  }
0x2aa: {  	v62 =	vld [tilespmem:$0x1F0];
	_ =	sdelay $0x4  }
0x2ab: {  	(v2sf) =	vpush v62, $0xF;
	_ =	sdelay $0xe  }
0x2ac: {  	s10 =	spop (v2sf)  }
0x2ad: {  	s6 =	sand.u32 $0x7F, s10  }
0x2ae: {  	v63 =	vor.u32 s6, v0;
	_ =	sdelay $0x4  }
0x2af: {  	v32 =	vld.idx.msk [tilespmem:v63+s18+$0x0], $0xffff  }
0x2b0: {  	v36 =	vor.u32 s6, v2;
	_ =	sdelay $0x3  }
0x2b1: {  	[tilespmem:v28+s25+$0x0] =	vst.idx.msk $0xffff, v32  }
0x2b2: {  	v32 =	vld.idx.msk [tilespmem:v36+s18+$0x0], $0xffff  }
0x2b3: {  	v37 =	vor.u32 s6, v4;
	_ =	sdelay $0x3  }
0x2b4: {  	[tilespmem:v29+s25+$0x0] =	vst.idx.msk $0xffff, v32  }
0x2b5: {  	v32 =	vld.idx.msk [tilespmem:v37+s18+$0x0], $0xffff  }
0x2b6: {  	v38 =	vor.u32 s6, v6;
	_ =	sdelay $0x3  }
0x2b7: {  	[tilespmem:v30+s25+$0x0] =	vst.idx.msk $0xffff, v32  }
0x2b8: {  	v32 =	vld.idx.msk [tilespmem:v38+s18+$0x0], $0xffff;
	_ =	sdelay $0x4  }
0x2b9: {  	[tilespmem:v31+s25+$0x0] =	vst.idx.msk $0xffff, v32  }
0x2ba: {  	v32 =	vld [tilespmem:$0x200];
	_ =	sdelay $0x4  }
0x2bb: {  	(v2sf) =	vpush v32, $0x5;
	_ =	sdelay $0xe  }
0x2bc: {  	s7 =	spop (v2sf)  }
0x2bd: {  	s6 =	sand.u32 $0xFFFFF80, s7  }
0x2be: {  	s6 =	sadd.s32 s1, s6  }
0x2bf: {  	[tilespmem:s18], [sflag:$0x6] =	stream.strided.gather [hbm4b:s6+s13], $0x2000, s11, s13, $0x38;
	[tilespmem:$0x1E400] =	vst v63  }
0x2c0: {  	_ =	swait.ge [sflag:s3], $0x2000  }
0x2c1: {  	[sflag:s3] =	ssyncset.done $0x0  }
0x2c2: {  	[sflag:s3] =	ssyncadd.s32 $0xFFFFE000  }
0x2c3: {  	v39 =	vld [tilespmem:$0x1F0];
	_ =	sdelay $0x4  }
0x2c4: {  	(v2sf) =	vpush v39, $0xF;
	_ =	sdelay $0xe  }
0x2c5: {  	s9 =	spop (v2sf)  }
0x2c6: {  	s6 =	sand.u32 $0x7F, s9  }
0x2c7: {  	v40 =	vor.u32 s6, v0;
	_ =	sdelay $0x4  }
0x2c8: {  	v32 =	vld.idx.msk [tilespmem:v40+s19+$0x0], $0xffff  }
0x2c9: {  	v41 =	vor.u32 s6, v2;
	_ =	sdelay $0x3  }
0x2ca: {  	[tilespmem:v28+s25+$0x0] =	vst.idx.msk $0xffff, v32  }
0x2cb: {  	v32 =	vld.idx.msk [tilespmem:v41+s19+$0x0], $0xffff  }
0x2cc: {  	v42 =	vor.u32 s6, v4;
	_ =	sdelay $0x3  }
0x2cd: {  	[tilespmem:v29+s25+$0x0] =	vst.idx.msk $0xffff, v32  }
0x2ce: {  	v32 =	vld.idx.msk [tilespmem:v42+s19+$0x0], $0xffff  }
0x2cf: {  	v43 =	vor.u32 s6, v6;
	_ =	sdelay $0x3  }
0x2d0: {  	[tilespmem:v30+s25+$0x0] =	vst.idx.msk $0xffff, v32  }
0x2d1: {  	v32 =	vld.idx.msk [tilespmem:v43+s19+$0x0], $0xffff;
	_ =	sdelay $0x4  }
0x2d2: {  	[tilespmem:v31+s25+$0x0] =	vst.idx.msk $0xffff, v32  }
0x2d3: {  	v32 =	vld [tilespmem:$0x200];
	_ =	sdelay $0x4  }
0x2d4: {  	(v2sf) =	vpush v32, $0x6;
	_ =	sdelay $0xe  }
0x2d5: {  	s10 =	spop (v2sf)  }
0x2d6: {  	s6 =	sand.u32 $0xFFFFF80, s10  }
0x2d7: {  	s6 =	sadd.s32 s1, s6  }
0x2d8: {  	[tilespmem:s19], [sflag:$0x7] =	stream.strided.gather [hbm4b:s6+s13], $0x2000, s11, s13, $0x38;
	[tilespmem:$0x1E400] =	vst v63  }
0x2d9: {  	_ =	swait.ge [sflag:s2], $0x2000  }
0x2da: {  	[sflag:s2] =	ssyncset.done $0x0  }
0x2db: {  	[sflag:s2] =	ssyncadd.s32 $0xFFFFE000  }
0x2dc: {  	v44 =	vld [tilespmem:$0x1F0];
	_ =	sdelay $0x4  }
0x2dd: {  	(v2sf) =	vpush v44, $0xF;
	_ =	sdelay $0xe  }
0x2de: {  	s7 =	spop (v2sf)  }
0x2df: {  	s6 =	sand.u32 $0x7F, s7  }
0x2e0: {  	v45 =	vor.u32 s6, v0;
	_ =	sdelay $0x4  }
0x2e1: {  	v32 =	vld.idx.msk [tilespmem:v45+s20+$0x0], $0xffff  }
0x2e2: {  	v46 =	vor.u32 s6, v2;
	_ =	sdelay $0x3  }
0x2e3: {  	[tilespmem:v28+s25+$0x0] =	vst.idx.msk $0xffff, v32  }
0x2e4: {  	v32 =	vld.idx.msk [tilespmem:v46+s20+$0x0], $0xffff  }
0x2e5: {  	v47 =	vor.u32 s6, v4;
	_ =	sdelay $0x3  }
0x2e6: {  	[tilespmem:v29+s25+$0x0] =	vst.idx.msk $0xffff, v32  }
0x2e7: {  	v32 =	vld.idx.msk [tilespmem:v47+s20+$0x0], $0xffff  }
0x2e8: {  	v48 =	vor.u32 s6, v6;
	_ =	sdelay $0x3  }
0x2e9: {  	[tilespmem:v30+s25+$0x0] =	vst.idx.msk $0xffff, v32  }
0x2ea: {  	v32 =	vld.idx.msk [tilespmem:v48+s20+$0x0], $0xffff;
	_ =	sdelay $0x4  }
0x2eb: {  	[tilespmem:v31+s25+$0x0] =	vst.idx.msk $0xffff, v32  }
0x2ec: {  	v32 =	vld [tilespmem:$0x200];
	_ =	sdelay $0x4  }
0x2ed: {  	(v2sf) =	vpush v32, $0x7;
	_ =	sdelay $0xe  }
0x2ee: {  	s9 =	spop (v2sf)  }
0x2ef: {  	s6 =	sand.u32 $0xFFFFF80, s9  }
0x2f0: {  	s6 =	sadd.s32 s1, s6  }
0x2f1: {  	[tilespmem:s20], [sflag:$0x8] =	stream.strided.gather [hbm4b:s6+s13], $0x2000, s11, s13, $0x38;
	[tilespmem:$0x1E400] =	vst v63  }
0x2f2: {  	_ =	swait.ge [sflag:s12], $0x2000  }
0x2f3: {  	[sflag:s12] =	ssyncset.done $0x0  }
0x2f4: {  	[sflag:s12] =	ssyncadd.s32 $0xFFFFE000  }
0x2f5: {  	v49 =	vld [tilespmem:$0x1F0];
	_ =	sdelay $0x4  }
0x2f6: {  	(v2sf) =	vpush v49, $0xF;
	_ =	sdelay $0xe  }
0x2f7: {  	s10 =	spop (v2sf)  }
0x2f8: {  	s6 =	sand.u32 $0x7F, s10  }
0x2f9: {  	v50 =	vor.u32 s6, v0;
	_ =	sdelay $0x4  }
0x2fa: {  	v32 =	vld.idx.msk [tilespmem:v50+s21+$0x0], $0xffff  }
0x2fb: {  	v51 =	vor.u32 s6, v2;
	_ =	sdelay $0x3  }
0x2fc: {  	[tilespmem:v28+s25+$0x0] =	vst.idx.msk $0xffff, v32  }
0x2fd: {  	v32 =	vld.idx.msk [tilespmem:v51+s21+$0x0], $0xffff  }
0x2fe: {  	v52 =	vor.u32 s6, v4;
	_ =	sdelay $0x3  }
0x2ff: {  	[tilespmem:v29+s25+$0x0] =	vst.idx.msk $0xffff, v32  }
0x300: {  	v32 =	vld.idx.msk [tilespmem:v52+s21+$0x0], $0xffff  }
0x301: {  	v53 =	vor.u32 s6, v6;
	_ =	sdelay $0x3  }
0x302: {  	[tilespmem:v30+s25+$0x0] =	vst.idx.msk $0xffff, v32  }
0x303: {  	v32 =	vld.idx.msk [tilespmem:v53+s21+$0x0], $0xffff;
	_ =	sdelay $0x4  }
0x304: {  	[tilespmem:v31+s25+$0x0] =	vst.idx.msk $0xffff, v32  }
0x305: {  	v32 =	vld [tilespmem:$0x200];
	_ =	sdelay $0x4  }
0x306: {  	(v2sf) =	vpush v32, $0x8;
	_ =	sdelay $0xe  }
0x307: {  	s7 =	spop (v2sf)  }
0x308: {  	s6 =	sand.u32 $0xFFFFF80, s7  }
0x309: {  	s6 =	sadd.s32 s1, s6  }
0x30a: {  	[tilespmem:s21], [sflag:$0x9] =	stream.strided.gather [hbm4b:s6+s13], $0x2000, s11, s13, $0x38;
	[tilespmem:$0x1E400] =	vst v63  }
0x30b: {  	_ =	swait.ge [sflag:s4], $0x2000  }
0x30c: {  	[sflag:s4] =	ssyncset.done $0x0  }
0x30d: {  	[sflag:s4] =	ssyncadd.s32 $0xFFFFE000  }
0x30e: {  	v54 =	vld [tilespmem:$0x1F0];
	_ =	sdelay $0x4  }
0x30f: {  	(v2sf) =	vpush v54, $0xF;
	_ =	sdelay $0xe  }
0x310: {  	s9 =	spop (v2sf)  }
0x311: {  	s6 =	sand.u32 $0x7F, s9  }
0x312: {  	v55 =	vor.u32 s6, v0;
	_ =	sdelay $0x4  }
0x313: {  	v32 =	vld.idx.msk [tilespmem:v55+s22+$0x0], $0xffff  }
0x314: {  	v56 =	vor.u32 s6, v2;
	_ =	sdelay $0x3  }
0x315: {  	[tilespmem:v28+s25+$0x0] =	vst.idx.msk $0xffff, v32  }
0x316: {  	v32 =	vld.idx.msk [tilespmem:v56+s22+$0x0], $0xffff  }
0x317: {  	v57 =	vor.u32 s6, v4;
	_ =	sdelay $0x3  }
0x318: {  	[tilespmem:v29+s25+$0x0] =	vst.idx.msk $0xffff, v32  }
0x319: {  	v32 =	vld.idx.msk [tilespmem:v57+s22+$0x0], $0xffff  }
0x31a: {  	v58 =	vor.u32 s6, v6;
	_ =	sdelay $0x3  }
0x31b: {  	[tilespmem:v30+s25+$0x0] =	vst.idx.msk $0xffff, v32  }
0x31c: {  	v32 =	vld.idx.msk [tilespmem:v58+s22+$0x0], $0xffff;
	_ =	sdelay $0x4  }
0x31d: {  	[tilespmem:v31+s25+$0x0] =	vst.idx.msk $0xffff, v32  }
0x31e: {  	v32 =	vld [tilespmem:$0x200];
	_ =	sdelay $0x4  }
0x31f: {  	(v2sf) =	vpush v32, $0x9;
	_ =	sdelay $0xe  }
0x320: {  	s10 =	spop (v2sf)  }
0x321: {  	s6 =	sand.u32 $0xFFFFF80, s10  }
0x322: {  	s6 =	sadd.s32 s1, s6  }
0x323: {  	[tilespmem:s22], [sflag:$0xA] =	stream.strided.gather [hbm4b:s6+s13], $0x2000, s11, s13, $0x38;
	[tilespmem:$0x1E400] =	vst v63  }
0x324: {  	_ =	swait.ge [sflag:s5], $0x2000  }
0x325: {  	[sflag:s5] =	ssyncset.done $0x0  }
0x326: {  	[sflag:s5] =	ssyncadd.s32 $0xFFFFE000  }
0x327: {  	v59 =	vld [tilespmem:$0x1F0];
	_ =	sdelay $0x4  }
0x328: {  	(v2sf) =	vpush v59, $0xF;
	_ =	sdelay $0xe  }
0x329: {  	s7 =	spop (v2sf)  }
0x32a: {  	s6 =	sand.u32 $0x7F, s7  }
0x32b: {  	v60 =	vor.u32 s6, v0;
	_ =	sdelay $0x4  }
0x32c: {  	v32 =	vld.idx.msk [tilespmem:v60+s23+$0x0], $0xffff  }
0x32d: {  	v61 =	vor.u32 s6, v2;
	_ =	sdelay $0x3  }
0x32e: {  	[tilespmem:v28+s25+$0x0] =	vst.idx.msk $0xffff, v32  }
0x32f: {  	v32 =	vld.idx.msk [tilespmem:v61+s23+$0x0], $0xffff  }
0x330: {  	v62 =	vor.u32 s6, v4;
	_ =	sdelay $0x3  }
0x331: {  	[tilespmem:v29+s25+$0x0] =	vst.idx.msk $0xffff, v32  }
0x332: {  	v32 =	vld.idx.msk [tilespmem:v62+s23+$0x0], $0xffff  }
0x333: {  	v63 =	vor.u32 s6, v6;
	_ =	sdelay $0x3  }
0x334: {  	[tilespmem:v30+s25+$0x0] =	vst.idx.msk $0xffff, v32  }
0x335: {  	v32 =	vld.idx.msk [tilespmem:v63+s23+$0x0], $0xffff;
	_ =	sdelay $0x4  }
0x336: {  	[tilespmem:v31+s25+$0x0] =	vst.idx.msk $0xffff, v32  }
0x337: {  	v32 =	vld [tilespmem:$0x200];
	_ =	sdelay $0x4  }
0x338: {  	(v2sf) =	vpush v32, $0xA;
	_ =	sdelay $0xe  }
0x339: {  	s9 =	spop (v2sf)  }
0x33a: {  	s6 =	sand.u32 $0xFFFFF80, s9  }
0x33b: {  	s6 =	sadd.s32 s1, s6  }
0x33c: {  	[tilespmem:s23], [sflag:$0xB] =	stream.strided.gather [hbm4b:s6+s13], $0x2000, s11, s13, $0x38;
	[tilespmem:$0x1E400] =	vst v63  }
0x33d: {  	s10 =	rddreg [dreg:$0x9];
	s7 =	simm.s32 $0x1000;
	s9 =	simm.s32 $0x20000  }
0x33e: {  	[hbm4b:s10+s7] =	stream.strided.scatter [tilespmem:s25], [sflag:$0xC], $0x8000, s9, s7, $0x38;
	[tilespmem:$0x1E400] =	vst v63  }
0x33f: {  	s10 =	simm.s32 $0xC  }
0x340: {  	_ =	swait.ge [sflag:s10], $0x8000  }
0x341: {  	[sflag:s10] =	ssyncset.done $0x0  }
0x342: {  	s6 =	simm.s32 $0x208;
	s9 =	simm.s32 $0x0;
	[sflag:s10] =	ssyncadd.s32 $0xFFFF8000  }
.LBB2_4:
0x343: {  	_ =	swait.ge [sflag:s24], $0x2000  }
0x344: {  	[sflag:s24] =	ssyncset.done $0x0  }
0x345: {  	[sflag:s24] =	ssyncadd.s32 $0xFFFFE000  }
0x346: {  	v32 =	vld [tilespmem:s6+$0xFFFFFFF8];
	_ =	sdelay $0x4  }
0x347: {  	(v2sf) =	vpush v32, $0x0;
	_ =	sdelay $0xe  }
0x348: {  	s7 =	spop (v2sf)  }
0x349: {  	s7 =	sand.u32 $0x7F, s7  }
0x34a: {  	v53 =	vor.u32 s7, v0  }
0x34b: {  	v33 =	vmov s9  }
0x34c: {  	v34 =	vshll.u32 v33, $0x3  }
0x34d: {  	v33 =	vand.u32 $0x7F, v33;
	v34 =	vand.u32 $0xC00, v34  }
0x34e: {  	v33 =	vor.u32 v33, v34  }
0x34f: {  	v34 =	vor.u32 v1, v33;
	v32 =	vld.idx.msk [tilespmem:v53+s13+$0x0], $0xffff  }
0x350: {  	v35 =	vor.u32 s7, v2;
	_ =	sdelay $0x3  }
0x351: {  	[tilespmem:v34+s25+$0x0] =	vst.idx.msk $0xffff, v32  }
0x352: {  	v54 =	vor.u32 v3, v33;
	v32 =	vld.idx.msk [tilespmem:v35+s13+$0x0], $0xffff  }
0x353: {  	v55 =	vor.u32 s7, v4;
	_ =	sdelay $0x3  }
0x354: {  	[tilespmem:v54+s25+$0x0] =	vst.idx.msk $0xffff, v32  }
0x355: {  	v56 =	vor.u32 v5, v33;
	v32 =	vld.idx.msk [tilespmem:v55+s13+$0x0], $0xffff  }
0x356: {  	v57 =	vor.u32 s7, v6;
	_ =	sdelay $0x3  }
0x357: {  	[tilespmem:v56+s25+$0x0] =	vst.idx.msk $0xffff, v32  }
0x358: {  	v33 =	vor.u32 v7, v33;
	v32 =	vld.idx.msk [tilespmem:v57+s13+$0x0], $0xffff;
	_ =	sdelay $0x4  }
0x359: {  	[tilespmem:v33+s25+$0x0] =	vst.idx.msk $0xffff, v32  }
0x35a: {  	v32 =	vld [tilespmem:s6+$0x3];
	_ =	sdelay $0x4  }
0x35b: {  	(v2sf) =	vpush v32, $0x0;
	_ =	sdelay $0xe  }
0x35c: {  	s10 =	spop (v2sf)  }
0x35d: {  	s7 =	sand.u32 $0xFFFFF80, s10  }
0x35e: {  	s7 =	sadd.s32 s1, s7  }
0x35f: {  	[tilespmem:s13], [sflag:$0x1] =	stream.strided.gather [hbm4b:s7+s13], $0x2000, s11, s13, $0x38;
	[tilespmem:$0x1E400] =	vst v63  }
0x360: {  	_ =	swait.ge [sflag:s26], $0x2000  }
0x361: {  	[sflag:s26] =	ssyncset.done $0x0  }
0x362: {  	[sflag:s26] =	ssyncadd.s32 $0xFFFFE000  }
0x363: {  	v58 =	vld [tilespmem:s6+$0xFFFFFFF9];
	_ =	sdelay $0x4  }
0x364: {  	(v2sf) =	vpush v58, $0x0;
	_ =	sdelay $0xe  }
0x365: {  	s10 =	spop (v2sf)  }
0x366: {  	s7 =	sand.u32 $0x7F, s10  }
0x367: {  	s10 =	sadd.s32 $0x1, s9;
	v59 =	vor.u32 s7, v0  }
0x368: {  	v60 =	vmov s10  }
0x369: {  	v61 =	vshll.u32 v60, $0x3  }
0x36a: {  	v33 =	vand.u32 $0x7F, v60;
	v34 =	vand.u32 $0x1C00, v61  }
0x36b: {  	v33 =	vor.u32 v33, v34  }
0x36c: {  	v34 =	vadd.s32 v1, v33;
	v32 =	vld.idx.msk [tilespmem:v59+s14+$0x0], $0xffff  }
0x36d: {  	v62 =	vor.u32 s7, v2;
	_ =	sdelay $0x3  }
0x36e: {  	[tilespmem:v34+s25+$0x0] =	vst.idx.msk $0xffff, v32  }
0x36f: {  	v63 =	vadd.s32 v3, v33;
	v32 =	vld.idx.msk [tilespmem:v62+s14+$0x0], $0xffff  }
0x370: {  	v36 =	vor.u32 s7, v4;
	_ =	sdelay $0x3  }
0x371: {  	[tilespmem:v63+s25+$0x0] =	vst.idx.msk $0xffff, v32  }
0x372: {  	v37 =	vadd.s32 v5, v33;
	v32 =	vld.idx.msk [tilespmem:v36+s14+$0x0], $0xffff  }
0x373: {  	v38 =	vor.u32 s7, v6;
	_ =	sdelay $0x3  }
0x374: {  	[tilespmem:v37+s25+$0x0] =	vst.idx.msk $0xffff, v32  }
0x375: {  	v33 =	vadd.s32 v7, v33;
	v32 =	vld.idx.msk [tilespmem:v38+s14+$0x0], $0xffff;
	_ =	sdelay $0x4  }
0x376: {  	[tilespmem:v33+s25+$0x0] =	vst.idx.msk $0xffff, v32  }
0x377: {  	v32 =	vld [tilespmem:s6+$0x4];
	_ =	sdelay $0x4  }
0x378: {  	(v2sf) =	vpush v32, $0x0;
	_ =	sdelay $0xe  }
0x379: {  	s10 =	spop (v2sf)  }
0x37a: {  	s7 =	sand.u32 $0xFFFFF80, s10  }
0x37b: {  	s7 =	sadd.s32 s1, s7  }
0x37c: {  	[tilespmem:s14], [sflag:$0x2] =	stream.strided.gather [hbm4b:s7+s13], $0x2000, s11, s13, $0x38;
	[tilespmem:$0x1E400] =	vst v63  }
0x37d: {  	_ =	swait.ge [sflag:s28], $0x2000  }
0x37e: {  	[sflag:s28] =	ssyncset.done $0x0  }
0x37f: {  	[sflag:s28] =	ssyncadd.s32 $0xFFFFE000  }
0x380: {  	v39 =	vld [tilespmem:s6+$0xFFFFFFFA];
	_ =	sdelay $0x4  }
0x381: {  	(v2sf) =	vpush v39, $0x0;
	_ =	sdelay $0xe  }
0x382: {  	s10 =	spop (v2sf)  }
0x383: {  	s7 =	sand.u32 $0x7F, s10  }
0x384: {  	s10 =	sadd.s32 $0x2, s9;
	v40 =	vor.u32 s7, v0  }
0x385: {  	v41 =	vmov s10  }
0x386: {  	v42 =	vshll.u32 v41, $0x3  }
0x387: {  	v33 =	vand.u32 $0x7F, v41;
	v34 =	vand.u32 $0x1C00, v42  }
0x388: {  	v33 =	vor.u32 v33, v34  }
0x389: {  	v34 =	vadd.s32 v1, v33;
	v32 =	vld.idx.msk [tilespmem:v40+s15+$0x0], $0xffff  }
0x38a: {  	v43 =	vor.u32 s7, v2;
	_ =	sdelay $0x3  }
0x38b: {  	[tilespmem:v34+s25+$0x0] =	vst.idx.msk $0xffff, v32  }
0x38c: {  	v44 =	vadd.s32 v3, v33;
	v32 =	vld.idx.msk [tilespmem:v43+s15+$0x0], $0xffff  }
0x38d: {  	v45 =	vor.u32 s7, v4;
	_ =	sdelay $0x3  }
0x38e: {  	[tilespmem:v44+s25+$0x0] =	vst.idx.msk $0xffff, v32  }
0x38f: {  	v46 =	vadd.s32 v5, v33;
	v32 =	vld.idx.msk [tilespmem:v45+s15+$0x0], $0xffff  }
0x390: {  	v47 =	vor.u32 s7, v6;
	_ =	sdelay $0x3  }
0x391: {  	[tilespmem:v46+s25+$0x0] =	vst.idx.msk $0xffff, v32  }
0x392: {  	v33 =	vadd.s32 v7, v33;
	v32 =	vld.idx.msk [tilespmem:v47+s15+$0x0], $0xffff;
	_ =	sdelay $0x4  }
0x393: {  	[tilespmem:v33+s25+$0x0] =	vst.idx.msk $0xffff, v32  }
0x394: {  	v32 =	vld [tilespmem:s6+$0x5];
	_ =	sdelay $0x4  }
0x395: {  	(v2sf) =	vpush v32, $0x0;
	_ =	sdelay $0xe  }
0x396: {  	s10 =	spop (v2sf)  }
0x397: {  	s7 =	sand.u32 $0xFFFFF80, s10  }
0x398: {  	s7 =	sadd.s32 s1, s7  }
0x399: {  	[tilespmem:s15], [sflag:$0x3] =	stream.strided.gather [hbm4b:s7+s13], $0x2000, s11, s13, $0x38;
	[tilespmem:$0x1E400] =	vst v63  }
0x39a: {  	_ =	swait.ge [sflag:s29], $0x2000  }
0x39b: {  	[sflag:s29] =	ssyncset.done $0x0  }
0x39c: {  	[sflag:s29] =	ssyncadd.s32 $0xFFFFE000  }
0x39d: {  	v48 =	vld [tilespmem:s6+$0xFFFFFFFB];
	_ =	sdelay $0x4  }
0x39e: {  	(v2sf) =	vpush v48, $0x0;
	_ =	sdelay $0xe  }
0x39f: {  	s10 =	spop (v2sf)  }
0x3a0: {  	s7 =	sand.u32 $0x7F, s10  }
0x3a1: {  	s10 =	sadd.s32 $0x3, s9;
	v49 =	vor.u32 s7, v0  }
0x3a2: {  	v50 =	vmov s10  }
0x3a3: {  	v51 =	vshll.u32 v50, $0x3  }
0x3a4: {  	v33 =	vand.u32 $0x7F, v50;
	v34 =	vand.u32 $0x1C00, v51  }
0x3a5: {  	v33 =	vor.u32 v33, v34  }
0x3a6: {  	v34 =	vadd.s32 v1, v33;
	v32 =	vld.idx.msk [tilespmem:v49+s16+$0x0], $0xffff  }
0x3a7: {  	v52 =	vor.u32 s7, v2;
	_ =	sdelay $0x3  }
0x3a8: {  	[tilespmem:v34+s25+$0x0] =	vst.idx.msk $0xffff, v32  }
0x3a9: {  	v53 =	vadd.s32 v3, v33;
	v32 =	vld.idx.msk [tilespmem:v52+s16+$0x0], $0xffff  }
0x3aa: {  	v54 =	vor.u32 s7, v4;
	_ =	sdelay $0x3  }
0x3ab: {  	[tilespmem:v53+s25+$0x0] =	vst.idx.msk $0xffff, v32  }
0x3ac: {  	v55 =	vadd.s32 v5, v33;
	v32 =	vld.idx.msk [tilespmem:v54+s16+$0x0], $0xffff  }
0x3ad: {  	v56 =	vor.u32 s7, v6;
	_ =	sdelay $0x3  }
0x3ae: {  	[tilespmem:v55+s25+$0x0] =	vst.idx.msk $0xffff, v32  }
0x3af: {  	v33 =	vadd.s32 v7, v33;
	v32 =	vld.idx.msk [tilespmem:v56+s16+$0x0], $0xffff;
	_ =	sdelay $0x4  }
0x3b0: {  	[tilespmem:v33+s25+$0x0] =	vst.idx.msk $0xffff, v32  }
0x3b1: {  	v32 =	vld [tilespmem:s6+$0x6];
	_ =	sdelay $0x4  }
0x3b2: {  	(v2sf) =	vpush v32, $0x0;
	_ =	sdelay $0xe  }
0x3b3: {  	s10 =	spop (v2sf)  }
0x3b4: {  	s7 =	sand.u32 $0xFFFFF80, s10  }
0x3b5: {  	s7 =	sadd.s32 s1, s7  }
0x3b6: {  	[tilespmem:s16], [sflag:$0x4] =	stream.strided.gather [hbm4b:s7+s13], $0x2000, s11, s13, $0x38;
	[tilespmem:$0x1E400] =	vst v63  }
0x3b7: {  	_ =	swait.ge [sflag:s30], $0x2000  }
0x3b8: {  	[sflag:s30] =	ssyncset.done $0x0  }
0x3b9: {  	[sflag:s30] =	ssyncadd.s32 $0xFFFFE000  }
0x3ba: {  	v57 =	vld [tilespmem:s6+$0xFFFFFFFC];
	_ =	sdelay $0x4  }
0x3bb: {  	(v2sf) =	vpush v57, $0x0;
	_ =	sdelay $0xe  }
0x3bc: {  	s10 =	spop (v2sf)  }
0x3bd: {  	s7 =	sand.u32 $0x7F, s10  }
0x3be: {  	s10 =	sadd.s32 $0x4, s9;
	v58 =	vor.u32 s7, v0  }
0x3bf: {  	v59 =	vmov s10  }
0x3c0: {  	v60 =	vshll.u32 v59, $0x3  }
0x3c1: {  	v33 =	vand.u32 $0x7F, v59;
	v34 =	vand.u32 $0x1C00, v60  }
0x3c2: {  	v33 =	vor.u32 v33, v34  }
0x3c3: {  	v34 =	vadd.s32 v1, v33;
	v32 =	vld.idx.msk [tilespmem:v58+s17+$0x0], $0xffff  }
0x3c4: {  	v61 =	vor.u32 s7, v2;
	_ =	sdelay $0x3  }
0x3c5: {  	[tilespmem:v34+s25+$0x0] =	vst.idx.msk $0xffff, v32  }
0x3c6: {  	v62 =	vadd.s32 v3, v33;
	v32 =	vld.idx.msk [tilespmem:v61+s17+$0x0], $0xffff  }
0x3c7: {  	v63 =	vor.u32 s7, v4;
	_ =	sdelay $0x3  }
0x3c8: {  	[tilespmem:v62+s25+$0x0] =	vst.idx.msk $0xffff, v32  }
0x3c9: {  	v36 =	vadd.s32 v5, v33;
	v32 =	vld.idx.msk [tilespmem:v63+s17+$0x0], $0xffff  }
0x3ca: {  	v37 =	vor.u32 s7, v6;
	_ =	sdelay $0x3  }
0x3cb: {  	[tilespmem:v36+s25+$0x0] =	vst.idx.msk $0xffff, v32  }
0x3cc: {  	v33 =	vadd.s32 v7, v33;
	v32 =	vld.idx.msk [tilespmem:v37+s17+$0x0], $0xffff;
	_ =	sdelay $0x4  }
0x3cd: {  	[tilespmem:v33+s25+$0x0] =	vst.idx.msk $0xffff, v32  }
0x3ce: {  	v32 =	vld [tilespmem:s6+$0x7];
	_ =	sdelay $0x4  }
0x3cf: {  	(v2sf) =	vpush v32, $0x0;
	_ =	sdelay $0xe  }
0x3d0: {  	s10 =	spop (v2sf)  }
0x3d1: {  	s7 =	sand.u32 $0xFFFFF80, s10  }
0x3d2: {  	s7 =	sadd.s32 s1, s7  }
0x3d3: {  	[tilespmem:s17], [sflag:$0x5] =	stream.strided.gather [hbm4b:s7+s13], $0x2000, s11, s13, $0x38;
	[tilespmem:$0x1E400] =	vst v63  }
0x3d4: {  	_ =	swait.ge [sflag:s31], $0x2000  }
0x3d5: {  	[sflag:s31] =	ssyncset.done $0x0  }
0x3d6: {  	[sflag:s31] =	ssyncadd.s32 $0xFFFFE000  }
0x3d7: {  	v38 =	vld [tilespmem:s6+$0xFFFFFFFD];
	_ =	sdelay $0x4  }
0x3d8: {  	(v2sf) =	vpush v38, $0x0;
	_ =	sdelay $0xe  }
0x3d9: {  	s10 =	spop (v2sf)  }
0x3da: {  	s7 =	sand.u32 $0x7F, s10  }
0x3db: {  	s10 =	sadd.s32 $0x5, s9;
	v39 =	vor.u32 s7, v0  }
0x3dc: {  	v40 =	vmov s10  }
0x3dd: {  	v41 =	vshll.u32 v40, $0x3  }
0x3de: {  	v33 =	vand.u32 $0x7F, v40;
	v34 =	vand.u32 $0x1C00, v41  }
0x3df: {  	v33 =	vor.u32 v33, v34  }
0x3e0: {  	v34 =	vadd.s32 v1, v33;
	v32 =	vld.idx.msk [tilespmem:v39+s18+$0x0], $0xffff  }
0x3e1: {  	v42 =	vor.u32 s7, v2;
	_ =	sdelay $0x3  }
0x3e2: {  	[tilespmem:v34+s25+$0x0] =	vst.idx.msk $0xffff, v32  }
0x3e3: {  	v43 =	vadd.s32 v3, v33;
	v32 =	vld.idx.msk [tilespmem:v42+s18+$0x0], $0xffff  }
0x3e4: {  	v44 =	vor.u32 s7, v4;
	_ =	sdelay $0x3  }
0x3e5: {  	[tilespmem:v43+s25+$0x0] =	vst.idx.msk $0xffff, v32  }
0x3e6: {  	v45 =	vadd.s32 v5, v33;
	v32 =	vld.idx.msk [tilespmem:v44+s18+$0x0], $0xffff  }
0x3e7: {  	v46 =	vor.u32 s7, v6;
	_ =	sdelay $0x3  }
0x3e8: {  	[tilespmem:v45+s25+$0x0] =	vst.idx.msk $0xffff, v32  }
0x3e9: {  	v33 =	vadd.s32 v7, v33;
	v32 =	vld.idx.msk [tilespmem:v46+s18+$0x0], $0xffff;
	_ =	sdelay $0x4  }
0x3ea: {  	[tilespmem:v33+s25+$0x0] =	vst.idx.msk $0xffff, v32  }
0x3eb: {  	v32 =	vld [tilespmem:s6+$0x8];
	_ =	sdelay $0x4  }
0x3ec: {  	(v2sf) =	vpush v32, $0x0;
	_ =	sdelay $0xe  }
0x3ed: {  	s10 =	spop (v2sf)  }
0x3ee: {  	s7 =	sand.u32 $0xFFFFF80, s10  }
0x3ef: {  	s7 =	sadd.s32 s1, s7  }
0x3f0: {  	[tilespmem:s18], [sflag:$0x6] =	stream.strided.gather [hbm4b:s7+s13], $0x2000, s11, s13, $0x38;
	[tilespmem:$0x1E400] =	vst v63  }
0x3f1: {  	_ =	swait.ge [sflag:s3], $0x2000  }
0x3f2: {  	[sflag:s3] =	ssyncset.done $0x0  }
0x3f3: {  	[sflag:s3] =	ssyncadd.s32 $0xFFFFE000  }
0x3f4: {  	v47 =	vld [tilespmem:s6+$0xFFFFFFFE];
	_ =	sdelay $0x4  }
0x3f5: {  	(v2sf) =	vpush v47, $0x0;
	_ =	sdelay $0xe  }
0x3f6: {  	s10 =	spop (v2sf)  }
0x3f7: {  	s7 =	sand.u32 $0x7F, s10  }
0x3f8: {  	s10 =	sadd.s32 $0x6, s9;
	v48 =	vor.u32 s7, v0  }
0x3f9: {  	v49 =	vmov s10  }
0x3fa: {  	v50 =	vshll.u32 v49, $0x3  }
0x3fb: {  	v33 =	vand.u32 $0x7F, v49;
	v34 =	vand.u32 $0x1C00, v50  }
0x3fc: {  	v33 =	vor.u32 v33, v34  }
0x3fd: {  	v34 =	vadd.s32 v1, v33;
	v32 =	vld.idx.msk [tilespmem:v48+s19+$0x0], $0xffff  }
0x3fe: {  	v51 =	vor.u32 s7, v2;
	_ =	sdelay $0x3  }
0x3ff: {  	[tilespmem:v34+s25+$0x0] =	vst.idx.msk $0xffff, v32  }
0x400: {  	v52 =	vadd.s32 v3, v33;
	v32 =	vld.idx.msk [tilespmem:v51+s19+$0x0], $0xffff  }
0x401: {  	v53 =	vor.u32 s7, v4;
	_ =	sdelay $0x3  }
0x402: {  	[tilespmem:v52+s25+$0x0] =	vst.idx.msk $0xffff, v32  }
0x403: {  	v54 =	vadd.s32 v5, v33;
	v32 =	vld.idx.msk [tilespmem:v53+s19+$0x0], $0xffff  }
0x404: {  	v55 =	vor.u32 s7, v6;
	_ =	sdelay $0x3  }
0x405: {  	[tilespmem:v54+s25+$0x0] =	vst.idx.msk $0xffff, v32  }
0x406: {  	v33 =	vadd.s32 v7, v33;
	v32 =	vld.idx.msk [tilespmem:v55+s19+$0x0], $0xffff;
	_ =	sdelay $0x4  }
0x407: {  	s10 =	smin.u32 s9, $0x1EE;
	[tilespmem:v33+s25+$0x0] =	vst.idx.msk $0xffff, v32  }
0x408: {  	v32 =	vld [tilespmem:s10+$0x211];
	_ =	sdelay $0x4  }
0x409: {  	(v2sf) =	vpush v32, $0x0;
	_ =	sdelay $0xe  }
0x40a: {  	s10 =	spop (v2sf)  }
0x40b: {  	s7 =	sand.u32 $0xFFFFF80, s10  }
0x40c: {  	s7 =	sadd.s32 s1, s7  }
0x40d: {  	[tilespmem:s19], [sflag:$0x7] =	stream.strided.gather [hbm4b:s7+s13], $0x2000, s11, s13, $0x38;
	[tilespmem:$0x1E400] =	vst v63  }
0x40e: {  	_ =	swait.ge [sflag:s2], $0x2000  }
0x40f: {  	[sflag:s2] =	ssyncset.done $0x0  }
0x410: {  	[sflag:s2] =	ssyncadd.s32 $0xFFFFE000  }
0x411: {  	v56 =	vld [tilespmem:s6+$0xFFFFFFFF];
	_ =	sdelay $0x4  }
0x412: {  	(v2sf) =	vpush v56, $0x0;
	_ =	sdelay $0xe  }
0x413: {  	s10 =	spop (v2sf)  }
0x414: {  	s7 =	sand.u32 $0x7F, s10  }
0x415: {  	s10 =	sadd.s32 $0x7, s9;
	v57 =	vor.u32 s7, v0  }
0x416: {  	v58 =	vmov s10  }
0x417: {  	v59 =	vshll.u32 v58, $0x3  }
0x418: {  	v33 =	vand.u32 $0x7F, v58;
	v34 =	vand.u32 $0x1C00, v59  }
0x419: {  	v33 =	vor.u32 v33, v34  }
0x41a: {  	v34 =	vadd.s32 v1, v33;
	v32 =	vld.idx.msk [tilespmem:v57+s20+$0x0], $0xffff  }
0x41b: {  	v60 =	vor.u32 s7, v2;
	_ =	sdelay $0x3  }
0x41c: {  	[tilespmem:v34+s25+$0x0] =	vst.idx.msk $0xffff, v32  }
0x41d: {  	v61 =	vadd.s32 v3, v33;
	v32 =	vld.idx.msk [tilespmem:v60+s20+$0x0], $0xffff  }
0x41e: {  	v62 =	vor.u32 s7, v4;
	_ =	sdelay $0x3  }
0x41f: {  	[tilespmem:v61+s25+$0x0] =	vst.idx.msk $0xffff, v32  }
0x420: {  	v63 =	vadd.s32 v5, v33;
	v32 =	vld.idx.msk [tilespmem:v62+s20+$0x0], $0xffff  }
0x421: {  	v36 =	vor.u32 s7, v6;
	_ =	sdelay $0x3  }
0x422: {  	[tilespmem:v63+s25+$0x0] =	vst.idx.msk $0xffff, v32  }
0x423: {  	v33 =	vadd.s32 v7, v33;
	v32 =	vld.idx.msk [tilespmem:v36+s20+$0x0], $0xffff;
	_ =	sdelay $0x4  }
0x424: {  	s10 =	smin.u32 s9, $0x1ED;
	[tilespmem:v33+s25+$0x0] =	vst.idx.msk $0xffff, v32  }
0x425: {  	v32 =	vld [tilespmem:s10+$0x212];
	_ =	sdelay $0x4  }
0x426: {  	(v2sf) =	vpush v32, $0x0;
	_ =	sdelay $0xe  }
0x427: {  	s10 =	spop (v2sf)  }
0x428: {  	s7 =	sand.u32 $0xFFFFF80, s10  }
0x429: {  	s7 =	sadd.s32 s1, s7  }
0x42a: {  	[tilespmem:s20], [sflag:$0x8] =	stream.strided.gather [hbm4b:s7+s13], $0x2000, s11, s13, $0x38;
	[tilespmem:$0x1E400] =	vst v63  }
0x42b: {  	_ =	swait.ge [sflag:s12], $0x2000  }
0x42c: {  	[sflag:s12] =	ssyncset.done $0x0  }
0x42d: {  	[sflag:s12] =	ssyncadd.s32 $0xFFFFE000  }
0x42e: {  	v37 =	vld [tilespmem:s6+$0x0];
	_ =	sdelay $0x4  }
0x42f: {  	(v2sf) =	vpush v37, $0x0;
	_ =	sdelay $0xe  }
0x430: {  	s10 =	spop (v2sf)  }
0x431: {  	s7 =	sand.u32 $0x7F, s10  }
0x432: {  	s10 =	sadd.s32 $0x8, s9;
	v38 =	vor.u32 s7, v0  }
0x433: {  	v39 =	vmov s10  }
0x434: {  	v40 =	vshll.u32 v39, $0x3  }
0x435: {  	v33 =	vand.u32 $0x7F, v39;
	v34 =	vand.u32 $0x1C00, v40  }
0x436: {  	v33 =	vor.u32 v33, v34  }
0x437: {  	v34 =	vadd.s32 v1, v33;
	v32 =	vld.idx.msk [tilespmem:v38+s21+$0x0], $0xffff  }
0x438: {  	v41 =	vor.u32 s7, v2;
	_ =	sdelay $0x3  }
0x439: {  	[tilespmem:v34+s25+$0x0] =	vst.idx.msk $0xffff, v32  }
0x43a: {  	v42 =	vadd.s32 v3, v33;
	v32 =	vld.idx.msk [tilespmem:v41+s21+$0x0], $0xffff  }
0x43b: {  	v43 =	vor.u32 s7, v4;
	_ =	sdelay $0x3  }
0x43c: {  	[tilespmem:v42+s25+$0x0] =	vst.idx.msk $0xffff, v32  }
0x43d: {  	v44 =	vadd.s32 v5, v33;
	v32 =	vld.idx.msk [tilespmem:v43+s21+$0x0], $0xffff  }
0x43e: {  	v45 =	vor.u32 s7, v6;
	_ =	sdelay $0x3  }
0x43f: {  	[tilespmem:v44+s25+$0x0] =	vst.idx.msk $0xffff, v32  }
0x440: {  	v33 =	vadd.s32 v7, v33;
	v32 =	vld.idx.msk [tilespmem:v45+s21+$0x0], $0xffff;
	_ =	sdelay $0x4  }
0x441: {  	s10 =	smin.u32 s9, $0x1EC;
	[tilespmem:v33+s25+$0x0] =	vst.idx.msk $0xffff, v32  }
0x442: {  	v32 =	vld [tilespmem:s10+$0x213];
	_ =	sdelay $0x4  }
0x443: {  	(v2sf) =	vpush v32, $0x0;
	_ =	sdelay $0xe  }
0x444: {  	s10 =	spop (v2sf)  }
0x445: {  	s7 =	sand.u32 $0xFFFFF80, s10  }
0x446: {  	s7 =	sadd.s32 s1, s7  }
0x447: {  	[tilespmem:s21], [sflag:$0x9] =	stream.strided.gather [hbm4b:s7+s13], $0x2000, s11, s13, $0x38;
	[tilespmem:$0x1E400] =	vst v63  }
0x448: {  	_ =	swait.ge [sflag:s4], $0x2000  }
0x449: {  	[sflag:s4] =	ssyncset.done $0x0  }
0x44a: {  	[sflag:s4] =	ssyncadd.s32 $0xFFFFE000  }
0x44b: {  	v46 =	vld [tilespmem:s6+$0x1];
	_ =	sdelay $0x4  }
0x44c: {  	(v2sf) =	vpush v46, $0x0;
	_ =	sdelay $0xe  }
0x44d: {  	s10 =	spop (v2sf)  }
0x44e: {  	s7 =	sand.u32 $0x7F, s10  }
0x44f: {  	s10 =	sadd.s32 $0x9, s9;
	v47 =	vor.u32 s7, v0  }
0x450: {  	v48 =	vmov s10  }
0x451: {  	v49 =	vshll.u32 v48, $0x3  }
0x452: {  	v33 =	vand.u32 $0x7F, v48;
	v34 =	vand.u32 $0x1C00, v49  }
0x453: {  	v33 =	vor.u32 v33, v34  }
0x454: {  	v34 =	vadd.s32 v1, v33;
	v32 =	vld.idx.msk [tilespmem:v47+s22+$0x0], $0xffff  }
0x455: {  	v50 =	vor.u32 s7, v2;
	_ =	sdelay $0x3  }
0x456: {  	[tilespmem:v34+s25+$0x0] =	vst.idx.msk $0xffff, v32  }
0x457: {  	v51 =	vadd.s32 v3, v33;
	v32 =	vld.idx.msk [tilespmem:v50+s22+$0x0], $0xffff  }
0x458: {  	v52 =	vor.u32 s7, v4;
	_ =	sdelay $0x3  }
0x459: {  	[tilespmem:v51+s25+$0x0] =	vst.idx.msk $0xffff, v32  }
0x45a: {  	v53 =	vadd.s32 v5, v33;
	v32 =	vld.idx.msk [tilespmem:v52+s22+$0x0], $0xffff  }
0x45b: {  	v54 =	vor.u32 s7, v6;
	_ =	sdelay $0x3  }
0x45c: {  	[tilespmem:v53+s25+$0x0] =	vst.idx.msk $0xffff, v32  }
0x45d: {  	v33 =	vadd.s32 v7, v33;
	v32 =	vld.idx.msk [tilespmem:v54+s22+$0x0], $0xffff;
	_ =	sdelay $0x4  }
0x45e: {  	s10 =	smin.u32 s9, $0x1EB;
	[tilespmem:v33+s25+$0x0] =	vst.idx.msk $0xffff, v32  }
0x45f: {  	v32 =	vld [tilespmem:s10+$0x214];
	_ =	sdelay $0x4  }
0x460: {  	(v2sf) =	vpush v32, $0x0;
	_ =	sdelay $0xe  }
0x461: {  	s10 =	spop (v2sf)  }
0x462: {  	s7 =	sand.u32 $0xFFFFF80, s10  }
0x463: {  	s7 =	sadd.s32 s1, s7  }
0x464: {  	[tilespmem:s22], [sflag:$0xA] =	stream.strided.gather [hbm4b:s7+s13], $0x2000, s11, s13, $0x38;
	[tilespmem:$0x1E400] =	vst v63  }
0x465: {  	_ =	swait.ge [sflag:s5], $0x2000  }
0x466: {  	[sflag:s5] =	ssyncset.done $0x0  }
0x467: {  	[sflag:s5] =	ssyncadd.s32 $0xFFFFE000  }
0x468: {  	v55 =	vld [tilespmem:s6+$0x2];
	_ =	sdelay $0x4  }
0x469: {  	(v2sf) =	vpush v55, $0x0;
	_ =	sdelay $0xe  }
0x46a: {  	s10 =	spop (v2sf)  }
0x46b: {  	s7 =	sand.u32 $0x7F, s10  }
0x46c: {  	s10 =	sadd.s32 $0xA, s9;
	v56 =	vor.u32 s7, v0  }
0x46d: {  	v57 =	vmov s10  }
0x46e: {  	v58 =	vshll.u32 v57, $0x3  }
0x46f: {  	v33 =	vand.u32 $0x7F, v57;
	v34 =	vand.u32 $0x1C00, v58  }
0x470: {  	v33 =	vor.u32 v33, v34  }
0x471: {  	v34 =	vadd.s32 v1, v33;
	v32 =	vld.idx.msk [tilespmem:v56+s23+$0x0], $0xffff  }
0x472: {  	v59 =	vor.u32 s7, v2;
	_ =	sdelay $0x3  }
0x473: {  	[tilespmem:v34+s25+$0x0] =	vst.idx.msk $0xffff, v32  }
0x474: {  	v60 =	vadd.s32 v3, v33;
	v32 =	vld.idx.msk [tilespmem:v59+s23+$0x0], $0xffff  }
0x475: {  	v61 =	vor.u32 s7, v4;
	_ =	sdelay $0x3  }
0x476: {  	[tilespmem:v60+s25+$0x0] =	vst.idx.msk $0xffff, v32  }
0x477: {  	v62 =	vadd.s32 v5, v33;
	v32 =	vld.idx.msk [tilespmem:v61+s23+$0x0], $0xffff  }
0x478: {  	v63 =	vor.u32 s7, v6;
	_ =	sdelay $0x3  }
0x479: {  	[tilespmem:v62+s25+$0x0] =	vst.idx.msk $0xffff, v32  }
0x47a: {  	v33 =	vadd.s32 v7, v33;
	v32 =	vld.idx.msk [tilespmem:v63+s23+$0x0], $0xffff;
	_ =	sdelay $0x4  }
0x47b: {  	s10 =	smin.u32 s9, $0x1EA;
	[tilespmem:v33+s25+$0x0] =	vst.idx.msk $0xffff, v32  }
0x47c: {  	v32 =	vld [tilespmem:s10+$0x215];
	_ =	sdelay $0x4  }
0x47d: {  	(v2sf) =	vpush v32, $0x0;
	_ =	sdelay $0xc  }
0x47e: {  	p0 =	sne.s32 s9, $0x1EF  }
.Ltmp1:
0x47f: {  	_ = 	snop;
	(pc) =	sbr.rel @p0 .LBB2_4-.Ltmp1, $4  }
0x480: {  	s10 =	spop (v2sf)  }
0x481: {  	s7 =	sand.u32 $0xFFFFF80, s10  }
0x482: {  	s6 =	sadd.s32 $0xB, s6;
	s9 =	sadd.s32 $0xB, s9;
	s7 =	sadd.s32 s1, s7  }
0x483: {  	[tilespmem:s23], [sflag:$0xB] =	stream.strided.gather [hbm4b:s7+s13], $0x2000, s11, s13, $0x38;
	[tilespmem:$0x1E400] =	vst v63  }
0x484: {  	_ =	swait.ge [sflag:s24], $0x2000  }
0x485: {  	[sflag:s24] =	ssyncset.done $0x0  }
0x486: {  	[sflag:s24] =	ssyncadd.s32 $0xFFFFE000  }
0x487: {  	v32 =	vld [tilespmem:$0x3F0];
	_ =	sdelay $0x4  }
0x488: {  	(v2sf) =	vpush v32, $0xA;
	_ =	sdelay $0xe  }
0x489: {  	s6 =	spop (v2sf)  }
0x48a: {  	s6 =	sand.u32 $0x7F, s6  }
0x48b: {  	v39 =	vor.u32 s6, v0;
	_ =	sdelay $0x4  }
0x48c: {  	v32 =	vld.idx.msk [tilespmem:v39+s13+$0x0], $0xffff  }
0x48d: {  	v33 =	vor.u32 s6, v2;
	_ =	sdelay $0x3  }
0x48e: {  	[tilespmem:v8+s25+$0x0] =	vst.idx.msk $0xffff, v32  }
0x48f: {  	v32 =	vld.idx.msk [tilespmem:v33+s13+$0x0], $0xffff  }
0x490: {  	v40 =	vor.u32 s6, v4;
	_ =	sdelay $0x3  }
0x491: {  	[tilespmem:v9+s25+$0x0] =	vst.idx.msk $0xffff, v32  }
0x492: {  	v32 =	vld.idx.msk [tilespmem:v40+s13+$0x0], $0xffff  }
0x493: {  	v41 =	vor.u32 s6, v6;
	_ =	sdelay $0x3  }
0x494: {  	[tilespmem:v10+s25+$0x0] =	vst.idx.msk $0xffff, v32  }
0x495: {  	v32 =	vld.idx.msk [tilespmem:v41+s13+$0x0], $0xffff;
	_ =	sdelay $0x4  }
0x496: {  	[tilespmem:v11+s25+$0x0] =	vst.idx.msk $0xffff, v32  }
0x497: {  	_ =	swait.ge [sflag:s26], $0x2000  }
0x498: {  	[sflag:s26] =	ssyncset.done $0x0  }
0x499: {  	[sflag:s26] =	ssyncadd.s32 $0xFFFFE000  }
0x49a: {  	v42 =	vld [tilespmem:$0x3F0];
	_ =	sdelay $0x4  }
0x49b: {  	(v2sf) =	vpush v42, $0xB;
	_ =	sdelay $0xe  }
0x49c: {  	s9 =	spop (v2sf)  }
0x49d: {  	s6 =	sand.u32 $0x7F, s9  }
0x49e: {  	v43 =	vor.u32 s6, v0;
	_ =	sdelay $0x4  }
0x49f: {  	v32 =	vld.idx.msk [tilespmem:v43+s14+$0x0], $0xffff  }
0x4a0: {  	v44 =	vor.u32 s6, v2;
	_ =	sdelay $0x3  }
0x4a1: {  	[tilespmem:v12+s25+$0x0] =	vst.idx.msk $0xffff, v32  }
0x4a2: {  	v32 =	vld.idx.msk [tilespmem:v44+s14+$0x0], $0xffff  }
0x4a3: {  	v45 =	vor.u32 s6, v4;
	_ =	sdelay $0x3  }
0x4a4: {  	[tilespmem:v13+s25+$0x0] =	vst.idx.msk $0xffff, v32  }
0x4a5: {  	v32 =	vld.idx.msk [tilespmem:v45+s14+$0x0], $0xffff  }
0x4a6: {  	v46 =	vor.u32 s6, v6;
	_ =	sdelay $0x3  }
0x4a7: {  	[tilespmem:v14+s25+$0x0] =	vst.idx.msk $0xffff, v32  }
0x4a8: {  	v32 =	vld.idx.msk [tilespmem:v46+s14+$0x0], $0xffff;
	_ =	sdelay $0x4  }
0x4a9: {  	[tilespmem:v15+s25+$0x0] =	vst.idx.msk $0xffff, v32  }
0x4aa: {  	_ =	swait.ge [sflag:s28], $0x2000  }
0x4ab: {  	[sflag:s28] =	ssyncset.done $0x0  }
0x4ac: {  	[sflag:s28] =	ssyncadd.s32 $0xFFFFE000  }
0x4ad: {  	v47 =	vld [tilespmem:$0x3F0];
	_ =	sdelay $0x4  }
0x4ae: {  	(v2sf) =	vpush v47, $0xC;
	_ =	sdelay $0xe  }
0x4af: {  	s10 =	spop (v2sf)  }
0x4b0: {  	s6 =	sand.u32 $0x7F, s10  }
0x4b1: {  	v48 =	vor.u32 s6, v0;
	_ =	sdelay $0x4  }
0x4b2: {  	v32 =	vld.idx.msk [tilespmem:v48+s15+$0x0], $0xffff  }
0x4b3: {  	v49 =	vor.u32 s6, v2;
	_ =	sdelay $0x3  }
0x4b4: {  	[tilespmem:v16+s25+$0x0] =	vst.idx.msk $0xffff, v32  }
0x4b5: {  	v32 =	vld.idx.msk [tilespmem:v49+s15+$0x0], $0xffff  }
0x4b6: {  	v50 =	vor.u32 s6, v4;
	_ =	sdelay $0x3  }
0x4b7: {  	[tilespmem:v17+s25+$0x0] =	vst.idx.msk $0xffff, v32  }
0x4b8: {  	v32 =	vld.idx.msk [tilespmem:v50+s15+$0x0], $0xffff  }
0x4b9: {  	v51 =	vor.u32 s6, v6;
	_ =	sdelay $0x3  }
0x4ba: {  	[tilespmem:v18+s25+$0x0] =	vst.idx.msk $0xffff, v32  }
0x4bb: {  	v32 =	vld.idx.msk [tilespmem:v51+s15+$0x0], $0xffff;
	_ =	sdelay $0x4  }
0x4bc: {  	[tilespmem:v19+s25+$0x0] =	vst.idx.msk $0xffff, v32  }
0x4bd: {  	_ =	swait.ge [sflag:s29], $0x2000  }
0x4be: {  	[sflag:s29] =	ssyncset.done $0x0  }
0x4bf: {  	[sflag:s29] =	ssyncadd.s32 $0xFFFFE000  }
0x4c0: {  	v52 =	vld [tilespmem:$0x3F0];
	_ =	sdelay $0x4  }
0x4c1: {  	(v2sf) =	vpush v52, $0xD;
	_ =	sdelay $0xe  }
0x4c2: {  	s7 =	spop (v2sf)  }
0x4c3: {  	s6 =	sand.u32 $0x7F, s7  }
0x4c4: {  	v53 =	vor.u32 s6, v0;
	_ =	sdelay $0x4  }
0x4c5: {  	v32 =	vld.idx.msk [tilespmem:v53+s16+$0x0], $0xffff  }
0x4c6: {  	v54 =	vor.u32 s6, v2;
	_ =	sdelay $0x3  }
0x4c7: {  	[tilespmem:v20+s25+$0x0] =	vst.idx.msk $0xffff, v32  }
0x4c8: {  	v32 =	vld.idx.msk [tilespmem:v54+s16+$0x0], $0xffff  }
0x4c9: {  	v55 =	vor.u32 s6, v4;
	_ =	sdelay $0x3  }
0x4ca: {  	[tilespmem:v21+s25+$0x0] =	vst.idx.msk $0xffff, v32  }
0x4cb: {  	v32 =	vld.idx.msk [tilespmem:v55+s16+$0x0], $0xffff  }
0x4cc: {  	v56 =	vor.u32 s6, v6;
	_ =	sdelay $0x3  }
0x4cd: {  	[tilespmem:v22+s25+$0x0] =	vst.idx.msk $0xffff, v32  }
0x4ce: {  	v32 =	vld.idx.msk [tilespmem:v56+s16+$0x0], $0xffff;
	_ =	sdelay $0x4  }
0x4cf: {  	[tilespmem:v23+s25+$0x0] =	vst.idx.msk $0xffff, v32  }
0x4d0: {  	_ =	swait.ge [sflag:s30], $0x2000  }
0x4d1: {  	[sflag:s30] =	ssyncset.done $0x0  }
0x4d2: {  	[sflag:s30] =	ssyncadd.s32 $0xFFFFE000  }
0x4d3: {  	v57 =	vld [tilespmem:$0x3F0];
	_ =	sdelay $0x4  }
0x4d4: {  	(v2sf) =	vpush v57, $0xE;
	_ =	sdelay $0xe  }
0x4d5: {  	s9 =	spop (v2sf)  }
0x4d6: {  	s6 =	sand.u32 $0x7F, s9  }
0x4d7: {  	v58 =	vor.u32 s6, v0;
	_ =	sdelay $0x4  }
0x4d8: {  	v32 =	vld.idx.msk [tilespmem:v58+s17+$0x0], $0xffff  }
0x4d9: {  	v59 =	vor.u32 s6, v2;
	_ =	sdelay $0x3  }
0x4da: {  	[tilespmem:v24+s25+$0x0] =	vst.idx.msk $0xffff, v32  }
0x4db: {  	v32 =	vld.idx.msk [tilespmem:v59+s17+$0x0], $0xffff  }
0x4dc: {  	v60 =	vor.u32 s6, v4;
	_ =	sdelay $0x3  }
0x4dd: {  	[tilespmem:v25+s25+$0x0] =	vst.idx.msk $0xffff, v32  }
0x4de: {  	v32 =	vld.idx.msk [tilespmem:v60+s17+$0x0], $0xffff  }
0x4df: {  	v61 =	vor.u32 s6, v6;
	_ =	sdelay $0x3  }
0x4e0: {  	[tilespmem:v26+s25+$0x0] =	vst.idx.msk $0xffff, v32  }
0x4e1: {  	v32 =	vld.idx.msk [tilespmem:v61+s17+$0x0], $0xffff;
	_ =	sdelay $0x4  }
0x4e2: {  	[tilespmem:v27+s25+$0x0] =	vst.idx.msk $0xffff, v32  }
0x4e3: {  	_ =	swait.ge [sflag:s31], $0x2000  }
0x4e4: {  	[sflag:s31] =	ssyncset.done $0x0  }
0x4e5: {  	[sflag:s31] =	ssyncadd.s32 $0xFFFFE000  }
0x4e6: {  	v62 =	vld [tilespmem:$0x3F0];
	_ =	sdelay $0x4  }
0x4e7: {  	(v2sf) =	vpush v62, $0xF;
	_ =	sdelay $0xe  }
0x4e8: {  	s10 =	spop (v2sf)  }
0x4e9: {  	s6 =	sand.u32 $0x7F, s10  }
0x4ea: {  	v63 =	vor.u32 s6, v0;
	_ =	sdelay $0x4  }
0x4eb: {  	v32 =	vld.idx.msk [tilespmem:v63+s18+$0x0], $0xffff  }
0x4ec: {  	v36 =	vor.u32 s6, v2;
	_ =	sdelay $0x3  }
0x4ed: {  	[tilespmem:v28+s25+$0x0] =	vst.idx.msk $0xffff, v32  }
0x4ee: {  	v32 =	vld.idx.msk [tilespmem:v36+s18+$0x0], $0xffff  }
0x4ef: {  	v37 =	vor.u32 s6, v4;
	_ =	sdelay $0x3  }
0x4f0: {  	[tilespmem:v29+s25+$0x0] =	vst.idx.msk $0xffff, v32  }
0x4f1: {  	v32 =	vld.idx.msk [tilespmem:v37+s18+$0x0], $0xffff  }
0x4f2: {  	v38 =	vor.u32 s6, v6;
	_ =	sdelay $0x3  }
0x4f3: {  	[tilespmem:v30+s25+$0x0] =	vst.idx.msk $0xffff, v32  }
0x4f4: {  	v32 =	vld.idx.msk [tilespmem:v38+s18+$0x0], $0xffff;
	_ =	sdelay $0x4  }
0x4f5: {  	[tilespmem:v31+s25+$0x0] =	vst.idx.msk $0xffff, v32  }
0x4f6: {  	_ =	swait.ge [sflag:s3], $0x2000  }
0x4f7: {  	[sflag:s3] =	ssyncset.done $0x0  }
0x4f8: {  	[sflag:s3] =	ssyncadd.s32 $0xFFFFE000  }
0x4f9: {  	v39 =	vld [tilespmem:$0x3F0];
	_ =	sdelay $0x4  }
0x4fa: {  	(v2sf) =	vpush v39, $0xF;
	_ =	sdelay $0xe  }
0x4fb: {  	s7 =	spop (v2sf)  }
0x4fc: {  	s6 =	sand.u32 $0x7F, s7  }
0x4fd: {  	v40 =	vor.u32 s6, v0;
	_ =	sdelay $0x4  }
0x4fe: {  	v32 =	vld.idx.msk [tilespmem:v40+s19+$0x0], $0xffff  }
0x4ff: {  	v41 =	vor.u32 s6, v2;
	_ =	sdelay $0x3  }
0x500: {  	[tilespmem:v28+s25+$0x0] =	vst.idx.msk $0xffff, v32  }
0x501: {  	v32 =	vld.idx.msk [tilespmem:v41+s19+$0x0], $0xffff  }
0x502: {  	v42 =	vor.u32 s6, v4;
	_ =	sdelay $0x3  }
0x503: {  	[tilespmem:v29+s25+$0x0] =	vst.idx.msk $0xffff, v32  }
0x504: {  	v32 =	vld.idx.msk [tilespmem:v42+s19+$0x0], $0xffff  }
0x505: {  	v43 =	vor.u32 s6, v6;
	_ =	sdelay $0x3  }
0x506: {  	[tilespmem:v30+s25+$0x0] =	vst.idx.msk $0xffff, v32  }
0x507: {  	v32 =	vld.idx.msk [tilespmem:v43+s19+$0x0], $0xffff;
	_ =	sdelay $0x4  }
0x508: {  	[tilespmem:v31+s25+$0x0] =	vst.idx.msk $0xffff, v32  }
0x509: {  	_ =	swait.ge [sflag:s2], $0x2000  }
0x50a: {  	[sflag:s2] =	ssyncset.done $0x0  }
0x50b: {  	[sflag:s2] =	ssyncadd.s32 $0xFFFFE000  }
0x50c: {  	v44 =	vld [tilespmem:$0x3F0];
	_ =	sdelay $0x4  }
0x50d: {  	(v2sf) =	vpush v44, $0xF;
	_ =	sdelay $0xe  }
0x50e: {  	s9 =	spop (v2sf)  }
0x50f: {  	s6 =	sand.u32 $0x7F, s9  }
0x510: {  	v45 =	vor.u32 s6, v0;
	_ =	sdelay $0x4  }
0x511: {  	v32 =	vld.idx.msk [tilespmem:v45+s20+$0x0], $0xffff  }
0x512: {  	v46 =	vor.u32 s6, v2;
	_ =	sdelay $0x3  }
0x513: {  	[tilespmem:v28+s25+$0x0] =	vst.idx.msk $0xffff, v32  }
0x514: {  	v32 =	vld.idx.msk [tilespmem:v46+s20+$0x0], $0xffff  }
0x515: {  	v47 =	vor.u32 s6, v4;
	_ =	sdelay $0x3  }
0x516: {  	[tilespmem:v29+s25+$0x0] =	vst.idx.msk $0xffff, v32  }
0x517: {  	v32 =	vld.idx.msk [tilespmem:v47+s20+$0x0], $0xffff  }
0x518: {  	v48 =	vor.u32 s6, v6;
	_ =	sdelay $0x3  }
0x519: {  	[tilespmem:v30+s25+$0x0] =	vst.idx.msk $0xffff, v32  }
0x51a: {  	v32 =	vld.idx.msk [tilespmem:v48+s20+$0x0], $0xffff;
	_ =	sdelay $0x4  }
0x51b: {  	[tilespmem:v31+s25+$0x0] =	vst.idx.msk $0xffff, v32  }
0x51c: {  	_ =	swait.ge [sflag:s12], $0x2000  }
0x51d: {  	[sflag:s12] =	ssyncset.done $0x0  }
0x51e: {  	[sflag:s12] =	ssyncadd.s32 $0xFFFFE000  }
0x51f: {  	v49 =	vld [tilespmem:$0x3F0];
	_ =	sdelay $0x4  }
0x520: {  	(v2sf) =	vpush v49, $0xF;
	_ =	sdelay $0xe  }
0x521: {  	s10 =	spop (v2sf)  }
0x522: {  	s6 =	sand.u32 $0x7F, s10  }
0x523: {  	v50 =	vor.u32 s6, v0;
	_ =	sdelay $0x4  }
0x524: {  	v32 =	vld.idx.msk [tilespmem:v50+s21+$0x0], $0xffff  }
0x525: {  	v51 =	vor.u32 s6, v2;
	_ =	sdelay $0x3  }
0x526: {  	[tilespmem:v28+s25+$0x0] =	vst.idx.msk $0xffff, v32  }
0x527: {  	v32 =	vld.idx.msk [tilespmem:v51+s21+$0x0], $0xffff  }
0x528: {  	v52 =	vor.u32 s6, v4;
	_ =	sdelay $0x3  }
0x529: {  	[tilespmem:v29+s25+$0x0] =	vst.idx.msk $0xffff, v32  }
0x52a: {  	v32 =	vld.idx.msk [tilespmem:v52+s21+$0x0], $0xffff  }
0x52b: {  	v53 =	vor.u32 s6, v6;
	_ =	sdelay $0x3  }
0x52c: {  	[tilespmem:v30+s25+$0x0] =	vst.idx.msk $0xffff, v32  }
0x52d: {  	v32 =	vld.idx.msk [tilespmem:v53+s21+$0x0], $0xffff;
	_ =	sdelay $0x4  }
0x52e: {  	[tilespmem:v31+s25+$0x0] =	vst.idx.msk $0xffff, v32  }
0x52f: {  	_ =	swait.ge [sflag:s4], $0x2000  }
0x530: {  	[sflag:s4] =	ssyncset.done $0x0  }
0x531: {  	[sflag:s4] =	ssyncadd.s32 $0xFFFFE000  }
0x532: {  	v54 =	vld [tilespmem:$0x3F0];
	_ =	sdelay $0x4  }
0x533: {  	(v2sf) =	vpush v54, $0xF;
	_ =	sdelay $0xe  }
0x534: {  	s7 =	spop (v2sf)  }
0x535: {  	s6 =	sand.u32 $0x7F, s7  }
0x536: {  	v55 =	vor.u32 s6, v0;
	_ =	sdelay $0x4  }
0x537: {  	v32 =	vld.idx.msk [tilespmem:v55+s22+$0x0], $0xffff  }
0x538: {  	v56 =	vor.u32 s6, v2;
	_ =	sdelay $0x3  }
0x539: {  	[tilespmem:v28+s25+$0x0] =	vst.idx.msk $0xffff, v32  }
0x53a: {  	v32 =	vld.idx.msk [tilespmem:v56+s22+$0x0], $0xffff  }
0x53b: {  	v57 =	vor.u32 s6, v4;
	_ =	sdelay $0x3  }
0x53c: {  	[tilespmem:v29+s25+$0x0] =	vst.idx.msk $0xffff, v32  }
0x53d: {  	v32 =	vld.idx.msk [tilespmem:v57+s22+$0x0], $0xffff  }
0x53e: {  	v58 =	vor.u32 s6, v6;
	_ =	sdelay $0x3  }
0x53f: {  	[tilespmem:v30+s25+$0x0] =	vst.idx.msk $0xffff, v32  }
0x540: {  	v32 =	vld.idx.msk [tilespmem:v58+s22+$0x0], $0xffff;
	_ =	sdelay $0x4  }
0x541: {  	[tilespmem:v31+s25+$0x0] =	vst.idx.msk $0xffff, v32  }
0x542: {  	_ =	swait.ge [sflag:s5], $0x2000  }
0x543: {  	[sflag:s5] =	ssyncset.done $0x0  }
0x544: {  	[sflag:s5] =	ssyncadd.s32 $0xFFFFE000  }
0x545: {  	v59 =	vld [tilespmem:$0x3F0];
	_ =	sdelay $0x4  }
0x546: {  	(v2sf) =	vpush v59, $0xF;
	_ =	sdelay $0xe  }
0x547: {  	s9 =	spop (v2sf)  }
0x548: {  	s6 =	sand.u32 $0x7F, s9  }
0x549: {  	v60 =	vor.u32 s6, v0;
	_ =	sdelay $0x4  }
0x54a: {  	v32 =	vld.idx.msk [tilespmem:v60+s23+$0x0], $0xffff  }
0x54b: {  	v61 =	vor.u32 s6, v2;
	_ =	sdelay $0x3  }
0x54c: {  	[tilespmem:v28+s25+$0x0] =	vst.idx.msk $0xffff, v32  }
0x54d: {  	v32 =	vld.idx.msk [tilespmem:v61+s23+$0x0], $0xffff  }
0x54e: {  	v62 =	vor.u32 s6, v4;
	_ =	sdelay $0x3  }
0x54f: {  	[tilespmem:v29+s25+$0x0] =	vst.idx.msk $0xffff, v32  }
0x550: {  	v32 =	vld.idx.msk [tilespmem:v62+s23+$0x0], $0xffff  }
0x551: {  	v63 =	vor.u32 s6, v6;
	_ =	sdelay $0x3  }
0x552: {  	[tilespmem:v30+s25+$0x0] =	vst.idx.msk $0xffff, v32  }
0x553: {  	v32 =	vld.idx.msk [tilespmem:v63+s23+$0x0], $0xffff;
	_ =	sdelay $0x4  }
0x554: {  	s7 =	simm.s32 $0x1000;
	s10 =	rddreg [dreg:$0xa];
	s9 =	simm.s32 $0x20000;
	[tilespmem:v31+s25+$0x0] =	vst.idx.msk $0xffff, v32  }
0x555: {  	[hbm4b:s10+s7] =	stream.strided.scatter [tilespmem:s25], [sflag:$0xC], $0x8000, s9, s7, $0x38;
	[tilespmem:$0x1E400] =	vst v63  }
0x556: {  	s9 =	simm.s32 $0xC  }
0x557: {  	_ =	swait.ge [sflag:s9], $0x8000  }
0x558: {  	s8 =	sadd.s32 $0x1, s8;
	s10 =	rddreg [dreg:$0xb]  }
0x559: {  	p0 =	sne.s32 s8, s10  }
.Ltmp2:
0x55a: {  	_ = 	snop;
	(pc) =	sbr.rel @p0 .LBB2_1-.Ltmp2, $3  }
0x55b: {  	_ =	sdelay $0x1  }
0x55c: {  	[sflag:s9] =	ssyncset.done $0x0  }
0x55d: {  	[sflag:s9] =	ssyncadd.s32 $0xFFFF8000  }
0x55e: {  	_ =	sfence.sel $0x180000  }
0x55f: {  	[bflag:$0x0] =	sbarrier.arrive $0xFFFF  }
0x560: {  	_ =	strace $0x90000047  }
0x561: {  	s0 =	stileid.u32;
	[bflag:$0x2] =	sbarrier.arrive $0xFFFF  }
0x562: {  	p0 =	sne.s32 s0, $0x0;
	s0 =	rddreg [dreg:$0x6]  }
0x563: {  	s0 =	sadd.s32 @!p0 $0x100000, s0  }
0x564: {  	[sflag:s0] =	ssyncadd.tile.s32 @!p0 $0x1;
	_ =	shalt  }
.Lfunc_end2:
_tile_overlayer_lowered:
.L_overlay_start_2:
0x565: {  	(tag) =	ssettag $0x2  }
0x566: {  	s0 =	rddreg [dreg:$0x0];
	s2 =	stileid.u32  }
0x567: {  	s1 =	rddreg [dreg:$0x1];
	p0 =	sne.s32 s2, $0x0  }
0x568: {  	s3 =	rddreg [dreg:$0x2];
	[bflag:$0x3] =	sbarrier.arrive $0xFFFF;
	s2 =	simm.s32 @!p0 $0x1C0C  }
0x569: {  	[timem:s3], [sflag:s2] =	dma.local @!p0 [hbm:s0], s1  }
0x56a: {  	s0 =	simm.s32 @!p0 $0xC  }
0x56b: {  	_ =	swait.ge @!p0 [sflag:s0], s1  }
0x56c: {  	s1 =	ssub.s32 @!p0 $0x0, s1;
	[sflag:s0] =	ssyncset.done @!p0 $0x0  }
0x56d: {  	[sflag:s0] =	ssyncadd.s32 @!p0 s1  }
0x56e: {  	[bflag:$0x3] =	sbarrier.arrive $0xFFFF  }
0x56f: {  	_ =	shalt  }

</sc_bundles>
